<compile_context>
chip_gen: v7x
topology: tpu7x:2x2x1
jax: 0.10.2.dev20260603
libtpu: 0.0.44.dev20260713+nightly
codegen_flags: <defaults>
</compile_context>

<pallas_src>
import jax
import jax.numpy as jnp
from jax import lax
from jax.experimental import pallas as pl
from jax.experimental.pallas import tpu as pltpu
from jax.experimental.pallas import tpu_sc as plsc

_B = 16384
_D = 10
_DP = 16
_C1 = 1
_C2 = 3
_V = 1000000
_SR = 128
_NSR = _V * _D // _SR
_L = 16

_NC = 2
_NS = 16
_NW = _NC * _NS
_BPW = _B // _NW
_CHUNK = 128
_NCHUNK = _BPW // _CHUNK


def _sc_gather_body(t1_hbm, t2_hbm, table_hbm, o1_hbm, o2_hbm,
                    idx1_v, idx2_v, q_v, qp_v, off_v, sr_a, sr_b, out_v, sem):
  wid = lax.axis_index("s") * _NC + lax.axis_index("c")
  base = wid * _BPW
  tbl = table_hbm
  pltpu.sync_copy(t1_hbm.at[pl.ds(base, _BPW)], idx1_v)
  pltpu.sync_copy(t2_hbm.at[pl.ds(base, _BPW)], idx2_v)
  bufs = [sr_a, sr_b]

  for tok_v, o_hbm in [(idx1_v, o1_hbm), (idx2_v, o2_hbm)]:
    for k in range(_BPW // _L):
      sl = pl.ds(k * _L, _L)
      flat = tok_v[sl] * _D
      q_v[sl] = jnp.right_shift(flat, 7)
      qp_v[sl] = jnp.minimum(jnp.right_shift(flat, 7) + 1, _NSR - 1)
      off_v[sl] = flat & (_SR - 1)

    copies = [None] * _NCHUNK
    copies[0] = [
        pltpu.async_copy(tbl.at[q_v.at[pl.ds(0, _CHUNK)]],
                         bufs[0].at[pl.ds(0, _CHUNK)], sem),
        pltpu.async_copy(tbl.at[qp_v.at[pl.ds(0, _CHUNK)]],
                         bufs[0].at[pl.ds(_CHUNK, _CHUNK)], sem),
    ]
    for c in range(_NCHUNK):
      if c + 1 < _NCHUNK:
        sl = pl.ds((c + 1) * _CHUNK, _CHUNK)
        copies[c + 1] = [
            pltpu.async_copy(tbl.at[q_v.at[sl]],
                             bufs[(c + 1) % 2].at[pl.ds(0, _CHUNK)], sem),
            pltpu.async_copy(tbl.at[qp_v.at[sl]],
                             bufs[(c + 1) % 2].at[pl.ds(_CHUNK, _CHUNK)], sem),
        ]
      for cp in copies[c]:
        cp.wait()
      buf = bufs[c % 2]

      def body(j, _, c=c, buf=buf):
        g = c * _CHUNK + j
        gv = jnp.full((_L,), g, jnp.int32)
        offs = plsc.load_gather(off_v, [gv])
        colv = offs + lax.iota(jnp.int32, _L)
        jv = jnp.full((_L,), j, jnp.int32)
        rowv = jnp.where(colv < _SR, jv, jv + _CHUNK)
        vals = plsc.load_gather(buf, [rowv, colv & (_SR - 1)])
        out_v[pl.ds(g * _DP, _DP)] = vals
        return 0
      lax.fori_loop(0, _CHUNK, body, 0, unroll=4)
    pltpu.sync_copy(out_v, o_hbm.at[pl.ds(base * _DP, _BPW * _DP)])


def _sc_gather(t1, t2, table_sr):
  mesh = plsc.VectorSubcoreMesh(core_axis_name="c", subcore_axis_name="s")
  fn = pl.kernel(
      _sc_gather_body,
      out_type=[
          jax.ShapeDtypeStruct((_B * _DP,), jnp.float32),
          jax.ShapeDtypeStruct((_B * _DP,), jnp.float32),
      ],
      mesh=mesh,
      scratch_types=[
          pltpu.VMEM((_BPW,), jnp.int32),
          pltpu.VMEM((_BPW,), jnp.int32),
          pltpu.VMEM((_BPW,), jnp.int32),
          pltpu.VMEM((_BPW,), jnp.int32),
          pltpu.VMEM((_BPW,), jnp.int32),
          pltpu.VMEM((2 * _CHUNK, _SR), jnp.float32),
          pltpu.VMEM((2 * _CHUNK, _SR), jnp.float32),
          pltpu.VMEM((_BPW * _DP,), jnp.float32),
          pltpu.SemaphoreType.DMA,
      ],
      compiler_params=pltpu.CompilerParams(
          use_tc_tiling_on_sc=True, needs_layout_passes=False),
  )
  return fn(t1, t2, table_sr)


def _dense_body(e1p_ref, e2p_ref, num_ref, w1a_ref, w1b_ref, w1c_ref,
                b1_ref, w2_ref, b2_ref, out_ref):
  e1p = e1p_ref[:]
  e2p = e2p_ref[:]
  ws1 = e1p[0:_B] + e1p[1:_B + 1] + e1p[2:_B + 2]
  ws2 = e2p[0:_B]
  for o in range(1, 2 * _C2 + 1):
    ws2 = ws2 + e2p[o:o + _B]
  i = lax.broadcasted_iota(jnp.int32, (_B, 1), 0)
  d1 = (1 + jnp.minimum(i, _C1) + jnp.minimum(_B - 1 - i, _C1)).astype(jnp.float32)
  d2 = (1 + jnp.minimum(i, _C2) + jnp.minimum(_B - 1 - i, _C2)).astype(jnp.float32)
  e1m = ws1 / d1
  e2m = ws2 / d2
  h = (jnp.dot(e1m, w1a_ref[:], preferred_element_type=jnp.float32)
       + jnp.dot(e2m, w1b_ref[:], preferred_element_type=jnp.float32)
       + jnp.dot(num_ref[:], w1c_ref[:], preferred_element_type=jnp.float32)
       + b1_ref[:])
  h = jnp.maximum(h, 0.0)
  logits = jnp.dot(h, w2_ref[:], preferred_element_type=jnp.float32) + b2_ref[:]
  out_ref[:] = jax.nn.sigmoid(logits)


def _dense(e1p, e2p, numeric, w1a, w1b, w1c, b1, W2, b2, interpret=False):
  return pl.pallas_call(
      _dense_body,
      out_shape=jax.ShapeDtypeStruct((_B, 1), jnp.float32),
      interpret=interpret,
  )(e1p, e2p, numeric, w1a, w1b, w1c, b1.reshape(1, -1), W2, b2.reshape(1, 1))


def kernel(text_1, text_2, numeric_features, table, W1, b1, W2, b2):
  t1 = text_1.astype(jnp.int32)
  t2 = text_2.astype(jnp.int32)
  g1f, g2f = _sc_gather(t1, t2, table.reshape(_NSR, _SR))
  g1 = g1f.reshape(_B, _DP)
  g2 = g2f.reshape(_B, _DP)
  e1p = jnp.pad(g1, ((_C1, _C1), (0, 0)))
  e2p = jnp.pad(g2, ((_C2, _C2), (0, 0)))
  w1a = jnp.pad(W1[0:_D], ((0, _DP - _D), (0, 0)))
  w1b = jnp.pad(W1[_D:2 * _D], ((0, _DP - _D), (0, 0)))
  w1c = W1[2 * _D:]
  return _dense(e1p, e2p, numeric_features, w1a, w1b, w1c, b1, W2, b2)

# --- scband reference (transcript-rebuilt; emitter-appended) ---
"""Pipeline reference for scband-word-embedding-model-18021682774699 (READ-ONLY COPY).

The authoritative reference and input builder live on the scoring server;
editing this copy changes nothing except your own understanding.
"""

import jax, jax.numpy as jnp
import numpy as np

VOCAB = 1000000
EMBED_DIM = 10
BATCH = 16384
NUM_NUMERIC = 13
CONTEXT_SIZE_1 = 1
CONTEXT_SIZE_2 = 3


def _contextual_embedding(table, text, context_size):
    # For each position i, mean-pool embeddings over the (clipped) context
    # window text[max(0, i-c) : i+c+1], matching the torch slicing semantics
    # where boundary windows are shorter.
    B = text.shape[0]
    offsets = jnp.arange(-context_size, context_size + 1)
    idx = jnp.arange(B)[:, None] + offsets[None, :]          # [B, 2c+1]
    valid = (idx >= 0) & (idx < B)                           # [B, 2c+1]
    idx_c = jnp.clip(idx, 0, B - 1)
    toks = jnp.take(text, idx_c, axis=0)                     # [B, 2c+1]
    emb = jnp.take(table, toks, axis=0)                      # [B, 2c+1, D] gather
    emb = emb * valid[..., None].astype(emb.dtype)
    denom = valid.sum(axis=1, keepdims=True).astype(emb.dtype)
    return emb.sum(axis=1) / denom                           # [B, D]


def setup_inputs(seed: int = 0) -> dict:
    key = jax.random.key(seed)
    k1, k2, k3, k4, k5, k6 = jax.random.split(key, 6)
    text_1 = jax.random.randint(k1, (BATCH,), 0, VOCAB, dtype=jnp.int64 if jax.config.jax_enable_x64 else jnp.int32)
    text_2 = jax.random.randint(k2, (BATCH,), 0, VOCAB, dtype=jnp.int64 if jax.config.jax_enable_x64 else jnp.int32)
    numeric_features = jax.random.normal(k3, (BATCH, NUM_NUMERIC), dtype=jnp.float32)
    # Learned params: shared embedding table + 2-layer MLP head
    table = jax.random.normal(k4, (VOCAB, EMBED_DIM), dtype=jnp.float32) * 0.02
    W1 = jax.random.normal(k5, (2 * EMBED_DIM + NUM_NUMERIC, 128), dtype=jnp.float32) * 0.05
    b1 = jnp.zeros((128,), dtype=jnp.float32)
    W2 = jax.random.normal(k6, (128, 1), dtype=jnp.float32) * 0.05
    b2 = jnp.zeros((1,), dtype=jnp.float32)
    return {"text_1": text_1, "text_2": text_2, "numeric_features": numeric_features,
            "table": table, "W1": W1, "b1": b1, "W2": W2, "b2": b2}


def reference(text_1, text_2, numeric_features, table, W1, b1, W2, b2):
    embed_1 = _contextual_embedding(table, text_1, CONTEXT_SIZE_1)
    embed_2 = _contextual_embedding(table, text_2, CONTEXT_SIZE_2)
    combined = jnp.concatenate([embed_1, embed_2, numeric_features], axis=1)
    h = jax.nn.relu(combined @ W1 + b1)
    out = h @ W2 + b2
    return jax.nn.sigmoid(out)

if __name__ == "__main__":
    import jax
    _d = setup_inputs()
    print(jax.jit(kernel)(*tuple(_d.values())))

</pallas_src>

<mosaic_0001>
#map = affine_map<(d0, d1) -> (0)>
#map1 = affine_map<(d0, d1) -> (0, 0)>
module attributes {stable_mosaic.version = 14 : i64} {
  func.func @_sc_gather_body(%arg0: i32, %arg1: i32, %arg2: memref<16384xi32, #tpu.memory_space<hbm>>, %arg3: memref<16384xi32, #tpu.memory_space<hbm>>, %arg4: memref<78125x128xf32, #tpu.memory_space<hbm>>, %arg5: memref<262144xf32, #tpu.memory_space<hbm>>, %arg6: memref<262144xf32, #tpu.memory_space<hbm>>, %arg7: memref<512xi32, #tpu.memory_space<vmem>>, %arg8: memref<512xi32, #tpu.memory_space<vmem>>, %arg9: memref<512xi32, #tpu.memory_space<vmem>>, %arg10: memref<512xi32, #tpu.memory_space<vmem>>, %arg11: memref<512xi32, #tpu.memory_space<vmem>>, %arg12: memref<256x128xf32, #tpu.memory_space<vmem>>, %arg13: memref<256x128xf32, #tpu.memory_space<vmem>>, %arg14: memref<8192xf32, #tpu.memory_space<vmem>>, %arg15: memref<!tpu.dma_semaphore, #tpu.memory_space<semaphore_mem>>) attributes {dimension_semantics = [#tpu.dimension_semantics<core_parallel>, #tpu.dimension_semantics<subcore_parallel>], iteration_bounds = array<i64: 2, 16>, scalar_prefetch = 0 : i64, scratch_operands = 9 : i64, tpu.core_type = #tpu.core_type<sc_vector_subcore>, window_params = [{transform_indices = #map}, {transform_indices = #map}, {transform_indices = #map1}, {transform_indices = #map}, {transform_indices = #map}]} {
    %mul3A = arith.constant 2 : i32
    %mul3A_0 = arith.muli %arg1, %mul3A : i32
    %add3A = arith.addi %mul3A_0, %arg0 : i32
    %mul3A_1 = arith.constant 512 : i32
    %mul3A_2 = arith.muli %add3A, %mul3A_1 : i32
    "tpu.region"() ({
      %run_scoped3A = tpu.sem_alloc : memref<!tpu.dma_semaphore, #tpu.memory_space<semaphore_mem>>
      %dma_start3A_1975 = tpu.memref_slice %arg2[%mul3A_2] : memref<16384xi32, #tpu.memory_space<hbm>> -> memref<512xi32, #tpu.memory_space<hbm>>
      %dma_start3A_1976 = tpu.memref_slice %arg2[%mul3A_2] : memref<16384xi32, #tpu.memory_space<hbm>> -> memref<512xi32, #tpu.memory_space<hbm>>
      tpu.enqueue_dma source(%dma_start3A_1976 : memref<512xi32, #tpu.memory_space<hbm>>) target(%arg7 : memref<512xi32, #tpu.memory_space<vmem>>) target_semaphore(%run_scoped3A : memref<!tpu.dma_semaphore, #tpu.memory_space<semaphore_mem>>)
      %dma_wait3A_1977 = tpu.memref_slice %arg2[%mul3A_2] : memref<16384xi32, #tpu.memory_space<hbm>> -> memref<512xi32, #tpu.memory_space<hbm>>
      %dma_wait3A_1978 = tpu.memref_slice %arg2[%mul3A_2] : memref<16384xi32, #tpu.memory_space<hbm>> -> memref<512xi32, #tpu.memory_space<hbm>>
      tpu.wait_dma2 semaphore(%run_scoped3A : memref<!tpu.dma_semaphore, #tpu.memory_space<semaphore_mem>>) src(%dma_wait3A_1978 : memref<512xi32, #tpu.memory_space<hbm>>) dst(%arg7 : memref<512xi32, #tpu.memory_space<vmem>>)
      tpu.yield
    }) : () -> ()
    "tpu.region"() ({
      %run_scoped3A = tpu.sem_alloc : memref<!tpu.dma_semaphore, #tpu.memory_space<semaphore_mem>>
      %dma_start3A_1975 = tpu.memref_slice %arg3[%mul3A_2] : memref<16384xi32, #tpu.memory_space<hbm>> -> memref<512xi32, #tpu.memory_space<hbm>>
      %dma_start3A_1976 = tpu.memref_slice %arg3[%mul3A_2] : memref<16384xi32, #tpu.memory_space<hbm>> -> memref<512xi32, #tpu.memory_space<hbm>>
      tpu.enqueue_dma source(%dma_start3A_1976 : memref<512xi32, #tpu.memory_space<hbm>>) target(%arg8 : memref<512xi32, #tpu.memory_space<vmem>>) target_semaphore(%run_scoped3A : memref<!tpu.dma_semaphore, #tpu.memory_space<semaphore_mem>>)
      %dma_wait3A_1977 = tpu.memref_slice %arg3[%mul3A_2] : memref<16384xi32, #tpu.memory_space<hbm>> -> memref<512xi32, #tpu.memory_space<hbm>>
      %dma_wait3A_1978 = tpu.memref_slice %arg3[%mul3A_2] : memref<16384xi32, #tpu.memory_space<hbm>> -> memref<512xi32, #tpu.memory_space<hbm>>
      tpu.wait_dma2 semaphore(%run_scoped3A : memref<!tpu.dma_semaphore, #tpu.memory_space<semaphore_mem>>) src(%dma_wait3A_1978 : memref<512xi32, #tpu.memory_space<hbm>>) dst(%arg8 : memref<512xi32, #tpu.memory_space<vmem>>)
      tpu.yield
    }) : () -> ()
    %get3A = arith.constant 0 : index
    %get3A_3 = tpu.vector_load %arg7[%get3A] {strides = array<i32>} : memref<512xi32, #tpu.memory_space<vmem>>, vector<16xi32>,
    %mul3A_4 = arith.constant 10 : i32
    %mul3A_5 = vector.broadcast %mul3A_4 : i32 to vector<16xi32>
    %mul3A_6 = arith.muli %get3A_3, %mul3A_5 : vector<16xi32>
    %shift_right_arithmetic3A = arith.constant 7 : i32
    %shift_right_arithmetic3A_7 = vector.broadcast %shift_right_arithmetic3A : i32 to vector<16xi32>
    %shift_right_arithmetic3A_8 = arith.shrsi %mul3A_6, %shift_right_arithmetic3A_7 : vector<16xi32>
    %swap3A = arith.constant 0 : index
    %swap3A_9 = tpu.vector_load %arg9[%swap3A] {strides = array<i32>} : memref<512xi32, #tpu.memory_space<vmem>>, vector<16xi32>,
    tpu.vector_store %arg9[%swap3A], %shift_right_arithmetic3A_8 {strides = array<i32>} : memref<512xi32, #tpu.memory_space<vmem>>, vector<16xi32>,
    %shift_right_arithmetic3A_10 = arith.constant 7 : i32
    %shift_right_arithmetic3A_11 = vector.broadcast %shift_right_arithmetic3A_10 : i32 to vector<16xi32>
    %shift_right_arithmetic3A_12 = arith.shrsi %mul3A_6, %shift_right_arithmetic3A_11 : vector<16xi32>
    %add3A_13 = arith.constant 1 : i32
    %add3A_14 = vector.broadcast %add3A_13 : i32 to vector<16xi32>
    %add3A_15 = arith.addi %shift_right_arithmetic3A_12, %add3A_14 : vector<16xi32>
    %min3A = arith.constant 78124 : i32
    %min3A_16 = vector.broadcast %min3A : i32 to vector<16xi32>
    %min3A_17 = arith.minsi %add3A_15, %min3A_16 : vector<16xi32>
    %swap3A_18 = arith.constant 0 : index
    %swap3A_19 = tpu.vector_load %arg10[%swap3A_18] {strides = array<i32>} : memref<512xi32, #tpu.memory_space<vmem>>, vector<16xi32>,
    tpu.vector_store %arg10[%swap3A_18], %min3A_17 {strides = array<i32>} : memref<512xi32, #tpu.memory_space<vmem>>, vector<16xi32>,
    %and3A = arith.constant 127 : i32
    %and3A_20 = vector.broadcast %and3A : i32 to vector<16xi32>
    %and3A_21 = arith.andi %mul3A_6, %and3A_20 : vector<16xi32>
    %swap3A_22 = arith.constant 0 : index
    %swap3A_23 = tpu.vector_load %arg11[%swap3A_22] {strides = array<i32>} : memref<512xi32, #tpu.memory_space<vmem>>, vector<16xi32>,
    tpu.vector_store %arg11[%swap3A_22], %and3A_21 {strides = array<i32>} : memref<512xi32, #tpu.memory_space<vmem>>, vector<16xi32>,
    %get3A_24 = arith.constant 16 : index
    %get3A_25 = tpu.vector_load %arg7[%get3A_24] {strides = array<i32>} : memref<512xi32, #tpu.memory_space<vmem>>, vector<16xi32>,
    %mul3A_26 = arith.constant 10 : i32
    %mul3A_27 = vector.broadcast %mul3A_26 : i32 to vector<16xi32>
    %mul3A_28 = arith.muli %get3A_25, %mul3A_27 : vector<16xi32>
    %shift_right_arithmetic3A_29 = arith.constant 7 : i32
    %shift_right_arithmetic3A_30 = vector.broadcast %shift_right_arithmetic3A_29 : i32 to vector<16xi32>
    %shift_right_arithmetic3A_31 = arith.shrsi %mul3A_28, %shift_right_arithmetic3A_30 : vector<16xi32>
    %swap3A_32 = arith.constant 16 : index
    %swap3A_33 = tpu.vector_load %arg9[%swap3A_32] {strides = array<i32>} : memref<512xi32, #tpu.memory_space<vmem>>, vector<16xi32>,
    tpu.vector_store %arg9[%swap3A_32], %shift_right_arithmetic3A_31 {strides = array<i32>} : memref<512xi32, #tpu.memory_space<vmem>>, vector<16xi32>,
    %shift_right_arithmetic3A_34 = arith.constant 7 : i32
    %shift_right_arithmetic3A_35 = vector.broadcast %shift_right_arithmetic3A_34 : i32 to vector<16xi32>
    %shift_right_arithmetic3A_36 = arith.shrsi %mul3A_28, %shift_right_arithmetic3A_35 : vector<16xi32>
    %add3A_37 = arith.constant 1 : i32
    %add3A_38 = vector.broadcast %add3A_37 : i32 to vector<16xi32>
    %add3A_39 = arith.addi %shift_right_arithmetic3A_36, %add3A_38 : vector<16xi32>
    %min3A_40 = arith.constant 78124 : i32
    %min3A_41 = vector.broadcast %min3A_40 : i32 to vector<16xi32>
    %min3A_42 = arith.minsi %add3A_39, %min3A_41 : vector<16xi32>
    %swap3A_43 = arith.constant 16 : index
    %swap3A_44 = tpu.vector_load %arg10[%swap3A_43] {strides = array<i32>} : memref<512xi32, #tpu.memory_space<vmem>>, vector<16xi32>,
    tpu.vector_store %arg10[%swap3A_43], %min3A_42 {strides = array<i32>} : memref<512xi32, #tpu.memory_space<vmem>>, vector<16xi32>,
    %and3A_45 = arith.constant 127 : i32
    %and3A_46 = vector.broadcast %and3A_45 : i32 to vector<16xi32>
    %and3A_47 = arith.andi %mul3A_28, %and3A_46 : vector<16xi32>
    %swap3A_48 = arith.constant 16 : index
    %swap3A_49 = tpu.vector_load %arg11[%swap3A_48] {strides = array<i32>} : memref<512xi32, #tpu.memory_space<vmem>>, vector<16xi32>,
    tpu.vector_store %arg11[%swap3A_48], %and3A_47 {strides = array<i32>} : memref<512xi32, #tpu.memory_space<vmem>>, vector<16xi32>,
    %get3A_50 = arith.constant 32 : index
    %get3A_51 = tpu.vector_load %arg7[%get3A_50] {strides = array<i32>} : memref<512xi32, #tpu.memory_space<vmem>>, vector<16xi32>,
    %mul3A_52 = arith.constant 10 : i32
    %mul3A_53 = vector.broadcast %mul3A_52 : i32 to vector<16xi32>
    %mul3A_54 = arith.muli %get3A_51, %mul3A_53 : vector<16xi32>
    %shift_right_arithmetic3A_55 = arith.constant 7 : i32
    %shift_right_arithmetic3A_56 = vector.broadcast %shift_right_arithmetic3A_55 : i32 to vector<16xi32>
    %shift_right_arithmetic3A_57 = arith.shrsi %mul3A_54, %shift_right_arithmetic3A_56 : vector<16xi32>
    %swap3A_58 = arith.constant 32 : index
    %swap3A_59 = tpu.vector_load %arg9[%swap3A_58] {strides = array<i32>} : memref<512xi32, #tpu.memory_space<vmem>>, vector<16xi32>,
    tpu.vector_store %arg9[%swap3A_58], %shift_right_arithmetic3A_57 {strides = array<i32>} : memref<512xi32, #tpu.memory_space<vmem>>, vector<16xi32>,
    %shift_right_arithmetic3A_60 = arith.constant 7 : i32
    %shift_right_arithmetic3A_61 = vector.broadcast %shift_right_arithmetic3A_60 : i32 to vector<16xi32>
    %shift_right_arithmetic3A_62 = arith.shrsi %mul3A_54, %shift_right_arithmetic3A_61 : vector<16xi32>
    %add3A_63 = arith.constant 1 : i32
    %add3A_64 = vector.broadcast %add3A_63 : i32 to vector<16xi32>
    %add3A_65 = arith.addi %shift_right_arithmetic3A_62, %add3A_64 : vector<16xi32>
    %min3A_66 = arith.constant 78124 : i32
    %min3A_67 = vector.broadcast %min3A_66 : i32 to vector<16xi32>
    %min3A_68 = arith.minsi %add3A_65, %min3A_67 : vector<16xi32>
    %swap3A_69 = arith.constant 32 : index
    %swap3A_70 = tpu.vector_load %arg10[%swap3A_69] {strides = array<i32>} : memref<512xi32, #tpu.memory_space<vmem>>, vector<16xi32>,
    tpu.vector_store %arg10[%swap3A_69], %min3A_68 {strides = array<i32>} : memref<512xi32, #tpu.memory_space<vmem>>, vector<16xi32>,
    %and3A_71 = arith.constant 127 : i32
    %and3A_72 = vector.broadcast %and3A_71 : i32 to vector<16xi32>
    %and3A_73 = arith.andi %mul3A_54, %and3A_72 : vector<16xi32>
    %swap3A_74 = arith.constant 32 : index
    %swap3A_75 = tpu.vector_load %arg11[%swap3A_74] {strides = array<i32>} : memref<512xi32, #tpu.memory_space<vmem>>, vector<16xi32>,
    tpu.vector_store %arg11[%swap3A_74], %and3A_73 {strides = array<i32>} : memref<512xi32, #tpu.memory_space<vmem>>, vector<16xi32>,
    %get3A_76 = arith.constant 48 : index
    %get3A_77 = tpu.vector_load %arg7[%get3A_76] {strides = array<i32>} : memref<512xi32, #tpu.memory_space<vmem>>, vector<16xi32>,
    %mul3A_78 = arith.constant 10 : i32
    %mul3A_79 = vector.broadcast %mul3A_78 : i32 to vector<16xi32>
    %mul3A_80 = arith.muli %get3A_77, %mul3A_79 : vector<16xi32>
    %shift_right_arithmetic3A_81 = arith.constant 7 : i32
    %shift_right_arithmetic3A_82 = vector.broadcast %shift_right_arithmetic3A_81 : i32 to vector<16xi32>
    %shift_right_arithmetic3A_83 = arith.shrsi %mul3A_80, %shift_right_arithmetic3A_82 : vector<16xi32>
    %swap3A_84 = arith.constant 48 : index
    %swap3A_85 = tpu.vector_load %arg9[%swap3A_84] {strides = array<i32>} : memref<512xi32, #tpu.memory_space<vmem>>, vector<16xi32>,
    tpu.vector_store %arg9[%swap3A_84], %shift_right_arithmetic3A_83 {strides = array<i32>} : memref<512xi32, #tpu.memory_space<vmem>>, vector<16xi32>,
    %shift_right_arithmetic3A_86 = arith.constant 7 : i32
    %shift_right_arithmetic3A_87 = vector.broadcast %shift_right_arithmetic3A_86 : i32 to vector<16xi32>
    %shift_right_arithmetic3A_88 = arith.shrsi %mul3A_80, %shift_right_arithmetic3A_87 : vector<16xi32>
    %add3A_89 = arith.constant 1 : i32
    %add3A_90 = vector.broadcast %add3A_89 : i32 to vector<16xi32>
    %add3A_91 = arith.addi %shift_right_arithmetic3A_88, %add3A_90 : vector<16xi32>
    %min3A_92 = arith.constant 78124 : i32
    %min3A_93 = vector.broadcast %min3A_92 : i32 to vector<16xi32>
    %min3A_94 = arith.minsi %add3A_91, %min3A_93 : vector<16xi32>
    %swap3A_95 = arith.constant 48 : index
    %swap3A_96 = tpu.vector_load %arg10[%swap3A_95] {strides = array<i32>} : memref<512xi32, #tpu.memory_space<vmem>>, vector<16xi32>,
    tpu.vector_store %arg10[%swap3A_95], %min3A_94 {strides = array<i32>} : memref<512xi32, #tpu.memory_space<vmem>>, vector<16xi32>,
    %and3A_97 = arith.constant 127 : i32
    %and3A_98 = vector.broadcast %and3A_97 : i32 to vector<16xi32>
    %and3A_99 = arith.andi %mul3A_80, %and3A_98 : vector<16xi32>
    %swap3A_100 = arith.constant 48 : index
    %swap3A_101 = tpu.vector_load %arg11[%swap3A_100] {strides = array<i32>} : memref<512xi32, #tpu.memory_space<vmem>>, vector<16xi32>,
    tpu.vector_store %arg11[%swap3A_100], %and3A_99 {strides = array<i32>} : memref<512xi32, #tpu.memory_space<vmem>>, vector<16xi32>,
    %get3A_102 = arith.constant 64 : index
    %get3A_103 = tpu.vector_load %arg7[%get3A_102] {strides = array<i32>} : memref<512xi32, #tpu.memory_space<vmem>>, vector<16xi32>,
    %mul3A_104 = arith.constant 10 : i32
    %mul3A_105 = vector.broadcast %mul3A_104 : i32 to vector<16xi32>
    %mul3A_106 = arith.muli %get3A_103, %mul3A_105 : vector<16xi32>
    %shift_right_arithmetic3A_107 = arith.constant 7 : i32
    %shift_right_arithmetic3A_108 = vector.broadcast %shift_right_arithmetic3A_107 : i32 to vector<16xi32>
    %shift_right_arithmetic3A_109 = arith.shrsi %mul3A_106, %shift_right_arithmetic3A_108 : vector<16xi32>
    %swap3A_110 = arith.constant 64 : index
    %swap3A_111 = tpu.vector_load %arg9[%swap3A_110] {strides = array<i32>} : memref<512xi32, #tpu.memory_space<vmem>>, vector<16xi32>,
    tpu.vector_store %arg9[%swap3A_110], %shift_right_arithmetic3A_109 {strides = array<i32>} : memref<512xi32, #tpu.memory_space<vmem>>, vector<16xi32>,
    %shift_right_arithmetic3A_112 = arith.constant 7 : i32
    %shift_right_arithmetic3A_113 = vector.broadcast %shift_right_arithmetic3A_112 : i32 to vector<16xi32>
    %shift_right_arithmetic3A_114 = arith.shrsi %mul3A_106, %shift_right_arithmetic3A_113 : vector<16xi32>
    %add3A_115 = arith.constant 1 : i32
    %add3A_116 = vector.broadcast %add3A_115 : i32 to vector<16xi32>
    %add3A_117 = arith.addi %shift_right_arithmetic3A_114, %add3A_116 : vector<16xi32>
    %min3A_118 = arith.constant 78124 : i32
    %min3A_119 = vector.broadcast %min3A_118 : i32 to vector<16xi32>
    %min3A_120 = arith.minsi %add3A_117, %min3A_119 : vector<16xi32>
    %swap3A_121 = arith.constant 64 : index
    %swap3A_122 = tpu.vector_load %arg10[%swap3A_121] {strides = array<i32>} : memref<512xi32, #tpu.memory_space<vmem>>, vector<16xi32>,
    tpu.vector_store %arg10[%swap3A_121], %min3A_120 {strides = array<i32>} : memref<512xi32, #tpu.memory_space<vmem>>, vector<16xi32>,
    %and3A_123 = arith.constant 127 : i32
    %and3A_124 = vector.broadcast %and3A_123 : i32 to vector<16xi32>
    %and3A_125 = arith.andi %mul3A_106, %and3A_124 : vector<16xi32>
    %swap3A_126 = arith.constant 64 : index
    %swap3A_127 = tpu.vector_load %arg11[%swap3A_126] {strides = array<i32>} : memref<512xi32, #tpu.memory_space<vmem>>, vector<16xi32>,
    tpu.vector_store %arg11[%swap3A_126], %and3A_125 {strides = array<i32>} : memref<512xi32, #tpu.memory_space<vmem>>, vector<16xi32>,
    %get3A_128 = arith.constant 80 : index
    %get3A_129 = tpu.vector_load %arg7[%get3A_128] {strides = array<i32>} : memref<512xi32, #tpu.memory_space<vmem>>, vector<16xi32>,
    %mul3A_130 = arith.constant 10 : i32
    %mul3A_131 = vector.broadcast %mul3A_130 : i32 to vector<16xi32>
    %mul3A_132 = arith.muli %get3A_129, %mul3A_131 : vector<16xi32>
    %shift_right_arithmetic3A_133 = arith.constant 7 : i32
    %shift_right_arithmetic3A_134 = vector.broadcast %shift_right_arithmetic3A_133 : i32 to vector<16xi32>
    %shift_right_arithmetic3A_135 = arith.shrsi %mul3A_132, %shift_right_arithmetic3A_134 : vector<16xi32>
    %swap3A_136 = arith.constant 80 : index
    %swap3A_137 = tpu.vector_load %arg9[%swap3A_136] {strides = array<i32>} : memref<512xi32, #tpu.memory_space<vmem>>, vector<16xi32>,
    tpu.vector_store %arg9[%swap3A_136], %shift_right_arithmetic3A_135 {strides = array<i32>} : memref<512xi32, #tpu.memory_space<vmem>>, vector<16xi32>,
    %shift_right_arithmetic3A_138 = arith.constant 7 : i32
    %shift_right_arithmetic3A_139 = vector.broadcast %shift_right_arithmetic3A_138 : i32 to vector<16xi32>
    %shift_right_arithmetic3A_140 = arith.shrsi %mul3A_132, %shift_right_arithmetic3A_139 : vector<16xi32>
    %add3A_141 = arith.constant 1 : i32
    %add3A_142 = vector.broadcast %add3A_141 : i32 to vector<16xi32>
    %add3A_143 = arith.addi %shift_right_arithmetic3A_140, %add3A_142 : vector<16xi32>
    %min3A_144 = arith.constant 78124 : i32
    %min3A_145 = vector.broadcast %min3A_144 : i32 to vector<16xi32>
    %min3A_146 = arith.minsi %add3A_143, %min3A_145 : vector<16xi32>
    %swap3A_147 = arith.constant 80 : index
    %swap3A_148 = tpu.vector_load %arg10[%swap3A_147] {strides = array<i32>} : memref<512xi32, #tpu.memory_space<vmem>>, vector<16xi32>,
    tpu.vector_store %arg10[%swap3A_147], %min3A_146 {strides = array<i32>} : memref<512xi32, #tpu.memory_space<vmem>>, vector<16xi32>,
    %and3A_149 = arith.constant 127 : i32
    %and3A_150 = vector.broadcast %and3A_149 : i32 to vector<16xi32>
    %and3A_151 = arith.andi %mul3A_132, %and3A_150 : vector<16xi32>
    %swap3A_152 = arith.constant 80 : index
    %swap3A_153 = tpu.vector_load %arg11[%swap3A_152] {strides = array<i32>} : memref<512xi32, #tpu.memory_space<vmem>>, vector<16xi32>,
    tpu.vector_store %arg11[%swap3A_152], %and3A_151 {strides = array<i32>} : memref<512xi32, #tpu.memory_space<vmem>>, vector<16xi32>,
    %get3A_154 = arith.constant 96 : index
    %get3A_155 = tpu.vector_load %arg7[%get3A_154] {strides = array<i32>} : memref<512xi32, #tpu.memory_space<vmem>>, vector<16xi32>,
    %mul3A_156 = arith.constant 10 : i32
    %mul3A_157 = vector.broadcast %mul3A_156 : i32 to vector<16xi32>
    %mul3A_158 = arith.muli %get3A_155, %mul3A_157 : vector<16xi32>
    %shift_right_arithmetic3A_159 = arith.constant 7 : i32
    %shift_right_arithmetic3A_160 = vector.broadcast %shift_right_arithmetic3A_159 : i32 to vector<16xi32>
    %shift_right_arithmetic3A_161 = arith.shrsi %mul3A_158, %shift_right_arithmetic3A_160 : vector<16xi32>
    %swap3A_162 = arith.constant 96 : index
    %swap3A_163 = tpu.vector_load %arg9[%swap3A_162] {strides = array<i32>} : memref<512xi32, #tpu.memory_space<vmem>>, vector<16xi32>,
    tpu.vector_store %arg9[%swap3A_162], %shift_right_arithmetic3A_161 {strides = array<i32>} : memref<512xi32, #tpu.memory_space<vmem>>, vector<16xi32>,
    %shift_right_arithmetic3A_164 = arith.constant 7 : i32
    %shift_right_arithmetic3A_165 = vector.broadcast %shift_right_arithmetic3A_164 : i32 to vector<16xi32>
    %shift_right_arithmetic3A_166 = arith.shrsi %mul3A_158, %shift_right_arithmetic3A_165 : vector<16xi32>
    %add3A_167 = arith.constant 1 : i32
    %add3A_168 = vector.broadcast %add3A_167 : i32 to vector<16xi32>
    %add3A_169 = arith.addi %shift_right_arithmetic3A_166, %add3A_168 : vector<16xi32>
    %min3A_170 = arith.constant 78124 : i32
    %min3A_171 = vector.broadcast %min3A_170 : i32 to vector<16xi32>
    %min3A_172 = arith.minsi %add3A_169, %min3A_171 : vector<16xi32>
    %swap3A_173 = arith.constant 96 : index
    %swap3A_174 = tpu.vector_load %arg10[%swap3A_173] {strides = array<i32>} : memref<512xi32, #tpu.memory_space<vmem>>, vector<16xi32>,
    tpu.vector_store %arg10[%swap3A_173], %min3A_172 {strides = array<i32>} : memref<512xi32, #tpu.memory_space<vmem>>, vector<16xi32>,
    %and3A_175 = arith.constant 127 : i32
    %and3A_176 = vector.broadcast %and3A_175 : i32 to vector<16xi32>
    %and3A_177 = arith.andi %mul3A_158, %and3A_176 : vector<16xi32>
    %swap3A_178 = arith.constant 96 : index
    %swap3A_179 = tpu.vector_load %arg11[%swap3A_178] {strides = array<i32>} : memref<512xi32, #tpu.memory_space<vmem>>, vector<16xi32>,
    tpu.vector_store %arg11[%swap3A_178], %and3A_177 {strides = array<i32>} : memref<512xi32, #tpu.memory_space<vmem>>, vector<16xi32>,
    %get3A_180 = arith.constant 112 : index
    %get3A_181 = tpu.vector_load %arg7[%get3A_180] {strides = array<i32>} : memref<512xi32, #tpu.memory_space<vmem>>, vector<16xi32>,
    %mul3A_182 = arith.constant 10 : i32
    %mul3A_183 = vector.broadcast %mul3A_182 : i32 to vector<16xi32>
    %mul3A_184 = arith.muli %get3A_181, %mul3A_183 : vector<16xi32>
    %shift_right_arithmetic3A_185 = arith.constant 7 : i32
    %shift_right_arithmetic3A_186 = vector.broadcast %shift_right_arithmetic3A_185 : i32 to vector<16xi32>
    %shift_right_arithmetic3A_187 = arith.shrsi %mul3A_184, %shift_right_arithmetic3A_186 : vector<16xi32>
    %swap3A_188 = arith.constant 112 : index
    %swap3A_189 = tpu.vector_load %arg9[%swap3A_188] {strides = array<i32>} : memref<512xi32, #tpu.memory_space<vmem>>, vector<16xi32>,
    tpu.vector_store %arg9[%swap3A_188], %shift_right_arithmetic3A_187 {strides = array<i32>} : memref<512xi32, #tpu.memory_space<vmem>>, vector<16xi32>,
    %shift_right_arithmetic3A_190 = arith.constant 7 : i32
    %shift_right_arithmetic3A_191 = vector.broadcast %shift_right_arithmetic3A_190 : i32 to vector<16xi32>
    %shift_right_arithmetic3A_192 = arith.shrsi %mul3A_184, %shift_right_arithmetic3A_191 : vector<16xi32>
    %add3A_193 = arith.constant 1 : i32
    %add3A_194 = vector.broadcast %add3A_193 : i32 to vector<16xi32>
    %add3A_195 = arith.addi %shift_right_arithmetic3A_192, %add3A_194 : vector<16xi32>
    %min3A_196 = arith.constant 78124 : i32
    %min3A_197 = vector.broadcast %min3A_196 : i32 to vector<16xi32>
    %min3A_198 = arith.minsi %add3A_195, %min3A_197 : vector<16xi32>
    %swap3A_199 = arith.constant 112 : index
    %swap3A_200 = tpu.vector_load %arg10[%swap3A_199] {strides = array<i32>} : memref<512xi32, #tpu.memory_space<vmem>>, vector<16xi32>,
    tpu.vector_store %arg10[%swap3A_199], %min3A_198 {strides = array<i32>} : memref<512xi32, #tpu.memory_space<vmem>>, vector<16xi32>,
    %and3A_201 = arith.constant 127 : i32
    %and3A_202 = vector.broadcast %and3A_201 : i32 to vector<16xi32>
    %and3A_203 = arith.andi %mul3A_184, %and3A_202 : vector<16xi32>
    %swap3A_204 = arith.constant 112 : index
    %swap3A_205 = tpu.vector_load %arg11[%swap3A_204] {strides = array<i32>} : memref<512xi32, #tpu.memory_space<vmem>>, vector<16xi32>,
    tpu.vector_store %arg11[%swap3A_204], %and3A_203 {strides = array<i32>} : memref<512xi32, #tpu.memory_space<vmem>>, vector<16xi32>,
    %get3A_206 = arith.constant 128 : index
    %get3A_207 = tpu.vector_load %arg7[%get3A_206] {strides = array<i32>} : memref<512xi32, #tpu.memory_space<vmem>>, vector<16xi32>,
    %mul3A_208 = arith.constant 10 : i32
    %mul3A_209 = vector.broadcast %mul3A_208 : i32 to vector<16xi32>
    %mul3A_210 = arith.muli %get3A_207, %mul3A_209 : vector<16xi32>
    %shift_right_arithmetic3A_211 = arith.constant 7 : i32
    %shift_right_arithmetic3A_212 = vector.broadcast %shift_right_arithmetic3A_211 : i32 to vector<16xi32>
    %shift_right_arithmetic3A_213 = arith.shrsi %mul3A_210, %shift_right_arithmetic3A_212 : vector<16xi32>
    %swap3A_214 = arith.constant 128 : index
    %swap3A_215 = tpu.vector_load %arg9[%swap3A_214] {strides = array<i32>} : memref<512xi32, #tpu.memory_space<vmem>>, vector<16xi32>,
    tpu.vector_store %arg9[%swap3A_214], %shift_right_arithmetic3A_213 {strides = array<i32>} : memref<512xi32, #tpu.memory_space<vmem>>, vector<16xi32>,
    %shift_right_arithmetic3A_216 = arith.constant 7 : i32
    %shift_right_arithmetic3A_217 = vector.broadcast %shift_right_arithmetic3A_216 : i32 to vector<16xi32>
    %shift_right_arithmetic3A_218 = arith.shrsi %mul3A_210, %shift_right_arithmetic3A_217 : vector<16xi32>
    %add3A_219 = arith.constant 1 : i32
    %add3A_220 = vector.broadcast %add3A_219 : i32 to vector<16xi32>
    %add3A_221 = arith.addi %shift_right_arithmetic3A_218, %add3A_220 : vector<16xi32>
    %min3A_222 = arith.constant 78124 : i32
    %min3A_223 = vector.broadcast %min3A_222 : i32 to vector<16xi32>
    %min3A_224 = arith.minsi %add3A_221, %min3A_223 : vector<16xi32>
    %swap3A_225 = arith.constant 128 : index
    %swap3A_226 = tpu.vector_load %arg10[%swap3A_225] {strides = array<i32>} : memref<512xi32, #tpu.memory_space<vmem>>, vector<16xi32>,
    tpu.vector_store %arg10[%swap3A_225], %min3A_224 {strides = array<i32>} : memref<512xi32, #tpu.memory_space<vmem>>, vector<16xi32>,
    %and3A_227 = arith.constant 127 : i32
    %and3A_228 = vector.broadcast %and3A_227 : i32 to vector<16xi32>
    %and3A_229 = arith.andi %mul3A_210, %and3A_228 : vector<16xi32>
    %swap3A_230 = arith.constant 128 : index
    %swap3A_231 = tpu.vector_load %arg11[%swap3A_230] {strides = array<i32>} : memref<512xi32, #tpu.memory_space<vmem>>, vector<16xi32>,
    tpu.vector_store %arg11[%swap3A_230], %and3A_229 {strides = array<i32>} : memref<512xi32, #tpu.memory_space<vmem>>, vector<16xi32>,
    %get3A_232 = arith.constant 144 : index
    %get3A_233 = tpu.vector_load %arg7[%get3A_232] {strides = array<i32>} : memref<512xi32, #tpu.memory_space<vmem>>, vector<16xi32>,
    %mul3A_234 = arith.constant 10 : i32
    %mul3A_235 = vector.broadcast %mul3A_234 : i32 to vector<16xi32>
    %mul3A_236 = arith.muli %get3A_233, %mul3A_235 : vector<16xi32>
    %shift_right_arithmetic3A_237 = arith.constant 7 : i32
    %shift_right_arithmetic3A_238 = vector.broadcast %shift_right_arithmetic3A_237 : i32 to vector<16xi32>
    %shift_right_arithmetic3A_239 = arith.shrsi %mul3A_236, %shift_right_arithmetic3A_238 : vector<16xi32>
    %swap3A_240 = arith.constant 144 : index
    %swap3A_241 = tpu.vector_load %arg9[%swap3A_240] {strides = array<i32>} : memref<512xi32, #tpu.memory_space<vmem>>, vector<16xi32>,
    tpu.vector_store %arg9[%swap3A_240], %shift_right_arithmetic3A_239 {strides = array<i32>} : memref<512xi32, #tpu.memory_space<vmem>>, vector<16xi32>,
    %shift_right_arithmetic3A_242 = arith.constant 7 : i32
    %shift_right_arithmetic3A_243 = vector.broadcast %shift_right_arithmetic3A_242 : i32 to vector<16xi32>
    %shift_right_arithmetic3A_244 = arith.shrsi %mul3A_236, %shift_right_arithmetic3A_243 : vector<16xi32>
    %add3A_245 = arith.constant 1 : i32
    %add3A_246 = vector.broadcast %add3A_245 : i32 to vector<16xi32>
    %add3A_247 = arith.addi %shift_right_arithmetic3A_244, %add3A_246 : vector<16xi32>
    %min3A_248 = arith.constant 78124 : i32
    %min3A_249 = vector.broadcast %min3A_248 : i32 to vector<16xi32>
    %min3A_250 = arith.minsi %add3A_247, %min3A_249 : vector<16xi32>
    %swap3A_251 = arith.constant 144 : index
    %swap3A_252 = tpu.vector_load %arg10[%swap3A_251] {strides = array<i32>} : memref<512xi32, #tpu.memory_space<vmem>>, vector<16xi32>,
    tpu.vector_store %arg10[%swap3A_251], %min3A_250 {strides = array<i32>} : memref<512xi32, #tpu.memory_space<vmem>>, vector<16xi32>,
    %and3A_253 = arith.constant 127 : i32
    %and3A_254 = vector.broadcast %and3A_253 : i32 to vector<16xi32>
    %and3A_255 = arith.andi %mul3A_236, %and3A_254 : vector<16xi32>
    %swap3A_256 = arith.constant 144 : index
    %swap3A_257 = tpu.vector_load %arg11[%swap3A_256] {strides = array<i32>} : memref<512xi32, #tpu.memory_space<vmem>>, vector<16xi32>,
    tpu.vector_store %arg11[%swap3A_256], %and3A_255 {strides = array<i32>} : memref<512xi32, #tpu.memory_space<vmem>>, vector<16xi32>,
    %get3A_258 = arith.constant 160 : index
    %get3A_259 = tpu.vector_load %arg7[%get3A_258] {strides = array<i32>} : memref<512xi32, #tpu.memory_space<vmem>>, vector<16xi32>,
    %mul3A_260 = arith.constant 10 : i32
    %mul3A_261 = vector.broadcast %mul3A_260 : i32 to vector<16xi32>
    %mul3A_262 = arith.muli %get3A_259, %mul3A_261 : vector<16xi32>
    %shift_right_arithmetic3A_263 = arith.constant 7 : i32
    %shift_right_arithmetic3A_264 = vector.broadcast %shift_right_arithmetic3A_263 : i32 to vector<16xi32>
    %shift_right_arithmetic3A_265 = arith.shrsi %mul3A_262, %shift_right_arithmetic3A_264 : vector<16xi32>
    %swap3A_266 = arith.constant 160 : index
    %swap3A_267 = tpu.vector_load %arg9[%swap3A_266] {strides = array<i32>} : memref<512xi32, #tpu.memory_space<vmem>>, vector<16xi32>,
    tpu.vector_store %arg9[%swap3A_266], %shift_right_arithmetic3A_265 {strides = array<i32>} : memref<512xi32, #tpu.memory_space<vmem>>, vector<16xi32>,
    %shift_right_arithmetic3A_268 = arith.constant 7 : i32
    %shift_right_arithmetic3A_269 = vector.broadcast %shift_right_arithmetic3A_268 : i32 to vector<16xi32>
    %shift_right_arithmetic3A_270 = arith.shrsi %mul3A_262, %shift_right_arithmetic3A_269 : vector<16xi32>
    %add3A_271 = arith.constant 1 : i32
    %add3A_272 = vector.broadcast %add3A_271 : i32 to vector<16xi32>
    %add3A_273 = arith.addi %shift_right_arithmetic3A_270, %add3A_272 : vector<16xi32>
    %min3A_274 = arith.constant 78124 : i32
    %min3A_275 = vector.broadcast %min3A_274 : i32 to vector<16xi32>
    %min3A_276 = arith.minsi %add3A_273, %min3A_275 : vector<16xi32>
    %swap3A_277 = arith.constant 160 : index
    %swap3A_278 = tpu.vector_load %arg10[%swap3A_277] {strides = array<i32>} : memref<512xi32, #tpu.memory_space<vmem>>, vector<16xi32>,
    tpu.vector_store %arg10[%swap3A_277], %min3A_276 {strides = array<i32>} : memref<512xi32, #tpu.memory_space<vmem>>, vector<16xi32>,
    %and3A_279 = arith.constant 127 : i32
    %and3A_280 = vector.broadcast %and3A_279 : i32 to vector<16xi32>
    %and3A_281 = arith.andi %mul3A_262, %and3A_280 : vector<16xi32>
    %swap3A_282 = arith.constant 160 : index
    %swap3A_283 = tpu.vector_load %arg11[%swap3A_282] {strides = array<i32>} : memref<512xi32, #tpu.memory_space<vmem>>, vector<16xi32>,
    tpu.vector_store %arg11[%swap3A_282], %and3A_281 {strides = array<i32>} : memref<512xi32, #tpu.memory_space<vmem>>, vector<16xi32>,
    %get3A_284 = arith.constant 176 : index
    %get3A_285 = tpu.vector_load %arg7[%get3A_284] {strides = array<i32>} : memref<512xi32, #tpu.memory_space<vmem>>, vector<16xi32>,
    %mul3A_286 = arith.constant 10 : i32
    %mul3A_287 = vector.broadcast %mul3A_286 : i32 to vector<16xi32>
    %mul3A_288 = arith.muli %get3A_285, %mul3A_287 : vector<16xi32>
    %shift_right_arithmetic3A_289 = arith.constant 7 : i32
    %shift_right_arithmetic3A_290 = vector.broadcast %shift_right_arithmetic3A_289 : i32 to vector<16xi32>
    %shift_right_arithmetic3A_291 = arith.shrsi %mul3A_288, %shift_right_arithmetic3A_290 : vector<16xi32>
    %swap3A_292 = arith.constant 176 : index
    %swap3A_293 = tpu.vector_load %arg9[%swap3A_292] {strides = array<i32>} : memref<512xi32, #tpu.memory_space<vmem>>, vector<16xi32>,
    tpu.vector_store %arg9[%swap3A_292], %shift_right_arithmetic3A_291 {strides = array<i32>} : memref<512xi32, #tpu.memory_space<vmem>>, vector<16xi32>,
    %shift_right_arithmetic3A_294 = arith.constant 7 : i32
    %shift_right_arithmetic3A_295 = vector.broadcast %shift_right_arithmetic3A_294 : i32 to vector<16xi32>
    %shift_right_arithmetic3A_296 = arith.shrsi %mul3A_288, %shift_right_arithmetic3A_295 : vector<16xi32>
    %add3A_297 = arith.constant 1 : i32
    %add3A_298 = vector.broadcast %add3A_297 : i32 to vector<16xi32>
    %add3A_299 = arith.addi %shift_right_arithmetic3A_296, %add3A_298 : vector<16xi32>
    %min3A_300 = arith.constant 78124 : i32
    %min3A_301 = vector.broadcast %min3A_300 : i32 to vector<16xi32>
    %min3A_302 = arith.minsi %add3A_299, %min3A_301 : vector<16xi32>
    %swap3A_303 = arith.constant 176 : index
    %swap3A_304 = tpu.vector_load %arg10[%swap3A_303] {strides = array<i32>} : memref<512xi32, #tpu.memory_space<vmem>>, vector<16xi32>,
    tpu.vector_store %arg10[%swap3A_303], %min3A_302 {strides = array<i32>} : memref<512xi32, #tpu.memory_space<vmem>>, vector<16xi32>,
    %and3A_305 = arith.constant 127 : i32
    %and3A_306 = vector.broadcast %and3A_305 : i32 to vector<16xi32>
    %and3A_307 = arith.andi %mul3A_288, %and3A_306 : vector<16xi32>
    %swap3A_308 = arith.constant 176 : index
    %swap3A_309 = tpu.vector_load %arg11[%swap3A_308] {strides = array<i32>} : memref<512xi32, #tpu.memory_space<vmem>>, vector<16xi32>,
    tpu.vector_store %arg11[%swap3A_308], %and3A_307 {strides = array<i32>} : memref<512xi32, #tpu.memory_space<vmem>>, vector<16xi32>,
    %get3A_310 = arith.constant 192 : index
    %get3A_311 = tpu.vector_load %arg7[%get3A_310] {strides = array<i32>} : memref<512xi32, #tpu.memory_space<vmem>>, vector<16xi32>,
    %mul3A_312 = arith.constant 10 : i32
    %mul3A_313 = vector.broadcast %mul3A_312 : i32 to vector<16xi32>
    %mul3A_314 = arith.muli %get3A_311, %mul3A_313 : vector<16xi32>
    %shift_right_arithmetic3A_315 = arith.constant 7 : i32
    %shift_right_arithmetic3A_316 = vector.broadcast %shift_right_arithmetic3A_315 : i32 to vector<16xi32>
    %shift_right_arithmetic3A_317 = arith.shrsi %mul3A_314, %shift_right_arithmetic3A_316 : vector<16xi32>
    %swap3A_318 = arith.constant 192 : index
    %swap3A_319 = tpu.vector_load %arg9[%swap3A_318] {strides = array<i32>} : memref<512xi32, #tpu.memory_space<vmem>>, vector<16xi32>,
    tpu.vector_store %arg9[%swap3A_318], %shift_right_arithmetic3A_317 {strides = array<i32>} : memref<512xi32, #tpu.memory_space<vmem>>, vector<16xi32>,
    %shift_right_arithmetic3A_320 = arith.constant 7 : i32
    %shift_right_arithmetic3A_321 = vector.broadcast %shift_right_arithmetic3A_320 : i32 to vector<16xi32>
    %shift_right_arithmetic3A_322 = arith.shrsi %mul3A_314, %shift_right_arithmetic3A_321 : vector<16xi32>
    %add3A_323 = arith.constant 1 : i32
    %add3A_324 = vector.broadcast %add3A_323 : i32 to vector<16xi32>
    %add3A_325 = arith.addi %shift_right_arithmetic3A_322, %add3A_324 : vector<16xi32>
    %min3A_326 = arith.constant 78124 : i32
    %min3A_327 = vector.broadcast %min3A_326 : i32 to vector<16xi32>
    %min3A_328 = arith.minsi %add3A_325, %min3A_327 : vector<16xi32>
    %swap3A_329 = arith.constant 192 : index
    %swap3A_330 = tpu.vector_load %arg10[%swap3A_329] {strides = array<i32>} : memref<512xi32, #tpu.memory_space<vmem>>, vector<16xi32>,
    tpu.vector_store %arg10[%swap3A_329], %min3A_328 {strides = array<i32>} : memref<512xi32, #tpu.memory_space<vmem>>, vector<16xi32>,
    %and3A_331 = arith.constant 127 : i32
    %and3A_332 = vector.broadcast %and3A_331 : i32 to vector<16xi32>
    %and3A_333 = arith.andi %mul3A_314, %and3A_332 : vector<16xi32>
    %swap3A_334 = arith.constant 192 : index
    %swap3A_335 = tpu.vector_load %arg11[%swap3A_334] {strides = array<i32>} : memref<512xi32, #tpu.memory_space<vmem>>, vector<16xi32>,
    tpu.vector_store %arg11[%swap3A_334], %and3A_333 {strides = array<i32>} : memref<512xi32, #tpu.memory_space<vmem>>, vector<16xi32>,
    %get3A_336 = arith.constant 208 : index
    %get3A_337 = tpu.vector_load %arg7[%get3A_336] {strides = array<i32>} : memref<512xi32, #tpu.memory_space<vmem>>, vector<16xi32>,
    %mul3A_338 = arith.constant 10 : i32
    %mul3A_339 = vector.broadcast %mul3A_338 : i32 to vector<16xi32>
    %mul3A_340 = arith.muli %get3A_337, %mul3A_339 : vector<16xi32>
    %shift_right_arithmetic3A_341 = arith.constant 7 : i32
    %shift_right_arithmetic3A_342 = vector.broadcast %shift_right_arithmetic3A_341 : i32 to vector<16xi32>
    %shift_right_arithmetic3A_343 = arith.shrsi %mul3A_340, %shift_right_arithmetic3A_342 : vector<16xi32>
    %swap3A_344 = arith.constant 208 : index
    %swap3A_345 = tpu.vector_load %arg9[%swap3A_344] {strides = array<i32>} : memref<512xi32, #tpu.memory_space<vmem>>, vector<16xi32>,
    tpu.vector_store %arg9[%swap3A_344], %shift_right_arithmetic3A_343 {strides = array<i32>} : memref<512xi32, #tpu.memory_space<vmem>>, vector<16xi32>,
    %shift_right_arithmetic3A_346 = arith.constant 7 : i32
    %shift_right_arithmetic3A_347 = vector.broadcast %shift_right_arithmetic3A_346 : i32 to vector<16xi32>
    %shift_right_arithmetic3A_348 = arith.shrsi %mul3A_340, %shift_right_arithmetic3A_347 : vector<16xi32>
    %add3A_349 = arith.constant 1 : i32
    %add3A_350 = vector.broadcast %add3A_349 : i32 to vector<16xi32>
    %add3A_351 = arith.addi %shift_right_arithmetic3A_348, %add3A_350 : vector<16xi32>
    %min3A_352 = arith.constant 78124 : i32
    %min3A_353 = vector.broadcast %min3A_352 : i32 to vector<16xi32>
    %min3A_354 = arith.minsi %add3A_351, %min3A_353 : vector<16xi32>
    %swap3A_355 = arith.constant 208 : index
    %swap3A_356 = tpu.vector_load %arg10[%swap3A_355] {strides = array<i32>} : memref<512xi32, #tpu.memory_space<vmem>>, vector<16xi32>,
    tpu.vector_store %arg10[%swap3A_355], %min3A_354 {strides = array<i32>} : memref<512xi32, #tpu.memory_space<vmem>>, vector<16xi32>,
    %and3A_357 = arith.constant 127 : i32
    %and3A_358 = vector.broadcast %and3A_357 : i32 to vector<16xi32>
    %and3A_359 = arith.andi %mul3A_340, %and3A_358 : vector<16xi32>
    %swap3A_360 = arith.constant 208 : index
    %swap3A_361 = tpu.vector_load %arg11[%swap3A_360] {strides = array<i32>} : memref<512xi32, #tpu.memory_space<vmem>>, vector<16xi32>,
    tpu.vector_store %arg11[%swap3A_360], %and3A_359 {strides = array<i32>} : memref<512xi32, #tpu.memory_space<vmem>>, vector<16xi32>,
    %get3A_362 = arith.constant 224 : index
    %get3A_363 = tpu.vector_load %arg7[%get3A_362] {strides = array<i32>} : memref<512xi32, #tpu.memory_space<vmem>>, vector<16xi32>,
    %mul3A_364 = arith.constant 10 : i32
    %mul3A_365 = vector.broadcast %mul3A_364 : i32 to vector<16xi32>
    %mul3A_366 = arith.muli %get3A_363, %mul3A_365 : vector<16xi32>
    %shift_right_arithmetic3A_367 = arith.constant 7 : i32
    %shift_right_arithmetic3A_368 = vector.broadcast %shift_right_arithmetic3A_367 : i32 to vector<16xi32>
    %shift_right_arithmetic3A_369 = arith.shrsi %mul3A_366, %shift_right_arithmetic3A_368 : vector<16xi32>
    %swap3A_370 = arith.constant 224 : index
    %swap3A_371 = tpu.vector_load %arg9[%swap3A_370] {strides = array<i32>} : memref<512xi32, #tpu.memory_space<vmem>>, vector<16xi32>,
    tpu.vector_store %arg9[%swap3A_370], %shift_right_arithmetic3A_369 {strides = array<i32>} : memref<512xi32, #tpu.memory_space<vmem>>, vector<16xi32>,
    %shift_right_arithmetic3A_372 = arith.constant 7 : i32
    %shift_right_arithmetic3A_373 = vector.broadcast %shift_right_arithmetic3A_372 : i32 to vector<16xi32>
    %shift_right_arithmetic3A_374 = arith.shrsi %mul3A_366, %shift_right_arithmetic3A_373 : vector<16xi32>
    %add3A_375 = arith.constant 1 : i32
    %add3A_376 = vector.broadcast %add3A_375 : i32 to vector<16xi32>
    %add3A_377 = arith.addi %shift_right_arithmetic3A_374, %add3A_376 : vector<16xi32>
    %min3A_378 = arith.constant 78124 : i32
    %min3A_379 = vector.broadcast %min3A_378 : i32 to vector<16xi32>
    %min3A_380 = arith.minsi %add3A_377, %min3A_379 : vector<16xi32>
    %swap3A_381 = arith.constant 224 : index
    %swap3A_382 = tpu.vector_load %arg10[%swap3A_381] {strides = array<i32>} : memref<512xi32, #tpu.memory_space<vmem>>, vector<16xi32>,
    tpu.vector_store %arg10[%swap3A_381], %min3A_380 {strides = array<i32>} : memref<512xi32, #tpu.memory_space<vmem>>, vector<16xi32>,
    %and3A_383 = arith.constant 127 : i32
    %and3A_384 = vector.broadcast %and3A_383 : i32 to vector<16xi32>
    %and3A_385 = arith.andi %mul3A_366, %and3A_384 : vector<16xi32>
    %swap3A_386 = arith.constant 224 : index
    %swap3A_387 = tpu.vector_load %arg11[%swap3A_386] {strides = array<i32>} : memref<512xi32, #tpu.memory_space<vmem>>, vector<16xi32>,
    tpu.vector_store %arg11[%swap3A_386], %and3A_385 {strides = array<i32>} : memref<512xi32, #tpu.memory_space<vmem>>, vector<16xi32>,
    %get3A_388 = arith.constant 240 : index
    %get3A_389 = tpu.vector_load %arg7[%get3A_388] {strides = array<i32>} : memref<512xi32, #tpu.memory_space<vmem>>, vector<16xi32>,
    %mul3A_390 = arith.constant 10 : i32
    %mul3A_391 = vector.broadcast %mul3A_390 : i32 to vector<16xi32>
    %mul3A_392 = arith.muli %get3A_389, %mul3A_391 : vector<16xi32>
    %shift_right_arithmetic3A_393 = arith.constant 7 : i32
    %shift_right_arithmetic3A_394 = vector.broadcast %shift_right_arithmetic3A_393 : i32 to vector<16xi32>
    %shift_right_arithmetic3A_395 = arith.shrsi %mul3A_392, %shift_right_arithmetic3A_394 : vector<16xi32>
    %swap3A_396 = arith.constant 240 : index
    %swap3A_397 = tpu.vector_load %arg9[%swap3A_396] {strides = array<i32>} : memref<512xi32, #tpu.memory_space<vmem>>, vector<16xi32>,
    tpu.vector_store %arg9[%swap3A_396], %shift_right_arithmetic3A_395 {strides = array<i32>} : memref<512xi32, #tpu.memory_space<vmem>>, vector<16xi32>,
    %shift_right_arithmetic3A_398 = arith.constant 7 : i32
    %shift_right_arithmetic3A_399 = vector.broadcast %shift_right_arithmetic3A_398 : i32 to vector<16xi32>
    %shift_right_arithmetic3A_400 = arith.shrsi %mul3A_392, %shift_right_arithmetic3A_399 : vector<16xi32>
    %add3A_401 = arith.constant 1 : i32
    %add3A_402 = vector.broadcast %add3A_401 : i32 to vector<16xi32>
    %add3A_403 = arith.addi %shift_right_arithmetic3A_400, %add3A_402 : vector<16xi32>
    %min3A_404 = arith.constant 78124 : i32
    %min3A_405 = vector.broadcast %min3A_404 : i32 to vector<16xi32>
    %min3A_406 = arith.minsi %add3A_403, %min3A_405 : vector<16xi32>
    %swap3A_407 = arith.constant 240 : index
    %swap3A_408 = tpu.vector_load %arg10[%swap3A_407] {strides = array<i32>} : memref<512xi32, #tpu.memory_space<vmem>>, vector<16xi32>,
    tpu.vector_store %arg10[%swap3A_407], %min3A_406 {strides = array<i32>} : memref<512xi32, #tpu.memory_space<vmem>>, vector<16xi32>,
    %and3A_409 = arith.constant 127 : i32
    %and3A_410 = vector.broadcast %and3A_409 : i32 to vector<16xi32>
    %and3A_411 = arith.andi %mul3A_392, %and3A_410 : vector<16xi32>
    %swap3A_412 = arith.constant 240 : index
    %swap3A_413 = tpu.vector_load %arg11[%swap3A_412] {strides = array<i32>} : memref<512xi32, #tpu.memory_space<vmem>>, vector<16xi32>,
    tpu.vector_store %arg11[%swap3A_412], %and3A_411 {strides = array<i32>} : memref<512xi32, #tpu.memory_space<vmem>>, vector<16xi32>,
    %get3A_414 = arith.constant 256 : index
    %get3A_415 = tpu.vector_load %arg7[%get3A_414] {strides = array<i32>} : memref<512xi32, #tpu.memory_space<vmem>>, vector<16xi32>,
    %mul3A_416 = arith.constant 10 : i32
    %mul3A_417 = vector.broadcast %mul3A_416 : i32 to vector<16xi32>
    %mul3A_418 = arith.muli %get3A_415, %mul3A_417 : vector<16xi32>
    %shift_right_arithmetic3A_419 = arith.constant 7 : i32
    %shift_right_arithmetic3A_420 = vector.broadcast %shift_right_arithmetic3A_419 : i32 to vector<16xi32>
    %shift_right_arithmetic3A_421 = arith.shrsi %mul3A_418, %shift_right_arithmetic3A_420 : vector<16xi32>
    %swap3A_422 = arith.constant 256 : index
    %swap3A_423 = tpu.vector_load %arg9[%swap3A_422] {strides = array<i32>} : memref<512xi32, #tpu.memory_space<vmem>>, vector<16xi32>,
    tpu.vector_store %arg9[%swap3A_422], %shift_right_arithmetic3A_421 {strides = array<i32>} : memref<512xi32, #tpu.memory_space<vmem>>, vector<16xi32>,
    %shift_right_arithmetic3A_424 = arith.constant 7 : i32
    %shift_right_arithmetic3A_425 = vector.broadcast %shift_right_arithmetic3A_424 : i32 to vector<16xi32>
    %shift_right_arithmetic3A_426 = arith.shrsi %mul3A_418, %shift_right_arithmetic3A_425 : vector<16xi32>
    %add3A_427 = arith.constant 1 : i32
    %add3A_428 = vector.broadcast %add3A_427 : i32 to vector<16xi32>
    %add3A_429 = arith.addi %shift_right_arithmetic3A_426, %add3A_428 : vector<16xi32>
    %min3A_430 = arith.constant 78124 : i32
    %min3A_431 = vector.broadcast %min3A_430 : i32 to vector<16xi32>
    %min3A_432 = arith.minsi %add3A_429, %min3A_431 : vector<16xi32>
    %swap3A_433 = arith.constant 256 : index
    %swap3A_434 = tpu.vector_load %arg10[%swap3A_433] {strides = array<i32>} : memref<512xi32, #tpu.memory_space<vmem>>, vector<16xi32>,
    tpu.vector_store %arg10[%swap3A_433], %min3A_432 {strides = array<i32>} : memref<512xi32, #tpu.memory_space<vmem>>, vector<16xi32>,
    %and3A_435 = arith.constant 127 : i32
    %and3A_436 = vector.broadcast %and3A_435 : i32 to vector<16xi32>
    %and3A_437 = arith.andi %mul3A_418, %and3A_436 : vector<16xi32>
    %swap3A_438 = arith.constant 256 : index
    %swap3A_439 = tpu.vector_load %arg11[%swap3A_438] {strides = array<i32>} : memref<512xi32, #tpu.memory_space<vmem>>, vector<16xi32>,
    tpu.vector_store %arg11[%swap3A_438], %and3A_437 {strides = array<i32>} : memref<512xi32, #tpu.memory_space<vmem>>, vector<16xi32>,
    %get3A_440 = arith.constant 272 : index
    %get3A_441 = tpu.vector_load %arg7[%get3A_440] {strides = array<i32>} : memref<512xi32, #tpu.memory_space<vmem>>, vector<16xi32>,
    %mul3A_442 = arith.constant 10 : i32
    %mul3A_443 = vector.broadcast %mul3A_442 : i32 to vector<16xi32>
    %mul3A_444 = arith.muli %get3A_441, %mul3A_443 : vector<16xi32>
    %shift_right_arithmetic3A_445 = arith.constant 7 : i32
    %shift_right_arithmetic3A_446 = vector.broadcast %shift_right_arithmetic3A_445 : i32 to vector<16xi32>
    %shift_right_arithmetic3A_447 = arith.shrsi %mul3A_444, %shift_right_arithmetic3A_446 : vector<16xi32>
    %swap3A_448 = arith.constant 272 : index
    %swap3A_449 = tpu.vector_load %arg9[%swap3A_448] {strides = array<i32>} : memref<512xi32, #tpu.memory_space<vmem>>, vector<16xi32>,
    tpu.vector_store %arg9[%swap3A_448], %shift_right_arithmetic3A_447 {strides = array<i32>} : memref<512xi32, #tpu.memory_space<vmem>>, vector<16xi32>,
    %shift_right_arithmetic3A_450 = arith.constant 7 : i32
    %shift_right_arithmetic3A_451 = vector.broadcast %shift_right_arithmetic3A_450 : i32 to vector<16xi32>
    %shift_right_arithmetic3A_452 = arith.shrsi %mul3A_444, %shift_right_arithmetic3A_451 : vector<16xi32>
    %add3A_453 = arith.constant 1 : i32
    %add3A_454 = vector.broadcast %add3A_453 : i32 to vector<16xi32>
    %add3A_455 = arith.addi %shift_right_arithmetic3A_452, %add3A_454 : vector<16xi32>
    %min3A_456 = arith.constant 78124 : i32
    %min3A_457 = vector.broadcast %min3A_456 : i32 to vector<16xi32>
    %min3A_458 = arith.minsi %add3A_455, %min3A_457 : vector<16xi32>
    %swap3A_459 = arith.constant 272 : index
    %swap3A_460 = tpu.vector_load %arg10[%swap3A_459] {strides = array<i32>} : memref<512xi32, #tpu.memory_space<vmem>>, vector<16xi32>,
    tpu.vector_store %arg10[%swap3A_459], %min3A_458 {strides = array<i32>} : memref<512xi32, #tpu.memory_space<vmem>>, vector<16xi32>,
    %and3A_461 = arith.constant 127 : i32
    %and3A_462 = vector.broadcast %and3A_461 : i32 to vector<16xi32>
    %and3A_463 = arith.andi %mul3A_444, %and3A_462 : vector<16xi32>
    %swap3A_464 = arith.constant 272 : index
    %swap3A_465 = tpu.vector_load %arg11[%swap3A_464] {strides = array<i32>} : memref<512xi32, #tpu.memory_space<vmem>>, vector<16xi32>,
    tpu.vector_store %arg11[%swap3A_464], %and3A_463 {strides = array<i32>} : memref<512xi32, #tpu.memory_space<vmem>>, vector<16xi32>,
    %get3A_466 = arith.constant 288 : index
    %get3A_467 = tpu.vector_load %arg7[%get3A_466] {strides = array<i32>} : memref<512xi32, #tpu.memory_space<vmem>>, vector<16xi32>,
    %mul3A_468 = arith.constant 10 : i32
    %mul3A_469 = vector.broadcast %mul3A_468 : i32 to vector<16xi32>
    %mul3A_470 = arith.muli %get3A_467, %mul3A_469 : vector<16xi32>
    %shift_right_arithmetic3A_471 = arith.constant 7 : i32
    %shift_right_arithmetic3A_472 = vector.broadcast %shift_right_arithmetic3A_471 : i32 to vector<16xi32>
    %shift_right_arithmetic3A_473 = arith.shrsi %mul3A_470, %shift_right_arithmetic3A_472 : vector<16xi32>
    %swap3A_474 = arith.constant 288 : index
    %swap3A_475 = tpu.vector_load %arg9[%swap3A_474] {strides = array<i32>} : memref<512xi32, #tpu.memory_space<vmem>>, vector<16xi32>,
    tpu.vector_store %arg9[%swap3A_474], %shift_right_arithmetic3A_473 {strides = array<i32>} : memref<512xi32, #tpu.memory_space<vmem>>, vector<16xi32>,
    %shift_right_arithmetic3A_476 = arith.constant 7 : i32
    %shift_right_arithmetic3A_477 = vector.broadcast %shift_right_arithmetic3A_476 : i32 to vector<16xi32>
    %shift_right_arithmetic3A_478 = arith.shrsi %mul3A_470, %shift_right_arithmetic3A_477 : vector<16xi32>
    %add3A_479 = arith.constant 1 : i32
    %add3A_480 = vector.broadcast %add3A_479 : i32 to vector<16xi32>
    %add3A_481 = arith.addi %shift_right_arithmetic3A_478, %add3A_480 : vector<16xi32>
    %min3A_482 = arith.constant 78124 : i32
    %min3A_483 = vector.broadcast %min3A_482 : i32 to vector<16xi32>
    %min3A_484 = arith.minsi %add3A_481, %min3A_483 : vector<16xi32>
    %swap3A_485 = arith.constant 288 : index
    %swap3A_486 = tpu.vector_load %arg10[%swap3A_485] {strides = array<i32>} : memref<512xi32, #tpu.memory_space<vmem>>, vector<16xi32>,
    tpu.vector_store %arg10[%swap3A_485], %min3A_484 {strides = array<i32>} : memref<512xi32, #tpu.memory_space<vmem>>, vector<16xi32>,
    %and3A_487 = arith.constant 127 : i32
    %and3A_488 = vector.broadcast %and3A_487 : i32 to vector<16xi32>
    %and3A_489 = arith.andi %mul3A_470, %and3A_488 : vector<16xi32>
    %swap3A_490 = arith.constant 288 : index
    %swap3A_491 = tpu.vector_load %arg11[%swap3A_490] {strides = array<i32>} : memref<512xi32, #tpu.memory_space<vmem>>, vector<16xi32>,
    tpu.vector_store %arg11[%swap3A_490], %and3A_489 {strides = array<i32>} : memref<512xi32, #tpu.memory_space<vmem>>, vector<16xi32>,
    %get3A_492 = arith.constant 304 : index
    %get3A_493 = tpu.vector_load %arg7[%get3A_492] {strides = array<i32>} : memref<512xi32, #tpu.memory_space<vmem>>, vector<16xi32>,
    %mul3A_494 = arith.constant 10 : i32
    %mul3A_495 = vector.broadcast %mul3A_494 : i32 to vector<16xi32>
    %mul3A_496 = arith.muli %get3A_493, %mul3A_495 : vector<16xi32>
    %shift_right_arithmetic3A_497 = arith.constant 7 : i32
    %shift_right_arithmetic3A_498 = vector.broadcast %shift_right_arithmetic3A_497 : i32 to vector<16xi32>
    %shift_right_arithmetic3A_499 = arith.shrsi %mul3A_496, %shift_right_arithmetic3A_498 : vector<16xi32>
    %swap3A_500 = arith.constant 304 : index
    %swap3A_501 = tpu.vector_load %arg9[%swap3A_500] {strides = array<i32>} : memref<512xi32, #tpu.memory_space<vmem>>, vector<16xi32>,
    tpu.vector_store %arg9[%swap3A_500], %shift_right_arithmetic3A_499 {strides = array<i32>} : memref<512xi32, #tpu.memory_space<vmem>>, vector<16xi32>,
    %shift_right_arithmetic3A_502 = arith.constant 7 : i32
    %shift_right_arithmetic3A_503 = vector.broadcast %shift_right_arithmetic3A_502 : i32 to vector<16xi32>
    %shift_right_arithmetic3A_504 = arith.shrsi %mul3A_496, %shift_right_arithmetic3A_503 : vector<16xi32>
    %add3A_505 = arith.constant 1 : i32
    %add3A_506 = vector.broadcast %add3A_505 : i32 to vector<16xi32>
    %add3A_507 = arith.addi %shift_right_arithmetic3A_504, %add3A_506 : vector<16xi32>
    %min3A_508 = arith.constant 78124 : i32
    %min3A_509 = vector.broadcast %min3A_508 : i32 to vector<16xi32>
    %min3A_510 = arith.minsi %add3A_507, %min3A_509 : vector<16xi32>
    %swap3A_511 = arith.constant 304 : index
    %swap3A_512 = tpu.vector_load %arg10[%swap3A_511] {strides = array<i32>} : memref<512xi32, #tpu.memory_space<vmem>>, vector<16xi32>,
    tpu.vector_store %arg10[%swap3A_511], %min3A_510 {strides = array<i32>} : memref<512xi32, #tpu.memory_space<vmem>>, vector<16xi32>,
    %and3A_513 = arith.constant 127 : i32
    %and3A_514 = vector.broadcast %and3A_513 : i32 to vector<16xi32>
    %and3A_515 = arith.andi %mul3A_496, %and3A_514 : vector<16xi32>
    %swap3A_516 = arith.constant 304 : index
    %swap3A_517 = tpu.vector_load %arg11[%swap3A_516] {strides = array<i32>} : memref<512xi32, #tpu.memory_space<vmem>>, vector<16xi32>,
    tpu.vector_store %arg11[%swap3A_516], %and3A_515 {strides = array<i32>} : memref<512xi32, #tpu.memory_space<vmem>>, vector<16xi32>,
    %get3A_518 = arith.constant 320 : index
    %get3A_519 = tpu.vector_load %arg7[%get3A_518] {strides = array<i32>} : memref<512xi32, #tpu.memory_space<vmem>>, vector<16xi32>,
    %mul3A_520 = arith.constant 10 : i32
    %mul3A_521 = vector.broadcast %mul3A_520 : i32 to vector<16xi32>
    %mul3A_522 = arith.muli %get3A_519, %mul3A_521 : vector<16xi32>
    %shift_right_arithmetic3A_523 = arith.constant 7 : i32
    %shift_right_arithmetic3A_524 = vector.broadcast %shift_right_arithmetic3A_523 : i32 to vector<16xi32>
    %shift_right_arithmetic3A_525 = arith.shrsi %mul3A_522, %shift_right_arithmetic3A_524 : vector<16xi32>
    %swap3A_526 = arith.constant 320 : index
    %swap3A_527 = tpu.vector_load %arg9[%swap3A_526] {strides = array<i32>} : memref<512xi32, #tpu.memory_space<vmem>>, vector<16xi32>,
    tpu.vector_store %arg9[%swap3A_526], %shift_right_arithmetic3A_525 {strides = array<i32>} : memref<512xi32, #tpu.memory_space<vmem>>, vector<16xi32>,
    %shift_right_arithmetic3A_528 = arith.constant 7 : i32
    %shift_right_arithmetic3A_529 = vector.broadcast %shift_right_arithmetic3A_528 : i32 to vector<16xi32>
    %shift_right_arithmetic3A_530 = arith.shrsi %mul3A_522, %shift_right_arithmetic3A_529 : vector<16xi32>
    %add3A_531 = arith.constant 1 : i32
    %add3A_532 = vector.broadcast %add3A_531 : i32 to vector<16xi32>
    %add3A_533 = arith.addi %shift_right_arithmetic3A_530, %add3A_532 : vector<16xi32>
    %min3A_534 = arith.constant 78124 : i32
    %min3A_535 = vector.broadcast %min3A_534 : i32 to vector<16xi32>
    %min3A_536 = arith.minsi %add3A_533, %min3A_535 : vector<16xi32>
    %swap3A_537 = arith.constant 320 : index
    %swap3A_538 = tpu.vector_load %arg10[%swap3A_537] {strides = array<i32>} : memref<512xi32, #tpu.memory_space<vmem>>, vector<16xi32>,
    tpu.vector_store %arg10[%swap3A_537], %min3A_536 {strides = array<i32>} : memref<512xi32, #tpu.memory_space<vmem>>, vector<16xi32>,
    %and3A_539 = arith.constant 127 : i32
    %and3A_540 = vector.broadcast %and3A_539 : i32 to vector<16xi32>
    %and3A_541 = arith.andi %mul3A_522, %and3A_540 : vector<16xi32>
    %swap3A_542 = arith.constant 320 : index
    %swap3A_543 = tpu.vector_load %arg11[%swap3A_542] {strides = array<i32>} : memref<512xi32, #tpu.memory_space<vmem>>, vector<16xi32>,
    tpu.vector_store %arg11[%swap3A_542], %and3A_541 {strides = array<i32>} : memref<512xi32, #tpu.memory_space<vmem>>, vector<16xi32>,
    %get3A_544 = arith.constant 336 : index
    %get3A_545 = tpu.vector_load %arg7[%get3A_544] {strides = array<i32>} : memref<512xi32, #tpu.memory_space<vmem>>, vector<16xi32>,
    %mul3A_546 = arith.constant 10 : i32
    %mul3A_547 = vector.broadcast %mul3A_546 : i32 to vector<16xi32>
    %mul3A_548 = arith.muli %get3A_545, %mul3A_547 : vector<16xi32>
    %shift_right_arithmetic3A_549 = arith.constant 7 : i32
    %shift_right_arithmetic3A_550 = vector.broadcast %shift_right_arithmetic3A_549 : i32 to vector<16xi32>
    %shift_right_arithmetic3A_551 = arith.shrsi %mul3A_548, %shift_right_arithmetic3A_550 : vector<16xi32>
    %swap3A_552 = arith.constant 336 : index
    %swap3A_553 = tpu.vector_load %arg9[%swap3A_552] {strides = array<i32>} : memref<512xi32, #tpu.memory_space<vmem>>, vector<16xi32>,
    tpu.vector_store %arg9[%swap3A_552], %shift_right_arithmetic3A_551 {strides = array<i32>} : memref<512xi32, #tpu.memory_space<vmem>>, vector<16xi32>,
    %shift_right_arithmetic3A_554 = arith.constant 7 : i32
    %shift_right_arithmetic3A_555 = vector.broadcast %shift_right_arithmetic3A_554 : i32 to vector<16xi32>
    %shift_right_arithmetic3A_556 = arith.shrsi %mul3A_548, %shift_right_arithmetic3A_555 : vector<16xi32>
    %add3A_557 = arith.constant 1 : i32
    %add3A_558 = vector.broadcast %add3A_557 : i32 to vector<16xi32>
    %add3A_559 = arith.addi %shift_right_arithmetic3A_556, %add3A_558 : vector<16xi32>
    %min3A_560 = arith.constant 78124 : i32
    %min3A_561 = vector.broadcast %min3A_560 : i32 to vector<16xi32>
    %min3A_562 = arith.minsi %add3A_559, %min3A_561 : vector<16xi32>
    %swap3A_563 = arith.constant 336 : index
    %swap3A_564 = tpu.vector_load %arg10[%swap3A_563] {strides = array<i32>} : memref<512xi32, #tpu.memory_space<vmem>>, vector<16xi32>,
    tpu.vector_store %arg10[%swap3A_563], %min3A_562 {strides = array<i32>} : memref<512xi32, #tpu.memory_space<vmem>>, vector<16xi32>,
    %and3A_565 = arith.constant 127 : i32
    %and3A_566 = vector.broadcast %and3A_565 : i32 to vector<16xi32>
    %and3A_567 = arith.andi %mul3A_548, %and3A_566 : vector<16xi32>
    %swap3A_568 = arith.constant 336 : index
    %swap3A_569 = tpu.vector_load %arg11[%swap3A_568] {strides = array<i32>} : memref<512xi32, #tpu.memory_space<vmem>>, vector<16xi32>,
    tpu.vector_store %arg11[%swap3A_568], %and3A_567 {strides = array<i32>} : memref<512xi32, #tpu.memory_space<vmem>>, vector<16xi32>,
    %get3A_570 = arith.constant 352 : index
    %get3A_571 = tpu.vector_load %arg7[%get3A_570] {strides = array<i32>} : memref<512xi32, #tpu.memory_space<vmem>>, vector<16xi32>,
    %mul3A_572 = arith.constant 10 : i32
    %mul3A_573 = vector.broadcast %mul3A_572 : i32 to vector<16xi32>
    %mul3A_574 = arith.muli %get3A_571, %mul3A_573 : vector<16xi32>
    %shift_right_arithmetic3A_575 = arith.constant 7 : i32
    %shift_right_arithmetic3A_576 = vector.broadcast %shift_right_arithmetic3A_575 : i32 to vector<16xi32>
    %shift_right_arithmetic3A_577 = arith.shrsi %mul3A_574, %shift_right_arithmetic3A_576 : vector<16xi32>
    %swap3A_578 = arith.constant 352 : index
    %swap3A_579 = tpu.vector_load %arg9[%swap3A_578] {strides = array<i32>} : memref<512xi32, #tpu.memory_space<vmem>>, vector<16xi32>,
    tpu.vector_store %arg9[%swap3A_578], %shift_right_arithmetic3A_577 {strides = array<i32>} : memref<512xi32, #tpu.memory_space<vmem>>, vector<16xi32>,
    %shift_right_arithmetic3A_580 = arith.constant 7 : i32
    %shift_right_arithmetic3A_581 = vector.broadcast %shift_right_arithmetic3A_580 : i32 to vector<16xi32>
    %shift_right_arithmetic3A_582 = arith.shrsi %mul3A_574, %shift_right_arithmetic3A_581 : vector<16xi32>
    %add3A_583 = arith.constant 1 : i32
    %add3A_584 = vector.broadcast %add3A_583 : i32 to vector<16xi32>
    %add3A_585 = arith.addi %shift_right_arithmetic3A_582, %add3A_584 : vector<16xi32>
    %min3A_586 = arith.constant 78124 : i32
    %min3A_587 = vector.broadcast %min3A_586 : i32 to vector<16xi32>
    %min3A_588 = arith.minsi %add3A_585, %min3A_587 : vector<16xi32>
    %swap3A_589 = arith.constant 352 : index
    %swap3A_590 = tpu.vector_load %arg10[%swap3A_589] {strides = array<i32>} : memref<512xi32, #tpu.memory_space<vmem>>, vector<16xi32>,
    tpu.vector_store %arg10[%swap3A_589], %min3A_588 {strides = array<i32>} : memref<512xi32, #tpu.memory_space<vmem>>, vector<16xi32>,
    %and3A_591 = arith.constant 127 : i32
    %and3A_592 = vector.broadcast %and3A_591 : i32 to vector<16xi32>
    %and3A_593 = arith.andi %mul3A_574, %and3A_592 : vector<16xi32>
    %swap3A_594 = arith.constant 352 : index
    %swap3A_595 = tpu.vector_load %arg11[%swap3A_594] {strides = array<i32>} : memref<512xi32, #tpu.memory_space<vmem>>, vector<16xi32>,
    tpu.vector_store %arg11[%swap3A_594], %and3A_593 {strides = array<i32>} : memref<512xi32, #tpu.memory_space<vmem>>, vector<16xi32>,
    %get3A_596 = arith.constant 368 : index
    %get3A_597 = tpu.vector_load %arg7[%get3A_596] {strides = array<i32>} : memref<512xi32, #tpu.memory_space<vmem>>, vector<16xi32>,
    %mul3A_598 = arith.constant 10 : i32
    %mul3A_599 = vector.broadcast %mul3A_598 : i32 to vector<16xi32>
    %mul3A_600 = arith.muli %get3A_597, %mul3A_599 : vector<16xi32>
    %shift_right_arithmetic3A_601 = arith.constant 7 : i32
    %shift_right_arithmetic3A_602 = vector.broadcast %shift_right_arithmetic3A_601 : i32 to vector<16xi32>
    %shift_right_arithmetic3A_603 = arith.shrsi %mul3A_600, %shift_right_arithmetic3A_602 : vector<16xi32>
    %swap3A_604 = arith.constant 368 : index
    %swap3A_605 = tpu.vector_load %arg9[%swap3A_604] {strides = array<i32>} : memref<512xi32, #tpu.memory_space<vmem>>, vector<16xi32>,
    tpu.vector_store %arg9[%swap3A_604], %shift_right_arithmetic3A_603 {strides = array<i32>} : memref<512xi32, #tpu.memory_space<vmem>>, vector<16xi32>,
    %shift_right_arithmetic3A_606 = arith.constant 7 : i32
    %shift_right_arithmetic3A_607 = vector.broadcast %shift_right_arithmetic3A_606 : i32 to vector<16xi32>
    %shift_right_arithmetic3A_608 = arith.shrsi %mul3A_600, %shift_right_arithmetic3A_607 : vector<16xi32>
    %add3A_609 = arith.constant 1 : i32
    %add3A_610 = vector.broadcast %add3A_609 : i32 to vector<16xi32>
    %add3A_611 = arith.addi %shift_right_arithmetic3A_608, %add3A_610 : vector<16xi32>
    %min3A_612 = arith.constant 78124 : i32
    %min3A_613 = vector.broadcast %min3A_612 : i32 to vector<16xi32>
    %min3A_614 = arith.minsi %add3A_611, %min3A_613 : vector<16xi32>
    %swap3A_615 = arith.constant 368 : index
    %swap3A_616 = tpu.vector_load %arg10[%swap3A_615] {strides = array<i32>} : memref<512xi32, #tpu.memory_space<vmem>>, vector<16xi32>,
    tpu.vector_store %arg10[%swap3A_615], %min3A_614 {strides = array<i32>} : memref<512xi32, #tpu.memory_space<vmem>>, vector<16xi32>,
    %and3A_617 = arith.constant 127 : i32
    %and3A_618 = vector.broadcast %and3A_617 : i32 to vector<16xi32>
    %and3A_619 = arith.andi %mul3A_600, %and3A_618 : vector<16xi32>
    %swap3A_620 = arith.constant 368 : index
    %swap3A_621 = tpu.vector_load %arg11[%swap3A_620] {strides = array<i32>} : memref<512xi32, #tpu.memory_space<vmem>>, vector<16xi32>,
    tpu.vector_store %arg11[%swap3A_620], %and3A_619 {strides = array<i32>} : memref<512xi32, #tpu.memory_space<vmem>>, vector<16xi32>,
    %get3A_622 = arith.constant 384 : index
    %get3A_623 = tpu.vector_load %arg7[%get3A_622] {strides = array<i32>} : memref<512xi32, #tpu.memory_space<vmem>>, vector<16xi32>,
    %mul3A_624 = arith.constant 10 : i32
    %mul3A_625 = vector.broadcast %mul3A_624 : i32 to vector<16xi32>
    %mul3A_626 = arith.muli %get3A_623, %mul3A_625 : vector<16xi32>
    %shift_right_arithmetic3A_627 = arith.constant 7 : i32
    %shift_right_arithmetic3A_628 = vector.broadcast %shift_right_arithmetic3A_627 : i32 to vector<16xi32>
    %shift_right_arithmetic3A_629 = arith.shrsi %mul3A_626, %shift_right_arithmetic3A_628 : vector<16xi32>
    %swap3A_630 = arith.constant 384 : index
    %swap3A_631 = tpu.vector_load %arg9[%swap3A_630] {strides = array<i32>} : memref<512xi32, #tpu.memory_space<vmem>>, vector<16xi32>,
    tpu.vector_store %arg9[%swap3A_630], %shift_right_arithmetic3A_629 {strides = array<i32>} : memref<512xi32, #tpu.memory_space<vmem>>, vector<16xi32>,
    %shift_right_arithmetic3A_632 = arith.constant 7 : i32
    %shift_right_arithmetic3A_633 = vector.broadcast %shift_right_arithmetic3A_632 : i32 to vector<16xi32>
    %shift_right_arithmetic3A_634 = arith.shrsi %mul3A_626, %shift_right_arithmetic3A_633 : vector<16xi32>
    %add3A_635 = arith.constant 1 : i32
    %add3A_636 = vector.broadcast %add3A_635 : i32 to vector<16xi32>
    %add3A_637 = arith.addi %shift_right_arithmetic3A_634, %add3A_636 : vector<16xi32>
    %min3A_638 = arith.constant 78124 : i32
    %min3A_639 = vector.broadcast %min3A_638 : i32 to vector<16xi32>
    %min3A_640 = arith.minsi %add3A_637, %min3A_639 : vector<16xi32>
    %swap3A_641 = arith.constant 384 : index
    %swap3A_642 = tpu.vector_load %arg10[%swap3A_641] {strides = array<i32>} : memref<512xi32, #tpu.memory_space<vmem>>, vector<16xi32>,
    tpu.vector_store %arg10[%swap3A_641], %min3A_640 {strides = array<i32>} : memref<512xi32, #tpu.memory_space<vmem>>, vector<16xi32>,
    %and3A_643 = arith.constant 127 : i32
    %and3A_644 = vector.broadcast %and3A_643 : i32 to vector<16xi32>
    %and3A_645 = arith.andi %mul3A_626, %and3A_644 : vector<16xi32>
    %swap3A_646 = arith.constant 384 : index
    %swap3A_647 = tpu.vector_load %arg11[%swap3A_646] {strides = array<i32>} : memref<512xi32, #tpu.memory_space<vmem>>, vector<16xi32>,
    tpu.vector_store %arg11[%swap3A_646], %and3A_645 {strides = array<i32>} : memref<512xi32, #tpu.memory_space<vmem>>, vector<16xi32>,
    %get3A_648 = arith.constant 400 : index
    %get3A_649 = tpu.vector_load %arg7[%get3A_648] {strides = array<i32>} : memref<512xi32, #tpu.memory_space<vmem>>, vector<16xi32>,
    %mul3A_650 = arith.constant 10 : i32
    %mul3A_651 = vector.broadcast %mul3A_650 : i32 to vector<16xi32>
    %mul3A_652 = arith.muli %get3A_649, %mul3A_651 : vector<16xi32>
    %shift_right_arithmetic3A_653 = arith.constant 7 : i32
    %shift_right_arithmetic3A_654 = vector.broadcast %shift_right_arithmetic3A_653 : i32 to vector<16xi32>
    %shift_right_arithmetic3A_655 = arith.shrsi %mul3A_652, %shift_right_arithmetic3A_654 : vector<16xi32>
    %swap3A_656 = arith.constant 400 : index
    %swap3A_657 = tpu.vector_load %arg9[%swap3A_656] {strides = array<i32>} : memref<512xi32, #tpu.memory_space<vmem>>, vector<16xi32>,
    tpu.vector_store %arg9[%swap3A_656], %shift_right_arithmetic3A_655 {strides = array<i32>} : memref<512xi32, #tpu.memory_space<vmem>>, vector<16xi32>,
    %shift_right_arithmetic3A_658 = arith.constant 7 : i32
    %shift_right_arithmetic3A_659 = vector.broadcast %shift_right_arithmetic3A_658 : i32 to vector<16xi32>
    %shift_right_arithmetic3A_660 = arith.shrsi %mul3A_652, %shift_right_arithmetic3A_659 : vector<16xi32>
    %add3A_661 = arith.constant 1 : i32
    %add3A_662 = vector.broadcast %add3A_661 : i32 to vector<16xi32>
    %add3A_663 = arith.addi %shift_right_arithmetic3A_660, %add3A_662 : vector<16xi32>
    %min3A_664 = arith.constant 78124 : i32
    %min3A_665 = vector.broadcast %min3A_664 : i32 to vector<16xi32>
    %min3A_666 = arith.minsi %add3A_663, %min3A_665 : vector<16xi32>
    %swap3A_667 = arith.constant 400 : index
    %swap3A_668 = tpu.vector_load %arg10[%swap3A_667] {strides = array<i32>} : memref<512xi32, #tpu.memory_space<vmem>>, vector<16xi32>,
    tpu.vector_store %arg10[%swap3A_667], %min3A_666 {strides = array<i32>} : memref<512xi32, #tpu.memory_space<vmem>>, vector<16xi32>,
    %and3A_669 = arith.constant 127 : i32
    %and3A_670 = vector.broadcast %and3A_669 : i32 to vector<16xi32>
    %and3A_671 = arith.andi %mul3A_652, %and3A_670 : vector<16xi32>
    %swap3A_672 = arith.constant 400 : index
    %swap3A_673 = tpu.vector_load %arg11[%swap3A_672] {strides = array<i32>} : memref<512xi32, #tpu.memory_space<vmem>>, vector<16xi32>,
    tpu.vector_store %arg11[%swap3A_672], %and3A_671 {strides = array<i32>} : memref<512xi32, #tpu.memory_space<vmem>>, vector<16xi32>,
    %get3A_674 = arith.constant 416 : index
    %get3A_675 = tpu.vector_load %arg7[%get3A_674] {strides = array<i32>} : memref<512xi32, #tpu.memory_space<vmem>>, vector<16xi32>,
    %mul3A_676 = arith.constant 10 : i32
    %mul3A_677 = vector.broadcast %mul3A_676 : i32 to vector<16xi32>
    %mul3A_678 = arith.muli %get3A_675, %mul3A_677 : vector<16xi32>
    %shift_right_arithmetic3A_679 = arith.constant 7 : i32
    %shift_right_arithmetic3A_680 = vector.broadcast %shift_right_arithmetic3A_679 : i32 to vector<16xi32>
    %shift_right_arithmetic3A_681 = arith.shrsi %mul3A_678, %shift_right_arithmetic3A_680 : vector<16xi32>
    %swap3A_682 = arith.constant 416 : index
    %swap3A_683 = tpu.vector_load %arg9[%swap3A_682] {strides = array<i32>} : memref<512xi32, #tpu.memory_space<vmem>>, vector<16xi32>,
    tpu.vector_store %arg9[%swap3A_682], %shift_right_arithmetic3A_681 {strides = array<i32>} : memref<512xi32, #tpu.memory_space<vmem>>, vector<16xi32>,
    %shift_right_arithmetic3A_684 = arith.constant 7 : i32
    %shift_right_arithmetic3A_685 = vector.broadcast %shift_right_arithmetic3A_684 : i32 to vector<16xi32>
    %shift_right_arithmetic3A_686 = arith.shrsi %mul3A_678, %shift_right_arithmetic3A_685 : vector<16xi32>
    %add3A_687 = arith.constant 1 : i32
    %add3A_688 = vector.broadcast %add3A_687 : i32 to vector<16xi32>
    %add3A_689 = arith.addi %shift_right_arithmetic3A_686, %add3A_688 : vector<16xi32>
    %min3A_690 = arith.constant 78124 : i32
    %min3A_691 = vector.broadcast %min3A_690 : i32 to vector<16xi32>
    %min3A_692 = arith.minsi %add3A_689, %min3A_691 : vector<16xi32>
    %swap3A_693 = arith.constant 416 : index
    %swap3A_694 = tpu.vector_load %arg10[%swap3A_693] {strides = array<i32>} : memref<512xi32, #tpu.memory_space<vmem>>, vector<16xi32>,
    tpu.vector_store %arg10[%swap3A_693], %min3A_692 {strides = array<i32>} : memref<512xi32, #tpu.memory_space<vmem>>, vector<16xi32>,
    %and3A_695 = arith.constant 127 : i32
    %and3A_696 = vector.broadcast %and3A_695 : i32 to vector<16xi32>
    %and3A_697 = arith.andi %mul3A_678, %and3A_696 : vector<16xi32>
    %swap3A_698 = arith.constant 416 : index
    %swap3A_699 = tpu.vector_load %arg11[%swap3A_698] {strides = array<i32>} : memref<512xi32, #tpu.memory_space<vmem>>, vector<16xi32>,
    tpu.vector_store %arg11[%swap3A_698], %and3A_697 {strides = array<i32>} : memref<512xi32, #tpu.memory_space<vmem>>, vector<16xi32>,
    %get3A_700 = arith.constant 432 : index
    %get3A_701 = tpu.vector_load %arg7[%get3A_700] {strides = array<i32>} : memref<512xi32, #tpu.memory_space<vmem>>, vector<16xi32>,
    %mul3A_702 = arith.constant 10 : i32
    %mul3A_703 = vector.broadcast %mul3A_702 : i32 to vector<16xi32>
    %mul3A_704 = arith.muli %get3A_701, %mul3A_703 : vector<16xi32>
    %shift_right_arithmetic3A_705 = arith.constant 7 : i32
    %shift_right_arithmetic3A_706 = vector.broadcast %shift_right_arithmetic3A_705 : i32 to vector<16xi32>
    %shift_right_arithmetic3A_707 = arith.shrsi %mul3A_704, %shift_right_arithmetic3A_706 : vector<16xi32>
    %swap3A_708 = arith.constant 432 : index
    %swap3A_709 = tpu.vector_load %arg9[%swap3A_708] {strides = array<i32>} : memref<512xi32, #tpu.memory_space<vmem>>, vector<16xi32>,
    tpu.vector_store %arg9[%swap3A_708], %shift_right_arithmetic3A_707 {strides = array<i32>} : memref<512xi32, #tpu.memory_space<vmem>>, vector<16xi32>,
    %shift_right_arithmetic3A_710 = arith.constant 7 : i32
    %shift_right_arithmetic3A_711 = vector.broadcast %shift_right_arithmetic3A_710 : i32 to vector<16xi32>
    %shift_right_arithmetic3A_712 = arith.shrsi %mul3A_704, %shift_right_arithmetic3A_711 : vector<16xi32>
    %add3A_713 = arith.constant 1 : i32
    %add3A_714 = vector.broadcast %add3A_713 : i32 to vector<16xi32>
    %add3A_715 = arith.addi %shift_right_arithmetic3A_712, %add3A_714 : vector<16xi32>
    %min3A_716 = arith.constant 78124 : i32
    %min3A_717 = vector.broadcast %min3A_716 : i32 to vector<16xi32>
    %min3A_718 = arith.minsi %add3A_715, %min3A_717 : vector<16xi32>
    %swap3A_719 = arith.constant 432 : index
    %swap3A_720 = tpu.vector_load %arg10[%swap3A_719] {strides = array<i32>} : memref<512xi32, #tpu.memory_space<vmem>>, vector<16xi32>,
    tpu.vector_store %arg10[%swap3A_719], %min3A_718 {strides = array<i32>} : memref<512xi32, #tpu.memory_space<vmem>>, vector<16xi32>,
    %and3A_721 = arith.constant 127 : i32
    %and3A_722 = vector.broadcast %and3A_721 : i32 to vector<16xi32>
    %and3A_723 = arith.andi %mul3A_704, %and3A_722 : vector<16xi32>
    %swap3A_724 = arith.constant 432 : index
    %swap3A_725 = tpu.vector_load %arg11[%swap3A_724] {strides = array<i32>} : memref<512xi32, #tpu.memory_space<vmem>>, vector<16xi32>,
    tpu.vector_store %arg11[%swap3A_724], %and3A_723 {strides = array<i32>} : memref<512xi32, #tpu.memory_space<vmem>>, vector<16xi32>,
    %get3A_726 = arith.constant 448 : index
    %get3A_727 = tpu.vector_load %arg7[%get3A_726] {strides = array<i32>} : memref<512xi32, #tpu.memory_space<vmem>>, vector<16xi32>,
    %mul3A_728 = arith.constant 10 : i32
    %mul3A_729 = vector.broadcast %mul3A_728 : i32 to vector<16xi32>
    %mul3A_730 = arith.muli %get3A_727, %mul3A_729 : vector<16xi32>
    %shift_right_arithmetic3A_731 = arith.constant 7 : i32
    %shift_right_arithmetic3A_732 = vector.broadcast %shift_right_arithmetic3A_731 : i32 to vector<16xi32>
    %shift_right_arithmetic3A_733 = arith.shrsi %mul3A_730, %shift_right_arithmetic3A_732 : vector<16xi32>
    %swap3A_734 = arith.constant 448 : index
    %swap3A_735 = tpu.vector_load %arg9[%swap3A_734] {strides = array<i32>} : memref<512xi32, #tpu.memory_space<vmem>>, vector<16xi32>,
    tpu.vector_store %arg9[%swap3A_734], %shift_right_arithmetic3A_733 {strides = array<i32>} : memref<512xi32, #tpu.memory_space<vmem>>, vector<16xi32>,
    %shift_right_arithmetic3A_736 = arith.constant 7 : i32
    %shift_right_arithmetic3A_737 = vector.broadcast %shift_right_arithmetic3A_736 : i32 to vector<16xi32>
    %shift_right_arithmetic3A_738 = arith.shrsi %mul3A_730, %shift_right_arithmetic3A_737 : vector<16xi32>
    %add3A_739 = arith.constant 1 : i32
    %add3A_740 = vector.broadcast %add3A_739 : i32 to vector<16xi32>
    %add3A_741 = arith.addi %shift_right_arithmetic3A_738, %add3A_740 : vector<16xi32>
    %min3A_742 = arith.constant 78124 : i32
    %min3A_743 = vector.broadcast %min3A_742 : i32 to vector<16xi32>
    %min3A_744 = arith.minsi %add3A_741, %min3A_743 : vector<16xi32>
    %swap3A_745 = arith.constant 448 : index
    %swap3A_746 = tpu.vector_load %arg10[%swap3A_745] {strides = array<i32>} : memref<512xi32, #tpu.memory_space<vmem>>, vector<16xi32>,
    tpu.vector_store %arg10[%swap3A_745], %min3A_744 {strides = array<i32>} : memref<512xi32, #tpu.memory_space<vmem>>, vector<16xi32>,
    %and3A_747 = arith.constant 127 : i32
    %and3A_748 = vector.broadcast %and3A_747 : i32 to vector<16xi32>
    %and3A_749 = arith.andi %mul3A_730, %and3A_748 : vector<16xi32>
    %swap3A_750 = arith.constant 448 : index
    %swap3A_751 = tpu.vector_load %arg11[%swap3A_750] {strides = array<i32>} : memref<512xi32, #tpu.memory_space<vmem>>, vector<16xi32>,
    tpu.vector_store %arg11[%swap3A_750], %and3A_749 {strides = array<i32>} : memref<512xi32, #tpu.memory_space<vmem>>, vector<16xi32>,
    %get3A_752 = arith.constant 464 : index
    %get3A_753 = tpu.vector_load %arg7[%get3A_752] {strides = array<i32>} : memref<512xi32, #tpu.memory_space<vmem>>, vector<16xi32>,
    %mul3A_754 = arith.constant 10 : i32
    %mul3A_755 = vector.broadcast %mul3A_754 : i32 to vector<16xi32>
    %mul3A_756 = arith.muli %get3A_753, %mul3A_755 : vector<16xi32>
    %shift_right_arithmetic3A_757 = arith.constant 7 : i32
    %shift_right_arithmetic3A_758 = vector.broadcast %shift_right_arithmetic3A_757 : i32 to vector<16xi32>
    %shift_right_arithmetic3A_759 = arith.shrsi %mul3A_756, %shift_right_arithmetic3A_758 : vector<16xi32>
    %swap3A_760 = arith.constant 464 : index
    %swap3A_761 = tpu.vector_load %arg9[%swap3A_760] {strides = array<i32>} : memref<512xi32, #tpu.memory_space<vmem>>, vector<16xi32>,
    tpu.vector_store %arg9[%swap3A_760], %shift_right_arithmetic3A_759 {strides = array<i32>} : memref<512xi32, #tpu.memory_space<vmem>>, vector<16xi32>,
    %shift_right_arithmetic3A_762 = arith.constant 7 : i32
    %shift_right_arithmetic3A_763 = vector.broadcast %shift_right_arithmetic3A_762 : i32 to vector<16xi32>
    %shift_right_arithmetic3A_764 = arith.shrsi %mul3A_756, %shift_right_arithmetic3A_763 : vector<16xi32>
    %add3A_765 = arith.constant 1 : i32
    %add3A_766 = vector.broadcast %add3A_765 : i32 to vector<16xi32>
    %add3A_767 = arith.addi %shift_right_arithmetic3A_764, %add3A_766 : vector<16xi32>
    %min3A_768 = arith.constant 78124 : i32
    %min3A_769 = vector.broadcast %min3A_768 : i32 to vector<16xi32>
    %min3A_770 = arith.minsi %add3A_767, %min3A_769 : vector<16xi32>
    %swap3A_771 = arith.constant 464 : index
    %swap3A_772 = tpu.vector_load %arg10[%swap3A_771] {strides = array<i32>} : memref<512xi32, #tpu.memory_space<vmem>>, vector<16xi32>,
    tpu.vector_store %arg10[%swap3A_771], %min3A_770 {strides = array<i32>} : memref<512xi32, #tpu.memory_space<vmem>>, vector<16xi32>,
    %and3A_773 = arith.constant 127 : i32
    %and3A_774 = vector.broadcast %and3A_773 : i32 to vector<16xi32>
    %and3A_775 = arith.andi %mul3A_756, %and3A_774 : vector<16xi32>
    %swap3A_776 = arith.constant 464 : index
    %swap3A_777 = tpu.vector_load %arg11[%swap3A_776] {strides = array<i32>} : memref<512xi32, #tpu.memory_space<vmem>>, vector<16xi32>,
    tpu.vector_store %arg11[%swap3A_776], %and3A_775 {strides = array<i32>} : memref<512xi32, #tpu.memory_space<vmem>>, vector<16xi32>,
    %get3A_778 = arith.constant 480 : index
    %get3A_779 = tpu.vector_load %arg7[%get3A_778] {strides = array<i32>} : memref<512xi32, #tpu.memory_space<vmem>>, vector<16xi32>,
    %mul3A_780 = arith.constant 10 : i32
    %mul3A_781 = vector.broadcast %mul3A_780 : i32 to vector<16xi32>
    %mul3A_782 = arith.muli %get3A_779, %mul3A_781 : vector<16xi32>
    %shift_right_arithmetic3A_783 = arith.constant 7 : i32
    %shift_right_arithmetic3A_784 = vector.broadcast %shift_right_arithmetic3A_783 : i32 to vector<16xi32>
    %shift_right_arithmetic3A_785 = arith.shrsi %mul3A_782, %shift_right_arithmetic3A_784 : vector<16xi32>
    %swap3A_786 = arith.constant 480 : index
    %swap3A_787 = tpu.vector_load %arg9[%swap3A_786] {strides = array<i32>} : memref<512xi32, #tpu.memory_space<vmem>>, vector<16xi32>,
    tpu.vector_store %arg9[%swap3A_786], %shift_right_arithmetic3A_785 {strides = array<i32>} : memref<512xi32, #tpu.memory_space<vmem>>, vector<16xi32>,
    %shift_right_arithmetic3A_788 = arith.constant 7 : i32
    %shift_right_arithmetic3A_789 = vector.broadcast %shift_right_arithmetic3A_788 : i32 to vector<16xi32>
    %shift_right_arithmetic3A_790 = arith.shrsi %mul3A_782, %shift_right_arithmetic3A_789 : vector<16xi32>
    %add3A_791 = arith.constant 1 : i32
    %add3A_792 = vector.broadcast %add3A_791 : i32 to vector<16xi32>
    %add3A_793 = arith.addi %shift_right_arithmetic3A_790, %add3A_792 : vector<16xi32>
    %min3A_794 = arith.constant 78124 : i32
    %min3A_795 = vector.broadcast %min3A_794 : i32 to vector<16xi32>
    %min3A_796 = arith.minsi %add3A_793, %min3A_795 : vector<16xi32>
    %swap3A_797 = arith.constant 480 : index
    %swap3A_798 = tpu.vector_load %arg10[%swap3A_797] {strides = array<i32>} : memref<512xi32, #tpu.memory_space<vmem>>, vector<16xi32>,
    tpu.vector_store %arg10[%swap3A_797], %min3A_796 {strides = array<i32>} : memref<512xi32, #tpu.memory_space<vmem>>, vector<16xi32>,
    %and3A_799 = arith.constant 127 : i32
    %and3A_800 = vector.broadcast %and3A_799 : i32 to vector<16xi32>
    %and3A_801 = arith.andi %mul3A_782, %and3A_800 : vector<16xi32>
    %swap3A_802 = arith.constant 480 : index
    %swap3A_803 = tpu.vector_load %arg11[%swap3A_802] {strides = array<i32>} : memref<512xi32, #tpu.memory_space<vmem>>, vector<16xi32>,
    tpu.vector_store %arg11[%swap3A_802], %and3A_801 {strides = array<i32>} : memref<512xi32, #tpu.memory_space<vmem>>, vector<16xi32>,
    %get3A_804 = arith.constant 496 : index
    %get3A_805 = tpu.vector_load %arg7[%get3A_804] {strides = array<i32>} : memref<512xi32, #tpu.memory_space<vmem>>, vector<16xi32>,
    %mul3A_806 = arith.constant 10 : i32
    %mul3A_807 = vector.broadcast %mul3A_806 : i32 to vector<16xi32>
    %mul3A_808 = arith.muli %get3A_805, %mul3A_807 : vector<16xi32>
    %shift_right_arithmetic3A_809 = arith.constant 7 : i32
    %shift_right_arithmetic3A_810 = vector.broadcast %shift_right_arithmetic3A_809 : i32 to vector<16xi32>
    %shift_right_arithmetic3A_811 = arith.shrsi %mul3A_808, %shift_right_arithmetic3A_810 : vector<16xi32>
    %swap3A_812 = arith.constant 496 : index
    %swap3A_813 = tpu.vector_load %arg9[%swap3A_812] {strides = array<i32>} : memref<512xi32, #tpu.memory_space<vmem>>, vector<16xi32>,
    tpu.vector_store %arg9[%swap3A_812], %shift_right_arithmetic3A_811 {strides = array<i32>} : memref<512xi32, #tpu.memory_space<vmem>>, vector<16xi32>,
    %shift_right_arithmetic3A_814 = arith.constant 7 : i32
    %shift_right_arithmetic3A_815 = vector.broadcast %shift_right_arithmetic3A_814 : i32 to vector<16xi32>
    %shift_right_arithmetic3A_816 = arith.shrsi %mul3A_808, %shift_right_arithmetic3A_815 : vector<16xi32>
    %add3A_817 = arith.constant 1 : i32
    %add3A_818 = vector.broadcast %add3A_817 : i32 to vector<16xi32>
    %add3A_819 = arith.addi %shift_right_arithmetic3A_816, %add3A_818 : vector<16xi32>
    %min3A_820 = arith.constant 78124 : i32
    %min3A_821 = vector.broadcast %min3A_820 : i32 to vector<16xi32>
    %min3A_822 = arith.minsi %add3A_819, %min3A_821 : vector<16xi32>
    %swap3A_823 = arith.constant 496 : index
    %swap3A_824 = tpu.vector_load %arg10[%swap3A_823] {strides = array<i32>} : memref<512xi32, #tpu.memory_space<vmem>>, vector<16xi32>,
    tpu.vector_store %arg10[%swap3A_823], %min3A_822 {strides = array<i32>} : memref<512xi32, #tpu.memory_space<vmem>>, vector<16xi32>,
    %and3A_825 = arith.constant 127 : i32
    %and3A_826 = vector.broadcast %and3A_825 : i32 to vector<16xi32>
    %and3A_827 = arith.andi %mul3A_808, %and3A_826 : vector<16xi32>
    %swap3A_828 = arith.constant 496 : index
    %swap3A_829 = tpu.vector_load %arg11[%swap3A_828] {strides = array<i32>} : memref<512xi32, #tpu.memory_space<vmem>>, vector<16xi32>,
    tpu.vector_store %arg11[%swap3A_828], %and3A_827 {strides = array<i32>} : memref<512xi32, #tpu.memory_space<vmem>>, vector<16xi32>,
    %dma_start3A = arith.constant 0 : i32
    %dma_start3A_830 = arith.constant 0 : i32
    %dma_start3A_831 = tpu.memref_slice %arg12[%dma_start3A, %dma_start3A_830] : memref<256x128xf32, #tpu.memory_space<vmem>> -> memref<128x128xf32, #tpu.memory_space<vmem>>
    %dma_start3A_832 = arith.constant 0 : i32
    %dma_start3A_833 = tpu.memref_slice %arg9[%dma_start3A_832] : memref<512xi32, #tpu.memory_space<vmem>> -> memref<128xi32, #tpu.memory_space<vmem>>
    %dma_start3A_834 = arith.constant 0 : i32
    %dma_start3A_835 = arith.constant 0 : i32
    %dma_start3A_836 = tpu.memref_slice %arg4[%dma_start3A_834, %dma_start3A_835] : memref<78125x128xf32, #tpu.memory_space<hbm>> -> memref<78125x128xf32, #tpu.memory_space<hbm>>
    tpu.enqueue_indirect_dma source(%dma_start3A_836 : memref<78125x128xf32, #tpu.memory_space<hbm>>) target(%dma_start3A_831 : memref<128x128xf32, #tpu.memory_space<vmem>>) offsets(%dma_start3A_833 : memref<128xi32, #tpu.memory_space<vmem>>) semaphore(%arg15 : memref<!tpu.dma_semaphore, #tpu.memory_space<semaphore_mem>>)
    %dma_start3A_837 = arith.constant 128 : i32
    %dma_start3A_838 = arith.constant 0 : i32
    %dma_start3A_839 = tpu.memref_slice %arg12[%dma_start3A_837, %dma_start3A_838] : memref<256x128xf32, #tpu.memory_space<vmem>> -> memref<128x128xf32, #tpu.memory_space<vmem>>
    %dma_start3A_840 = arith.constant 0 : i32
    %dma_start3A_841 = tpu.memref_slice %arg10[%dma_start3A_840] : memref<512xi32, #tpu.memory_space<vmem>> -> memref<128xi32, #tpu.memory_space<vmem>>
    %dma_start3A_842 = arith.constant 0 : i32
    %dma_start3A_843 = arith.constant 0 : i32
    %dma_start3A_844 = tpu.memref_slice %arg4[%dma_start3A_842, %dma_start3A_843] : memref<78125x128xf32, #tpu.memory_space<hbm>> -> memref<78125x128xf32, #tpu.memory_space<hbm>>
    tpu.enqueue_indirect_dma source(%dma_start3A_844 : memref<78125x128xf32, #tpu.memory_space<hbm>>) target(%dma_start3A_839 : memref<128x128xf32, #tpu.memory_space<vmem>>) offsets(%dma_start3A_841 : memref<128xi32, #tpu.memory_space<vmem>>) semaphore(%arg15 : memref<!tpu.dma_semaphore, #tpu.memory_space<semaphore_mem>>)
    %dma_start3A_845 = arith.constant 0 : i32
    %dma_start3A_846 = arith.constant 0 : i32
    %dma_start3A_847 = tpu.memref_slice %arg13[%dma_start3A_845, %dma_start3A_846] : memref<256x128xf32, #tpu.memory_space<vmem>> -> memref<128x128xf32, #tpu.memory_space<vmem>>
    %dma_start3A_848 = arith.constant 128 : i32
    %dma_start3A_849 = tpu.memref_slice %arg9[%dma_start3A_848] : memref<512xi32, #tpu.memory_space<vmem>> -> memref<128xi32, #tpu.memory_space<vmem>>
    %dma_start3A_850 = arith.constant 0 : i32
    %dma_start3A_851 = arith.constant 0 : i32
    %dma_start3A_852 = tpu.memref_slice %arg4[%dma_start3A_850, %dma_start3A_851] : memref<78125x128xf32, #tpu.memory_space<hbm>> -> memref<78125x128xf32, #tpu.memory_space<hbm>>
    tpu.enqueue_indirect_dma source(%dma_start3A_852 : memref<78125x128xf32, #tpu.memory_space<hbm>>) target(%dma_start3A_847 : memref<128x128xf32, #tpu.memory_space<vmem>>) offsets(%dma_start3A_849 : memref<128xi32, #tpu.memory_space<vmem>>) semaphore(%arg15 : memref<!tpu.dma_semaphore, #tpu.memory_space<semaphore_mem>>)
    %dma_start3A_853 = arith.constant 128 : i32
    %dma_start3A_854 = arith.constant 0 : i32
    %dma_start3A_855 = tpu.memref_slice %arg13[%dma_start3A_853, %dma_start3A_854] : memref<256x128xf32, #tpu.memory_space<vmem>> -> memref<128x128xf32, #tpu.memory_space<vmem>>
    %dma_start3A_856 = arith.constant 128 : i32
    %dma_start3A_857 = tpu.memref_slice %arg10[%dma_start3A_856] : memref<512xi32, #tpu.memory_space<vmem>> -> memref<128xi32, #tpu.memory_space<vmem>>
    %dma_start3A_858 = arith.constant 0 : i32
    %dma_start3A_859 = arith.constant 0 : i32
    %dma_start3A_860 = tpu.memref_slice %arg4[%dma_start3A_858, %dma_start3A_859] : memref<78125x128xf32, #tpu.memory_space<hbm>> -> memref<78125x128xf32, #tpu.memory_space<hbm>>
    tpu.enqueue_indirect_dma source(%dma_start3A_860 : memref<78125x128xf32, #tpu.memory_space<hbm>>) target(%dma_start3A_855 : memref<128x128xf32, #tpu.memory_space<vmem>>) offsets(%dma_start3A_857 : memref<128xi32, #tpu.memory_space<vmem>>) semaphore(%arg15 : memref<!tpu.dma_semaphore, #tpu.memory_space<semaphore_mem>>)
    %dma_wait3A = arith.constant 0 : i32
    %dma_wait3A_861 = arith.constant 0 : i32
    %dma_wait3A_862 = tpu.memref_slice %arg12[%dma_wait3A, %dma_wait3A_861] : memref<256x128xf32, #tpu.memory_space<vmem>> -> memref<128x128xf32, #tpu.memory_space<vmem>>
    %dma_wait3A_863 = arith.constant 0 : i32
    %dma_wait3A_864 = tpu.memref_slice %arg9[%dma_wait3A_863] : memref<512xi32, #tpu.memory_space<vmem>> -> memref<128xi32, #tpu.memory_space<vmem>>
    %dma_wait3A_865 = arith.constant 0 : i32
    %dma_wait3A_866 = arith.constant 0 : i32
    %dma_wait3A_867 = tpu.memref_slice %arg4[%dma_wait3A_865, %dma_wait3A_866] : memref<78125x128xf32, #tpu.memory_space<hbm>> -> memref<78125x128xf32, #tpu.memory_space<hbm>>
    tpu.wait_indirect_dma semaphore(%arg15 : memref<!tpu.dma_semaphore, #tpu.memory_space<semaphore_mem>>) src(%dma_wait3A_867 : memref<78125x128xf32, #tpu.memory_space<hbm>>) dst(%dma_wait3A_862 : memref<128x128xf32, #tpu.memory_space<vmem>>)
    %dma_wait3A_868 = arith.constant 128 : i32
    %dma_wait3A_869 = arith.constant 0 : i32
    %dma_wait3A_870 = tpu.memref_slice %arg12[%dma_wait3A_868, %dma_wait3A_869] : memref<256x128xf32, #tpu.memory_space<vmem>> -> memref<128x128xf32, #tpu.memory_space<vmem>>
    %dma_wait3A_871 = arith.constant 0 : i32
    %dma_wait3A_872 = tpu.memref_slice %arg10[%dma_wait3A_871] : memref<512xi32, #tpu.memory_space<vmem>> -> memref<128xi32, #tpu.memory_space<vmem>>
    %dma_wait3A_873 = arith.constant 0 : i32
    %dma_wait3A_874 = arith.constant 0 : i32
    %dma_wait3A_875 = tpu.memref_slice %arg4[%dma_wait3A_873, %dma_wait3A_874] : memref<78125x128xf32, #tpu.memory_space<hbm>> -> memref<78125x128xf32, #tpu.memory_space<hbm>>
    tpu.wait_indirect_dma semaphore(%arg15 : memref<!tpu.dma_semaphore, #tpu.memory_space<semaphore_mem>>) src(%dma_wait3A_875 : memref<78125x128xf32, #tpu.memory_space<hbm>>) dst(%dma_wait3A_870 : memref<128x128xf32, #tpu.memory_space<vmem>>)
    %scan3A = arith.constant 0 : i32
    %scan3A_876 = arith.constant 0 : i32
    %scan3A_877 = arith.constant 128 : i32
    %scan3A_878 = arith.addi %scan3A_876, %scan3A_877 : i32
    %scan3A_879 = arith.constant 4 : i32
    %scan3A_880 = scf.for %scan3A_1975 = %scan3A_876 to %scan3A_878 step %scan3A_879 iter_args(%scan3A_1976 = %scan3A) -> (i32)  : i32 {
      %add3A_1977 = arith.constant 0 : i32
      %add3A_1978 = arith.addi %add3A_1977, %scan3A_1975 : i32
      %broadcast_in_dim3A = vector.broadcast %add3A_1978 : i32 to vector<16xi32>
      %gather3A = tpu.vector_load_idx %arg11[%broadcast_in_dim3A] : memref<512xi32, #tpu.memory_space<vmem>>[vector<16xi32>], vector<16xi32>,
      %iota3A = tpu.iota {dimensions = array<i32: 0>} : vector<16xi32>
      %add3A_1979 = arith.addi %gather3A, %iota3A : vector<16xi32>
      %broadcast_in_dim3A_1980 = vector.broadcast %scan3A_1975 : i32 to vector<16xi32>
      %lt3A = arith.constant 128 : i32
      %lt3A_1981 = vector.broadcast %lt3A : i32 to vector<16xi32>
      %lt3A_1982 = arith.cmpi slt, %add3A_1979, %lt3A_1981 : vector<16xi32>
      %add3A_1983 = arith.constant 128 : i32
      %add3A_1984 = vector.broadcast %add3A_1983 : i32 to vector<16xi32>
      %add3A_1985 = arith.addi %broadcast_in_dim3A_1980, %add3A_1984 : vector<16xi32>
      %select_n3A = arith.select %lt3A_1982, %broadcast_in_dim3A_1980, %add3A_1985 : vector<16xi1>, vector<16xi32>
      %and3A_1986 = arith.constant 127 : i32
      %and3A_1987 = vector.broadcast %and3A_1986 : i32 to vector<16xi32>
      %and3A_1988 = arith.andi %add3A_1979, %and3A_1987 : vector<16xi32>
      %gather3A_1989 = tpu.vector_load_idx %arg12[%select_n3A, %and3A_1988] : memref<256x128xf32, #tpu.memory_space<vmem>>[vector<16xi32>, vector<16xi32>], vector<16xf32>,
      %mul3A_1990 = arith.constant 16 : i32
      %mul3A_1991 = arith.muli %add3A_1978, %mul3A_1990 : i32
      %swap3A_1992 = arith.index_cast %mul3A_1991 : i32 to index
      %swap3A_1993 = tpu.vector_load %arg14[%swap3A_1992] {strides = array<i32>} : memref<8192xf32, #tpu.memory_space<vmem>>, vector<16xf32>,
      tpu.vector_store %arg14[%swap3A_1992], %gather3A_1989 {strides = array<i32>} : memref<8192xf32, #tpu.memory_space<vmem>>, vector<16xf32>,
      %scan3A_1994 = arith.constant 0 : i32
      %scan3A_1995 = arith.constant 1 : i32
      %scan3A_1996 = arith.addi %scan3A_1975, %scan3A_1995 : i32
      %add3A_1997 = arith.constant 0 : i32
      %add3A_1998 = arith.addi %add3A_1997, %scan3A_1996 : i32
      %broadcast_in_dim3A_1999 = vector.broadcast %add3A_1998 : i32 to vector<16xi32>
      %gather3A_2000 = tpu.vector_load_idx %arg11[%broadcast_in_dim3A_1999] : memref<512xi32, #tpu.memory_space<vmem>>[vector<16xi32>], vector<16xi32>,
      %iota3A_2001 = tpu.iota {dimensions = array<i32: 0>} : vector<16xi32>
      %add3A_2002 = arith.addi %gather3A_2000, %iota3A_2001 : vector<16xi32>
      %broadcast_in_dim3A_2003 = vector.broadcast %scan3A_1996 : i32 to vector<16xi32>
      %lt3A_2004 = arith.constant 128 : i32
      %lt3A_2005 = vector.broadcast %lt3A_2004 : i32 to vector<16xi32>
      %lt3A_2006 = arith.cmpi slt, %add3A_2002, %lt3A_2005 : vector<16xi32>
      %add3A_2007 = arith.constant 128 : i32
      %add3A_2008 = vector.broadcast %add3A_2007 : i32 to vector<16xi32>
      %add3A_2009 = arith.addi %broadcast_in_dim3A_2003, %add3A_2008 : vector<16xi32>
      %select_n3A_2010 = arith.select %lt3A_2006, %broadcast_in_dim3A_2003, %add3A_2009 : vector<16xi1>, vector<16xi32>
      %and3A_2011 = arith.constant 127 : i32
      %and3A_2012 = vector.broadcast %and3A_2011 : i32 to vector<16xi32>
      %and3A_2013 = arith.andi %add3A_2002, %and3A_2012 : vector<16xi32>
      %gather3A_2014 = tpu.vector_load_idx %arg12[%select_n3A_2010, %and3A_2013] : memref<256x128xf32, #tpu.memory_space<vmem>>[vector<16xi32>, vector<16xi32>], vector<16xf32>,
      %mul3A_2015 = arith.constant 16 : i32
      %mul3A_2016 = arith.muli %add3A_1998, %mul3A_2015 : i32
      %swap3A_2017 = arith.index_cast %mul3A_2016 : i32 to index
      %swap3A_2018 = tpu.vector_load %arg14[%swap3A_2017] {strides = array<i32>} : memref<8192xf32, #tpu.memory_space<vmem>>, vector<16xf32>,
      tpu.vector_store %arg14[%swap3A_2017], %gather3A_2014 {strides = array<i32>} : memref<8192xf32, #tpu.memory_space<vmem>>, vector<16xf32>,
      %scan3A_2019 = arith.constant 0 : i32
      %scan3A_2020 = arith.constant 2 : i32
      %scan3A_2021 = arith.addi %scan3A_1975, %scan3A_2020 : i32
      %add3A_2022 = arith.constant 0 : i32
      %add3A_2023 = arith.addi %add3A_2022, %scan3A_2021 : i32
      %broadcast_in_dim3A_2024 = vector.broadcast %add3A_2023 : i32 to vector<16xi32>
      %gather3A_2025 = tpu.vector_load_idx %arg11[%broadcast_in_dim3A_2024] : memref<512xi32, #tpu.memory_space<vmem>>[vector<16xi32>], vector<16xi32>,
      %iota3A_2026 = tpu.iota {dimensions = array<i32: 0>} : vector<16xi32>
      %add3A_2027 = arith.addi %gather3A_2025, %iota3A_2026 : vector<16xi32>
      %broadcast_in_dim3A_2028 = vector.broadcast %scan3A_2021 : i32 to vector<16xi32>
      %lt3A_2029 = arith.constant 128 : i32
      %lt3A_2030 = vector.broadcast %lt3A_2029 : i32 to vector<16xi32>
      %lt3A_2031 = arith.cmpi slt, %add3A_2027, %lt3A_2030 : vector<16xi32>
      %add3A_2032 = arith.constant 128 : i32
      %add3A_2033 = vector.broadcast %add3A_2032 : i32 to vector<16xi32>
      %add3A_2034 = arith.addi %broadcast_in_dim3A_2028, %add3A_2033 : vector<16xi32>
      %select_n3A_2035 = arith.select %lt3A_2031, %broadcast_in_dim3A_2028, %add3A_2034 : vector<16xi1>, vector<16xi32>
      %and3A_2036 = arith.constant 127 : i32
      %and3A_2037 = vector.broadcast %and3A_2036 : i32 to vector<16xi32>
      %and3A_2038 = arith.andi %add3A_2027, %and3A_2037 : vector<16xi32>
      %gather3A_2039 = tpu.vector_load_idx %arg12[%select_n3A_2035, %and3A_2038] : memref<256x128xf32, #tpu.memory_space<vmem>>[vector<16xi32>, vector<16xi32>], vector<16xf32>,
      %mul3A_2040 = arith.constant 16 : i32
      %mul3A_2041 = arith.muli %add3A_2023, %mul3A_2040 : i32
      %swap3A_2042 = arith.index_cast %mul3A_2041 : i32 to index
      %swap3A_2043 = tpu.vector_load %arg14[%swap3A_2042] {strides = array<i32>} : memref<8192xf32, #tpu.memory_space<vmem>>, vector<16xf32>,
      tpu.vector_store %arg14[%swap3A_2042], %gather3A_2039 {strides = array<i32>} : memref<8192xf32, #tpu.memory_space<vmem>>, vector<16xf32>,
      %scan3A_2044 = arith.constant 0 : i32
      %scan3A_2045 = arith.constant 3 : i32
      %scan3A_2046 = arith.addi %scan3A_1975, %scan3A_2045 : i32
      %add3A_2047 = arith.constant 0 : i32
      %add3A_2048 = arith.addi %add3A_2047, %scan3A_2046 : i32
      %broadcast_in_dim3A_2049 = vector.broadcast %add3A_2048 : i32 to vector<16xi32>
      %gather3A_2050 = tpu.vector_load_idx %arg11[%broadcast_in_dim3A_2049] : memref<512xi32, #tpu.memory_space<vmem>>[vector<16xi32>], vector<16xi32>,
      %iota3A_2051 = tpu.iota {dimensions = array<i32: 0>} : vector<16xi32>
      %add3A_2052 = arith.addi %gather3A_2050, %iota3A_2051 : vector<16xi32>
      %broadcast_in_dim3A_2053 = vector.broadcast %scan3A_2046 : i32 to vector<16xi32>
      %lt3A_2054 = arith.constant 128 : i32
      %lt3A_2055 = vector.broadcast %lt3A_2054 : i32 to vector<16xi32>
      %lt3A_2056 = arith.cmpi slt, %add3A_2052, %lt3A_2055 : vector<16xi32>
      %add3A_2057 = arith.constant 128 : i32
      %add3A_2058 = vector.broadcast %add3A_2057 : i32 to vector<16xi32>
      %add3A_2059 = arith.addi %broadcast_in_dim3A_2053, %add3A_2058 : vector<16xi32>
      %select_n3A_2060 = arith.select %lt3A_2056, %broadcast_in_dim3A_2053, %add3A_2059 : vector<16xi1>, vector<16xi32>
      %and3A_2061 = arith.constant 127 : i32
      %and3A_2062 = vector.broadcast %and3A_2061 : i32 to vector<16xi32>
      %and3A_2063 = arith.andi %add3A_2052, %and3A_2062 : vector<16xi32>
      %gather3A_2064 = tpu.vector_load_idx %arg12[%select_n3A_2060, %and3A_2063] : memref<256x128xf32, #tpu.memory_space<vmem>>[vector<16xi32>, vector<16xi32>], vector<16xf32>,
      %mul3A_2065 = arith.constant 16 : i32
      %mul3A_2066 = arith.muli %add3A_2048, %mul3A_2065 : i32
      %swap3A_2067 = arith.index_cast %mul3A_2066 : i32 to index
      %swap3A_2068 = tpu.vector_load %arg14[%swap3A_2067] {strides = array<i32>} : memref<8192xf32, #tpu.memory_space<vmem>>, vector<16xf32>,
      tpu.vector_store %arg14[%swap3A_2067], %gather3A_2064 {strides = array<i32>} : memref<8192xf32, #tpu.memory_space<vmem>>, vector<16xf32>,
      %scan3A_2069 = arith.constant 0 : i32
      scf.yield %scan3A_2069 : i32
    }
    %scan3A_881 = arith.constant 128 : i32
    %dma_start3A_882 = arith.constant 0 : i32
    %dma_start3A_883 = arith.constant 0 : i32
    %dma_start3A_884 = tpu.memref_slice %arg12[%dma_start3A_882, %dma_start3A_883] : memref<256x128xf32, #tpu.memory_space<vmem>> -> memref<128x128xf32, #tpu.memory_space<vmem>>
    %dma_start3A_885 = arith.constant 256 : i32
    %dma_start3A_886 = tpu.memref_slice %arg9[%dma_start3A_885] : memref<512xi32, #tpu.memory_space<vmem>> -> memref<128xi32, #tpu.memory_space<vmem>>
    %dma_start3A_887 = arith.constant 0 : i32
    %dma_start3A_888 = arith.constant 0 : i32
    %dma_start3A_889 = tpu.memref_slice %arg4[%dma_start3A_887, %dma_start3A_888] : memref<78125x128xf32, #tpu.memory_space<hbm>> -> memref<78125x128xf32, #tpu.memory_space<hbm>>
    tpu.enqueue_indirect_dma source(%dma_start3A_889 : memref<78125x128xf32, #tpu.memory_space<hbm>>) target(%dma_start3A_884 : memref<128x128xf32, #tpu.memory_space<vmem>>) offsets(%dma_start3A_886 : memref<128xi32, #tpu.memory_space<vmem>>) semaphore(%arg15 : memref<!tpu.dma_semaphore, #tpu.memory_space<semaphore_mem>>)
    %dma_start3A_890 = arith.constant 128 : i32
    %dma_start3A_891 = arith.constant 0 : i32
    %dma_start3A_892 = tpu.memref_slice %arg12[%dma_start3A_890, %dma_start3A_891] : memref<256x128xf32, #tpu.memory_space<vmem>> -> memref<128x128xf32, #tpu.memory_space<vmem>>
    %dma_start3A_893 = arith.constant 256 : i32
    %dma_start3A_894 = tpu.memref_slice %arg10[%dma_start3A_893] : memref<512xi32, #tpu.memory_space<vmem>> -> memref<128xi32, #tpu.memory_space<vmem>>
    %dma_start3A_895 = arith.constant 0 : i32
    %dma_start3A_896 = arith.constant 0 : i32
    %dma_start3A_897 = tpu.memref_slice %arg4[%dma_start3A_895, %dma_start3A_896] : memref<78125x128xf32, #tpu.memory_space<hbm>> -> memref<78125x128xf32, #tpu.memory_space<hbm>>
    tpu.enqueue_indirect_dma source(%dma_start3A_897 : memref<78125x128xf32, #tpu.memory_space<hbm>>) target(%dma_start3A_892 : memref<128x128xf32, #tpu.memory_space<vmem>>) offsets(%dma_start3A_894 : memref<128xi32, #tpu.memory_space<vmem>>) semaphore(%arg15 : memref<!tpu.dma_semaphore, #tpu.memory_space<semaphore_mem>>)
    %dma_wait3A_898 = arith.constant 0 : i32
    %dma_wait3A_899 = arith.constant 0 : i32
    %dma_wait3A_900 = tpu.memref_slice %arg13[%dma_wait3A_898, %dma_wait3A_899] : memref<256x128xf32, #tpu.memory_space<vmem>> -> memref<128x128xf32, #tpu.memory_space<vmem>>
    %dma_wait3A_901 = arith.constant 128 : i32
    %dma_wait3A_902 = tpu.memref_slice %arg9[%dma_wait3A_901] : memref<512xi32, #tpu.memory_space<vmem>> -> memref<128xi32, #tpu.memory_space<vmem>>
    %dma_wait3A_903 = arith.constant 0 : i32
    %dma_wait3A_904 = arith.constant 0 : i32
    %dma_wait3A_905 = tpu.memref_slice %arg4[%dma_wait3A_903, %dma_wait3A_904] : memref<78125x128xf32, #tpu.memory_space<hbm>> -> memref<78125x128xf32, #tpu.memory_space<hbm>>
    tpu.wait_indirect_dma semaphore(%arg15 : memref<!tpu.dma_semaphore, #tpu.memory_space<semaphore_mem>>) src(%dma_wait3A_905 : memref<78125x128xf32, #tpu.memory_space<hbm>>) dst(%dma_wait3A_900 : memref<128x128xf32, #tpu.memory_space<vmem>>)
    %dma_wait3A_906 = arith.constant 128 : i32
    %dma_wait3A_907 = arith.constant 0 : i32
    %dma_wait3A_908 = tpu.memref_slice %arg13[%dma_wait3A_906, %dma_wait3A_907] : memref<256x128xf32, #tpu.memory_space<vmem>> -> memref<128x128xf32, #tpu.memory_space<vmem>>
    %dma_wait3A_909 = arith.constant 128 : i32
    %dma_wait3A_910 = tpu.memref_slice %arg10[%dma_wait3A_909] : memref<512xi32, #tpu.memory_space<vmem>> -> memref<128xi32, #tpu.memory_space<vmem>>
    %dma_wait3A_911 = arith.constant 0 : i32
    %dma_wait3A_912 = arith.constant 0 : i32
    %dma_wait3A_913 = tpu.memref_slice %arg4[%dma_wait3A_911, %dma_wait3A_912] : memref<78125x128xf32, #tpu.memory_space<hbm>> -> memref<78125x128xf32, #tpu.memory_space<hbm>>
    tpu.wait_indirect_dma semaphore(%arg15 : memref<!tpu.dma_semaphore, #tpu.memory_space<semaphore_mem>>) src(%dma_wait3A_913 : memref<78125x128xf32, #tpu.memory_space<hbm>>) dst(%dma_wait3A_908 : memref<128x128xf32, #tpu.memory_space<vmem>>)
    %scan3A_914 = arith.constant 0 : i32
    %scan3A_915 = arith.constant 0 : i32
    %scan3A_916 = arith.constant 128 : i32
    %scan3A_917 = arith.addi %scan3A_915, %scan3A_916 : i32
    %scan3A_918 = arith.constant 4 : i32
    %scan3A_919 = scf.for %scan3A_1975 = %scan3A_915 to %scan3A_917 step %scan3A_918 iter_args(%scan3A_1976 = %scan3A_914) -> (i32)  : i32 {
      %add3A_1977 = arith.constant 128 : i32
      %add3A_1978 = arith.addi %add3A_1977, %scan3A_1975 : i32
      %broadcast_in_dim3A = vector.broadcast %add3A_1978 : i32 to vector<16xi32>
      %gather3A = tpu.vector_load_idx %arg11[%broadcast_in_dim3A] : memref<512xi32, #tpu.memory_space<vmem>>[vector<16xi32>], vector<16xi32>,
      %iota3A = tpu.iota {dimensions = array<i32: 0>} : vector<16xi32>
      %add3A_1979 = arith.addi %gather3A, %iota3A : vector<16xi32>
      %broadcast_in_dim3A_1980 = vector.broadcast %scan3A_1975 : i32 to vector<16xi32>
      %lt3A = arith.constant 128 : i32
      %lt3A_1981 = vector.broadcast %lt3A : i32 to vector<16xi32>
      %lt3A_1982 = arith.cmpi slt, %add3A_1979, %lt3A_1981 : vector<16xi32>
      %add3A_1983 = arith.constant 128 : i32
      %add3A_1984 = vector.broadcast %add3A_1983 : i32 to vector<16xi32>
      %add3A_1985 = arith.addi %broadcast_in_dim3A_1980, %add3A_1984 : vector<16xi32>
      %select_n3A = arith.select %lt3A_1982, %broadcast_in_dim3A_1980, %add3A_1985 : vector<16xi1>, vector<16xi32>
      %and3A_1986 = arith.constant 127 : i32
      %and3A_1987 = vector.broadcast %and3A_1986 : i32 to vector<16xi32>
      %and3A_1988 = arith.andi %add3A_1979, %and3A_1987 : vector<16xi32>
      %gather3A_1989 = tpu.vector_load_idx %arg13[%select_n3A, %and3A_1988] : memref<256x128xf32, #tpu.memory_space<vmem>>[vector<16xi32>, vector<16xi32>], vector<16xf32>,
      %mul3A_1990 = arith.constant 16 : i32
      %mul3A_1991 = arith.muli %add3A_1978, %mul3A_1990 : i32
      %swap3A_1992 = arith.index_cast %mul3A_1991 : i32 to index
      %swap3A_1993 = tpu.vector_load %arg14[%swap3A_1992] {strides = array<i32>} : memref<8192xf32, #tpu.memory_space<vmem>>, vector<16xf32>,
      tpu.vector_store %arg14[%swap3A_1992], %gather3A_1989 {strides = array<i32>} : memref<8192xf32, #tpu.memory_space<vmem>>, vector<16xf32>,
      %scan3A_1994 = arith.constant 0 : i32
      %scan3A_1995 = arith.constant 1 : i32
      %scan3A_1996 = arith.addi %scan3A_1975, %scan3A_1995 : i32
      %add3A_1997 = arith.constant 128 : i32
      %add3A_1998 = arith.addi %add3A_1997, %scan3A_1996 : i32
      %broadcast_in_dim3A_1999 = vector.broadcast %add3A_1998 : i32 to vector<16xi32>
      %gather3A_2000 = tpu.vector_load_idx %arg11[%broadcast_in_dim3A_1999] : memref<512xi32, #tpu.memory_space<vmem>>[vector<16xi32>], vector<16xi32>,
      %iota3A_2001 = tpu.iota {dimensions = array<i32: 0>} : vector<16xi32>
      %add3A_2002 = arith.addi %gather3A_2000, %iota3A_2001 : vector<16xi32>
      %broadcast_in_dim3A_2003 = vector.broadcast %scan3A_1996 : i32 to vector<16xi32>
      %lt3A_2004 = arith.constant 128 : i32
      %lt3A_2005 = vector.broadcast %lt3A_2004 : i32 to vector<16xi32>
      %lt3A_2006 = arith.cmpi slt, %add3A_2002, %lt3A_2005 : vector<16xi32>
      %add3A_2007 = arith.constant 128 : i32
      %add3A_2008 = vector.broadcast %add3A_2007 : i32 to vector<16xi32>
      %add3A_2009 = arith.addi %broadcast_in_dim3A_2003, %add3A_2008 : vector<16xi32>
      %select_n3A_2010 = arith.select %lt3A_2006, %broadcast_in_dim3A_2003, %add3A_2009 : vector<16xi1>, vector<16xi32>
      %and3A_2011 = arith.constant 127 : i32
      %and3A_2012 = vector.broadcast %and3A_2011 : i32 to vector<16xi32>
      %and3A_2013 = arith.andi %add3A_2002, %and3A_2012 : vector<16xi32>
      %gather3A_2014 = tpu.vector_load_idx %arg13[%select_n3A_2010, %and3A_2013] : memref<256x128xf32, #tpu.memory_space<vmem>>[vector<16xi32>, vector<16xi32>], vector<16xf32>,
      %mul3A_2015 = arith.constant 16 : i32
      %mul3A_2016 = arith.muli %add3A_1998, %mul3A_2015 : i32
      %swap3A_2017 = arith.index_cast %mul3A_2016 : i32 to index
      %swap3A_2018 = tpu.vector_load %arg14[%swap3A_2017] {strides = array<i32>} : memref<8192xf32, #tpu.memory_space<vmem>>, vector<16xf32>,
      tpu.vector_store %arg14[%swap3A_2017], %gather3A_2014 {strides = array<i32>} : memref<8192xf32, #tpu.memory_space<vmem>>, vector<16xf32>,
      %scan3A_2019 = arith.constant 0 : i32
      %scan3A_2020 = arith.constant 2 : i32
      %scan3A_2021 = arith.addi %scan3A_1975, %scan3A_2020 : i32
      %add3A_2022 = arith.constant 128 : i32
      %add3A_2023 = arith.addi %add3A_2022, %scan3A_2021 : i32
      %broadcast_in_dim3A_2024 = vector.broadcast %add3A_2023 : i32 to vector<16xi32>
      %gather3A_2025 = tpu.vector_load_idx %arg11[%broadcast_in_dim3A_2024] : memref<512xi32, #tpu.memory_space<vmem>>[vector<16xi32>], vector<16xi32>,
      %iota3A_2026 = tpu.iota {dimensions = array<i32: 0>} : vector<16xi32>
      %add3A_2027 = arith.addi %gather3A_2025, %iota3A_2026 : vector<16xi32>
      %broadcast_in_dim3A_2028 = vector.broadcast %scan3A_2021 : i32 to vector<16xi32>
      %lt3A_2029 = arith.constant 128 : i32
      %lt3A_2030 = vector.broadcast %lt3A_2029 : i32 to vector<16xi32>
      %lt3A_2031 = arith.cmpi slt, %add3A_2027, %lt3A_2030 : vector<16xi32>
      %add3A_2032 = arith.constant 128 : i32
      %add3A_2033 = vector.broadcast %add3A_2032 : i32 to vector<16xi32>
      %add3A_2034 = arith.addi %broadcast_in_dim3A_2028, %add3A_2033 : vector<16xi32>
      %select_n3A_2035 = arith.select %lt3A_2031, %broadcast_in_dim3A_2028, %add3A_2034 : vector<16xi1>, vector<16xi32>
      %and3A_2036 = arith.constant 127 : i32
      %and3A_2037 = vector.broadcast %and3A_2036 : i32 to vector<16xi32>
      %and3A_2038 = arith.andi %add3A_2027, %and3A_2037 : vector<16xi32>
      %gather3A_2039 = tpu.vector_load_idx %arg13[%select_n3A_2035, %and3A_2038] : memref<256x128xf32, #tpu.memory_space<vmem>>[vector<16xi32>, vector<16xi32>], vector<16xf32>,
      %mul3A_2040 = arith.constant 16 : i32
      %mul3A_2041 = arith.muli %add3A_2023, %mul3A_2040 : i32
      %swap3A_2042 = arith.index_cast %mul3A_2041 : i32 to index
      %swap3A_2043 = tpu.vector_load %arg14[%swap3A_2042] {strides = array<i32>} : memref<8192xf32, #tpu.memory_space<vmem>>, vector<16xf32>,
      tpu.vector_store %arg14[%swap3A_2042], %gather3A_2039 {strides = array<i32>} : memref<8192xf32, #tpu.memory_space<vmem>>, vector<16xf32>,
      %scan3A_2044 = arith.constant 0 : i32
      %scan3A_2045 = arith.constant 3 : i32
      %scan3A_2046 = arith.addi %scan3A_1975, %scan3A_2045 : i32
      %add3A_2047 = arith.constant 128 : i32
      %add3A_2048 = arith.addi %add3A_2047, %scan3A_2046 : i32
      %broadcast_in_dim3A_2049 = vector.broadcast %add3A_2048 : i32 to vector<16xi32>
      %gather3A_2050 = tpu.vector_load_idx %arg11[%broadcast_in_dim3A_2049] : memref<512xi32, #tpu.memory_space<vmem>>[vector<16xi32>], vector<16xi32>,
      %iota3A_2051 = tpu.iota {dimensions = array<i32: 0>} : vector<16xi32>
      %add3A_2052 = arith.addi %gather3A_2050, %iota3A_2051 : vector<16xi32>
      %broadcast_in_dim3A_2053 = vector.broadcast %scan3A_2046 : i32 to vector<16xi32>
      %lt3A_2054 = arith.constant 128 : i32
      %lt3A_2055 = vector.broadcast %lt3A_2054 : i32 to vector<16xi32>
      %lt3A_2056 = arith.cmpi slt, %add3A_2052, %lt3A_2055 : vector<16xi32>
      %add3A_2057 = arith.constant 128 : i32
      %add3A_2058 = vector.broadcast %add3A_2057 : i32 to vector<16xi32>
      %add3A_2059 = arith.addi %broadcast_in_dim3A_2053, %add3A_2058 : vector<16xi32>
      %select_n3A_2060 = arith.select %lt3A_2056, %broadcast_in_dim3A_2053, %add3A_2059 : vector<16xi1>, vector<16xi32>
      %and3A_2061 = arith.constant 127 : i32
      %and3A_2062 = vector.broadcast %and3A_2061 : i32 to vector<16xi32>
      %and3A_2063 = arith.andi %add3A_2052, %and3A_2062 : vector<16xi32>
      %gather3A_2064 = tpu.vector_load_idx %arg13[%select_n3A_2060, %and3A_2063] : memref<256x128xf32, #tpu.memory_space<vmem>>[vector<16xi32>, vector<16xi32>], vector<16xf32>,
      %mul3A_2065 = arith.constant 16 : i32
      %mul3A_2066 = arith.muli %add3A_2048, %mul3A_2065 : i32
      %swap3A_2067 = arith.index_cast %mul3A_2066 : i32 to index
      %swap3A_2068 = tpu.vector_load %arg14[%swap3A_2067] {strides = array<i32>} : memref<8192xf32, #tpu.memory_space<vmem>>, vector<16xf32>,
      tpu.vector_store %arg14[%swap3A_2067], %gather3A_2064 {strides = array<i32>} : memref<8192xf32, #tpu.memory_space<vmem>>, vector<16xf32>,
      %scan3A_2069 = arith.constant 0 : i32
      scf.yield %scan3A_2069 : i32
    }
    %scan3A_920 = arith.constant 128 : i32
    %dma_start3A_921 = arith.constant 0 : i32
    %dma_start3A_922 = arith.constant 0 : i32
    %dma_start3A_923 = tpu.memref_slice %arg13[%dma_start3A_921, %dma_start3A_922] : memref<256x128xf32, #tpu.memory_space<vmem>> -> memref<128x128xf32, #tpu.memory_space<vmem>>
    %dma_start3A_924 = arith.constant 384 : i32
    %dma_start3A_925 = tpu.memref_slice %arg9[%dma_start3A_924] : memref<512xi32, #tpu.memory_space<vmem>> -> memref<128xi32, #tpu.memory_space<vmem>>
    %dma_start3A_926 = arith.constant 0 : i32
    %dma_start3A_927 = arith.constant 0 : i32
    %dma_start3A_928 = tpu.memref_slice %arg4[%dma_start3A_926, %dma_start3A_927] : memref<78125x128xf32, #tpu.memory_space<hbm>> -> memref<78125x128xf32, #tpu.memory_space<hbm>>
    tpu.enqueue_indirect_dma source(%dma_start3A_928 : memref<78125x128xf32, #tpu.memory_space<hbm>>) target(%dma_start3A_923 : memref<128x128xf32, #tpu.memory_space<vmem>>) offsets(%dma_start3A_925 : memref<128xi32, #tpu.memory_space<vmem>>) semaphore(%arg15 : memref<!tpu.dma_semaphore, #tpu.memory_space<semaphore_mem>>)
    %dma_start3A_929 = arith.constant 128 : i32
    %dma_start3A_930 = arith.constant 0 : i32
    %dma_start3A_931 = tpu.memref_slice %arg13[%dma_start3A_929, %dma_start3A_930] : memref<256x128xf32, #tpu.memory_space<vmem>> -> memref<128x128xf32, #tpu.memory_space<vmem>>
    %dma_start3A_932 = arith.constant 384 : i32
    %dma_start3A_933 = tpu.memref_slice %arg10[%dma_start3A_932] : memref<512xi32, #tpu.memory_space<vmem>> -> memref<128xi32, #tpu.memory_space<vmem>>
    %dma_start3A_934 = arith.constant 0 : i32
    %dma_start3A_935 = arith.constant 0 : i32
    %dma_start3A_936 = tpu.memref_slice %arg4[%dma_start3A_934, %dma_start3A_935] : memref<78125x128xf32, #tpu.memory_space<hbm>> -> memref<78125x128xf32, #tpu.memory_space<hbm>>
    tpu.enqueue_indirect_dma source(%dma_start3A_936 : memref<78125x128xf32, #tpu.memory_space<hbm>>) target(%dma_start3A_931 : memref<128x128xf32, #tpu.memory_space<vmem>>) offsets(%dma_start3A_933 : memref<128xi32, #tpu.memory_space<vmem>>) semaphore(%arg15 : memref<!tpu.dma_semaphore, #tpu.memory_space<semaphore_mem>>)
    %dma_wait3A_937 = arith.constant 0 : i32
    %dma_wait3A_938 = arith.constant 0 : i32
    %dma_wait3A_939 = tpu.memref_slice %arg12[%dma_wait3A_937, %dma_wait3A_938] : memref<256x128xf32, #tpu.memory_space<vmem>> -> memref<128x128xf32, #tpu.memory_space<vmem>>
    %dma_wait3A_940 = arith.constant 256 : i32
    %dma_wait3A_941 = tpu.memref_slice %arg9[%dma_wait3A_940] : memref<512xi32, #tpu.memory_space<vmem>> -> memref<128xi32, #tpu.memory_space<vmem>>
    %dma_wait3A_942 = arith.constant 0 : i32
    %dma_wait3A_943 = arith.constant 0 : i32
    %dma_wait3A_944 = tpu.memref_slice %arg4[%dma_wait3A_942, %dma_wait3A_943] : memref<78125x128xf32, #tpu.memory_space<hbm>> -> memref<78125x128xf32, #tpu.memory_space<hbm>>
    tpu.wait_indirect_dma semaphore(%arg15 : memref<!tpu.dma_semaphore, #tpu.memory_space<semaphore_mem>>) src(%dma_wait3A_944 : memref<78125x128xf32, #tpu.memory_space<hbm>>) dst(%dma_wait3A_939 : memref<128x128xf32, #tpu.memory_space<vmem>>)
    %dma_wait3A_945 = arith.constant 128 : i32
    %dma_wait3A_946 = arith.constant 0 : i32
    %dma_wait3A_947 = tpu.memref_slice %arg12[%dma_wait3A_945, %dma_wait3A_946] : memref<256x128xf32, #tpu.memory_space<vmem>> -> memref<128x128xf32, #tpu.memory_space<vmem>>
    %dma_wait3A_948 = arith.constant 256 : i32
    %dma_wait3A_949 = tpu.memref_slice %arg10[%dma_wait3A_948] : memref<512xi32, #tpu.memory_space<vmem>> -> memref<128xi32, #tpu.memory_space<vmem>>
    %dma_wait3A_950 = arith.constant 0 : i32
    %dma_wait3A_951 = arith.constant 0 : i32
    %dma_wait3A_952 = tpu.memref_slice %arg4[%dma_wait3A_950, %dma_wait3A_951] : memref<78125x128xf32, #tpu.memory_space<hbm>> -> memref<78125x128xf32, #tpu.memory_space<hbm>>
    tpu.wait_indirect_dma semaphore(%arg15 : memref<!tpu.dma_semaphore, #tpu.memory_space<semaphore_mem>>) src(%dma_wait3A_952 : memref<78125x128xf32, #tpu.memory_space<hbm>>) dst(%dma_wait3A_947 : memref<128x128xf32, #tpu.memory_space<vmem>>)
    %scan3A_953 = arith.constant 0 : i32
    %scan3A_954 = arith.constant 0 : i32
    %scan3A_955 = arith.constant 128 : i32
    %scan3A_956 = arith.addi %scan3A_954, %scan3A_955 : i32
    %scan3A_957 = arith.constant 4 : i32
    %scan3A_958 = scf.for %scan3A_1975 = %scan3A_954 to %scan3A_956 step %scan3A_957 iter_args(%scan3A_1976 = %scan3A_953) -> (i32)  : i32 {
      %add3A_1977 = arith.constant 256 : i32
      %add3A_1978 = arith.addi %add3A_1977, %scan3A_1975 : i32
      %broadcast_in_dim3A = vector.broadcast %add3A_1978 : i32 to vector<16xi32>
      %gather3A = tpu.vector_load_idx %arg11[%broadcast_in_dim3A] : memref<512xi32, #tpu.memory_space<vmem>>[vector<16xi32>], vector<16xi32>,
      %iota3A = tpu.iota {dimensions = array<i32: 0>} : vector<16xi32>
      %add3A_1979 = arith.addi %gather3A, %iota3A : vector<16xi32>
      %broadcast_in_dim3A_1980 = vector.broadcast %scan3A_1975 : i32 to vector<16xi32>
      %lt3A = arith.constant 128 : i32
      %lt3A_1981 = vector.broadcast %lt3A : i32 to vector<16xi32>
      %lt3A_1982 = arith.cmpi slt, %add3A_1979, %lt3A_1981 : vector<16xi32>
      %add3A_1983 = arith.constant 128 : i32
      %add3A_1984 = vector.broadcast %add3A_1983 : i32 to vector<16xi32>
      %add3A_1985 = arith.addi %broadcast_in_dim3A_1980, %add3A_1984 : vector<16xi32>
      %select_n3A = arith.select %lt3A_1982, %broadcast_in_dim3A_1980, %add3A_1985 : vector<16xi1>, vector<16xi32>
      %and3A_1986 = arith.constant 127 : i32
      %and3A_1987 = vector.broadcast %and3A_1986 : i32 to vector<16xi32>
      %and3A_1988 = arith.andi %add3A_1979, %and3A_1987 : vector<16xi32>
      %gather3A_1989 = tpu.vector_load_idx %arg12[%select_n3A, %and3A_1988] : memref<256x128xf32, #tpu.memory_space<vmem>>[vector<16xi32>, vector<16xi32>], vector<16xf32>,
      %mul3A_1990 = arith.constant 16 : i32
      %mul3A_1991 = arith.muli %add3A_1978, %mul3A_1990 : i32
      %swap3A_1992 = arith.index_cast %mul3A_1991 : i32 to index
      %swap3A_1993 = tpu.vector_load %arg14[%swap3A_1992] {strides = array<i32>} : memref<8192xf32, #tpu.memory_space<vmem>>, vector<16xf32>,
      tpu.vector_store %arg14[%swap3A_1992], %gather3A_1989 {strides = array<i32>} : memref<8192xf32, #tpu.memory_space<vmem>>, vector<16xf32>,
      %scan3A_1994 = arith.constant 0 : i32
      %scan3A_1995 = arith.constant 1 : i32
      %scan3A_1996 = arith.addi %scan3A_1975, %scan3A_1995 : i32
      %add3A_1997 = arith.constant 256 : i32
      %add3A_1998 = arith.addi %add3A_1997, %scan3A_1996 : i32
      %broadcast_in_dim3A_1999 = vector.broadcast %add3A_1998 : i32 to vector<16xi32>
      %gather3A_2000 = tpu.vector_load_idx %arg11[%broadcast_in_dim3A_1999] : memref<512xi32, #tpu.memory_space<vmem>>[vector<16xi32>], vector<16xi32>,
      %iota3A_2001 = tpu.iota {dimensions = array<i32: 0>} : vector<16xi32>
      %add3A_2002 = arith.addi %gather3A_2000, %iota3A_2001 : vector<16xi32>
      %broadcast_in_dim3A_2003 = vector.broadcast %scan3A_1996 : i32 to vector<16xi32>
      %lt3A_2004 = arith.constant 128 : i32
      %lt3A_2005 = vector.broadcast %lt3A_2004 : i32 to vector<16xi32>
      %lt3A_2006 = arith.cmpi slt, %add3A_2002, %lt3A_2005 : vector<16xi32>
      %add3A_2007 = arith.constant 128 : i32
      %add3A_2008 = vector.broadcast %add3A_2007 : i32 to vector<16xi32>
      %add3A_2009 = arith.addi %broadcast_in_dim3A_2003, %add3A_2008 : vector<16xi32>
      %select_n3A_2010 = arith.select %lt3A_2006, %broadcast_in_dim3A_2003, %add3A_2009 : vector<16xi1>, vector<16xi32>
      %and3A_2011 = arith.constant 127 : i32
      %and3A_2012 = vector.broadcast %and3A_2011 : i32 to vector<16xi32>
      %and3A_2013 = arith.andi %add3A_2002, %and3A_2012 : vector<16xi32>
      %gather3A_2014 = tpu.vector_load_idx %arg12[%select_n3A_2010, %and3A_2013] : memref<256x128xf32, #tpu.memory_space<vmem>>[vector<16xi32>, vector<16xi32>], vector<16xf32>,
      %mul3A_2015 = arith.constant 16 : i32
      %mul3A_2016 = arith.muli %add3A_1998, %mul3A_2015 : i32
      %swap3A_2017 = arith.index_cast %mul3A_2016 : i32 to index
      %swap3A_2018 = tpu.vector_load %arg14[%swap3A_2017] {strides = array<i32>} : memref<8192xf32, #tpu.memory_space<vmem>>, vector<16xf32>,
      tpu.vector_store %arg14[%swap3A_2017], %gather3A_2014 {strides = array<i32>} : memref<8192xf32, #tpu.memory_space<vmem>>, vector<16xf32>,
      %scan3A_2019 = arith.constant 0 : i32
      %scan3A_2020 = arith.constant 2 : i32
      %scan3A_2021 = arith.addi %scan3A_1975, %scan3A_2020 : i32
      %add3A_2022 = arith.constant 256 : i32
      %add3A_2023 = arith.addi %add3A_2022, %scan3A_2021 : i32
      %broadcast_in_dim3A_2024 = vector.broadcast %add3A_2023 : i32 to vector<16xi32>
      %gather3A_2025 = tpu.vector_load_idx %arg11[%broadcast_in_dim3A_2024] : memref<512xi32, #tpu.memory_space<vmem>>[vector<16xi32>], vector<16xi32>,
      %iota3A_2026 = tpu.iota {dimensions = array<i32: 0>} : vector<16xi32>
      %add3A_2027 = arith.addi %gather3A_2025, %iota3A_2026 : vector<16xi32>
      %broadcast_in_dim3A_2028 = vector.broadcast %scan3A_2021 : i32 to vector<16xi32>
      %lt3A_2029 = arith.constant 128 : i32
      %lt3A_2030 = vector.broadcast %lt3A_2029 : i32 to vector<16xi32>
      %lt3A_2031 = arith.cmpi slt, %add3A_2027, %lt3A_2030 : vector<16xi32>
      %add3A_2032 = arith.constant 128 : i32
      %add3A_2033 = vector.broadcast %add3A_2032 : i32 to vector<16xi32>
      %add3A_2034 = arith.addi %broadcast_in_dim3A_2028, %add3A_2033 : vector<16xi32>
      %select_n3A_2035 = arith.select %lt3A_2031, %broadcast_in_dim3A_2028, %add3A_2034 : vector<16xi1>, vector<16xi32>
      %and3A_2036 = arith.constant 127 : i32
      %and3A_2037 = vector.broadcast %and3A_2036 : i32 to vector<16xi32>
      %and3A_2038 = arith.andi %add3A_2027, %and3A_2037 : vector<16xi32>
      %gather3A_2039 = tpu.vector_load_idx %arg12[%select_n3A_2035, %and3A_2038] : memref<256x128xf32, #tpu.memory_space<vmem>>[vector<16xi32>, vector<16xi32>], vector<16xf32>,
      %mul3A_2040 = arith.constant 16 : i32
      %mul3A_2041 = arith.muli %add3A_2023, %mul3A_2040 : i32
      %swap3A_2042 = arith.index_cast %mul3A_2041 : i32 to index
      %swap3A_2043 = tpu.vector_load %arg14[%swap3A_2042] {strides = array<i32>} : memref<8192xf32, #tpu.memory_space<vmem>>, vector<16xf32>,
      tpu.vector_store %arg14[%swap3A_2042], %gather3A_2039 {strides = array<i32>} : memref<8192xf32, #tpu.memory_space<vmem>>, vector<16xf32>,
      %scan3A_2044 = arith.constant 0 : i32
      %scan3A_2045 = arith.constant 3 : i32
      %scan3A_2046 = arith.addi %scan3A_1975, %scan3A_2045 : i32
      %add3A_2047 = arith.constant 256 : i32
      %add3A_2048 = arith.addi %add3A_2047, %scan3A_2046 : i32
      %broadcast_in_dim3A_2049 = vector.broadcast %add3A_2048 : i32 to vector<16xi32>
      %gather3A_2050 = tpu.vector_load_idx %arg11[%broadcast_in_dim3A_2049] : memref<512xi32, #tpu.memory_space<vmem>>[vector<16xi32>], vector<16xi32>,
      %iota3A_2051 = tpu.iota {dimensions = array<i32: 0>} : vector<16xi32>
      %add3A_2052 = arith.addi %gather3A_2050, %iota3A_2051 : vector<16xi32>
      %broadcast_in_dim3A_2053 = vector.broadcast %scan3A_2046 : i32 to vector<16xi32>
      %lt3A_2054 = arith.constant 128 : i32
      %lt3A_2055 = vector.broadcast %lt3A_2054 : i32 to vector<16xi32>
      %lt3A_2056 = arith.cmpi slt, %add3A_2052, %lt3A_2055 : vector<16xi32>
      %add3A_2057 = arith.constant 128 : i32
      %add3A_2058 = vector.broadcast %add3A_2057 : i32 to vector<16xi32>
      %add3A_2059 = arith.addi %broadcast_in_dim3A_2053, %add3A_2058 : vector<16xi32>
      %select_n3A_2060 = arith.select %lt3A_2056, %broadcast_in_dim3A_2053, %add3A_2059 : vector<16xi1>, vector<16xi32>
      %and3A_2061 = arith.constant 127 : i32
      %and3A_2062 = vector.broadcast %and3A_2061 : i32 to vector<16xi32>
      %and3A_2063 = arith.andi %add3A_2052, %and3A_2062 : vector<16xi32>
      %gather3A_2064 = tpu.vector_load_idx %arg12[%select_n3A_2060, %and3A_2063] : memref<256x128xf32, #tpu.memory_space<vmem>>[vector<16xi32>, vector<16xi32>], vector<16xf32>,
      %mul3A_2065 = arith.constant 16 : i32
      %mul3A_2066 = arith.muli %add3A_2048, %mul3A_2065 : i32
      %swap3A_2067 = arith.index_cast %mul3A_2066 : i32 to index
      %swap3A_2068 = tpu.vector_load %arg14[%swap3A_2067] {strides = array<i32>} : memref<8192xf32, #tpu.memory_space<vmem>>, vector<16xf32>,
      tpu.vector_store %arg14[%swap3A_2067], %gather3A_2064 {strides = array<i32>} : memref<8192xf32, #tpu.memory_space<vmem>>, vector<16xf32>,
      %scan3A_2069 = arith.constant 0 : i32
      scf.yield %scan3A_2069 : i32
    }
    %scan3A_959 = arith.constant 128 : i32
    %dma_wait3A_960 = arith.constant 0 : i32
    %dma_wait3A_961 = arith.constant 0 : i32
    %dma_wait3A_962 = tpu.memref_slice %arg13[%dma_wait3A_960, %dma_wait3A_961] : memref<256x128xf32, #tpu.memory_space<vmem>> -> memref<128x128xf32, #tpu.memory_space<vmem>>
    %dma_wait3A_963 = arith.constant 384 : i32
    %dma_wait3A_964 = tpu.memref_slice %arg9[%dma_wait3A_963] : memref<512xi32, #tpu.memory_space<vmem>> -> memref<128xi32, #tpu.memory_space<vmem>>
    %dma_wait3A_965 = arith.constant 0 : i32
    %dma_wait3A_966 = arith.constant 0 : i32
    %dma_wait3A_967 = tpu.memref_slice %arg4[%dma_wait3A_965, %dma_wait3A_966] : memref<78125x128xf32, #tpu.memory_space<hbm>> -> memref<78125x128xf32, #tpu.memory_space<hbm>>
    tpu.wait_indirect_dma semaphore(%arg15 : memref<!tpu.dma_semaphore, #tpu.memory_space<semaphore_mem>>) src(%dma_wait3A_967 : memref<78125x128xf32, #tpu.memory_space<hbm>>) dst(%dma_wait3A_962 : memref<128x128xf32, #tpu.memory_space<vmem>>)
    %dma_wait3A_968 = arith.constant 128 : i32
    %dma_wait3A_969 = arith.constant 0 : i32
    %dma_wait3A_970 = tpu.memref_slice %arg13[%dma_wait3A_968, %dma_wait3A_969] : memref<256x128xf32, #tpu.memory_space<vmem>> -> memref<128x128xf32, #tpu.memory_space<vmem>>
    %dma_wait3A_971 = arith.constant 384 : i32
    %dma_wait3A_972 = tpu.memref_slice %arg10[%dma_wait3A_971] : memref<512xi32, #tpu.memory_space<vmem>> -> memref<128xi32, #tpu.memory_space<vmem>>
    %dma_wait3A_973 = arith.constant 0 : i32
    %dma_wait3A_974 = arith.constant 0 : i32
    %dma_wait3A_975 = tpu.memref_slice %arg4[%dma_wait3A_973, %dma_wait3A_974] : memref<78125x128xf32, #tpu.memory_space<hbm>> -> memref<78125x128xf32, #tpu.memory_space<hbm>>
    tpu.wait_indirect_dma semaphore(%arg15 : memref<!tpu.dma_semaphore, #tpu.memory_space<semaphore_mem>>) src(%dma_wait3A_975 : memref<78125x128xf32, #tpu.memory_space<hbm>>) dst(%dma_wait3A_970 : memref<128x128xf32, #tpu.memory_space<vmem>>)
    %scan3A_976 = arith.constant 0 : i32
    %scan3A_977 = arith.constant 0 : i32
    %scan3A_978 = arith.constant 128 : i32
    %scan3A_979 = arith.addi %scan3A_977, %scan3A_978 : i32
    %scan3A_980 = arith.constant 4 : i32
    %scan3A_981 = scf.for %scan3A_1975 = %scan3A_977 to %scan3A_979 step %scan3A_980 iter_args(%scan3A_1976 = %scan3A_976) -> (i32)  : i32 {
      %add3A_1977 = arith.constant 384 : i32
      %add3A_1978 = arith.addi %add3A_1977, %scan3A_1975 : i32
      %broadcast_in_dim3A = vector.broadcast %add3A_1978 : i32 to vector<16xi32>
      %gather3A = tpu.vector_load_idx %arg11[%broadcast_in_dim3A] : memref<512xi32, #tpu.memory_space<vmem>>[vector<16xi32>], vector<16xi32>,
      %iota3A = tpu.iota {dimensions = array<i32: 0>} : vector<16xi32>
      %add3A_1979 = arith.addi %gather3A, %iota3A : vector<16xi32>
      %broadcast_in_dim3A_1980 = vector.broadcast %scan3A_1975 : i32 to vector<16xi32>
      %lt3A = arith.constant 128 : i32
      %lt3A_1981 = vector.broadcast %lt3A : i32 to vector<16xi32>
      %lt3A_1982 = arith.cmpi slt, %add3A_1979, %lt3A_1981 : vector<16xi32>
      %add3A_1983 = arith.constant 128 : i32
      %add3A_1984 = vector.broadcast %add3A_1983 : i32 to vector<16xi32>
      %add3A_1985 = arith.addi %broadcast_in_dim3A_1980, %add3A_1984 : vector<16xi32>
      %select_n3A = arith.select %lt3A_1982, %broadcast_in_dim3A_1980, %add3A_1985 : vector<16xi1>, vector<16xi32>
      %and3A_1986 = arith.constant 127 : i32
      %and3A_1987 = vector.broadcast %and3A_1986 : i32 to vector<16xi32>
      %and3A_1988 = arith.andi %add3A_1979, %and3A_1987 : vector<16xi32>
      %gather3A_1989 = tpu.vector_load_idx %arg13[%select_n3A, %and3A_1988] : memref<256x128xf32, #tpu.memory_space<vmem>>[vector<16xi32>, vector<16xi32>], vector<16xf32>,
      %mul3A_1990 = arith.constant 16 : i32
      %mul3A_1991 = arith.muli %add3A_1978, %mul3A_1990 : i32
      %swap3A_1992 = arith.index_cast %mul3A_1991 : i32 to index
      %swap3A_1993 = tpu.vector_load %arg14[%swap3A_1992] {strides = array<i32>} : memref<8192xf32, #tpu.memory_space<vmem>>, vector<16xf32>,
      tpu.vector_store %arg14[%swap3A_1992], %gather3A_1989 {strides = array<i32>} : memref<8192xf32, #tpu.memory_space<vmem>>, vector<16xf32>,
      %scan3A_1994 = arith.constant 0 : i32
      %scan3A_1995 = arith.constant 1 : i32
      %scan3A_1996 = arith.addi %scan3A_1975, %scan3A_1995 : i32
      %add3A_1997 = arith.constant 384 : i32
      %add3A_1998 = arith.addi %add3A_1997, %scan3A_1996 : i32
      %broadcast_in_dim3A_1999 = vector.broadcast %add3A_1998 : i32 to vector<16xi32>
      %gather3A_2000 = tpu.vector_load_idx %arg11[%broadcast_in_dim3A_1999] : memref<512xi32, #tpu.memory_space<vmem>>[vector<16xi32>], vector<16xi32>,
      %iota3A_2001 = tpu.iota {dimensions = array<i32: 0>} : vector<16xi32>
      %add3A_2002 = arith.addi %gather3A_2000, %iota3A_2001 : vector<16xi32>
      %broadcast_in_dim3A_2003 = vector.broadcast %scan3A_1996 : i32 to vector<16xi32>
      %lt3A_2004 = arith.constant 128 : i32
      %lt3A_2005 = vector.broadcast %lt3A_2004 : i32 to vector<16xi32>
      %lt3A_2006 = arith.cmpi slt, %add3A_2002, %lt3A_2005 : vector<16xi32>
      %add3A_2007 = arith.constant 128 : i32
      %add3A_2008 = vector.broadcast %add3A_2007 : i32 to vector<16xi32>
      %add3A_2009 = arith.addi %broadcast_in_dim3A_2003, %add3A_2008 : vector<16xi32>
      %select_n3A_2010 = arith.select %lt3A_2006, %broadcast_in_dim3A_2003, %add3A_2009 : vector<16xi1>, vector<16xi32>
      %and3A_2011 = arith.constant 127 : i32
      %and3A_2012 = vector.broadcast %and3A_2011 : i32 to vector<16xi32>
      %and3A_2013 = arith.andi %add3A_2002, %and3A_2012 : vector<16xi32>
      %gather3A_2014 = tpu.vector_load_idx %arg13[%select_n3A_2010, %and3A_2013] : memref<256x128xf32, #tpu.memory_space<vmem>>[vector<16xi32>, vector<16xi32>], vector<16xf32>,
      %mul3A_2015 = arith.constant 16 : i32
      %mul3A_2016 = arith.muli %add3A_1998, %mul3A_2015 : i32
      %swap3A_2017 = arith.index_cast %mul3A_2016 : i32 to index
      %swap3A_2018 = tpu.vector_load %arg14[%swap3A_2017] {strides = array<i32>} : memref<8192xf32, #tpu.memory_space<vmem>>, vector<16xf32>,
      tpu.vector_store %arg14[%swap3A_2017], %gather3A_2014 {strides = array<i32>} : memref<8192xf32, #tpu.memory_space<vmem>>, vector<16xf32>,
      %scan3A_2019 = arith.constant 0 : i32
      %scan3A_2020 = arith.constant 2 : i32
      %scan3A_2021 = arith.addi %scan3A_1975, %scan3A_2020 : i32
      %add3A_2022 = arith.constant 384 : i32
      %add3A_2023 = arith.addi %add3A_2022, %scan3A_2021 : i32
      %broadcast_in_dim3A_2024 = vector.broadcast %add3A_2023 : i32 to vector<16xi32>
      %gather3A_2025 = tpu.vector_load_idx %arg11[%broadcast_in_dim3A_2024] : memref<512xi32, #tpu.memory_space<vmem>>[vector<16xi32>], vector<16xi32>,
      %iota3A_2026 = tpu.iota {dimensions = array<i32: 0>} : vector<16xi32>
      %add3A_2027 = arith.addi %gather3A_2025, %iota3A_2026 : vector<16xi32>
      %broadcast_in_dim3A_2028 = vector.broadcast %scan3A_2021 : i32 to vector<16xi32>
      %lt3A_2029 = arith.constant 128 : i32
      %lt3A_2030 = vector.broadcast %lt3A_2029 : i32 to vector<16xi32>
      %lt3A_2031 = arith.cmpi slt, %add3A_2027, %lt3A_2030 : vector<16xi32>
      %add3A_2032 = arith.constant 128 : i32
      %add3A_2033 = vector.broadcast %add3A_2032 : i32 to vector<16xi32>
      %add3A_2034 = arith.addi %broadcast_in_dim3A_2028, %add3A_2033 : vector<16xi32>
      %select_n3A_2035 = arith.select %lt3A_2031, %broadcast_in_dim3A_2028, %add3A_2034 : vector<16xi1>, vector<16xi32>
      %and3A_2036 = arith.constant 127 : i32
      %and3A_2037 = vector.broadcast %and3A_2036 : i32 to vector<16xi32>
      %and3A_2038 = arith.andi %add3A_2027, %and3A_2037 : vector<16xi32>
      %gather3A_2039 = tpu.vector_load_idx %arg13[%select_n3A_2035, %and3A_2038] : memref<256x128xf32, #tpu.memory_space<vmem>>[vector<16xi32>, vector<16xi32>], vector<16xf32>,
      %mul3A_2040 = arith.constant 16 : i32
      %mul3A_2041 = arith.muli %add3A_2023, %mul3A_2040 : i32
      %swap3A_2042 = arith.index_cast %mul3A_2041 : i32 to index
      %swap3A_2043 = tpu.vector_load %arg14[%swap3A_2042] {strides = array<i32>} : memref<8192xf32, #tpu.memory_space<vmem>>, vector<16xf32>,
      tpu.vector_store %arg14[%swap3A_2042], %gather3A_2039 {strides = array<i32>} : memref<8192xf32, #tpu.memory_space<vmem>>, vector<16xf32>,
      %scan3A_2044 = arith.constant 0 : i32
      %scan3A_2045 = arith.constant 3 : i32
      %scan3A_2046 = arith.addi %scan3A_1975, %scan3A_2045 : i32
      %add3A_2047 = arith.constant 384 : i32
      %add3A_2048 = arith.addi %add3A_2047, %scan3A_2046 : i32
      %broadcast_in_dim3A_2049 = vector.broadcast %add3A_2048 : i32 to vector<16xi32>
      %gather3A_2050 = tpu.vector_load_idx %arg11[%broadcast_in_dim3A_2049] : memref<512xi32, #tpu.memory_space<vmem>>[vector<16xi32>], vector<16xi32>,
      %iota3A_2051 = tpu.iota {dimensions = array<i32: 0>} : vector<16xi32>
      %add3A_2052 = arith.addi %gather3A_2050, %iota3A_2051 : vector<16xi32>
      %broadcast_in_dim3A_2053 = vector.broadcast %scan3A_2046 : i32 to vector<16xi32>
      %lt3A_2054 = arith.constant 128 : i32
      %lt3A_2055 = vector.broadcast %lt3A_2054 : i32 to vector<16xi32>
      %lt3A_2056 = arith.cmpi slt, %add3A_2052, %lt3A_2055 : vector<16xi32>
      %add3A_2057 = arith.constant 128 : i32
      %add3A_2058 = vector.broadcast %add3A_2057 : i32 to vector<16xi32>
      %add3A_2059 = arith.addi %broadcast_in_dim3A_2053, %add3A_2058 : vector<16xi32>
      %select_n3A_2060 = arith.select %lt3A_2056, %broadcast_in_dim3A_2053, %add3A_2059 : vector<16xi1>, vector<16xi32>
      %and3A_2061 = arith.constant 127 : i32
      %and3A_2062 = vector.broadcast %and3A_2061 : i32 to vector<16xi32>
      %and3A_2063 = arith.andi %add3A_2052, %and3A_2062 : vector<16xi32>
      %gather3A_2064 = tpu.vector_load_idx %arg13[%select_n3A_2060, %and3A_2063] : memref<256x128xf32, #tpu.memory_space<vmem>>[vector<16xi32>, vector<16xi32>], vector<16xf32>,
      %mul3A_2065 = arith.constant 16 : i32
      %mul3A_2066 = arith.muli %add3A_2048, %mul3A_2065 : i32
      %swap3A_2067 = arith.index_cast %mul3A_2066 : i32 to index
      %swap3A_2068 = tpu.vector_load %arg14[%swap3A_2067] {strides = array<i32>} : memref<8192xf32, #tpu.memory_space<vmem>>, vector<16xf32>,
      tpu.vector_store %arg14[%swap3A_2067], %gather3A_2064 {strides = array<i32>} : memref<8192xf32, #tpu.memory_space<vmem>>, vector<16xf32>,
      %scan3A_2069 = arith.constant 0 : i32
      scf.yield %scan3A_2069 : i32
    }
    %scan3A_982 = arith.constant 128 : i32
    %mul3A_983 = arith.constant 16 : i32
    %mul3A_984 = arith.muli %mul3A_2, %mul3A_983 : i32
    "tpu.region"() ({
      %run_scoped3A = tpu.sem_alloc : memref<!tpu.dma_semaphore, #tpu.memory_space<semaphore_mem>>
      %dma_start3A_1975 = tpu.memref_slice %arg5[%mul3A_984] : memref<262144xf32, #tpu.memory_space<hbm>> -> memref<8192xf32, #tpu.memory_space<hbm>>
      %dma_start3A_1976 = tpu.memref_slice %arg5[%mul3A_984] : memref<262144xf32, #tpu.memory_space<hbm>> -> memref<8192xf32, #tpu.memory_space<hbm>>
      tpu.enqueue_dma source(%arg14 : memref<8192xf32, #tpu.memory_space<vmem>>) target(%dma_start3A_1976 : memref<8192xf32, #tpu.memory_space<hbm>>) target_semaphore(%run_scoped3A : memref<!tpu.dma_semaphore, #tpu.memory_space<semaphore_mem>>)
      %dma_wait3A_1977 = tpu.memref_slice %arg5[%mul3A_984] : memref<262144xf32, #tpu.memory_space<hbm>> -> memref<8192xf32, #tpu.memory_space<hbm>>
      %dma_wait3A_1978 = tpu.memref_slice %arg5[%mul3A_984] : memref<262144xf32, #tpu.memory_space<hbm>> -> memref<8192xf32, #tpu.memory_space<hbm>>
      tpu.wait_dma2 semaphore(%run_scoped3A : memref<!tpu.dma_semaphore, #tpu.memory_space<semaphore_mem>>) src(%arg14 : memref<8192xf32, #tpu.memory_space<vmem>>) dst(%dma_wait3A_1978 : memref<8192xf32, #tpu.memory_space<hbm>>)
      tpu.yield
    }) : () -> ()
    %get3A_985 = arith.constant 0 : index
    %get3A_986 = tpu.vector_load %arg8[%get3A_985] {strides = array<i32>} : memref<512xi32, #tpu.memory_space<vmem>>, vector<16xi32>,
    %mul3A_987 = arith.constant 10 : i32
    %mul3A_988 = vector.broadcast %mul3A_987 : i32 to vector<16xi32>
    %mul3A_989 = arith.muli %get3A_986, %mul3A_988 : vector<16xi32>
    %shift_right_arithmetic3A_990 = arith.constant 7 : i32
    %shift_right_arithmetic3A_991 = vector.broadcast %shift_right_arithmetic3A_990 : i32 to vector<16xi32>
    %shift_right_arithmetic3A_992 = arith.shrsi %mul3A_989, %shift_right_arithmetic3A_991 : vector<16xi32>
    %swap3A_993 = arith.constant 0 : index
    %swap3A_994 = tpu.vector_load %arg9[%swap3A_993] {strides = array<i32>} : memref<512xi32, #tpu.memory_space<vmem>>, vector<16xi32>,
    tpu.vector_store %arg9[%swap3A_993], %shift_right_arithmetic3A_992 {strides = array<i32>} : memref<512xi32, #tpu.memory_space<vmem>>, vector<16xi32>,
    %shift_right_arithmetic3A_995 = arith.constant 7 : i32
    %shift_right_arithmetic3A_996 = vector.broadcast %shift_right_arithmetic3A_995 : i32 to vector<16xi32>
    %shift_right_arithmetic3A_997 = arith.shrsi %mul3A_989, %shift_right_arithmetic3A_996 : vector<16xi32>
    %add3A_998 = arith.constant 1 : i32
    %add3A_999 = vector.broadcast %add3A_998 : i32 to vector<16xi32>
    %add3A_1000 = arith.addi %shift_right_arithmetic3A_997, %add3A_999 : vector<16xi32>
    %min3A_1001 = arith.constant 78124 : i32
    %min3A_1002 = vector.broadcast %min3A_1001 : i32 to vector<16xi32>
    %min3A_1003 = arith.minsi %add3A_1000, %min3A_1002 : vector<16xi32>
    %swap3A_1004 = arith.constant 0 : index
    %swap3A_1005 = tpu.vector_load %arg10[%swap3A_1004] {strides = array<i32>} : memref<512xi32, #tpu.memory_space<vmem>>, vector<16xi32>,
    tpu.vector_store %arg10[%swap3A_1004], %min3A_1003 {strides = array<i32>} : memref<512xi32, #tpu.memory_space<vmem>>, vector<16xi32>,
    %and3A_1006 = arith.constant 127 : i32
    %and3A_1007 = vector.broadcast %and3A_1006 : i32 to vector<16xi32>
    %and3A_1008 = arith.andi %mul3A_989, %and3A_1007 : vector<16xi32>
    %swap3A_1009 = arith.constant 0 : index
    %swap3A_1010 = tpu.vector_load %arg11[%swap3A_1009] {strides = array<i32>} : memref<512xi32, #tpu.memory_space<vmem>>, vector<16xi32>,
    tpu.vector_store %arg11[%swap3A_1009], %and3A_1008 {strides = array<i32>} : memref<512xi32, #tpu.memory_space<vmem>>, vector<16xi32>,
    %get3A_1011 = arith.constant 16 : index
    %get3A_1012 = tpu.vector_load %arg8[%get3A_1011] {strides = array<i32>} : memref<512xi32, #tpu.memory_space<vmem>>, vector<16xi32>,
    %mul3A_1013 = arith.constant 10 : i32
    %mul3A_1014 = vector.broadcast %mul3A_1013 : i32 to vector<16xi32>
    %mul3A_1015 = arith.muli %get3A_1012, %mul3A_1014 : vector<16xi32>
    %shift_right_arithmetic3A_1016 = arith.constant 7 : i32
    %shift_right_arithmetic3A_1017 = vector.broadcast %shift_right_arithmetic3A_1016 : i32 to vector<16xi32>
    %shift_right_arithmetic3A_1018 = arith.shrsi %mul3A_1015, %shift_right_arithmetic3A_1017 : vector<16xi32>
    %swap3A_1019 = arith.constant 16 : index
    %swap3A_1020 = tpu.vector_load %arg9[%swap3A_1019] {strides = array<i32>} : memref<512xi32, #tpu.memory_space<vmem>>, vector<16xi32>,
    tpu.vector_store %arg9[%swap3A_1019], %shift_right_arithmetic3A_1018 {strides = array<i32>} : memref<512xi32, #tpu.memory_space<vmem>>, vector<16xi32>,
    %shift_right_arithmetic3A_1021 = arith.constant 7 : i32
    %shift_right_arithmetic3A_1022 = vector.broadcast %shift_right_arithmetic3A_1021 : i32 to vector<16xi32>
    %shift_right_arithmetic3A_1023 = arith.shrsi %mul3A_1015, %shift_right_arithmetic3A_1022 : vector<16xi32>
    %add3A_1024 = arith.constant 1 : i32
    %add3A_1025 = vector.broadcast %add3A_1024 : i32 to vector<16xi32>
    %add3A_1026 = arith.addi %shift_right_arithmetic3A_1023, %add3A_1025 : vector<16xi32>
    %min3A_1027 = arith.constant 78124 : i32
    %min3A_1028 = vector.broadcast %min3A_1027 : i32 to vector<16xi32>
    %min3A_1029 = arith.minsi %add3A_1026, %min3A_1028 : vector<16xi32>
    %swap3A_1030 = arith.constant 16 : index
    %swap3A_1031 = tpu.vector_load %arg10[%swap3A_1030] {strides = array<i32>} : memref<512xi32, #tpu.memory_space<vmem>>, vector<16xi32>,
    tpu.vector_store %arg10[%swap3A_1030], %min3A_1029 {strides = array<i32>} : memref<512xi32, #tpu.memory_space<vmem>>, vector<16xi32>,
    %and3A_1032 = arith.constant 127 : i32
    %and3A_1033 = vector.broadcast %and3A_1032 : i32 to vector<16xi32>
    %and3A_1034 = arith.andi %mul3A_1015, %and3A_1033 : vector<16xi32>
    %swap3A_1035 = arith.constant 16 : index
    %swap3A_1036 = tpu.vector_load %arg11[%swap3A_1035] {strides = array<i32>} : memref<512xi32, #tpu.memory_space<vmem>>, vector<16xi32>,
    tpu.vector_store %arg11[%swap3A_1035], %and3A_1034 {strides = array<i32>} : memref<512xi32, #tpu.memory_space<vmem>>, vector<16xi32>,
    %get3A_1037 = arith.constant 32 : index
    %get3A_1038 = tpu.vector_load %arg8[%get3A_1037] {strides = array<i32>} : memref<512xi32, #tpu.memory_space<vmem>>, vector<16xi32>,
    %mul3A_1039 = arith.constant 10 : i32
    %mul3A_1040 = vector.broadcast %mul3A_1039 : i32 to vector<16xi32>
    %mul3A_1041 = arith.muli %get3A_1038, %mul3A_1040 : vector<16xi32>
    %shift_right_arithmetic3A_1042 = arith.constant 7 : i32
    %shift_right_arithmetic3A_1043 = vector.broadcast %shift_right_arithmetic3A_1042 : i32 to vector<16xi32>
    %shift_right_arithmetic3A_1044 = arith.shrsi %mul3A_1041, %shift_right_arithmetic3A_1043 : vector<16xi32>
    %swap3A_1045 = arith.constant 32 : index
    %swap3A_1046 = tpu.vector_load %arg9[%swap3A_1045] {strides = array<i32>} : memref<512xi32, #tpu.memory_space<vmem>>, vector<16xi32>,
    tpu.vector_store %arg9[%swap3A_1045], %shift_right_arithmetic3A_1044 {strides = array<i32>} : memref<512xi32, #tpu.memory_space<vmem>>, vector<16xi32>,
    %shift_right_arithmetic3A_1047 = arith.constant 7 : i32
    %shift_right_arithmetic3A_1048 = vector.broadcast %shift_right_arithmetic3A_1047 : i32 to vector<16xi32>
    %shift_right_arithmetic3A_1049 = arith.shrsi %mul3A_1041, %shift_right_arithmetic3A_1048 : vector<16xi32>
    %add3A_1050 = arith.constant 1 : i32
    %add3A_1051 = vector.broadcast %add3A_1050 : i32 to vector<16xi32>
    %add3A_1052 = arith.addi %shift_right_arithmetic3A_1049, %add3A_1051 : vector<16xi32>
    %min3A_1053 = arith.constant 78124 : i32
    %min3A_1054 = vector.broadcast %min3A_1053 : i32 to vector<16xi32>
    %min3A_1055 = arith.minsi %add3A_1052, %min3A_1054 : vector<16xi32>
    %swap3A_1056 = arith.constant 32 : index
    %swap3A_1057 = tpu.vector_load %arg10[%swap3A_1056] {strides = array<i32>} : memref<512xi32, #tpu.memory_space<vmem>>, vector<16xi32>,
    tpu.vector_store %arg10[%swap3A_1056], %min3A_1055 {strides = array<i32>} : memref<512xi32, #tpu.memory_space<vmem>>, vector<16xi32>,
    %and3A_1058 = arith.constant 127 : i32
    %and3A_1059 = vector.broadcast %and3A_1058 : i32 to vector<16xi32>
    %and3A_1060 = arith.andi %mul3A_1041, %and3A_1059 : vector<16xi32>
    %swap3A_1061 = arith.constant 32 : index
    %swap3A_1062 = tpu.vector_load %arg11[%swap3A_1061] {strides = array<i32>} : memref<512xi32, #tpu.memory_space<vmem>>, vector<16xi32>,
    tpu.vector_store %arg11[%swap3A_1061], %and3A_1060 {strides = array<i32>} : memref<512xi32, #tpu.memory_space<vmem>>, vector<16xi32>,
    %get3A_1063 = arith.constant 48 : index
    %get3A_1064 = tpu.vector_load %arg8[%get3A_1063] {strides = array<i32>} : memref<512xi32, #tpu.memory_space<vmem>>, vector<16xi32>,
    %mul3A_1065 = arith.constant 10 : i32
    %mul3A_1066 = vector.broadcast %mul3A_1065 : i32 to vector<16xi32>
    %mul3A_1067 = arith.muli %get3A_1064, %mul3A_1066 : vector<16xi32>
    %shift_right_arithmetic3A_1068 = arith.constant 7 : i32
    %shift_right_arithmetic3A_1069 = vector.broadcast %shift_right_arithmetic3A_1068 : i32 to vector<16xi32>
    %shift_right_arithmetic3A_1070 = arith.shrsi %mul3A_1067, %shift_right_arithmetic3A_1069 : vector<16xi32>
    %swap3A_1071 = arith.constant 48 : index
    %swap3A_1072 = tpu.vector_load %arg9[%swap3A_1071] {strides = array<i32>} : memref<512xi32, #tpu.memory_space<vmem>>, vector<16xi32>,
    tpu.vector_store %arg9[%swap3A_1071], %shift_right_arithmetic3A_1070 {strides = array<i32>} : memref<512xi32, #tpu.memory_space<vmem>>, vector<16xi32>,
    %shift_right_arithmetic3A_1073 = arith.constant 7 : i32
    %shift_right_arithmetic3A_1074 = vector.broadcast %shift_right_arithmetic3A_1073 : i32 to vector<16xi32>
    %shift_right_arithmetic3A_1075 = arith.shrsi %mul3A_1067, %shift_right_arithmetic3A_1074 : vector<16xi32>
    %add3A_1076 = arith.constant 1 : i32
    %add3A_1077 = vector.broadcast %add3A_1076 : i32 to vector<16xi32>
    %add3A_1078 = arith.addi %shift_right_arithmetic3A_1075, %add3A_1077 : vector<16xi32>
    %min3A_1079 = arith.constant 78124 : i32
    %min3A_1080 = vector.broadcast %min3A_1079 : i32 to vector<16xi32>
    %min3A_1081 = arith.minsi %add3A_1078, %min3A_1080 : vector<16xi32>
    %swap3A_1082 = arith.constant 48 : index
    %swap3A_1083 = tpu.vector_load %arg10[%swap3A_1082] {strides = array<i32>} : memref<512xi32, #tpu.memory_space<vmem>>, vector<16xi32>,
    tpu.vector_store %arg10[%swap3A_1082], %min3A_1081 {strides = array<i32>} : memref<512xi32, #tpu.memory_space<vmem>>, vector<16xi32>,
    %and3A_1084 = arith.constant 127 : i32
    %and3A_1085 = vector.broadcast %and3A_1084 : i32 to vector<16xi32>
    %and3A_1086 = arith.andi %mul3A_1067, %and3A_1085 : vector<16xi32>
    %swap3A_1087 = arith.constant 48 : index
    %swap3A_1088 = tpu.vector_load %arg11[%swap3A_1087] {strides = array<i32>} : memref<512xi32, #tpu.memory_space<vmem>>, vector<16xi32>,
    tpu.vector_store %arg11[%swap3A_1087], %and3A_1086 {strides = array<i32>} : memref<512xi32, #tpu.memory_space<vmem>>, vector<16xi32>,
    %get3A_1089 = arith.constant 64 : index
    %get3A_1090 = tpu.vector_load %arg8[%get3A_1089] {strides = array<i32>} : memref<512xi32, #tpu.memory_space<vmem>>, vector<16xi32>,
    %mul3A_1091 = arith.constant 10 : i32
    %mul3A_1092 = vector.broadcast %mul3A_1091 : i32 to vector<16xi32>
    %mul3A_1093 = arith.muli %get3A_1090, %mul3A_1092 : vector<16xi32>
    %shift_right_arithmetic3A_1094 = arith.constant 7 : i32
    %shift_right_arithmetic3A_1095 = vector.broadcast %shift_right_arithmetic3A_1094 : i32 to vector<16xi32>
    %shift_right_arithmetic3A_1096 = arith.shrsi %mul3A_1093, %shift_right_arithmetic3A_1095 : vector<16xi32>
    %swap3A_1097 = arith.constant 64 : index
    %swap3A_1098 = tpu.vector_load %arg9[%swap3A_1097] {strides = array<i32>} : memref<512xi32, #tpu.memory_space<vmem>>, vector<16xi32>,
    tpu.vector_store %arg9[%swap3A_1097], %shift_right_arithmetic3A_1096 {strides = array<i32>} : memref<512xi32, #tpu.memory_space<vmem>>, vector<16xi32>,
    %shift_right_arithmetic3A_1099 = arith.constant 7 : i32
    %shift_right_arithmetic3A_1100 = vector.broadcast %shift_right_arithmetic3A_1099 : i32 to vector<16xi32>
    %shift_right_arithmetic3A_1101 = arith.shrsi %mul3A_1093, %shift_right_arithmetic3A_1100 : vector<16xi32>
    %add3A_1102 = arith.constant 1 : i32
    %add3A_1103 = vector.broadcast %add3A_1102 : i32 to vector<16xi32>
    %add3A_1104 = arith.addi %shift_right_arithmetic3A_1101, %add3A_1103 : vector<16xi32>
    %min3A_1105 = arith.constant 78124 : i32
    %min3A_1106 = vector.broadcast %min3A_1105 : i32 to vector<16xi32>
    %min3A_1107 = arith.minsi %add3A_1104, %min3A_1106 : vector<16xi32>
    %swap3A_1108 = arith.constant 64 : index
    %swap3A_1109 = tpu.vector_load %arg10[%swap3A_1108] {strides = array<i32>} : memref<512xi32, #tpu.memory_space<vmem>>, vector<16xi32>,
    tpu.vector_store %arg10[%swap3A_1108], %min3A_1107 {strides = array<i32>} : memref<512xi32, #tpu.memory_space<vmem>>, vector<16xi32>,
    %and3A_1110 = arith.constant 127 : i32
    %and3A_1111 = vector.broadcast %and3A_1110 : i32 to vector<16xi32>
    %and3A_1112 = arith.andi %mul3A_1093, %and3A_1111 : vector<16xi32>
    %swap3A_1113 = arith.constant 64 : index
    %swap3A_1114 = tpu.vector_load %arg11[%swap3A_1113] {strides = array<i32>} : memref<512xi32, #tpu.memory_space<vmem>>, vector<16xi32>,
    tpu.vector_store %arg11[%swap3A_1113], %and3A_1112 {strides = array<i32>} : memref<512xi32, #tpu.memory_space<vmem>>, vector<16xi32>,
    %get3A_1115 = arith.constant 80 : index
    %get3A_1116 = tpu.vector_load %arg8[%get3A_1115] {strides = array<i32>} : memref<512xi32, #tpu.memory_space<vmem>>, vector<16xi32>,
    %mul3A_1117 = arith.constant 10 : i32
    %mul3A_1118 = vector.broadcast %mul3A_1117 : i32 to vector<16xi32>
    %mul3A_1119 = arith.muli %get3A_1116, %mul3A_1118 : vector<16xi32>
    %shift_right_arithmetic3A_1120 = arith.constant 7 : i32
    %shift_right_arithmetic3A_1121 = vector.broadcast %shift_right_arithmetic3A_1120 : i32 to vector<16xi32>
    %shift_right_arithmetic3A_1122 = arith.shrsi %mul3A_1119, %shift_right_arithmetic3A_1121 : vector<16xi32>
    %swap3A_1123 = arith.constant 80 : index
    %swap3A_1124 = tpu.vector_load %arg9[%swap3A_1123] {strides = array<i32>} : memref<512xi32, #tpu.memory_space<vmem>>, vector<16xi32>,
    tpu.vector_store %arg9[%swap3A_1123], %shift_right_arithmetic3A_1122 {strides = array<i32>} : memref<512xi32, #tpu.memory_space<vmem>>, vector<16xi32>,
    %shift_right_arithmetic3A_1125 = arith.constant 7 : i32
    %shift_right_arithmetic3A_1126 = vector.broadcast %shift_right_arithmetic3A_1125 : i32 to vector<16xi32>
    %shift_right_arithmetic3A_1127 = arith.shrsi %mul3A_1119, %shift_right_arithmetic3A_1126 : vector<16xi32>
    %add3A_1128 = arith.constant 1 : i32
    %add3A_1129 = vector.broadcast %add3A_1128 : i32 to vector<16xi32>
    %add3A_1130 = arith.addi %shift_right_arithmetic3A_1127, %add3A_1129 : vector<16xi32>
    %min3A_1131 = arith.constant 78124 : i32
    %min3A_1132 = vector.broadcast %min3A_1131 : i32 to vector<16xi32>
    %min3A_1133 = arith.minsi %add3A_1130, %min3A_1132 : vector<16xi32>
    %swap3A_1134 = arith.constant 80 : index
    %swap3A_1135 = tpu.vector_load %arg10[%swap3A_1134] {strides = array<i32>} : memref<512xi32, #tpu.memory_space<vmem>>, vector<16xi32>,
    tpu.vector_store %arg10[%swap3A_1134], %min3A_1133 {strides = array<i32>} : memref<512xi32, #tpu.memory_space<vmem>>, vector<16xi32>,
    %and3A_1136 = arith.constant 127 : i32
    %and3A_1137 = vector.broadcast %and3A_1136 : i32 to vector<16xi32>
    %and3A_1138 = arith.andi %mul3A_1119, %and3A_1137 : vector<16xi32>
    %swap3A_1139 = arith.constant 80 : index
    %swap3A_1140 = tpu.vector_load %arg11[%swap3A_1139] {strides = array<i32>} : memref<512xi32, #tpu.memory_space<vmem>>, vector<16xi32>,
    tpu.vector_store %arg11[%swap3A_1139], %and3A_1138 {strides = array<i32>} : memref<512xi32, #tpu.memory_space<vmem>>, vector<16xi32>,
    %get3A_1141 = arith.constant 96 : index
    %get3A_1142 = tpu.vector_load %arg8[%get3A_1141] {strides = array<i32>} : memref<512xi32, #tpu.memory_space<vmem>>, vector<16xi32>,
    %mul3A_1143 = arith.constant 10 : i32
    %mul3A_1144 = vector.broadcast %mul3A_1143 : i32 to vector<16xi32>
    %mul3A_1145 = arith.muli %get3A_1142, %mul3A_1144 : vector<16xi32>
    %shift_right_arithmetic3A_1146 = arith.constant 7 : i32
    %shift_right_arithmetic3A_1147 = vector.broadcast %shift_right_arithmetic3A_1146 : i32 to vector<16xi32>
    %shift_right_arithmetic3A_1148 = arith.shrsi %mul3A_1145, %shift_right_arithmetic3A_1147 : vector<16xi32>
    %swap3A_1149 = arith.constant 96 : index
    %swap3A_1150 = tpu.vector_load %arg9[%swap3A_1149] {strides = array<i32>} : memref<512xi32, #tpu.memory_space<vmem>>, vector<16xi32>,
    tpu.vector_store %arg9[%swap3A_1149], %shift_right_arithmetic3A_1148 {strides = array<i32>} : memref<512xi32, #tpu.memory_space<vmem>>, vector<16xi32>,
    %shift_right_arithmetic3A_1151 = arith.constant 7 : i32
    %shift_right_arithmetic3A_1152 = vector.broadcast %shift_right_arithmetic3A_1151 : i32 to vector<16xi32>
    %shift_right_arithmetic3A_1153 = arith.shrsi %mul3A_1145, %shift_right_arithmetic3A_1152 : vector<16xi32>
    %add3A_1154 = arith.constant 1 : i32
    %add3A_1155 = vector.broadcast %add3A_1154 : i32 to vector<16xi32>
    %add3A_1156 = arith.addi %shift_right_arithmetic3A_1153, %add3A_1155 : vector<16xi32>
    %min3A_1157 = arith.constant 78124 : i32
    %min3A_1158 = vector.broadcast %min3A_1157 : i32 to vector<16xi32>
    %min3A_1159 = arith.minsi %add3A_1156, %min3A_1158 : vector<16xi32>
    %swap3A_1160 = arith.constant 96 : index
    %swap3A_1161 = tpu.vector_load %arg10[%swap3A_1160] {strides = array<i32>} : memref<512xi32, #tpu.memory_space<vmem>>, vector<16xi32>,
    tpu.vector_store %arg10[%swap3A_1160], %min3A_1159 {strides = array<i32>} : memref<512xi32, #tpu.memory_space<vmem>>, vector<16xi32>,
    %and3A_1162 = arith.constant 127 : i32
    %and3A_1163 = vector.broadcast %and3A_1162 : i32 to vector<16xi32>
    %and3A_1164 = arith.andi %mul3A_1145, %and3A_1163 : vector<16xi32>
    %swap3A_1165 = arith.constant 96 : index
    %swap3A_1166 = tpu.vector_load %arg11[%swap3A_1165] {strides = array<i32>} : memref<512xi32, #tpu.memory_space<vmem>>, vector<16xi32>,
    tpu.vector_store %arg11[%swap3A_1165], %and3A_1164 {strides = array<i32>} : memref<512xi32, #tpu.memory_space<vmem>>, vector<16xi32>,
    %get3A_1167 = arith.constant 112 : index
    %get3A_1168 = tpu.vector_load %arg8[%get3A_1167] {strides = array<i32>} : memref<512xi32, #tpu.memory_space<vmem>>, vector<16xi32>,
    %mul3A_1169 = arith.constant 10 : i32
    %mul3A_1170 = vector.broadcast %mul3A_1169 : i32 to vector<16xi32>
    %mul3A_1171 = arith.muli %get3A_1168, %mul3A_1170 : vector<16xi32>
    %shift_right_arithmetic3A_1172 = arith.constant 7 : i32
    %shift_right_arithmetic3A_1173 = vector.broadcast %shift_right_arithmetic3A_1172 : i32 to vector<16xi32>
    %shift_right_arithmetic3A_1174 = arith.shrsi %mul3A_1171, %shift_right_arithmetic3A_1173 : vector<16xi32>
    %swap3A_1175 = arith.constant 112 : index
    %swap3A_1176 = tpu.vector_load %arg9[%swap3A_1175] {strides = array<i32>} : memref<512xi32, #tpu.memory_space<vmem>>, vector<16xi32>,
    tpu.vector_store %arg9[%swap3A_1175], %shift_right_arithmetic3A_1174 {strides = array<i32>} : memref<512xi32, #tpu.memory_space<vmem>>, vector<16xi32>,
    %shift_right_arithmetic3A_1177 = arith.constant 7 : i32
    %shift_right_arithmetic3A_1178 = vector.broadcast %shift_right_arithmetic3A_1177 : i32 to vector<16xi32>
    %shift_right_arithmetic3A_1179 = arith.shrsi %mul3A_1171, %shift_right_arithmetic3A_1178 : vector<16xi32>
    %add3A_1180 = arith.constant 1 : i32
    %add3A_1181 = vector.broadcast %add3A_1180 : i32 to vector<16xi32>
    %add3A_1182 = arith.addi %shift_right_arithmetic3A_1179, %add3A_1181 : vector<16xi32>
    %min3A_1183 = arith.constant 78124 : i32
    %min3A_1184 = vector.broadcast %min3A_1183 : i32 to vector<16xi32>
    %min3A_1185 = arith.minsi %add3A_1182, %min3A_1184 : vector<16xi32>
    %swap3A_1186 = arith.constant 112 : index
    %swap3A_1187 = tpu.vector_load %arg10[%swap3A_1186] {strides = array<i32>} : memref<512xi32, #tpu.memory_space<vmem>>, vector<16xi32>,
    tpu.vector_store %arg10[%swap3A_1186], %min3A_1185 {strides = array<i32>} : memref<512xi32, #tpu.memory_space<vmem>>, vector<16xi32>,
    %and3A_1188 = arith.constant 127 : i32
    %and3A_1189 = vector.broadcast %and3A_1188 : i32 to vector<16xi32>
    %and3A_1190 = arith.andi %mul3A_1171, %and3A_1189 : vector<16xi32>
    %swap3A_1191 = arith.constant 112 : index
    %swap3A_1192 = tpu.vector_load %arg11[%swap3A_1191] {strides = array<i32>} : memref<512xi32, #tpu.memory_space<vmem>>, vector<16xi32>,
    tpu.vector_store %arg11[%swap3A_1191], %and3A_1190 {strides = array<i32>} : memref<512xi32, #tpu.memory_space<vmem>>, vector<16xi32>,
    %get3A_1193 = arith.constant 128 : index
    %get3A_1194 = tpu.vector_load %arg8[%get3A_1193] {strides = array<i32>} : memref<512xi32, #tpu.memory_space<vmem>>, vector<16xi32>,
    %mul3A_1195 = arith.constant 10 : i32
    %mul3A_1196 = vector.broadcast %mul3A_1195 : i32 to vector<16xi32>
    %mul3A_1197 = arith.muli %get3A_1194, %mul3A_1196 : vector<16xi32>
    %shift_right_arithmetic3A_1198 = arith.constant 7 : i32
    %shift_right_arithmetic3A_1199 = vector.broadcast %shift_right_arithmetic3A_1198 : i32 to vector<16xi32>
    %shift_right_arithmetic3A_1200 = arith.shrsi %mul3A_1197, %shift_right_arithmetic3A_1199 : vector<16xi32>
    %swap3A_1201 = arith.constant 128 : index
    %swap3A_1202 = tpu.vector_load %arg9[%swap3A_1201] {strides = array<i32>} : memref<512xi32, #tpu.memory_space<vmem>>, vector<16xi32>,
    tpu.vector_store %arg9[%swap3A_1201], %shift_right_arithmetic3A_1200 {strides = array<i32>} : memref<512xi32, #tpu.memory_space<vmem>>, vector<16xi32>,
    %shift_right_arithmetic3A_1203 = arith.constant 7 : i32
    %shift_right_arithmetic3A_1204 = vector.broadcast %shift_right_arithmetic3A_1203 : i32 to vector<16xi32>
    %shift_right_arithmetic3A_1205 = arith.shrsi %mul3A_1197, %shift_right_arithmetic3A_1204 : vector<16xi32>
    %add3A_1206 = arith.constant 1 : i32
    %add3A_1207 = vector.broadcast %add3A_1206 : i32 to vector<16xi32>
    %add3A_1208 = arith.addi %shift_right_arithmetic3A_1205, %add3A_1207 : vector<16xi32>
    %min3A_1209 = arith.constant 78124 : i32
    %min3A_1210 = vector.broadcast %min3A_1209 : i32 to vector<16xi32>
    %min3A_1211 = arith.minsi %add3A_1208, %min3A_1210 : vector<16xi32>
    %swap3A_1212 = arith.constant 128 : index
    %swap3A_1213 = tpu.vector_load %arg10[%swap3A_1212] {strides = array<i32>} : memref<512xi32, #tpu.memory_space<vmem>>, vector<16xi32>,
    tpu.vector_store %arg10[%swap3A_1212], %min3A_1211 {strides = array<i32>} : memref<512xi32, #tpu.memory_space<vmem>>, vector<16xi32>,
    %and3A_1214 = arith.constant 127 : i32
    %and3A_1215 = vector.broadcast %and3A_1214 : i32 to vector<16xi32>
    %and3A_1216 = arith.andi %mul3A_1197, %and3A_1215 : vector<16xi32>
    %swap3A_1217 = arith.constant 128 : index
    %swap3A_1218 = tpu.vector_load %arg11[%swap3A_1217] {strides = array<i32>} : memref<512xi32, #tpu.memory_space<vmem>>, vector<16xi32>,
    tpu.vector_store %arg11[%swap3A_1217], %and3A_1216 {strides = array<i32>} : memref<512xi32, #tpu.memory_space<vmem>>, vector<16xi32>,
    %get3A_1219 = arith.constant 144 : index
    %get3A_1220 = tpu.vector_load %arg8[%get3A_1219] {strides = array<i32>} : memref<512xi32, #tpu.memory_space<vmem>>, vector<16xi32>,
    %mul3A_1221 = arith.constant 10 : i32
    %mul3A_1222 = vector.broadcast %mul3A_1221 : i32 to vector<16xi32>
    %mul3A_1223 = arith.muli %get3A_1220, %mul3A_1222 : vector<16xi32>
    %shift_right_arithmetic3A_1224 = arith.constant 7 : i32
    %shift_right_arithmetic3A_1225 = vector.broadcast %shift_right_arithmetic3A_1224 : i32 to vector<16xi32>
    %shift_right_arithmetic3A_1226 = arith.shrsi %mul3A_1223, %shift_right_arithmetic3A_1225 : vector<16xi32>
    %swap3A_1227 = arith.constant 144 : index
    %swap3A_1228 = tpu.vector_load %arg9[%swap3A_1227] {strides = array<i32>} : memref<512xi32, #tpu.memory_space<vmem>>, vector<16xi32>,
    tpu.vector_store %arg9[%swap3A_1227], %shift_right_arithmetic3A_1226 {strides = array<i32>} : memref<512xi32, #tpu.memory_space<vmem>>, vector<16xi32>,
    %shift_right_arithmetic3A_1229 = arith.constant 7 : i32
    %shift_right_arithmetic3A_1230 = vector.broadcast %shift_right_arithmetic3A_1229 : i32 to vector<16xi32>
    %shift_right_arithmetic3A_1231 = arith.shrsi %mul3A_1223, %shift_right_arithmetic3A_1230 : vector<16xi32>
    %add3A_1232 = arith.constant 1 : i32
    %add3A_1233 = vector.broadcast %add3A_1232 : i32 to vector<16xi32>
    %add3A_1234 = arith.addi %shift_right_arithmetic3A_1231, %add3A_1233 : vector<16xi32>
    %min3A_1235 = arith.constant 78124 : i32
    %min3A_1236 = vector.broadcast %min3A_1235 : i32 to vector<16xi32>
    %min3A_1237 = arith.minsi %add3A_1234, %min3A_1236 : vector<16xi32>
    %swap3A_1238 = arith.constant 144 : index
    %swap3A_1239 = tpu.vector_load %arg10[%swap3A_1238] {strides = array<i32>} : memref<512xi32, #tpu.memory_space<vmem>>, vector<16xi32>,
    tpu.vector_store %arg10[%swap3A_1238], %min3A_1237 {strides = array<i32>} : memref<512xi32, #tpu.memory_space<vmem>>, vector<16xi32>,
    %and3A_1240 = arith.constant 127 : i32
    %and3A_1241 = vector.broadcast %and3A_1240 : i32 to vector<16xi32>
    %and3A_1242 = arith.andi %mul3A_1223, %and3A_1241 : vector<16xi32>
    %swap3A_1243 = arith.constant 144 : index
    %swap3A_1244 = tpu.vector_load %arg11[%swap3A_1243] {strides = array<i32>} : memref<512xi32, #tpu.memory_space<vmem>>, vector<16xi32>,
    tpu.vector_store %arg11[%swap3A_1243], %and3A_1242 {strides = array<i32>} : memref<512xi32, #tpu.memory_space<vmem>>, vector<16xi32>,
    %get3A_1245 = arith.constant 160 : index
    %get3A_1246 = tpu.vector_load %arg8[%get3A_1245] {strides = array<i32>} : memref<512xi32, #tpu.memory_space<vmem>>, vector<16xi32>,
    %mul3A_1247 = arith.constant 10 : i32
    %mul3A_1248 = vector.broadcast %mul3A_1247 : i32 to vector<16xi32>
    %mul3A_1249 = arith.muli %get3A_1246, %mul3A_1248 : vector<16xi32>
    %shift_right_arithmetic3A_1250 = arith.constant 7 : i32
    %shift_right_arithmetic3A_1251 = vector.broadcast %shift_right_arithmetic3A_1250 : i32 to vector<16xi32>
    %shift_right_arithmetic3A_1252 = arith.shrsi %mul3A_1249, %shift_right_arithmetic3A_1251 : vector<16xi32>
    %swap3A_1253 = arith.constant 160 : index
    %swap3A_1254 = tpu.vector_load %arg9[%swap3A_1253] {strides = array<i32>} : memref<512xi32, #tpu.memory_space<vmem>>, vector<16xi32>,
    tpu.vector_store %arg9[%swap3A_1253], %shift_right_arithmetic3A_1252 {strides = array<i32>} : memref<512xi32, #tpu.memory_space<vmem>>, vector<16xi32>,
    %shift_right_arithmetic3A_1255 = arith.constant 7 : i32
    %shift_right_arithmetic3A_1256 = vector.broadcast %shift_right_arithmetic3A_1255 : i32 to vector<16xi32>
    %shift_right_arithmetic3A_1257 = arith.shrsi %mul3A_1249, %shift_right_arithmetic3A_1256 : vector<16xi32>
    %add3A_1258 = arith.constant 1 : i32
    %add3A_1259 = vector.broadcast %add3A_1258 : i32 to vector<16xi32>
    %add3A_1260 = arith.addi %shift_right_arithmetic3A_1257, %add3A_1259 : vector<16xi32>
    %min3A_1261 = arith.constant 78124 : i32
    %min3A_1262 = vector.broadcast %min3A_1261 : i32 to vector<16xi32>
    %min3A_1263 = arith.minsi %add3A_1260, %min3A_1262 : vector<16xi32>
    %swap3A_1264 = arith.constant 160 : index
    %swap3A_1265 = tpu.vector_load %arg10[%swap3A_1264] {strides = array<i32>} : memref<512xi32, #tpu.memory_space<vmem>>, vector<16xi32>,
    tpu.vector_store %arg10[%swap3A_1264], %min3A_1263 {strides = array<i32>} : memref<512xi32, #tpu.memory_space<vmem>>, vector<16xi32>,
    %and3A_1266 = arith.constant 127 : i32
    %and3A_1267 = vector.broadcast %and3A_1266 : i32 to vector<16xi32>
    %and3A_1268 = arith.andi %mul3A_1249, %and3A_1267 : vector<16xi32>
    %swap3A_1269 = arith.constant 160 : index
    %swap3A_1270 = tpu.vector_load %arg11[%swap3A_1269] {strides = array<i32>} : memref<512xi32, #tpu.memory_space<vmem>>, vector<16xi32>,
    tpu.vector_store %arg11[%swap3A_1269], %and3A_1268 {strides = array<i32>} : memref<512xi32, #tpu.memory_space<vmem>>, vector<16xi32>,
    %get3A_1271 = arith.constant 176 : index
    %get3A_1272 = tpu.vector_load %arg8[%get3A_1271] {strides = array<i32>} : memref<512xi32, #tpu.memory_space<vmem>>, vector<16xi32>,
    %mul3A_1273 = arith.constant 10 : i32
    %mul3A_1274 = vector.broadcast %mul3A_1273 : i32 to vector<16xi32>
    %mul3A_1275 = arith.muli %get3A_1272, %mul3A_1274 : vector<16xi32>
    %shift_right_arithmetic3A_1276 = arith.constant 7 : i32
    %shift_right_arithmetic3A_1277 = vector.broadcast %shift_right_arithmetic3A_1276 : i32 to vector<16xi32>
    %shift_right_arithmetic3A_1278 = arith.shrsi %mul3A_1275, %shift_right_arithmetic3A_1277 : vector<16xi32>
    %swap3A_1279 = arith.constant 176 : index
    %swap3A_1280 = tpu.vector_load %arg9[%swap3A_1279] {strides = array<i32>} : memref<512xi32, #tpu.memory_space<vmem>>, vector<16xi32>,
    tpu.vector_store %arg9[%swap3A_1279], %shift_right_arithmetic3A_1278 {strides = array<i32>} : memref<512xi32, #tpu.memory_space<vmem>>, vector<16xi32>,
    %shift_right_arithmetic3A_1281 = arith.constant 7 : i32
    %shift_right_arithmetic3A_1282 = vector.broadcast %shift_right_arithmetic3A_1281 : i32 to vector<16xi32>
    %shift_right_arithmetic3A_1283 = arith.shrsi %mul3A_1275, %shift_right_arithmetic3A_1282 : vector<16xi32>
    %add3A_1284 = arith.constant 1 : i32
    %add3A_1285 = vector.broadcast %add3A_1284 : i32 to vector<16xi32>
    %add3A_1286 = arith.addi %shift_right_arithmetic3A_1283, %add3A_1285 : vector<16xi32>
    %min3A_1287 = arith.constant 78124 : i32
    %min3A_1288 = vector.broadcast %min3A_1287 : i32 to vector<16xi32>
    %min3A_1289 = arith.minsi %add3A_1286, %min3A_1288 : vector<16xi32>
    %swap3A_1290 = arith.constant 176 : index
    %swap3A_1291 = tpu.vector_load %arg10[%swap3A_1290] {strides = array<i32>} : memref<512xi32, #tpu.memory_space<vmem>>, vector<16xi32>,
    tpu.vector_store %arg10[%swap3A_1290], %min3A_1289 {strides = array<i32>} : memref<512xi32, #tpu.memory_space<vmem>>, vector<16xi32>,
    %and3A_1292 = arith.constant 127 : i32
    %and3A_1293 = vector.broadcast %and3A_1292 : i32 to vector<16xi32>
    %and3A_1294 = arith.andi %mul3A_1275, %and3A_1293 : vector<16xi32>
    %swap3A_1295 = arith.constant 176 : index
    %swap3A_1296 = tpu.vector_load %arg11[%swap3A_1295] {strides = array<i32>} : memref<512xi32, #tpu.memory_space<vmem>>, vector<16xi32>,
    tpu.vector_store %arg11[%swap3A_1295], %and3A_1294 {strides = array<i32>} : memref<512xi32, #tpu.memory_space<vmem>>, vector<16xi32>,
    %get3A_1297 = arith.constant 192 : index
    %get3A_1298 = tpu.vector_load %arg8[%get3A_1297] {strides = array<i32>} : memref<512xi32, #tpu.memory_space<vmem>>, vector<16xi32>,
    %mul3A_1299 = arith.constant 10 : i32
    %mul3A_1300 = vector.broadcast %mul3A_1299 : i32 to vector<16xi32>
    %mul3A_1301 = arith.muli %get3A_1298, %mul3A_1300 : vector<16xi32>
    %shift_right_arithmetic3A_1302 = arith.constant 7 : i32
    %shift_right_arithmetic3A_1303 = vector.broadcast %shift_right_arithmetic3A_1302 : i32 to vector<16xi32>
    %shift_right_arithmetic3A_1304 = arith.shrsi %mul3A_1301, %shift_right_arithmetic3A_1303 : vector<16xi32>
    %swap3A_1305 = arith.constant 192 : index
    %swap3A_1306 = tpu.vector_load %arg9[%swap3A_1305] {strides = array<i32>} : memref<512xi32, #tpu.memory_space<vmem>>, vector<16xi32>,
    tpu.vector_store %arg9[%swap3A_1305], %shift_right_arithmetic3A_1304 {strides = array<i32>} : memref<512xi32, #tpu.memory_space<vmem>>, vector<16xi32>,
    %shift_right_arithmetic3A_1307 = arith.constant 7 : i32
    %shift_right_arithmetic3A_1308 = vector.broadcast %shift_right_arithmetic3A_1307 : i32 to vector<16xi32>
    %shift_right_arithmetic3A_1309 = arith.shrsi %mul3A_1301, %shift_right_arithmetic3A_1308 : vector<16xi32>
    %add3A_1310 = arith.constant 1 : i32
    %add3A_1311 = vector.broadcast %add3A_1310 : i32 to vector<16xi32>
    %add3A_1312 = arith.addi %shift_right_arithmetic3A_1309, %add3A_1311 : vector<16xi32>
    %min3A_1313 = arith.constant 78124 : i32
    %min3A_1314 = vector.broadcast %min3A_1313 : i32 to vector<16xi32>
    %min3A_1315 = arith.minsi %add3A_1312, %min3A_1314 : vector<16xi32>
    %swap3A_1316 = arith.constant 192 : index
    %swap3A_1317 = tpu.vector_load %arg10[%swap3A_1316] {strides = array<i32>} : memref<512xi32, #tpu.memory_space<vmem>>, vector<16xi32>,
    tpu.vector_store %arg10[%swap3A_1316], %min3A_1315 {strides = array<i32>} : memref<512xi32, #tpu.memory_space<vmem>>, vector<16xi32>,
    %and3A_1318 = arith.constant 127 : i32
    %and3A_1319 = vector.broadcast %and3A_1318 : i32 to vector<16xi32>
    %and3A_1320 = arith.andi %mul3A_1301, %and3A_1319 : vector<16xi32>
    %swap3A_1321 = arith.constant 192 : index
    %swap3A_1322 = tpu.vector_load %arg11[%swap3A_1321] {strides = array<i32>} : memref<512xi32, #tpu.memory_space<vmem>>, vector<16xi32>,
    tpu.vector_store %arg11[%swap3A_1321], %and3A_1320 {strides = array<i32>} : memref<512xi32, #tpu.memory_space<vmem>>, vector<16xi32>,
    %get3A_1323 = arith.constant 208 : index
    %get3A_1324 = tpu.vector_load %arg8[%get3A_1323] {strides = array<i32>} : memref<512xi32, #tpu.memory_space<vmem>>, vector<16xi32>,
    %mul3A_1325 = arith.constant 10 : i32
    %mul3A_1326 = vector.broadcast %mul3A_1325 : i32 to vector<16xi32>
    %mul3A_1327 = arith.muli %get3A_1324, %mul3A_1326 : vector<16xi32>
    %shift_right_arithmetic3A_1328 = arith.constant 7 : i32
    %shift_right_arithmetic3A_1329 = vector.broadcast %shift_right_arithmetic3A_1328 : i32 to vector<16xi32>
    %shift_right_arithmetic3A_1330 = arith.shrsi %mul3A_1327, %shift_right_arithmetic3A_1329 : vector<16xi32>
    %swap3A_1331 = arith.constant 208 : index
    %swap3A_1332 = tpu.vector_load %arg9[%swap3A_1331] {strides = array<i32>} : memref<512xi32, #tpu.memory_space<vmem>>, vector<16xi32>,
    tpu.vector_store %arg9[%swap3A_1331], %shift_right_arithmetic3A_1330 {strides = array<i32>} : memref<512xi32, #tpu.memory_space<vmem>>, vector<16xi32>,
    %shift_right_arithmetic3A_1333 = arith.constant 7 : i32
    %shift_right_arithmetic3A_1334 = vector.broadcast %shift_right_arithmetic3A_1333 : i32 to vector<16xi32>
    %shift_right_arithmetic3A_1335 = arith.shrsi %mul3A_1327, %shift_right_arithmetic3A_1334 : vector<16xi32>
    %add3A_1336 = arith.constant 1 : i32
    %add3A_1337 = vector.broadcast %add3A_1336 : i32 to vector<16xi32>
    %add3A_1338 = arith.addi %shift_right_arithmetic3A_1335, %add3A_1337 : vector<16xi32>
    %min3A_1339 = arith.constant 78124 : i32
    %min3A_1340 = vector.broadcast %min3A_1339 : i32 to vector<16xi32>
    %min3A_1341 = arith.minsi %add3A_1338, %min3A_1340 : vector<16xi32>
    %swap3A_1342 = arith.constant 208 : index
    %swap3A_1343 = tpu.vector_load %arg10[%swap3A_1342] {strides = array<i32>} : memref<512xi32, #tpu.memory_space<vmem>>, vector<16xi32>,
    tpu.vector_store %arg10[%swap3A_1342], %min3A_1341 {strides = array<i32>} : memref<512xi32, #tpu.memory_space<vmem>>, vector<16xi32>,
    %and3A_1344 = arith.constant 127 : i32
    %and3A_1345 = vector.broadcast %and3A_1344 : i32 to vector<16xi32>
    %and3A_1346 = arith.andi %mul3A_1327, %and3A_1345 : vector<16xi32>
    %swap3A_1347 = arith.constant 208 : index
    %swap3A_1348 = tpu.vector_load %arg11[%swap3A_1347] {strides = array<i32>} : memref<512xi32, #tpu.memory_space<vmem>>, vector<16xi32>,
    tpu.vector_store %arg11[%swap3A_1347], %and3A_1346 {strides = array<i32>} : memref<512xi32, #tpu.memory_space<vmem>>, vector<16xi32>,
    %get3A_1349 = arith.constant 224 : index
    %get3A_1350 = tpu.vector_load %arg8[%get3A_1349] {strides = array<i32>} : memref<512xi32, #tpu.memory_space<vmem>>, vector<16xi32>,
    %mul3A_1351 = arith.constant 10 : i32
    %mul3A_1352 = vector.broadcast %mul3A_1351 : i32 to vector<16xi32>
    %mul3A_1353 = arith.muli %get3A_1350, %mul3A_1352 : vector<16xi32>
    %shift_right_arithmetic3A_1354 = arith.constant 7 : i32
    %shift_right_arithmetic3A_1355 = vector.broadcast %shift_right_arithmetic3A_1354 : i32 to vector<16xi32>
    %shift_right_arithmetic3A_1356 = arith.shrsi %mul3A_1353, %shift_right_arithmetic3A_1355 : vector<16xi32>
    %swap3A_1357 = arith.constant 224 : index
    %swap3A_1358 = tpu.vector_load %arg9[%swap3A_1357] {strides = array<i32>} : memref<512xi32, #tpu.memory_space<vmem>>, vector<16xi32>,
    tpu.vector_store %arg9[%swap3A_1357], %shift_right_arithmetic3A_1356 {strides = array<i32>} : memref<512xi32, #tpu.memory_space<vmem>>, vector<16xi32>,
    %shift_right_arithmetic3A_1359 = arith.constant 7 : i32
    %shift_right_arithmetic3A_1360 = vector.broadcast %shift_right_arithmetic3A_1359 : i32 to vector<16xi32>
    %shift_right_arithmetic3A_1361 = arith.shrsi %mul3A_1353, %shift_right_arithmetic3A_1360 : vector<16xi32>
    %add3A_1362 = arith.constant 1 : i32
    %add3A_1363 = vector.broadcast %add3A_1362 : i32 to vector<16xi32>
    %add3A_1364 = arith.addi %shift_right_arithmetic3A_1361, %add3A_1363 : vector<16xi32>
    %min3A_1365 = arith.constant 78124 : i32
    %min3A_1366 = vector.broadcast %min3A_1365 : i32 to vector<16xi32>
    %min3A_1367 = arith.minsi %add3A_1364, %min3A_1366 : vector<16xi32>
    %swap3A_1368 = arith.constant 224 : index
    %swap3A_1369 = tpu.vector_load %arg10[%swap3A_1368] {strides = array<i32>} : memref<512xi32, #tpu.memory_space<vmem>>, vector<16xi32>,
    tpu.vector_store %arg10[%swap3A_1368], %min3A_1367 {strides = array<i32>} : memref<512xi32, #tpu.memory_space<vmem>>, vector<16xi32>,
    %and3A_1370 = arith.constant 127 : i32
    %and3A_1371 = vector.broadcast %and3A_1370 : i32 to vector<16xi32>
    %and3A_1372 = arith.andi %mul3A_1353, %and3A_1371 : vector<16xi32>
    %swap3A_1373 = arith.constant 224 : index
    %swap3A_1374 = tpu.vector_load %arg11[%swap3A_1373] {strides = array<i32>} : memref<512xi32, #tpu.memory_space<vmem>>, vector<16xi32>,
    tpu.vector_store %arg11[%swap3A_1373], %and3A_1372 {strides = array<i32>} : memref<512xi32, #tpu.memory_space<vmem>>, vector<16xi32>,
    %get3A_1375 = arith.constant 240 : index
    %get3A_1376 = tpu.vector_load %arg8[%get3A_1375] {strides = array<i32>} : memref<512xi32, #tpu.memory_space<vmem>>, vector<16xi32>,
    %mul3A_1377 = arith.constant 10 : i32
    %mul3A_1378 = vector.broadcast %mul3A_1377 : i32 to vector<16xi32>
    %mul3A_1379 = arith.muli %get3A_1376, %mul3A_1378 : vector<16xi32>
    %shift_right_arithmetic3A_1380 = arith.constant 7 : i32
    %shift_right_arithmetic3A_1381 = vector.broadcast %shift_right_arithmetic3A_1380 : i32 to vector<16xi32>
    %shift_right_arithmetic3A_1382 = arith.shrsi %mul3A_1379, %shift_right_arithmetic3A_1381 : vector<16xi32>
    %swap3A_1383 = arith.constant 240 : index
    %swap3A_1384 = tpu.vector_load %arg9[%swap3A_1383] {strides = array<i32>} : memref<512xi32, #tpu.memory_space<vmem>>, vector<16xi32>,
    tpu.vector_store %arg9[%swap3A_1383], %shift_right_arithmetic3A_1382 {strides = array<i32>} : memref<512xi32, #tpu.memory_space<vmem>>, vector<16xi32>,
    %shift_right_arithmetic3A_1385 = arith.constant 7 : i32
    %shift_right_arithmetic3A_1386 = vector.broadcast %shift_right_arithmetic3A_1385 : i32 to vector<16xi32>
    %shift_right_arithmetic3A_1387 = arith.shrsi %mul3A_1379, %shift_right_arithmetic3A_1386 : vector<16xi32>
    %add3A_1388 = arith.constant 1 : i32
    %add3A_1389 = vector.broadcast %add3A_1388 : i32 to vector<16xi32>
    %add3A_1390 = arith.addi %shift_right_arithmetic3A_1387, %add3A_1389 : vector<16xi32>
    %min3A_1391 = arith.constant 78124 : i32
    %min3A_1392 = vector.broadcast %min3A_1391 : i32 to vector<16xi32>
    %min3A_1393 = arith.minsi %add3A_1390, %min3A_1392 : vector<16xi32>
    %swap3A_1394 = arith.constant 240 : index
    %swap3A_1395 = tpu.vector_load %arg10[%swap3A_1394] {strides = array<i32>} : memref<512xi32, #tpu.memory_space<vmem>>, vector<16xi32>,
    tpu.vector_store %arg10[%swap3A_1394], %min3A_1393 {strides = array<i32>} : memref<512xi32, #tpu.memory_space<vmem>>, vector<16xi32>,
    %and3A_1396 = arith.constant 127 : i32
    %and3A_1397 = vector.broadcast %and3A_1396 : i32 to vector<16xi32>
    %and3A_1398 = arith.andi %mul3A_1379, %and3A_1397 : vector<16xi32>
    %swap3A_1399 = arith.constant 240 : index
    %swap3A_1400 = tpu.vector_load %arg11[%swap3A_1399] {strides = array<i32>} : memref<512xi32, #tpu.memory_space<vmem>>, vector<16xi32>,
    tpu.vector_store %arg11[%swap3A_1399], %and3A_1398 {strides = array<i32>} : memref<512xi32, #tpu.memory_space<vmem>>, vector<16xi32>,
    %get3A_1401 = arith.constant 256 : index
    %get3A_1402 = tpu.vector_load %arg8[%get3A_1401] {strides = array<i32>} : memref<512xi32, #tpu.memory_space<vmem>>, vector<16xi32>,
    %mul3A_1403 = arith.constant 10 : i32
    %mul3A_1404 = vector.broadcast %mul3A_1403 : i32 to vector<16xi32>
    %mul3A_1405 = arith.muli %get3A_1402, %mul3A_1404 : vector<16xi32>
    %shift_right_arithmetic3A_1406 = arith.constant 7 : i32
    %shift_right_arithmetic3A_1407 = vector.broadcast %shift_right_arithmetic3A_1406 : i32 to vector<16xi32>
    %shift_right_arithmetic3A_1408 = arith.shrsi %mul3A_1405, %shift_right_arithmetic3A_1407 : vector<16xi32>
    %swap3A_1409 = arith.constant 256 : index
    %swap3A_1410 = tpu.vector_load %arg9[%swap3A_1409] {strides = array<i32>} : memref<512xi32, #tpu.memory_space<vmem>>, vector<16xi32>,
    tpu.vector_store %arg9[%swap3A_1409], %shift_right_arithmetic3A_1408 {strides = array<i32>} : memref<512xi32, #tpu.memory_space<vmem>>, vector<16xi32>,
    %shift_right_arithmetic3A_1411 = arith.constant 7 : i32
    %shift_right_arithmetic3A_1412 = vector.broadcast %shift_right_arithmetic3A_1411 : i32 to vector<16xi32>
    %shift_right_arithmetic3A_1413 = arith.shrsi %mul3A_1405, %shift_right_arithmetic3A_1412 : vector<16xi32>
    %add3A_1414 = arith.constant 1 : i32
    %add3A_1415 = vector.broadcast %add3A_1414 : i32 to vector<16xi32>
    %add3A_1416 = arith.addi %shift_right_arithmetic3A_1413, %add3A_1415 : vector<16xi32>
    %min3A_1417 = arith.constant 78124 : i32
    %min3A_1418 = vector.broadcast %min3A_1417 : i32 to vector<16xi32>
    %min3A_1419 = arith.minsi %add3A_1416, %min3A_1418 : vector<16xi32>
    %swap3A_1420 = arith.constant 256 : index
    %swap3A_1421 = tpu.vector_load %arg10[%swap3A_1420] {strides = array<i32>} : memref<512xi32, #tpu.memory_space<vmem>>, vector<16xi32>,
    tpu.vector_store %arg10[%swap3A_1420], %min3A_1419 {strides = array<i32>} : memref<512xi32, #tpu.memory_space<vmem>>, vector<16xi32>,
    %and3A_1422 = arith.constant 127 : i32
    %and3A_1423 = vector.broadcast %and3A_1422 : i32 to vector<16xi32>
    %and3A_1424 = arith.andi %mul3A_1405, %and3A_1423 : vector<16xi32>
    %swap3A_1425 = arith.constant 256 : index
    %swap3A_1426 = tpu.vector_load %arg11[%swap3A_1425] {strides = array<i32>} : memref<512xi32, #tpu.memory_space<vmem>>, vector<16xi32>,
    tpu.vector_store %arg11[%swap3A_1425], %and3A_1424 {strides = array<i32>} : memref<512xi32, #tpu.memory_space<vmem>>, vector<16xi32>,
    %get3A_1427 = arith.constant 272 : index
    %get3A_1428 = tpu.vector_load %arg8[%get3A_1427] {strides = array<i32>} : memref<512xi32, #tpu.memory_space<vmem>>, vector<16xi32>,
    %mul3A_1429 = arith.constant 10 : i32
    %mul3A_1430 = vector.broadcast %mul3A_1429 : i32 to vector<16xi32>
    %mul3A_1431 = arith.muli %get3A_1428, %mul3A_1430 : vector<16xi32>
    %shift_right_arithmetic3A_1432 = arith.constant 7 : i32
    %shift_right_arithmetic3A_1433 = vector.broadcast %shift_right_arithmetic3A_1432 : i32 to vector<16xi32>
    %shift_right_arithmetic3A_1434 = arith.shrsi %mul3A_1431, %shift_right_arithmetic3A_1433 : vector<16xi32>
    %swap3A_1435 = arith.constant 272 : index
    %swap3A_1436 = tpu.vector_load %arg9[%swap3A_1435] {strides = array<i32>} : memref<512xi32, #tpu.memory_space<vmem>>, vector<16xi32>,
    tpu.vector_store %arg9[%swap3A_1435], %shift_right_arithmetic3A_1434 {strides = array<i32>} : memref<512xi32, #tpu.memory_space<vmem>>, vector<16xi32>,
    %shift_right_arithmetic3A_1437 = arith.constant 7 : i32
    %shift_right_arithmetic3A_1438 = vector.broadcast %shift_right_arithmetic3A_1437 : i32 to vector<16xi32>
    %shift_right_arithmetic3A_1439 = arith.shrsi %mul3A_1431, %shift_right_arithmetic3A_1438 : vector<16xi32>
    %add3A_1440 = arith.constant 1 : i32
    %add3A_1441 = vector.broadcast %add3A_1440 : i32 to vector<16xi32>
    %add3A_1442 = arith.addi %shift_right_arithmetic3A_1439, %add3A_1441 : vector<16xi32>
    %min3A_1443 = arith.constant 78124 : i32
    %min3A_1444 = vector.broadcast %min3A_1443 : i32 to vector<16xi32>
    %min3A_1445 = arith.minsi %add3A_1442, %min3A_1444 : vector<16xi32>
    %swap3A_1446 = arith.constant 272 : index
    %swap3A_1447 = tpu.vector_load %arg10[%swap3A_1446] {strides = array<i32>} : memref<512xi32, #tpu.memory_space<vmem>>, vector<16xi32>,
    tpu.vector_store %arg10[%swap3A_1446], %min3A_1445 {strides = array<i32>} : memref<512xi32, #tpu.memory_space<vmem>>, vector<16xi32>,
    %and3A_1448 = arith.constant 127 : i32
    %and3A_1449 = vector.broadcast %and3A_1448 : i32 to vector<16xi32>
    %and3A_1450 = arith.andi %mul3A_1431, %and3A_1449 : vector<16xi32>
    %swap3A_1451 = arith.constant 272 : index
    %swap3A_1452 = tpu.vector_load %arg11[%swap3A_1451] {strides = array<i32>} : memref<512xi32, #tpu.memory_space<vmem>>, vector<16xi32>,
    tpu.vector_store %arg11[%swap3A_1451], %and3A_1450 {strides = array<i32>} : memref<512xi32, #tpu.memory_space<vmem>>, vector<16xi32>,
    %get3A_1453 = arith.constant 288 : index
    %get3A_1454 = tpu.vector_load %arg8[%get3A_1453] {strides = array<i32>} : memref<512xi32, #tpu.memory_space<vmem>>, vector<16xi32>,
    %mul3A_1455 = arith.constant 10 : i32
    %mul3A_1456 = vector.broadcast %mul3A_1455 : i32 to vector<16xi32>
    %mul3A_1457 = arith.muli %get3A_1454, %mul3A_1456 : vector<16xi32>
    %shift_right_arithmetic3A_1458 = arith.constant 7 : i32
    %shift_right_arithmetic3A_1459 = vector.broadcast %shift_right_arithmetic3A_1458 : i32 to vector<16xi32>
    %shift_right_arithmetic3A_1460 = arith.shrsi %mul3A_1457, %shift_right_arithmetic3A_1459 : vector<16xi32>
    %swap3A_1461 = arith.constant 288 : index
    %swap3A_1462 = tpu.vector_load %arg9[%swap3A_1461] {strides = array<i32>} : memref<512xi32, #tpu.memory_space<vmem>>, vector<16xi32>,
    tpu.vector_store %arg9[%swap3A_1461], %shift_right_arithmetic3A_1460 {strides = array<i32>} : memref<512xi32, #tpu.memory_space<vmem>>, vector<16xi32>,
    %shift_right_arithmetic3A_1463 = arith.constant 7 : i32
    %shift_right_arithmetic3A_1464 = vector.broadcast %shift_right_arithmetic3A_1463 : i32 to vector<16xi32>
    %shift_right_arithmetic3A_1465 = arith.shrsi %mul3A_1457, %shift_right_arithmetic3A_1464 : vector<16xi32>
    %add3A_1466 = arith.constant 1 : i32
    %add3A_1467 = vector.broadcast %add3A_1466 : i32 to vector<16xi32>
    %add3A_1468 = arith.addi %shift_right_arithmetic3A_1465, %add3A_1467 : vector<16xi32>
    %min3A_1469 = arith.constant 78124 : i32
    %min3A_1470 = vector.broadcast %min3A_1469 : i32 to vector<16xi32>
    %min3A_1471 = arith.minsi %add3A_1468, %min3A_1470 : vector<16xi32>
    %swap3A_1472 = arith.constant 288 : index
    %swap3A_1473 = tpu.vector_load %arg10[%swap3A_1472] {strides = array<i32>} : memref<512xi32, #tpu.memory_space<vmem>>, vector<16xi32>,
    tpu.vector_store %arg10[%swap3A_1472], %min3A_1471 {strides = array<i32>} : memref<512xi32, #tpu.memory_space<vmem>>, vector<16xi32>,
    %and3A_1474 = arith.constant 127 : i32
    %and3A_1475 = vector.broadcast %and3A_1474 : i32 to vector<16xi32>
    %and3A_1476 = arith.andi %mul3A_1457, %and3A_1475 : vector<16xi32>
    %swap3A_1477 = arith.constant 288 : index
    %swap3A_1478 = tpu.vector_load %arg11[%swap3A_1477] {strides = array<i32>} : memref<512xi32, #tpu.memory_space<vmem>>, vector<16xi32>,
    tpu.vector_store %arg11[%swap3A_1477], %and3A_1476 {strides = array<i32>} : memref<512xi32, #tpu.memory_space<vmem>>, vector<16xi32>,
    %get3A_1479 = arith.constant 304 : index
    %get3A_1480 = tpu.vector_load %arg8[%get3A_1479] {strides = array<i32>} : memref<512xi32, #tpu.memory_space<vmem>>, vector<16xi32>,
    %mul3A_1481 = arith.constant 10 : i32
    %mul3A_1482 = vector.broadcast %mul3A_1481 : i32 to vector<16xi32>
    %mul3A_1483 = arith.muli %get3A_1480, %mul3A_1482 : vector<16xi32>
    %shift_right_arithmetic3A_1484 = arith.constant 7 : i32
    %shift_right_arithmetic3A_1485 = vector.broadcast %shift_right_arithmetic3A_1484 : i32 to vector<16xi32>
    %shift_right_arithmetic3A_1486 = arith.shrsi %mul3A_1483, %shift_right_arithmetic3A_1485 : vector<16xi32>
    %swap3A_1487 = arith.constant 304 : index
    %swap3A_1488 = tpu.vector_load %arg9[%swap3A_1487] {strides = array<i32>} : memref<512xi32, #tpu.memory_space<vmem>>, vector<16xi32>,
    tpu.vector_store %arg9[%swap3A_1487], %shift_right_arithmetic3A_1486 {strides = array<i32>} : memref<512xi32, #tpu.memory_space<vmem>>, vector<16xi32>,
    %shift_right_arithmetic3A_1489 = arith.constant 7 : i32
    %shift_right_arithmetic3A_1490 = vector.broadcast %shift_right_arithmetic3A_1489 : i32 to vector<16xi32>
    %shift_right_arithmetic3A_1491 = arith.shrsi %mul3A_1483, %shift_right_arithmetic3A_1490 : vector<16xi32>
    %add3A_1492 = arith.constant 1 : i32
    %add3A_1493 = vector.broadcast %add3A_1492 : i32 to vector<16xi32>
    %add3A_1494 = arith.addi %shift_right_arithmetic3A_1491, %add3A_1493 : vector<16xi32>
    %min3A_1495 = arith.constant 78124 : i32
    %min3A_1496 = vector.broadcast %min3A_1495 : i32 to vector<16xi32>
    %min3A_1497 = arith.minsi %add3A_1494, %min3A_1496 : vector<16xi32>
    %swap3A_1498 = arith.constant 304 : index
    %swap3A_1499 = tpu.vector_load %arg10[%swap3A_1498] {strides = array<i32>} : memref<512xi32, #tpu.memory_space<vmem>>, vector<16xi32>,
    tpu.vector_store %arg10[%swap3A_1498], %min3A_1497 {strides = array<i32>} : memref<512xi32, #tpu.memory_space<vmem>>, vector<16xi32>,
    %and3A_1500 = arith.constant 127 : i32
    %and3A_1501 = vector.broadcast %and3A_1500 : i32 to vector<16xi32>
    %and3A_1502 = arith.andi %mul3A_1483, %and3A_1501 : vector<16xi32>
    %swap3A_1503 = arith.constant 304 : index
    %swap3A_1504 = tpu.vector_load %arg11[%swap3A_1503] {strides = array<i32>} : memref<512xi32, #tpu.memory_space<vmem>>, vector<16xi32>,
    tpu.vector_store %arg11[%swap3A_1503], %and3A_1502 {strides = array<i32>} : memref<512xi32, #tpu.memory_space<vmem>>, vector<16xi32>,
    %get3A_1505 = arith.constant 320 : index
    %get3A_1506 = tpu.vector_load %arg8[%get3A_1505] {strides = array<i32>} : memref<512xi32, #tpu.memory_space<vmem>>, vector<16xi32>,
    %mul3A_1507 = arith.constant 10 : i32
    %mul3A_1508 = vector.broadcast %mul3A_1507 : i32 to vector<16xi32>
    %mul3A_1509 = arith.muli %get3A_1506, %mul3A_1508 : vector<16xi32>
    %shift_right_arithmetic3A_1510 = arith.constant 7 : i32
    %shift_right_arithmetic3A_1511 = vector.broadcast %shift_right_arithmetic3A_1510 : i32 to vector<16xi32>
    %shift_right_arithmetic3A_1512 = arith.shrsi %mul3A_1509, %shift_right_arithmetic3A_1511 : vector<16xi32>
    %swap3A_1513 = arith.constant 320 : index
    %swap3A_1514 = tpu.vector_load %arg9[%swap3A_1513] {strides = array<i32>} : memref<512xi32, #tpu.memory_space<vmem>>, vector<16xi32>,
    tpu.vector_store %arg9[%swap3A_1513], %shift_right_arithmetic3A_1512 {strides = array<i32>} : memref<512xi32, #tpu.memory_space<vmem>>, vector<16xi32>,
    %shift_right_arithmetic3A_1515 = arith.constant 7 : i32
    %shift_right_arithmetic3A_1516 = vector.broadcast %shift_right_arithmetic3A_1515 : i32 to vector<16xi32>
    %shift_right_arithmetic3A_1517 = arith.shrsi %mul3A_1509, %shift_right_arithmetic3A_1516 : vector<16xi32>
    %add3A_1518 = arith.constant 1 : i32
    %add3A_1519 = vector.broadcast %add3A_1518 : i32 to vector<16xi32>
    %add3A_1520 = arith.addi %shift_right_arithmetic3A_1517, %add3A_1519 : vector<16xi32>
    %min3A_1521 = arith.constant 78124 : i32
    %min3A_1522 = vector.broadcast %min3A_1521 : i32 to vector<16xi32>
    %min3A_1523 = arith.minsi %add3A_1520, %min3A_1522 : vector<16xi32>
    %swap3A_1524 = arith.constant 320 : index
    %swap3A_1525 = tpu.vector_load %arg10[%swap3A_1524] {strides = array<i32>} : memref<512xi32, #tpu.memory_space<vmem>>, vector<16xi32>,
    tpu.vector_store %arg10[%swap3A_1524], %min3A_1523 {strides = array<i32>} : memref<512xi32, #tpu.memory_space<vmem>>, vector<16xi32>,
    %and3A_1526 = arith.constant 127 : i32
    %and3A_1527 = vector.broadcast %and3A_1526 : i32 to vector<16xi32>
    %and3A_1528 = arith.andi %mul3A_1509, %and3A_1527 : vector<16xi32>
    %swap3A_1529 = arith.constant 320 : index
    %swap3A_1530 = tpu.vector_load %arg11[%swap3A_1529] {strides = array<i32>} : memref<512xi32, #tpu.memory_space<vmem>>, vector<16xi32>,
    tpu.vector_store %arg11[%swap3A_1529], %and3A_1528 {strides = array<i32>} : memref<512xi32, #tpu.memory_space<vmem>>, vector<16xi32>,
    %get3A_1531 = arith.constant 336 : index
    %get3A_1532 = tpu.vector_load %arg8[%get3A_1531] {strides = array<i32>} : memref<512xi32, #tpu.memory_space<vmem>>, vector<16xi32>,
    %mul3A_1533 = arith.constant 10 : i32
    %mul3A_1534 = vector.broadcast %mul3A_1533 : i32 to vector<16xi32>
    %mul3A_1535 = arith.muli %get3A_1532, %mul3A_1534 : vector<16xi32>
    %shift_right_arithmetic3A_1536 = arith.constant 7 : i32
    %shift_right_arithmetic3A_1537 = vector.broadcast %shift_right_arithmetic3A_1536 : i32 to vector<16xi32>
    %shift_right_arithmetic3A_1538 = arith.shrsi %mul3A_1535, %shift_right_arithmetic3A_1537 : vector<16xi32>
    %swap3A_1539 = arith.constant 336 : index
    %swap3A_1540 = tpu.vector_load %arg9[%swap3A_1539] {strides = array<i32>} : memref<512xi32, #tpu.memory_space<vmem>>, vector<16xi32>,
    tpu.vector_store %arg9[%swap3A_1539], %shift_right_arithmetic3A_1538 {strides = array<i32>} : memref<512xi32, #tpu.memory_space<vmem>>, vector<16xi32>,
    %shift_right_arithmetic3A_1541 = arith.constant 7 : i32
    %shift_right_arithmetic3A_1542 = vector.broadcast %shift_right_arithmetic3A_1541 : i32 to vector<16xi32>
    %shift_right_arithmetic3A_1543 = arith.shrsi %mul3A_1535, %shift_right_arithmetic3A_1542 : vector<16xi32>
    %add3A_1544 = arith.constant 1 : i32
    %add3A_1545 = vector.broadcast %add3A_1544 : i32 to vector<16xi32>
    %add3A_1546 = arith.addi %shift_right_arithmetic3A_1543, %add3A_1545 : vector<16xi32>
    %min3A_1547 = arith.constant 78124 : i32
    %min3A_1548 = vector.broadcast %min3A_1547 : i32 to vector<16xi32>
    %min3A_1549 = arith.minsi %add3A_1546, %min3A_1548 : vector<16xi32>
    %swap3A_1550 = arith.constant 336 : index
    %swap3A_1551 = tpu.vector_load %arg10[%swap3A_1550] {strides = array<i32>} : memref<512xi32, #tpu.memory_space<vmem>>, vector<16xi32>,
    tpu.vector_store %arg10[%swap3A_1550], %min3A_1549 {strides = array<i32>} : memref<512xi32, #tpu.memory_space<vmem>>, vector<16xi32>,
    %and3A_1552 = arith.constant 127 : i32
    %and3A_1553 = vector.broadcast %and3A_1552 : i32 to vector<16xi32>
    %and3A_1554 = arith.andi %mul3A_1535, %and3A_1553 : vector<16xi32>
    %swap3A_1555 = arith.constant 336 : index
    %swap3A_1556 = tpu.vector_load %arg11[%swap3A_1555] {strides = array<i32>} : memref<512xi32, #tpu.memory_space<vmem>>, vector<16xi32>,
    tpu.vector_store %arg11[%swap3A_1555], %and3A_1554 {strides = array<i32>} : memref<512xi32, #tpu.memory_space<vmem>>, vector<16xi32>,
    %get3A_1557 = arith.constant 352 : index
    %get3A_1558 = tpu.vector_load %arg8[%get3A_1557] {strides = array<i32>} : memref<512xi32, #tpu.memory_space<vmem>>, vector<16xi32>,
    %mul3A_1559 = arith.constant 10 : i32
    %mul3A_1560 = vector.broadcast %mul3A_1559 : i32 to vector<16xi32>
    %mul3A_1561 = arith.muli %get3A_1558, %mul3A_1560 : vector<16xi32>
    %shift_right_arithmetic3A_1562 = arith.constant 7 : i32
    %shift_right_arithmetic3A_1563 = vector.broadcast %shift_right_arithmetic3A_1562 : i32 to vector<16xi32>
    %shift_right_arithmetic3A_1564 = arith.shrsi %mul3A_1561, %shift_right_arithmetic3A_1563 : vector<16xi32>
    %swap3A_1565 = arith.constant 352 : index
    %swap3A_1566 = tpu.vector_load %arg9[%swap3A_1565] {strides = array<i32>} : memref<512xi32, #tpu.memory_space<vmem>>, vector<16xi32>,
    tpu.vector_store %arg9[%swap3A_1565], %shift_right_arithmetic3A_1564 {strides = array<i32>} : memref<512xi32, #tpu.memory_space<vmem>>, vector<16xi32>,
    %shift_right_arithmetic3A_1567 = arith.constant 7 : i32
    %shift_right_arithmetic3A_1568 = vector.broadcast %shift_right_arithmetic3A_1567 : i32 to vector<16xi32>
    %shift_right_arithmetic3A_1569 = arith.shrsi %mul3A_1561, %shift_right_arithmetic3A_1568 : vector<16xi32>
    %add3A_1570 = arith.constant 1 : i32
    %add3A_1571 = vector.broadcast %add3A_1570 : i32 to vector<16xi32>
    %add3A_1572 = arith.addi %shift_right_arithmetic3A_1569, %add3A_1571 : vector<16xi32>
    %min3A_1573 = arith.constant 78124 : i32
    %min3A_1574 = vector.broadcast %min3A_1573 : i32 to vector<16xi32>
    %min3A_1575 = arith.minsi %add3A_1572, %min3A_1574 : vector<16xi32>
    %swap3A_1576 = arith.constant 352 : index
    %swap3A_1577 = tpu.vector_load %arg10[%swap3A_1576] {strides = array<i32>} : memref<512xi32, #tpu.memory_space<vmem>>, vector<16xi32>,
    tpu.vector_store %arg10[%swap3A_1576], %min3A_1575 {strides = array<i32>} : memref<512xi32, #tpu.memory_space<vmem>>, vector<16xi32>,
    %and3A_1578 = arith.constant 127 : i32
    %and3A_1579 = vector.broadcast %and3A_1578 : i32 to vector<16xi32>
    %and3A_1580 = arith.andi %mul3A_1561, %and3A_1579 : vector<16xi32>
    %swap3A_1581 = arith.constant 352 : index
    %swap3A_1582 = tpu.vector_load %arg11[%swap3A_1581] {strides = array<i32>} : memref<512xi32, #tpu.memory_space<vmem>>, vector<16xi32>,
    tpu.vector_store %arg11[%swap3A_1581], %and3A_1580 {strides = array<i32>} : memref<512xi32, #tpu.memory_space<vmem>>, vector<16xi32>,
    %get3A_1583 = arith.constant 368 : index
    %get3A_1584 = tpu.vector_load %arg8[%get3A_1583] {strides = array<i32>} : memref<512xi32, #tpu.memory_space<vmem>>, vector<16xi32>,
    %mul3A_1585 = arith.constant 10 : i32
    %mul3A_1586 = vector.broadcast %mul3A_1585 : i32 to vector<16xi32>
    %mul3A_1587 = arith.muli %get3A_1584, %mul3A_1586 : vector<16xi32>
    %shift_right_arithmetic3A_1588 = arith.constant 7 : i32
    %shift_right_arithmetic3A_1589 = vector.broadcast %shift_right_arithmetic3A_1588 : i32 to vector<16xi32>
    %shift_right_arithmetic3A_1590 = arith.shrsi %mul3A_1587, %shift_right_arithmetic3A_1589 : vector<16xi32>
    %swap3A_1591 = arith.constant 368 : index
    %swap3A_1592 = tpu.vector_load %arg9[%swap3A_1591] {strides = array<i32>} : memref<512xi32, #tpu.memory_space<vmem>>, vector<16xi32>,
    tpu.vector_store %arg9[%swap3A_1591], %shift_right_arithmetic3A_1590 {strides = array<i32>} : memref<512xi32, #tpu.memory_space<vmem>>, vector<16xi32>,
    %shift_right_arithmetic3A_1593 = arith.constant 7 : i32
    %shift_right_arithmetic3A_1594 = vector.broadcast %shift_right_arithmetic3A_1593 : i32 to vector<16xi32>
    %shift_right_arithmetic3A_1595 = arith.shrsi %mul3A_1587, %shift_right_arithmetic3A_1594 : vector<16xi32>
    %add3A_1596 = arith.constant 1 : i32
    %add3A_1597 = vector.broadcast %add3A_1596 : i32 to vector<16xi32>
    %add3A_1598 = arith.addi %shift_right_arithmetic3A_1595, %add3A_1597 : vector<16xi32>
    %min3A_1599 = arith.constant 78124 : i32
    %min3A_1600 = vector.broadcast %min3A_1599 : i32 to vector<16xi32>
    %min3A_1601 = arith.minsi %add3A_1598, %min3A_1600 : vector<16xi32>
    %swap3A_1602 = arith.constant 368 : index
    %swap3A_1603 = tpu.vector_load %arg10[%swap3A_1602] {strides = array<i32>} : memref<512xi32, #tpu.memory_space<vmem>>, vector<16xi32>,
    tpu.vector_store %arg10[%swap3A_1602], %min3A_1601 {strides = array<i32>} : memref<512xi32, #tpu.memory_space<vmem>>, vector<16xi32>,
    %and3A_1604 = arith.constant 127 : i32
    %and3A_1605 = vector.broadcast %and3A_1604 : i32 to vector<16xi32>
    %and3A_1606 = arith.andi %mul3A_1587, %and3A_1605 : vector<16xi32>
    %swap3A_1607 = arith.constant 368 : index
    %swap3A_1608 = tpu.vector_load %arg11[%swap3A_1607] {strides = array<i32>} : memref<512xi32, #tpu.memory_space<vmem>>, vector<16xi32>,
    tpu.vector_store %arg11[%swap3A_1607], %and3A_1606 {strides = array<i32>} : memref<512xi32, #tpu.memory_space<vmem>>, vector<16xi32>,
    %get3A_1609 = arith.constant 384 : index
    %get3A_1610 = tpu.vector_load %arg8[%get3A_1609] {strides = array<i32>} : memref<512xi32, #tpu.memory_space<vmem>>, vector<16xi32>,
    %mul3A_1611 = arith.constant 10 : i32
    %mul3A_1612 = vector.broadcast %mul3A_1611 : i32 to vector<16xi32>
    %mul3A_1613 = arith.muli %get3A_1610, %mul3A_1612 : vector<16xi32>
    %shift_right_arithmetic3A_1614 = arith.constant 7 : i32
    %shift_right_arithmetic3A_1615 = vector.broadcast %shift_right_arithmetic3A_1614 : i32 to vector<16xi32>
    %shift_right_arithmetic3A_1616 = arith.shrsi %mul3A_1613, %shift_right_arithmetic3A_1615 : vector<16xi32>
    %swap3A_1617 = arith.constant 384 : index
    %swap3A_1618 = tpu.vector_load %arg9[%swap3A_1617] {strides = array<i32>} : memref<512xi32, #tpu.memory_space<vmem>>, vector<16xi32>,
    tpu.vector_store %arg9[%swap3A_1617], %shift_right_arithmetic3A_1616 {strides = array<i32>} : memref<512xi32, #tpu.memory_space<vmem>>, vector<16xi32>,
    %shift_right_arithmetic3A_1619 = arith.constant 7 : i32
    %shift_right_arithmetic3A_1620 = vector.broadcast %shift_right_arithmetic3A_1619 : i32 to vector<16xi32>
    %shift_right_arithmetic3A_1621 = arith.shrsi %mul3A_1613, %shift_right_arithmetic3A_1620 : vector<16xi32>
    %add3A_1622 = arith.constant 1 : i32
    %add3A_1623 = vector.broadcast %add3A_1622 : i32 to vector<16xi32>
    %add3A_1624 = arith.addi %shift_right_arithmetic3A_1621, %add3A_1623 : vector<16xi32>
    %min3A_1625 = arith.constant 78124 : i32
    %min3A_1626 = vector.broadcast %min3A_1625 : i32 to vector<16xi32>
    %min3A_1627 = arith.minsi %add3A_1624, %min3A_1626 : vector<16xi32>
    %swap3A_1628 = arith.constant 384 : index
    %swap3A_1629 = tpu.vector_load %arg10[%swap3A_1628] {strides = array<i32>} : memref<512xi32, #tpu.memory_space<vmem>>, vector<16xi32>,
    tpu.vector_store %arg10[%swap3A_1628], %min3A_1627 {strides = array<i32>} : memref<512xi32, #tpu.memory_space<vmem>>, vector<16xi32>,
    %and3A_1630 = arith.constant 127 : i32
    %and3A_1631 = vector.broadcast %and3A_1630 : i32 to vector<16xi32>
    %and3A_1632 = arith.andi %mul3A_1613, %and3A_1631 : vector<16xi32>
    %swap3A_1633 = arith.constant 384 : index
    %swap3A_1634 = tpu.vector_load %arg11[%swap3A_1633] {strides = array<i32>} : memref<512xi32, #tpu.memory_space<vmem>>, vector<16xi32>,
    tpu.vector_store %arg11[%swap3A_1633], %and3A_1632 {strides = array<i32>} : memref<512xi32, #tpu.memory_space<vmem>>, vector<16xi32>,
    %get3A_1635 = arith.constant 400 : index
    %get3A_1636 = tpu.vector_load %arg8[%get3A_1635] {strides = array<i32>} : memref<512xi32, #tpu.memory_space<vmem>>, vector<16xi32>,
    %mul3A_1637 = arith.constant 10 : i32
    %mul3A_1638 = vector.broadcast %mul3A_1637 : i32 to vector<16xi32>
    %mul3A_1639 = arith.muli %get3A_1636, %mul3A_1638 : vector<16xi32>
    %shift_right_arithmetic3A_1640 = arith.constant 7 : i32
    %shift_right_arithmetic3A_1641 = vector.broadcast %shift_right_arithmetic3A_1640 : i32 to vector<16xi32>
    %shift_right_arithmetic3A_1642 = arith.shrsi %mul3A_1639, %shift_right_arithmetic3A_1641 : vector<16xi32>
    %swap3A_1643 = arith.constant 400 : index
    %swap3A_1644 = tpu.vector_load %arg9[%swap3A_1643] {strides = array<i32>} : memref<512xi32, #tpu.memory_space<vmem>>, vector<16xi32>,
    tpu.vector_store %arg9[%swap3A_1643], %shift_right_arithmetic3A_1642 {strides = array<i32>} : memref<512xi32, #tpu.memory_space<vmem>>, vector<16xi32>,
    %shift_right_arithmetic3A_1645 = arith.constant 7 : i32
    %shift_right_arithmetic3A_1646 = vector.broadcast %shift_right_arithmetic3A_1645 : i32 to vector<16xi32>
    %shift_right_arithmetic3A_1647 = arith.shrsi %mul3A_1639, %shift_right_arithmetic3A_1646 : vector<16xi32>
    %add3A_1648 = arith.constant 1 : i32
    %add3A_1649 = vector.broadcast %add3A_1648 : i32 to vector<16xi32>
    %add3A_1650 = arith.addi %shift_right_arithmetic3A_1647, %add3A_1649 : vector<16xi32>
    %min3A_1651 = arith.constant 78124 : i32
    %min3A_1652 = vector.broadcast %min3A_1651 : i32 to vector<16xi32>
    %min3A_1653 = arith.minsi %add3A_1650, %min3A_1652 : vector<16xi32>
    %swap3A_1654 = arith.constant 400 : index
    %swap3A_1655 = tpu.vector_load %arg10[%swap3A_1654] {strides = array<i32>} : memref<512xi32, #tpu.memory_space<vmem>>, vector<16xi32>,
    tpu.vector_store %arg10[%swap3A_1654], %min3A_1653 {strides = array<i32>} : memref<512xi32, #tpu.memory_space<vmem>>, vector<16xi32>,
    %and3A_1656 = arith.constant 127 : i32
    %and3A_1657 = vector.broadcast %and3A_1656 : i32 to vector<16xi32>
    %and3A_1658 = arith.andi %mul3A_1639, %and3A_1657 : vector<16xi32>
    %swap3A_1659 = arith.constant 400 : index
    %swap3A_1660 = tpu.vector_load %arg11[%swap3A_1659] {strides = array<i32>} : memref<512xi32, #tpu.memory_space<vmem>>, vector<16xi32>,
    tpu.vector_store %arg11[%swap3A_1659], %and3A_1658 {strides = array<i32>} : memref<512xi32, #tpu.memory_space<vmem>>, vector<16xi32>,
    %get3A_1661 = arith.constant 416 : index
    %get3A_1662 = tpu.vector_load %arg8[%get3A_1661] {strides = array<i32>} : memref<512xi32, #tpu.memory_space<vmem>>, vector<16xi32>,
    %mul3A_1663 = arith.constant 10 : i32
    %mul3A_1664 = vector.broadcast %mul3A_1663 : i32 to vector<16xi32>
    %mul3A_1665 = arith.muli %get3A_1662, %mul3A_1664 : vector<16xi32>
    %shift_right_arithmetic3A_1666 = arith.constant 7 : i32
    %shift_right_arithmetic3A_1667 = vector.broadcast %shift_right_arithmetic3A_1666 : i32 to vector<16xi32>
    %shift_right_arithmetic3A_1668 = arith.shrsi %mul3A_1665, %shift_right_arithmetic3A_1667 : vector<16xi32>
    %swap3A_1669 = arith.constant 416 : index
    %swap3A_1670 = tpu.vector_load %arg9[%swap3A_1669] {strides = array<i32>} : memref<512xi32, #tpu.memory_space<vmem>>, vector<16xi32>,
    tpu.vector_store %arg9[%swap3A_1669], %shift_right_arithmetic3A_1668 {strides = array<i32>} : memref<512xi32, #tpu.memory_space<vmem>>, vector<16xi32>,
    %shift_right_arithmetic3A_1671 = arith.constant 7 : i32
    %shift_right_arithmetic3A_1672 = vector.broadcast %shift_right_arithmetic3A_1671 : i32 to vector<16xi32>
    %shift_right_arithmetic3A_1673 = arith.shrsi %mul3A_1665, %shift_right_arithmetic3A_1672 : vector<16xi32>
    %add3A_1674 = arith.constant 1 : i32
    %add3A_1675 = vector.broadcast %add3A_1674 : i32 to vector<16xi32>
    %add3A_1676 = arith.addi %shift_right_arithmetic3A_1673, %add3A_1675 : vector<16xi32>
    %min3A_1677 = arith.constant 78124 : i32
    %min3A_1678 = vector.broadcast %min3A_1677 : i32 to vector<16xi32>
    %min3A_1679 = arith.minsi %add3A_1676, %min3A_1678 : vector<16xi32>
    %swap3A_1680 = arith.constant 416 : index
    %swap3A_1681 = tpu.vector_load %arg10[%swap3A_1680] {strides = array<i32>} : memref<512xi32, #tpu.memory_space<vmem>>, vector<16xi32>,
    tpu.vector_store %arg10[%swap3A_1680], %min3A_1679 {strides = array<i32>} : memref<512xi32, #tpu.memory_space<vmem>>, vector<16xi32>,
    %and3A_1682 = arith.constant 127 : i32
    %and3A_1683 = vector.broadcast %and3A_1682 : i32 to vector<16xi32>
    %and3A_1684 = arith.andi %mul3A_1665, %and3A_1683 : vector<16xi32>
    %swap3A_1685 = arith.constant 416 : index
    %swap3A_1686 = tpu.vector_load %arg11[%swap3A_1685] {strides = array<i32>} : memref<512xi32, #tpu.memory_space<vmem>>, vector<16xi32>,
    tpu.vector_store %arg11[%swap3A_1685], %and3A_1684 {strides = array<i32>} : memref<512xi32, #tpu.memory_space<vmem>>, vector<16xi32>,
    %get3A_1687 = arith.constant 432 : index
    %get3A_1688 = tpu.vector_load %arg8[%get3A_1687] {strides = array<i32>} : memref<512xi32, #tpu.memory_space<vmem>>, vector<16xi32>,
    %mul3A_1689 = arith.constant 10 : i32
    %mul3A_1690 = vector.broadcast %mul3A_1689 : i32 to vector<16xi32>
    %mul3A_1691 = arith.muli %get3A_1688, %mul3A_1690 : vector<16xi32>
    %shift_right_arithmetic3A_1692 = arith.constant 7 : i32
    %shift_right_arithmetic3A_1693 = vector.broadcast %shift_right_arithmetic3A_1692 : i32 to vector<16xi32>
    %shift_right_arithmetic3A_1694 = arith.shrsi %mul3A_1691, %shift_right_arithmetic3A_1693 : vector<16xi32>
    %swap3A_1695 = arith.constant 432 : index
    %swap3A_1696 = tpu.vector_load %arg9[%swap3A_1695] {strides = array<i32>} : memref<512xi32, #tpu.memory_space<vmem>>, vector<16xi32>,
    tpu.vector_store %arg9[%swap3A_1695], %shift_right_arithmetic3A_1694 {strides = array<i32>} : memref<512xi32, #tpu.memory_space<vmem>>, vector<16xi32>,
    %shift_right_arithmetic3A_1697 = arith.constant 7 : i32
    %shift_right_arithmetic3A_1698 = vector.broadcast %shift_right_arithmetic3A_1697 : i32 to vector<16xi32>
    %shift_right_arithmetic3A_1699 = arith.shrsi %mul3A_1691, %shift_right_arithmetic3A_1698 : vector<16xi32>
    %add3A_1700 = arith.constant 1 : i32
    %add3A_1701 = vector.broadcast %add3A_1700 : i32 to vector<16xi32>
    %add3A_1702 = arith.addi %shift_right_arithmetic3A_1699, %add3A_1701 : vector<16xi32>
    %min3A_1703 = arith.constant 78124 : i32
    %min3A_1704 = vector.broadcast %min3A_1703 : i32 to vector<16xi32>
    %min3A_1705 = arith.minsi %add3A_1702, %min3A_1704 : vector<16xi32>
    %swap3A_1706 = arith.constant 432 : index
    %swap3A_1707 = tpu.vector_load %arg10[%swap3A_1706] {strides = array<i32>} : memref<512xi32, #tpu.memory_space<vmem>>, vector<16xi32>,
    tpu.vector_store %arg10[%swap3A_1706], %min3A_1705 {strides = array<i32>} : memref<512xi32, #tpu.memory_space<vmem>>, vector<16xi32>,
    %and3A_1708 = arith.constant 127 : i32
    %and3A_1709 = vector.broadcast %and3A_1708 : i32 to vector<16xi32>
    %and3A_1710 = arith.andi %mul3A_1691, %and3A_1709 : vector<16xi32>
    %swap3A_1711 = arith.constant 432 : index
    %swap3A_1712 = tpu.vector_load %arg11[%swap3A_1711] {strides = array<i32>} : memref<512xi32, #tpu.memory_space<vmem>>, vector<16xi32>,
    tpu.vector_store %arg11[%swap3A_1711], %and3A_1710 {strides = array<i32>} : memref<512xi32, #tpu.memory_space<vmem>>, vector<16xi32>,
    %get3A_1713 = arith.constant 448 : index
    %get3A_1714 = tpu.vector_load %arg8[%get3A_1713] {strides = array<i32>} : memref<512xi32, #tpu.memory_space<vmem>>, vector<16xi32>,
    %mul3A_1715 = arith.constant 10 : i32
    %mul3A_1716 = vector.broadcast %mul3A_1715 : i32 to vector<16xi32>
    %mul3A_1717 = arith.muli %get3A_1714, %mul3A_1716 : vector<16xi32>
    %shift_right_arithmetic3A_1718 = arith.constant 7 : i32
    %shift_right_arithmetic3A_1719 = vector.broadcast %shift_right_arithmetic3A_1718 : i32 to vector<16xi32>
    %shift_right_arithmetic3A_1720 = arith.shrsi %mul3A_1717, %shift_right_arithmetic3A_1719 : vector<16xi32>
    %swap3A_1721 = arith.constant 448 : index
    %swap3A_1722 = tpu.vector_load %arg9[%swap3A_1721] {strides = array<i32>} : memref<512xi32, #tpu.memory_space<vmem>>, vector<16xi32>,
    tpu.vector_store %arg9[%swap3A_1721], %shift_right_arithmetic3A_1720 {strides = array<i32>} : memref<512xi32, #tpu.memory_space<vmem>>, vector<16xi32>,
    %shift_right_arithmetic3A_1723 = arith.constant 7 : i32
    %shift_right_arithmetic3A_1724 = vector.broadcast %shift_right_arithmetic3A_1723 : i32 to vector<16xi32>
    %shift_right_arithmetic3A_1725 = arith.shrsi %mul3A_1717, %shift_right_arithmetic3A_1724 : vector<16xi32>
    %add3A_1726 = arith.constant 1 : i32
    %add3A_1727 = vector.broadcast %add3A_1726 : i32 to vector<16xi32>
    %add3A_1728 = arith.addi %shift_right_arithmetic3A_1725, %add3A_1727 : vector<16xi32>
    %min3A_1729 = arith.constant 78124 : i32
    %min3A_1730 = vector.broadcast %min3A_1729 : i32 to vector<16xi32>
    %min3A_1731 = arith.minsi %add3A_1728, %min3A_1730 : vector<16xi32>
    %swap3A_1732 = arith.constant 448 : index
    %swap3A_1733 = tpu.vector_load %arg10[%swap3A_1732] {strides = array<i32>} : memref<512xi32, #tpu.memory_space<vmem>>, vector<16xi32>,
    tpu.vector_store %arg10[%swap3A_1732], %min3A_1731 {strides = array<i32>} : memref<512xi32, #tpu.memory_space<vmem>>, vector<16xi32>,
    %and3A_1734 = arith.constant 127 : i32
    %and3A_1735 = vector.broadcast %and3A_1734 : i32 to vector<16xi32>
    %and3A_1736 = arith.andi %mul3A_1717, %and3A_1735 : vector<16xi32>
    %swap3A_1737 = arith.constant 448 : index
    %swap3A_1738 = tpu.vector_load %arg11[%swap3A_1737] {strides = array<i32>} : memref<512xi32, #tpu.memory_space<vmem>>, vector<16xi32>,
    tpu.vector_store %arg11[%swap3A_1737], %and3A_1736 {strides = array<i32>} : memref<512xi32, #tpu.memory_space<vmem>>, vector<16xi32>,
    %get3A_1739 = arith.constant 464 : index
    %get3A_1740 = tpu.vector_load %arg8[%get3A_1739] {strides = array<i32>} : memref<512xi32, #tpu.memory_space<vmem>>, vector<16xi32>,
    %mul3A_1741 = arith.constant 10 : i32
    %mul3A_1742 = vector.broadcast %mul3A_1741 : i32 to vector<16xi32>
    %mul3A_1743 = arith.muli %get3A_1740, %mul3A_1742 : vector<16xi32>
    %shift_right_arithmetic3A_1744 = arith.constant 7 : i32
    %shift_right_arithmetic3A_1745 = vector.broadcast %shift_right_arithmetic3A_1744 : i32 to vector<16xi32>
    %shift_right_arithmetic3A_1746 = arith.shrsi %mul3A_1743, %shift_right_arithmetic3A_1745 : vector<16xi32>
    %swap3A_1747 = arith.constant 464 : index
    %swap3A_1748 = tpu.vector_load %arg9[%swap3A_1747] {strides = array<i32>} : memref<512xi32, #tpu.memory_space<vmem>>, vector<16xi32>,
    tpu.vector_store %arg9[%swap3A_1747], %shift_right_arithmetic3A_1746 {strides = array<i32>} : memref<512xi32, #tpu.memory_space<vmem>>, vector<16xi32>,
    %shift_right_arithmetic3A_1749 = arith.constant 7 : i32
    %shift_right_arithmetic3A_1750 = vector.broadcast %shift_right_arithmetic3A_1749 : i32 to vector<16xi32>
    %shift_right_arithmetic3A_1751 = arith.shrsi %mul3A_1743, %shift_right_arithmetic3A_1750 : vector<16xi32>
    %add3A_1752 = arith.constant 1 : i32
    %add3A_1753 = vector.broadcast %add3A_1752 : i32 to vector<16xi32>
    %add3A_1754 = arith.addi %shift_right_arithmetic3A_1751, %add3A_1753 : vector<16xi32>
    %min3A_1755 = arith.constant 78124 : i32
    %min3A_1756 = vector.broadcast %min3A_1755 : i32 to vector<16xi32>
    %min3A_1757 = arith.minsi %add3A_1754, %min3A_1756 : vector<16xi32>
    %swap3A_1758 = arith.constant 464 : index
    %swap3A_1759 = tpu.vector_load %arg10[%swap3A_1758] {strides = array<i32>} : memref<512xi32, #tpu.memory_space<vmem>>, vector<16xi32>,
    tpu.vector_store %arg10[%swap3A_1758], %min3A_1757 {strides = array<i32>} : memref<512xi32, #tpu.memory_space<vmem>>, vector<16xi32>,
    %and3A_1760 = arith.constant 127 : i32
    %and3A_1761 = vector.broadcast %and3A_1760 : i32 to vector<16xi32>
    %and3A_1762 = arith.andi %mul3A_1743, %and3A_1761 : vector<16xi32>
    %swap3A_1763 = arith.constant 464 : index
    %swap3A_1764 = tpu.vector_load %arg11[%swap3A_1763] {strides = array<i32>} : memref<512xi32, #tpu.memory_space<vmem>>, vector<16xi32>,
    tpu.vector_store %arg11[%swap3A_1763], %and3A_1762 {strides = array<i32>} : memref<512xi32, #tpu.memory_space<vmem>>, vector<16xi32>,
    %get3A_1765 = arith.constant 480 : index
    %get3A_1766 = tpu.vector_load %arg8[%get3A_1765] {strides = array<i32>} : memref<512xi32, #tpu.memory_space<vmem>>, vector<16xi32>,
    %mul3A_1767 = arith.constant 10 : i32
    %mul3A_1768 = vector.broadcast %mul3A_1767 : i32 to vector<16xi32>
    %mul3A_1769 = arith.muli %get3A_1766, %mul3A_1768 : vector<16xi32>
    %shift_right_arithmetic3A_1770 = arith.constant 7 : i32
    %shift_right_arithmetic3A_1771 = vector.broadcast %shift_right_arithmetic3A_1770 : i32 to vector<16xi32>
    %shift_right_arithmetic3A_1772 = arith.shrsi %mul3A_1769, %shift_right_arithmetic3A_1771 : vector<16xi32>
    %swap3A_1773 = arith.constant 480 : index
    %swap3A_1774 = tpu.vector_load %arg9[%swap3A_1773] {strides = array<i32>} : memref<512xi32, #tpu.memory_space<vmem>>, vector<16xi32>,
    tpu.vector_store %arg9[%swap3A_1773], %shift_right_arithmetic3A_1772 {strides = array<i32>} : memref<512xi32, #tpu.memory_space<vmem>>, vector<16xi32>,
    %shift_right_arithmetic3A_1775 = arith.constant 7 : i32
    %shift_right_arithmetic3A_1776 = vector.broadcast %shift_right_arithmetic3A_1775 : i32 to vector<16xi32>
    %shift_right_arithmetic3A_1777 = arith.shrsi %mul3A_1769, %shift_right_arithmetic3A_1776 : vector<16xi32>
    %add3A_1778 = arith.constant 1 : i32
    %add3A_1779 = vector.broadcast %add3A_1778 : i32 to vector<16xi32>
    %add3A_1780 = arith.addi %shift_right_arithmetic3A_1777, %add3A_1779 : vector<16xi32>
    %min3A_1781 = arith.constant 78124 : i32
    %min3A_1782 = vector.broadcast %min3A_1781 : i32 to vector<16xi32>
    %min3A_1783 = arith.minsi %add3A_1780, %min3A_1782 : vector<16xi32>
    %swap3A_1784 = arith.constant 480 : index
    %swap3A_1785 = tpu.vector_load %arg10[%swap3A_1784] {strides = array<i32>} : memref<512xi32, #tpu.memory_space<vmem>>, vector<16xi32>,
    tpu.vector_store %arg10[%swap3A_1784], %min3A_1783 {strides = array<i32>} : memref<512xi32, #tpu.memory_space<vmem>>, vector<16xi32>,
    %and3A_1786 = arith.constant 127 : i32
    %and3A_1787 = vector.broadcast %and3A_1786 : i32 to vector<16xi32>
    %and3A_1788 = arith.andi %mul3A_1769, %and3A_1787 : vector<16xi32>
    %swap3A_1789 = arith.constant 480 : index
    %swap3A_1790 = tpu.vector_load %arg11[%swap3A_1789] {strides = array<i32>} : memref<512xi32, #tpu.memory_space<vmem>>, vector<16xi32>,
    tpu.vector_store %arg11[%swap3A_1789], %and3A_1788 {strides = array<i32>} : memref<512xi32, #tpu.memory_space<vmem>>, vector<16xi32>,
    %get3A_1791 = arith.constant 496 : index
    %get3A_1792 = tpu.vector_load %arg8[%get3A_1791] {strides = array<i32>} : memref<512xi32, #tpu.memory_space<vmem>>, vector<16xi32>,
    %mul3A_1793 = arith.constant 10 : i32
    %mul3A_1794 = vector.broadcast %mul3A_1793 : i32 to vector<16xi32>
    %mul3A_1795 = arith.muli %get3A_1792, %mul3A_1794 : vector<16xi32>
    %shift_right_arithmetic3A_1796 = arith.constant 7 : i32
    %shift_right_arithmetic3A_1797 = vector.broadcast %shift_right_arithmetic3A_1796 : i32 to vector<16xi32>
    %shift_right_arithmetic3A_1798 = arith.shrsi %mul3A_1795, %shift_right_arithmetic3A_1797 : vector<16xi32>
    %swap3A_1799 = arith.constant 496 : index
    %swap3A_1800 = tpu.vector_load %arg9[%swap3A_1799] {strides = array<i32>} : memref<512xi32, #tpu.memory_space<vmem>>, vector<16xi32>,
    tpu.vector_store %arg9[%swap3A_1799], %shift_right_arithmetic3A_1798 {strides = array<i32>} : memref<512xi32, #tpu.memory_space<vmem>>, vector<16xi32>,
    %shift_right_arithmetic3A_1801 = arith.constant 7 : i32
    %shift_right_arithmetic3A_1802 = vector.broadcast %shift_right_arithmetic3A_1801 : i32 to vector<16xi32>
    %shift_right_arithmetic3A_1803 = arith.shrsi %mul3A_1795, %shift_right_arithmetic3A_1802 : vector<16xi32>
    %add3A_1804 = arith.constant 1 : i32
    %add3A_1805 = vector.broadcast %add3A_1804 : i32 to vector<16xi32>
    %add3A_1806 = arith.addi %shift_right_arithmetic3A_1803, %add3A_1805 : vector<16xi32>
    %min3A_1807 = arith.constant 78124 : i32
    %min3A_1808 = vector.broadcast %min3A_1807 : i32 to vector<16xi32>
    %min3A_1809 = arith.minsi %add3A_1806, %min3A_1808 : vector<16xi32>
    %swap3A_1810 = arith.constant 496 : index
    %swap3A_1811 = tpu.vector_load %arg10[%swap3A_1810] {strides = array<i32>} : memref<512xi32, #tpu.memory_space<vmem>>, vector<16xi32>,
    tpu.vector_store %arg10[%swap3A_1810], %min3A_1809 {strides = array<i32>} : memref<512xi32, #tpu.memory_space<vmem>>, vector<16xi32>,
    %and3A_1812 = arith.constant 127 : i32
    %and3A_1813 = vector.broadcast %and3A_1812 : i32 to vector<16xi32>
    %and3A_1814 = arith.andi %mul3A_1795, %and3A_1813 : vector<16xi32>
    %swap3A_1815 = arith.constant 496 : index
    %swap3A_1816 = tpu.vector_load %arg11[%swap3A_1815] {strides = array<i32>} : memref<512xi32, #tpu.memory_space<vmem>>, vector<16xi32>,
    tpu.vector_store %arg11[%swap3A_1815], %and3A_1814 {strides = array<i32>} : memref<512xi32, #tpu.memory_space<vmem>>, vector<16xi32>,
    %dma_start3A_1817 = arith.constant 0 : i32
    %dma_start3A_1818 = arith.constant 0 : i32
    %dma_start3A_1819 = tpu.memref_slice %arg12[%dma_start3A_1817, %dma_start3A_1818] : memref<256x128xf32, #tpu.memory_space<vmem>> -> memref<128x128xf32, #tpu.memory_space<vmem>>
    %dma_start3A_1820 = arith.constant 0 : i32
    %dma_start3A_1821 = tpu.memref_slice %arg9[%dma_start3A_1820] : memref<512xi32, #tpu.memory_space<vmem>> -> memref<128xi32, #tpu.memory_space<vmem>>
    %dma_start3A_1822 = arith.constant 0 : i32
    %dma_start3A_1823 = arith.constant 0 : i32
    %dma_start3A_1824 = tpu.memref_slice %arg4[%dma_start3A_1822, %dma_start3A_1823] : memref<78125x128xf32, #tpu.memory_space<hbm>> -> memref<78125x128xf32, #tpu.memory_space<hbm>>
    tpu.enqueue_indirect_dma source(%dma_start3A_1824 : memref<78125x128xf32, #tpu.memory_space<hbm>>) target(%dma_start3A_1819 : memref<128x128xf32, #tpu.memory_space<vmem>>) offsets(%dma_start3A_1821 : memref<128xi32, #tpu.memory_space<vmem>>) semaphore(%arg15 : memref<!tpu.dma_semaphore, #tpu.memory_space<semaphore_mem>>)
    %dma_start3A_1825 = arith.constant 128 : i32
    %dma_start3A_1826 = arith.constant 0 : i32
    %dma_start3A_1827 = tpu.memref_slice %arg12[%dma_start3A_1825, %dma_start3A_1826] : memref<256x128xf32, #tpu.memory_space<vmem>> -> memref<128x128xf32, #tpu.memory_space<vmem>>
    %dma_start3A_1828 = arith.constant 0 : i32
    %dma_start3A_1829 = tpu.memref_slice %arg10[%dma_start3A_1828] : memref<512xi32, #tpu.memory_space<vmem>> -> memref<128xi32, #tpu.memory_space<vmem>>
    %dma_start3A_1830 = arith.constant 0 : i32
    %dma_start3A_1831 = arith.constant 0 : i32
    %dma_start3A_1832 = tpu.memref_slice %arg4[%dma_start3A_1830, %dma_start3A_1831] : memref<78125x128xf32, #tpu.memory_space<hbm>> -> memref<78125x128xf32, #tpu.memory_space<hbm>>
    tpu.enqueue_indirect_dma source(%dma_start3A_1832 : memref<78125x128xf32, #tpu.memory_space<hbm>>) target(%dma_start3A_1827 : memref<128x128xf32, #tpu.memory_space<vmem>>) offsets(%dma_start3A_1829 : memref<128xi32, #tpu.memory_space<vmem>>) semaphore(%arg15 : memref<!tpu.dma_semaphore, #tpu.memory_space<semaphore_mem>>)
    %dma_start3A_1833 = arith.constant 0 : i32
    %dma_start3A_1834 = arith.constant 0 : i32
    %dma_start3A_1835 = tpu.memref_slice %arg13[%dma_start3A_1833, %dma_start3A_1834] : memref<256x128xf32, #tpu.memory_space<vmem>> -> memref<128x128xf32, #tpu.memory_space<vmem>>
    %dma_start3A_1836 = arith.constant 128 : i32
    %dma_start3A_1837 = tpu.memref_slice %arg9[%dma_start3A_1836] : memref<512xi32, #tpu.memory_space<vmem>> -> memref<128xi32, #tpu.memory_space<vmem>>
    %dma_start3A_1838 = arith.constant 0 : i32
    %dma_start3A_1839 = arith.constant 0 : i32
    %dma_start3A_1840 = tpu.memref_slice %arg4[%dma_start3A_1838, %dma_start3A_1839] : memref<78125x128xf32, #tpu.memory_space<hbm>> -> memref<78125x128xf32, #tpu.memory_space<hbm>>
    tpu.enqueue_indirect_dma source(%dma_start3A_1840 : memref<78125x128xf32, #tpu.memory_space<hbm>>) target(%dma_start3A_1835 : memref<128x128xf32, #tpu.memory_space<vmem>>) offsets(%dma_start3A_1837 : memref<128xi32, #tpu.memory_space<vmem>>) semaphore(%arg15 : memref<!tpu.dma_semaphore, #tpu.memory_space<semaphore_mem>>)
    %dma_start3A_1841 = arith.constant 128 : i32
    %dma_start3A_1842 = arith.constant 0 : i32
    %dma_start3A_1843 = tpu.memref_slice %arg13[%dma_start3A_1841, %dma_start3A_1842] : memref<256x128xf32, #tpu.memory_space<vmem>> -> memref<128x128xf32, #tpu.memory_space<vmem>>
    %dma_start3A_1844 = arith.constant 128 : i32
    %dma_start3A_1845 = tpu.memref_slice %arg10[%dma_start3A_1844] : memref<512xi32, #tpu.memory_space<vmem>> -> memref<128xi32, #tpu.memory_space<vmem>>
    %dma_start3A_1846 = arith.constant 0 : i32
    %dma_start3A_1847 = arith.constant 0 : i32
    %dma_start3A_1848 = tpu.memref_slice %arg4[%dma_start3A_1846, %dma_start3A_1847] : memref<78125x128xf32, #tpu.memory_space<hbm>> -> memref<78125x128xf32, #tpu.memory_space<hbm>>
    tpu.enqueue_indirect_dma source(%dma_start3A_1848 : memref<78125x128xf32, #tpu.memory_space<hbm>>) target(%dma_start3A_1843 : memref<128x128xf32, #tpu.memory_space<vmem>>) offsets(%dma_start3A_1845 : memref<128xi32, #tpu.memory_space<vmem>>) semaphore(%arg15 : memref<!tpu.dma_semaphore, #tpu.memory_space<semaphore_mem>>)
    %dma_wait3A_1849 = arith.constant 0 : i32
    %dma_wait3A_1850 = arith.constant 0 : i32
    %dma_wait3A_1851 = tpu.memref_slice %arg12[%dma_wait3A_1849, %dma_wait3A_1850] : memref<256x128xf32, #tpu.memory_space<vmem>> -> memref<128x128xf32, #tpu.memory_space<vmem>>
    %dma_wait3A_1852 = arith.constant 0 : i32
    %dma_wait3A_1853 = tpu.memref_slice %arg9[%dma_wait3A_1852] : memref<512xi32, #tpu.memory_space<vmem>> -> memref<128xi32, #tpu.memory_space<vmem>>
    %dma_wait3A_1854 = arith.constant 0 : i32
    %dma_wait3A_1855 = arith.constant 0 : i32
    %dma_wait3A_1856 = tpu.memref_slice %arg4[%dma_wait3A_1854, %dma_wait3A_1855] : memref<78125x128xf32, #tpu.memory_space<hbm>> -> memref<78125x128xf32, #tpu.memory_space<hbm>>
    tpu.wait_indirect_dma semaphore(%arg15 : memref<!tpu.dma_semaphore, #tpu.memory_space<semaphore_mem>>) src(%dma_wait3A_1856 : memref<78125x128xf32, #tpu.memory_space<hbm>>) dst(%dma_wait3A_1851 : memref<128x128xf32, #tpu.memory_space<vmem>>)
    %dma_wait3A_1857 = arith.constant 128 : i32
    %dma_wait3A_1858 = arith.constant 0 : i32
    %dma_wait3A_1859 = tpu.memref_slice %arg12[%dma_wait3A_1857, %dma_wait3A_1858] : memref<256x128xf32, #tpu.memory_space<vmem>> -> memref<128x128xf32, #tpu.memory_space<vmem>>
    %dma_wait3A_1860 = arith.constant 0 : i32
    %dma_wait3A_1861 = tpu.memref_slice %arg10[%dma_wait3A_1860] : memref<512xi32, #tpu.memory_space<vmem>> -> memref<128xi32, #tpu.memory_space<vmem>>
    %dma_wait3A_1862 = arith.constant 0 : i32
    %dma_wait3A_1863 = arith.constant 0 : i32
    %dma_wait3A_1864 = tpu.memref_slice %arg4[%dma_wait3A_1862, %dma_wait3A_1863] : memref<78125x128xf32, #tpu.memory_space<hbm>> -> memref<78125x128xf32, #tpu.memory_space<hbm>>
    tpu.wait_indirect_dma semaphore(%arg15 : memref<!tpu.dma_semaphore, #tpu.memory_space<semaphore_mem>>) src(%dma_wait3A_1864 : memref<78125x128xf32, #tpu.memory_space<hbm>>) dst(%dma_wait3A_1859 : memref<128x128xf32, #tpu.memory_space<vmem>>)
    %scan3A_1865 = arith.constant 0 : i32
    %scan3A_1866 = arith.constant 0 : i32
    %scan3A_1867 = arith.constant 128 : i32
    %scan3A_1868 = arith.addi %scan3A_1866, %scan3A_1867 : i32
    %scan3A_1869 = arith.constant 4 : i32
    %scan3A_1870 = scf.for %scan3A_1975 = %scan3A_1866 to %scan3A_1868 step %scan3A_1869 iter_args(%scan3A_1976 = %scan3A_1865) -> (i32)  : i32 {
      %add3A_1977 = arith.constant 0 : i32
      %add3A_1978 = arith.addi %add3A_1977, %scan3A_1975 : i32
      %broadcast_in_dim3A = vector.broadcast %add3A_1978 : i32 to vector<16xi32>
      %gather3A = tpu.vector_load_idx %arg11[%broadcast_in_dim3A] : memref<512xi32, #tpu.memory_space<vmem>>[vector<16xi32>], vector<16xi32>,
      %iota3A = tpu.iota {dimensions = array<i32: 0>} : vector<16xi32>
      %add3A_1979 = arith.addi %gather3A, %iota3A : vector<16xi32>
      %broadcast_in_dim3A_1980 = vector.broadcast %scan3A_1975 : i32 to vector<16xi32>
      %lt3A = arith.constant 128 : i32
      %lt3A_1981 = vector.broadcast %lt3A : i32 to vector<16xi32>
      %lt3A_1982 = arith.cmpi slt, %add3A_1979, %lt3A_1981 : vector<16xi32>
      %add3A_1983 = arith.constant 128 : i32
      %add3A_1984 = vector.broadcast %add3A_1983 : i32 to vector<16xi32>
      %add3A_1985 = arith.addi %broadcast_in_dim3A_1980, %add3A_1984 : vector<16xi32>
      %select_n3A = arith.select %lt3A_1982, %broadcast_in_dim3A_1980, %add3A_1985 : vector<16xi1>, vector<16xi32>
      %and3A_1986 = arith.constant 127 : i32
      %and3A_1987 = vector.broadcast %and3A_1986 : i32 to vector<16xi32>
      %and3A_1988 = arith.andi %add3A_1979, %and3A_1987 : vector<16xi32>
      %gather3A_1989 = tpu.vector_load_idx %arg12[%select_n3A, %and3A_1988] : memref<256x128xf32, #tpu.memory_space<vmem>>[vector<16xi32>, vector<16xi32>], vector<16xf32>,
      %mul3A_1990 = arith.constant 16 : i32
      %mul3A_1991 = arith.muli %add3A_1978, %mul3A_1990 : i32
      %swap3A_1992 = arith.index_cast %mul3A_1991 : i32 to index
      %swap3A_1993 = tpu.vector_load %arg14[%swap3A_1992] {strides = array<i32>} : memref<8192xf32, #tpu.memory_space<vmem>>, vector<16xf32>,
      tpu.vector_store %arg14[%swap3A_1992], %gather3A_1989 {strides = array<i32>} : memref<8192xf32, #tpu.memory_space<vmem>>, vector<16xf32>,
      %scan3A_1994 = arith.constant 0 : i32
      %scan3A_1995 = arith.constant 1 : i32
      %scan3A_1996 = arith.addi %scan3A_1975, %scan3A_1995 : i32
      %add3A_1997 = arith.constant 0 : i32
      %add3A_1998 = arith.addi %add3A_1997, %scan3A_1996 : i32
      %broadcast_in_dim3A_1999 = vector.broadcast %add3A_1998 : i32 to vector<16xi32>
      %gather3A_2000 = tpu.vector_load_idx %arg11[%broadcast_in_dim3A_1999] : memref<512xi32, #tpu.memory_space<vmem>>[vector<16xi32>], vector<16xi32>,
      %iota3A_2001 = tpu.iota {dimensions = array<i32: 0>} : vector<16xi32>
      %add3A_2002 = arith.addi %gather3A_2000, %iota3A_2001 : vector<16xi32>
      %broadcast_in_dim3A_2003 = vector.broadcast %scan3A_1996 : i32 to vector<16xi32>
      %lt3A_2004 = arith.constant 128 : i32
      %lt3A_2005 = vector.broadcast %lt3A_2004 : i32 to vector<16xi32>
      %lt3A_2006 = arith.cmpi slt, %add3A_2002, %lt3A_2005 : vector<16xi32>
      %add3A_2007 = arith.constant 128 : i32
      %add3A_2008 = vector.broadcast %add3A_2007 : i32 to vector<16xi32>
      %add3A_2009 = arith.addi %broadcast_in_dim3A_2003, %add3A_2008 : vector<16xi32>
      %select_n3A_2010 = arith.select %lt3A_2006, %broadcast_in_dim3A_2003, %add3A_2009 : vector<16xi1>, vector<16xi32>
      %and3A_2011 = arith.constant 127 : i32
      %and3A_2012 = vector.broadcast %and3A_2011 : i32 to vector<16xi32>
      %and3A_2013 = arith.andi %add3A_2002, %and3A_2012 : vector<16xi32>
      %gather3A_2014 = tpu.vector_load_idx %arg12[%select_n3A_2010, %and3A_2013] : memref<256x128xf32, #tpu.memory_space<vmem>>[vector<16xi32>, vector<16xi32>], vector<16xf32>,
      %mul3A_2015 = arith.constant 16 : i32
      %mul3A_2016 = arith.muli %add3A_1998, %mul3A_2015 : i32
      %swap3A_2017 = arith.index_cast %mul3A_2016 : i32 to index
      %swap3A_2018 = tpu.vector_load %arg14[%swap3A_2017] {strides = array<i32>} : memref<8192xf32, #tpu.memory_space<vmem>>, vector<16xf32>,
      tpu.vector_store %arg14[%swap3A_2017], %gather3A_2014 {strides = array<i32>} : memref<8192xf32, #tpu.memory_space<vmem>>, vector<16xf32>,
      %scan3A_2019 = arith.constant 0 : i32
      %scan3A_2020 = arith.constant 2 : i32
      %scan3A_2021 = arith.addi %scan3A_1975, %scan3A_2020 : i32
      %add3A_2022 = arith.constant 0 : i32
      %add3A_2023 = arith.addi %add3A_2022, %scan3A_2021 : i32
      %broadcast_in_dim3A_2024 = vector.broadcast %add3A_2023 : i32 to vector<16xi32>
      %gather3A_2025 = tpu.vector_load_idx %arg11[%broadcast_in_dim3A_2024] : memref<512xi32, #tpu.memory_space<vmem>>[vector<16xi32>], vector<16xi32>,
      %iota3A_2026 = tpu.iota {dimensions = array<i32: 0>} : vector<16xi32>
      %add3A_2027 = arith.addi %gather3A_2025, %iota3A_2026 : vector<16xi32>
      %broadcast_in_dim3A_2028 = vector.broadcast %scan3A_2021 : i32 to vector<16xi32>
      %lt3A_2029 = arith.constant 128 : i32
      %lt3A_2030 = vector.broadcast %lt3A_2029 : i32 to vector<16xi32>
      %lt3A_2031 = arith.cmpi slt, %add3A_2027, %lt3A_2030 : vector<16xi32>
      %add3A_2032 = arith.constant 128 : i32
      %add3A_2033 = vector.broadcast %add3A_2032 : i32 to vector<16xi32>
      %add3A_2034 = arith.addi %broadcast_in_dim3A_2028, %add3A_2033 : vector<16xi32>
      %select_n3A_2035 = arith.select %lt3A_2031, %broadcast_in_dim3A_2028, %add3A_2034 : vector<16xi1>, vector<16xi32>
      %and3A_2036 = arith.constant 127 : i32
      %and3A_2037 = vector.broadcast %and3A_2036 : i32 to vector<16xi32>
      %and3A_2038 = arith.andi %add3A_2027, %and3A_2037 : vector<16xi32>
      %gather3A_2039 = tpu.vector_load_idx %arg12[%select_n3A_2035, %and3A_2038] : memref<256x128xf32, #tpu.memory_space<vmem>>[vector<16xi32>, vector<16xi32>], vector<16xf32>,
      %mul3A_2040 = arith.constant 16 : i32
      %mul3A_2041 = arith.muli %add3A_2023, %mul3A_2040 : i32
      %swap3A_2042 = arith.index_cast %mul3A_2041 : i32 to index
      %swap3A_2043 = tpu.vector_load %arg14[%swap3A_2042] {strides = array<i32>} : memref<8192xf32, #tpu.memory_space<vmem>>, vector<16xf32>,
      tpu.vector_store %arg14[%swap3A_2042], %gather3A_2039 {strides = array<i32>} : memref<8192xf32, #tpu.memory_space<vmem>>, vector<16xf32>,
      %scan3A_2044 = arith.constant 0 : i32
      %scan3A_2045 = arith.constant 3 : i32
      %scan3A_2046 = arith.addi %scan3A_1975, %scan3A_2045 : i32
      %add3A_2047 = arith.constant 0 : i32
      %add3A_2048 = arith.addi %add3A_2047, %scan3A_2046 : i32
      %broadcast_in_dim3A_2049 = vector.broadcast %add3A_2048 : i32 to vector<16xi32>
      %gather3A_2050 = tpu.vector_load_idx %arg11[%broadcast_in_dim3A_2049] : memref<512xi32, #tpu.memory_space<vmem>>[vector<16xi32>], vector<16xi32>,
      %iota3A_2051 = tpu.iota {dimensions = array<i32: 0>} : vector<16xi32>
      %add3A_2052 = arith.addi %gather3A_2050, %iota3A_2051 : vector<16xi32>
      %broadcast_in_dim3A_2053 = vector.broadcast %scan3A_2046 : i32 to vector<16xi32>
      %lt3A_2054 = arith.constant 128 : i32
      %lt3A_2055 = vector.broadcast %lt3A_2054 : i32 to vector<16xi32>
      %lt3A_2056 = arith.cmpi slt, %add3A_2052, %lt3A_2055 : vector<16xi32>
      %add3A_2057 = arith.constant 128 : i32
      %add3A_2058 = vector.broadcast %add3A_2057 : i32 to vector<16xi32>
      %add3A_2059 = arith.addi %broadcast_in_dim3A_2053, %add3A_2058 : vector<16xi32>
      %select_n3A_2060 = arith.select %lt3A_2056, %broadcast_in_dim3A_2053, %add3A_2059 : vector<16xi1>, vector<16xi32>
      %and3A_2061 = arith.constant 127 : i32
      %and3A_2062 = vector.broadcast %and3A_2061 : i32 to vector<16xi32>
      %and3A_2063 = arith.andi %add3A_2052, %and3A_2062 : vector<16xi32>
      %gather3A_2064 = tpu.vector_load_idx %arg12[%select_n3A_2060, %and3A_2063] : memref<256x128xf32, #tpu.memory_space<vmem>>[vector<16xi32>, vector<16xi32>], vector<16xf32>,
      %mul3A_2065 = arith.constant 16 : i32
      %mul3A_2066 = arith.muli %add3A_2048, %mul3A_2065 : i32
      %swap3A_2067 = arith.index_cast %mul3A_2066 : i32 to index
      %swap3A_2068 = tpu.vector_load %arg14[%swap3A_2067] {strides = array<i32>} : memref<8192xf32, #tpu.memory_space<vmem>>, vector<16xf32>,
      tpu.vector_store %arg14[%swap3A_2067], %gather3A_2064 {strides = array<i32>} : memref<8192xf32, #tpu.memory_space<vmem>>, vector<16xf32>,
      %scan3A_2069 = arith.constant 0 : i32
      scf.yield %scan3A_2069 : i32
    }
    %scan3A_1871 = arith.constant 128 : i32
    %dma_start3A_1872 = arith.constant 0 : i32
    %dma_start3A_1873 = arith.constant 0 : i32
    %dma_start3A_1874 = tpu.memref_slice %arg12[%dma_start3A_1872, %dma_start3A_1873] : memref<256x128xf32, #tpu.memory_space<vmem>> -> memref<128x128xf32, #tpu.memory_space<vmem>>
    %dma_start3A_1875 = arith.constant 256 : i32
    %dma_start3A_1876 = tpu.memref_slice %arg9[%dma_start3A_1875] : memref<512xi32, #tpu.memory_space<vmem>> -> memref<128xi32, #tpu.memory_space<vmem>>
    %dma_start3A_1877 = arith.constant 0 : i32
    %dma_start3A_1878 = arith.constant 0 : i32
    %dma_start3A_1879 = tpu.memref_slice %arg4[%dma_start3A_1877, %dma_start3A_1878] : memref<78125x128xf32, #tpu.memory_space<hbm>> -> memref<78125x128xf32, #tpu.memory_space<hbm>>
    tpu.enqueue_indirect_dma source(%dma_start3A_1879 : memref<78125x128xf32, #tpu.memory_space<hbm>>) target(%dma_start3A_1874 : memref<128x128xf32, #tpu.memory_space<vmem>>) offsets(%dma_start3A_1876 : memref<128xi32, #tpu.memory_space<vmem>>) semaphore(%arg15 : memref<!tpu.dma_semaphore, #tpu.memory_space<semaphore_mem>>)
    %dma_start3A_1880 = arith.constant 128 : i32
    %dma_start3A_1881 = arith.constant 0 : i32
    %dma_start3A_1882 = tpu.memref_slice %arg12[%dma_start3A_1880, %dma_start3A_1881] : memref<256x128xf32, #tpu.memory_space<vmem>> -> memref<128x128xf32, #tpu.memory_space<vmem>>
    %dma_start3A_1883 = arith.constant 256 : i32
    %dma_start3A_1884 = tpu.memref_slice %arg10[%dma_start3A_1883] : memref<512xi32, #tpu.memory_space<vmem>> -> memref<128xi32, #tpu.memory_space<vmem>>
    %dma_start3A_1885 = arith.constant 0 : i32
    %dma_start3A_1886 = arith.constant 0 : i32
    %dma_start3A_1887 = tpu.memref_slice %arg4[%dma_start3A_1885, %dma_start3A_1886] : memref<78125x128xf32, #tpu.memory_space<hbm>> -> memref<78125x128xf32, #tpu.memory_space<hbm>>
    tpu.enqueue_indirect_dma source(%dma_start3A_1887 : memref<78125x128xf32, #tpu.memory_space<hbm>>) target(%dma_start3A_1882 : memref<128x128xf32, #tpu.memory_space<vmem>>) offsets(%dma_start3A_1884 : memref<128xi32, #tpu.memory_space<vmem>>) semaphore(%arg15 : memref<!tpu.dma_semaphore, #tpu.memory_space<semaphore_mem>>)
    %dma_wait3A_1888 = arith.constant 0 : i32
    %dma_wait3A_1889 = arith.constant 0 : i32
    %dma_wait3A_1890 = tpu.memref_slice %arg13[%dma_wait3A_1888, %dma_wait3A_1889] : memref<256x128xf32, #tpu.memory_space<vmem>> -> memref<128x128xf32, #tpu.memory_space<vmem>>
    %dma_wait3A_1891 = arith.constant 128 : i32
    %dma_wait3A_1892 = tpu.memref_slice %arg9[%dma_wait3A_1891] : memref<512xi32, #tpu.memory_space<vmem>> -> memref<128xi32, #tpu.memory_space<vmem>>
    %dma_wait3A_1893 = arith.constant 0 : i32
    %dma_wait3A_1894 = arith.constant 0 : i32
    %dma_wait3A_1895 = tpu.memref_slice %arg4[%dma_wait3A_1893, %dma_wait3A_1894] : memref<78125x128xf32, #tpu.memory_space<hbm>> -> memref<78125x128xf32, #tpu.memory_space<hbm>>
    tpu.wait_indirect_dma semaphore(%arg15 : memref<!tpu.dma_semaphore, #tpu.memory_space<semaphore_mem>>) src(%dma_wait3A_1895 : memref<78125x128xf32, #tpu.memory_space<hbm>>) dst(%dma_wait3A_1890 : memref<128x128xf32, #tpu.memory_space<vmem>>)
    %dma_wait3A_1896 = arith.constant 128 : i32
    %dma_wait3A_1897 = arith.constant 0 : i32
    %dma_wait3A_1898 = tpu.memref_slice %arg13[%dma_wait3A_1896, %dma_wait3A_1897] : memref<256x128xf32, #tpu.memory_space<vmem>> -> memref<128x128xf32, #tpu.memory_space<vmem>>
    %dma_wait3A_1899 = arith.constant 128 : i32
    %dma_wait3A_1900 = tpu.memref_slice %arg10[%dma_wait3A_1899] : memref<512xi32, #tpu.memory_space<vmem>> -> memref<128xi32, #tpu.memory_space<vmem>>
    %dma_wait3A_1901 = arith.constant 0 : i32
    %dma_wait3A_1902 = arith.constant 0 : i32
    %dma_wait3A_1903 = tpu.memref_slice %arg4[%dma_wait3A_1901, %dma_wait3A_1902] : memref<78125x128xf32, #tpu.memory_space<hbm>> -> memref<78125x128xf32, #tpu.memory_space<hbm>>
    tpu.wait_indirect_dma semaphore(%arg15 : memref<!tpu.dma_semaphore, #tpu.memory_space<semaphore_mem>>) src(%dma_wait3A_1903 : memref<78125x128xf32, #tpu.memory_space<hbm>>) dst(%dma_wait3A_1898 : memref<128x128xf32, #tpu.memory_space<vmem>>)
    %scan3A_1904 = arith.constant 0 : i32
    %scan3A_1905 = arith.constant 0 : i32
    %scan3A_1906 = arith.constant 128 : i32
    %scan3A_1907 = arith.addi %scan3A_1905, %scan3A_1906 : i32
    %scan3A_1908 = arith.constant 4 : i32
    %scan3A_1909 = scf.for %scan3A_1975 = %scan3A_1905 to %scan3A_1907 step %scan3A_1908 iter_args(%scan3A_1976 = %scan3A_1904) -> (i32)  : i32 {
      %add3A_1977 = arith.constant 128 : i32
      %add3A_1978 = arith.addi %add3A_1977, %scan3A_1975 : i32
      %broadcast_in_dim3A = vector.broadcast %add3A_1978 : i32 to vector<16xi32>
      %gather3A = tpu.vector_load_idx %arg11[%broadcast_in_dim3A] : memref<512xi32, #tpu.memory_space<vmem>>[vector<16xi32>], vector<16xi32>,
      %iota3A = tpu.iota {dimensions = array<i32: 0>} : vector<16xi32>
      %add3A_1979 = arith.addi %gather3A, %iota3A : vector<16xi32>
      %broadcast_in_dim3A_1980 = vector.broadcast %scan3A_1975 : i32 to vector<16xi32>
      %lt3A = arith.constant 128 : i32
      %lt3A_1981 = vector.broadcast %lt3A : i32 to vector<16xi32>
      %lt3A_1982 = arith.cmpi slt, %add3A_1979, %lt3A_1981 : vector<16xi32>
      %add3A_1983 = arith.constant 128 : i32
      %add3A_1984 = vector.broadcast %add3A_1983 : i32 to vector<16xi32>
      %add3A_1985 = arith.addi %broadcast_in_dim3A_1980, %add3A_1984 : vector<16xi32>
      %select_n3A = arith.select %lt3A_1982, %broadcast_in_dim3A_1980, %add3A_1985 : vector<16xi1>, vector<16xi32>
      %and3A_1986 = arith.constant 127 : i32
      %and3A_1987 = vector.broadcast %and3A_1986 : i32 to vector<16xi32>
      %and3A_1988 = arith.andi %add3A_1979, %and3A_1987 : vector<16xi32>
      %gather3A_1989 = tpu.vector_load_idx %arg13[%select_n3A, %and3A_1988] : memref<256x128xf32, #tpu.memory_space<vmem>>[vector<16xi32>, vector<16xi32>], vector<16xf32>,
      %mul3A_1990 = arith.constant 16 : i32
      %mul3A_1991 = arith.muli %add3A_1978, %mul3A_1990 : i32
      %swap3A_1992 = arith.index_cast %mul3A_1991 : i32 to index
      %swap3A_1993 = tpu.vector_load %arg14[%swap3A_1992] {strides = array<i32>} : memref<8192xf32, #tpu.memory_space<vmem>>, vector<16xf32>,
      tpu.vector_store %arg14[%swap3A_1992], %gather3A_1989 {strides = array<i32>} : memref<8192xf32, #tpu.memory_space<vmem>>, vector<16xf32>,
      %scan3A_1994 = arith.constant 0 : i32
      %scan3A_1995 = arith.constant 1 : i32
      %scan3A_1996 = arith.addi %scan3A_1975, %scan3A_1995 : i32
      %add3A_1997 = arith.constant 128 : i32
      %add3A_1998 = arith.addi %add3A_1997, %scan3A_1996 : i32
      %broadcast_in_dim3A_1999 = vector.broadcast %add3A_1998 : i32 to vector<16xi32>
      %gather3A_2000 = tpu.vector_load_idx %arg11[%broadcast_in_dim3A_1999] : memref<512xi32, #tpu.memory_space<vmem>>[vector<16xi32>], vector<16xi32>,
      %iota3A_2001 = tpu.iota {dimensions = array<i32: 0>} : vector<16xi32>
      %add3A_2002 = arith.addi %gather3A_2000, %iota3A_2001 : vector<16xi32>
      %broadcast_in_dim3A_2003 = vector.broadcast %scan3A_1996 : i32 to vector<16xi32>
      %lt3A_2004 = arith.constant 128 : i32
      %lt3A_2005 = vector.broadcast %lt3A_2004 : i32 to vector<16xi32>
      %lt3A_2006 = arith.cmpi slt, %add3A_2002, %lt3A_2005 : vector<16xi32>
      %add3A_2007 = arith.constant 128 : i32
      %add3A_2008 = vector.broadcast %add3A_2007 : i32 to vector<16xi32>
      %add3A_2009 = arith.addi %broadcast_in_dim3A_2003, %add3A_2008 : vector<16xi32>
      %select_n3A_2010 = arith.select %lt3A_2006, %broadcast_in_dim3A_2003, %add3A_2009 : vector<16xi1>, vector<16xi32>
      %and3A_2011 = arith.constant 127 : i32
      %and3A_2012 = vector.broadcast %and3A_2011 : i32 to vector<16xi32>
      %and3A_2013 = arith.andi %add3A_2002, %and3A_2012 : vector<16xi32>
      %gather3A_2014 = tpu.vector_load_idx %arg13[%select_n3A_2010, %and3A_2013] : memref<256x128xf32, #tpu.memory_space<vmem>>[vector<16xi32>, vector<16xi32>], vector<16xf32>,
      %mul3A_2015 = arith.constant 16 : i32
      %mul3A_2016 = arith.muli %add3A_1998, %mul3A_2015 : i32
      %swap3A_2017 = arith.index_cast %mul3A_2016 : i32 to index
      %swap3A_2018 = tpu.vector_load %arg14[%swap3A_2017] {strides = array<i32>} : memref<8192xf32, #tpu.memory_space<vmem>>, vector<16xf32>,
      tpu.vector_store %arg14[%swap3A_2017], %gather3A_2014 {strides = array<i32>} : memref<8192xf32, #tpu.memory_space<vmem>>, vector<16xf32>,
      %scan3A_2019 = arith.constant 0 : i32
      %scan3A_2020 = arith.constant 2 : i32
      %scan3A_2021 = arith.addi %scan3A_1975, %scan3A_2020 : i32
      %add3A_2022 = arith.constant 128 : i32
      %add3A_2023 = arith.addi %add3A_2022, %scan3A_2021 : i32
      %broadcast_in_dim3A_2024 = vector.broadcast %add3A_2023 : i32 to vector<16xi32>
      %gather3A_2025 = tpu.vector_load_idx %arg11[%broadcast_in_dim3A_2024] : memref<512xi32, #tpu.memory_space<vmem>>[vector<16xi32>], vector<16xi32>,
      %iota3A_2026 = tpu.iota {dimensions = array<i32: 0>} : vector<16xi32>
      %add3A_2027 = arith.addi %gather3A_2025, %iota3A_2026 : vector<16xi32>
      %broadcast_in_dim3A_2028 = vector.broadcast %scan3A_2021 : i32 to vector<16xi32>
      %lt3A_2029 = arith.constant 128 : i32
      %lt3A_2030 = vector.broadcast %lt3A_2029 : i32 to vector<16xi32>
      %lt3A_2031 = arith.cmpi slt, %add3A_2027, %lt3A_2030 : vector<16xi32>
      %add3A_2032 = arith.constant 128 : i32
      %add3A_2033 = vector.broadcast %add3A_2032 : i32 to vector<16xi32>
      %add3A_2034 = arith.addi %broadcast_in_dim3A_2028, %add3A_2033 : vector<16xi32>
      %select_n3A_2035 = arith.select %lt3A_2031, %broadcast_in_dim3A_2028, %add3A_2034 : vector<16xi1>, vector<16xi32>
      %and3A_2036 = arith.constant 127 : i32
      %and3A_2037 = vector.broadcast %and3A_2036 : i32 to vector<16xi32>
      %and3A_2038 = arith.andi %add3A_2027, %and3A_2037 : vector<16xi32>
      %gather3A_2039 = tpu.vector_load_idx %arg13[%select_n3A_2035, %and3A_2038] : memref<256x128xf32, #tpu.memory_space<vmem>>[vector<16xi32>, vector<16xi32>], vector<16xf32>,
      %mul3A_2040 = arith.constant 16 : i32
      %mul3A_2041 = arith.muli %add3A_2023, %mul3A_2040 : i32
      %swap3A_2042 = arith.index_cast %mul3A_2041 : i32 to index
      %swap3A_2043 = tpu.vector_load %arg14[%swap3A_2042] {strides = array<i32>} : memref<8192xf32, #tpu.memory_space<vmem>>, vector<16xf32>,
      tpu.vector_store %arg14[%swap3A_2042], %gather3A_2039 {strides = array<i32>} : memref<8192xf32, #tpu.memory_space<vmem>>, vector<16xf32>,
      %scan3A_2044 = arith.constant 0 : i32
      %scan3A_2045 = arith.constant 3 : i32
      %scan3A_2046 = arith.addi %scan3A_1975, %scan3A_2045 : i32
      %add3A_2047 = arith.constant 128 : i32
      %add3A_2048 = arith.addi %add3A_2047, %scan3A_2046 : i32
      %broadcast_in_dim3A_2049 = vector.broadcast %add3A_2048 : i32 to vector<16xi32>
      %gather3A_2050 = tpu.vector_load_idx %arg11[%broadcast_in_dim3A_2049] : memref<512xi32, #tpu.memory_space<vmem>>[vector<16xi32>], vector<16xi32>,
      %iota3A_2051 = tpu.iota {dimensions = array<i32: 0>} : vector<16xi32>
      %add3A_2052 = arith.addi %gather3A_2050, %iota3A_2051 : vector<16xi32>
      %broadcast_in_dim3A_2053 = vector.broadcast %scan3A_2046 : i32 to vector<16xi32>
      %lt3A_2054 = arith.constant 128 : i32
      %lt3A_2055 = vector.broadcast %lt3A_2054 : i32 to vector<16xi32>
      %lt3A_2056 = arith.cmpi slt, %add3A_2052, %lt3A_2055 : vector<16xi32>
      %add3A_2057 = arith.constant 128 : i32
      %add3A_2058 = vector.broadcast %add3A_2057 : i32 to vector<16xi32>
      %add3A_2059 = arith.addi %broadcast_in_dim3A_2053, %add3A_2058 : vector<16xi32>
      %select_n3A_2060 = arith.select %lt3A_2056, %broadcast_in_dim3A_2053, %add3A_2059 : vector<16xi1>, vector<16xi32>
      %and3A_2061 = arith.constant 127 : i32
      %and3A_2062 = vector.broadcast %and3A_2061 : i32 to vector<16xi32>
      %and3A_2063 = arith.andi %add3A_2052, %and3A_2062 : vector<16xi32>
      %gather3A_2064 = tpu.vector_load_idx %arg13[%select_n3A_2060, %and3A_2063] : memref<256x128xf32, #tpu.memory_space<vmem>>[vector<16xi32>, vector<16xi32>], vector<16xf32>,
      %mul3A_2065 = arith.constant 16 : i32
      %mul3A_2066 = arith.muli %add3A_2048, %mul3A_2065 : i32
      %swap3A_2067 = arith.index_cast %mul3A_2066 : i32 to index
      %swap3A_2068 = tpu.vector_load %arg14[%swap3A_2067] {strides = array<i32>} : memref<8192xf32, #tpu.memory_space<vmem>>, vector<16xf32>,
      tpu.vector_store %arg14[%swap3A_2067], %gather3A_2064 {strides = array<i32>} : memref<8192xf32, #tpu.memory_space<vmem>>, vector<16xf32>,
      %scan3A_2069 = arith.constant 0 : i32
      scf.yield %scan3A_2069 : i32
    }
    %scan3A_1910 = arith.constant 128 : i32
    %dma_start3A_1911 = arith.constant 0 : i32
    %dma_start3A_1912 = arith.constant 0 : i32
    %dma_start3A_1913 = tpu.memref_slice %arg13[%dma_start3A_1911, %dma_start3A_1912] : memref<256x128xf32, #tpu.memory_space<vmem>> -> memref<128x128xf32, #tpu.memory_space<vmem>>
    %dma_start3A_1914 = arith.constant 384 : i32
    %dma_start3A_1915 = tpu.memref_slice %arg9[%dma_start3A_1914] : memref<512xi32, #tpu.memory_space<vmem>> -> memref<128xi32, #tpu.memory_space<vmem>>
    %dma_start3A_1916 = arith.constant 0 : i32
    %dma_start3A_1917 = arith.constant 0 : i32
    %dma_start3A_1918 = tpu.memref_slice %arg4[%dma_start3A_1916, %dma_start3A_1917] : memref<78125x128xf32, #tpu.memory_space<hbm>> -> memref<78125x128xf32, #tpu.memory_space<hbm>>
    tpu.enqueue_indirect_dma source(%dma_start3A_1918 : memref<78125x128xf32, #tpu.memory_space<hbm>>) target(%dma_start3A_1913 : memref<128x128xf32, #tpu.memory_space<vmem>>) offsets(%dma_start3A_1915 : memref<128xi32, #tpu.memory_space<vmem>>) semaphore(%arg15 : memref<!tpu.dma_semaphore, #tpu.memory_space<semaphore_mem>>)
    %dma_start3A_1919 = arith.constant 128 : i32
    %dma_start3A_1920 = arith.constant 0 : i32
    %dma_start3A_1921 = tpu.memref_slice %arg13[%dma_start3A_1919, %dma_start3A_1920] : memref<256x128xf32, #tpu.memory_space<vmem>> -> memref<128x128xf32, #tpu.memory_space<vmem>>
    %dma_start3A_1922 = arith.constant 384 : i32
    %dma_start3A_1923 = tpu.memref_slice %arg10[%dma_start3A_1922] : memref<512xi32, #tpu.memory_space<vmem>> -> memref<128xi32, #tpu.memory_space<vmem>>
    %dma_start3A_1924 = arith.constant 0 : i32
    %dma_start3A_1925 = arith.constant 0 : i32
    %dma_start3A_1926 = tpu.memref_slice %arg4[%dma_start3A_1924, %dma_start3A_1925] : memref<78125x128xf32, #tpu.memory_space<hbm>> -> memref<78125x128xf32, #tpu.memory_space<hbm>>
    tpu.enqueue_indirect_dma source(%dma_start3A_1926 : memref<78125x128xf32, #tpu.memory_space<hbm>>) target(%dma_start3A_1921 : memref<128x128xf32, #tpu.memory_space<vmem>>) offsets(%dma_start3A_1923 : memref<128xi32, #tpu.memory_space<vmem>>) semaphore(%arg15 : memref<!tpu.dma_semaphore, #tpu.memory_space<semaphore_mem>>)
    %dma_wait3A_1927 = arith.constant 0 : i32
    %dma_wait3A_1928 = arith.constant 0 : i32
    %dma_wait3A_1929 = tpu.memref_slice %arg12[%dma_wait3A_1927, %dma_wait3A_1928] : memref<256x128xf32, #tpu.memory_space<vmem>> -> memref<128x128xf32, #tpu.memory_space<vmem>>
    %dma_wait3A_1930 = arith.constant 256 : i32
    %dma_wait3A_1931 = tpu.memref_slice %arg9[%dma_wait3A_1930] : memref<512xi32, #tpu.memory_space<vmem>> -> memref<128xi32, #tpu.memory_space<vmem>>
    %dma_wait3A_1932 = arith.constant 0 : i32
    %dma_wait3A_1933 = arith.constant 0 : i32
    %dma_wait3A_1934 = tpu.memref_slice %arg4[%dma_wait3A_1932, %dma_wait3A_1933] : memref<78125x128xf32, #tpu.memory_space<hbm>> -> memref<78125x128xf32, #tpu.memory_space<hbm>>
    tpu.wait_indirect_dma semaphore(%arg15 : memref<!tpu.dma_semaphore, #tpu.memory_space<semaphore_mem>>) src(%dma_wait3A_1934 : memref<78125x128xf32, #tpu.memory_space<hbm>>) dst(%dma_wait3A_1929 : memref<128x128xf32, #tpu.memory_space<vmem>>)
    %dma_wait3A_1935 = arith.constant 128 : i32
    %dma_wait3A_1936 = arith.constant 0 : i32
    %dma_wait3A_1937 = tpu.memref_slice %arg12[%dma_wait3A_1935, %dma_wait3A_1936] : memref<256x128xf32, #tpu.memory_space<vmem>> -> memref<128x128xf32, #tpu.memory_space<vmem>>
    %dma_wait3A_1938 = arith.constant 256 : i32
    %dma_wait3A_1939 = tpu.memref_slice %arg10[%dma_wait3A_1938] : memref<512xi32, #tpu.memory_space<vmem>> -> memref<128xi32, #tpu.memory_space<vmem>>
    %dma_wait3A_1940 = arith.constant 0 : i32
    %dma_wait3A_1941 = arith.constant 0 : i32
    %dma_wait3A_1942 = tpu.memref_slice %arg4[%dma_wait3A_1940, %dma_wait3A_1941] : memref<78125x128xf32, #tpu.memory_space<hbm>> -> memref<78125x128xf32, #tpu.memory_space<hbm>>
    tpu.wait_indirect_dma semaphore(%arg15 : memref<!tpu.dma_semaphore, #tpu.memory_space<semaphore_mem>>) src(%dma_wait3A_1942 : memref<78125x128xf32, #tpu.memory_space<hbm>>) dst(%dma_wait3A_1937 : memref<128x128xf32, #tpu.memory_space<vmem>>)
    %scan3A_1943 = arith.constant 0 : i32
    %scan3A_1944 = arith.constant 0 : i32
    %scan3A_1945 = arith.constant 128 : i32
    %scan3A_1946 = arith.addi %scan3A_1944, %scan3A_1945 : i32
    %scan3A_1947 = arith.constant 4 : i32
    %scan3A_1948 = scf.for %scan3A_1975 = %scan3A_1944 to %scan3A_1946 step %scan3A_1947 iter_args(%scan3A_1976 = %scan3A_1943) -> (i32)  : i32 {
      %add3A_1977 = arith.constant 256 : i32
      %add3A_1978 = arith.addi %add3A_1977, %scan3A_1975 : i32
      %broadcast_in_dim3A = vector.broadcast %add3A_1978 : i32 to vector<16xi32>
      %gather3A = tpu.vector_load_idx %arg11[%broadcast_in_dim3A] : memref<512xi32, #tpu.memory_space<vmem>>[vector<16xi32>], vector<16xi32>,
      %iota3A = tpu.iota {dimensions = array<i32: 0>} : vector<16xi32>
      %add3A_1979 = arith.addi %gather3A, %iota3A : vector<16xi32>
      %broadcast_in_dim3A_1980 = vector.broadcast %scan3A_1975 : i32 to vector<16xi32>
      %lt3A = arith.constant 128 : i32
      %lt3A_1981 = vector.broadcast %lt3A : i32 to vector<16xi32>
      %lt3A_1982 = arith.cmpi slt, %add3A_1979, %lt3A_1981 : vector<16xi32>
      %add3A_1983 = arith.constant 128 : i32
      %add3A_1984 = vector.broadcast %add3A_1983 : i32 to vector<16xi32>
      %add3A_1985 = arith.addi %broadcast_in_dim3A_1980, %add3A_1984 : vector<16xi32>
      %select_n3A = arith.select %lt3A_1982, %broadcast_in_dim3A_1980, %add3A_1985 : vector<16xi1>, vector<16xi32>
      %and3A_1986 = arith.constant 127 : i32
      %and3A_1987 = vector.broadcast %and3A_1986 : i32 to vector<16xi32>
      %and3A_1988 = arith.andi %add3A_1979, %and3A_1987 : vector<16xi32>
      %gather3A_1989 = tpu.vector_load_idx %arg12[%select_n3A, %and3A_1988] : memref<256x128xf32, #tpu.memory_space<vmem>>[vector<16xi32>, vector<16xi32>], vector<16xf32>,
      %mul3A_1990 = arith.constant 16 : i32
      %mul3A_1991 = arith.muli %add3A_1978, %mul3A_1990 : i32
      %swap3A_1992 = arith.index_cast %mul3A_1991 : i32 to index
      %swap3A_1993 = tpu.vector_load %arg14[%swap3A_1992] {strides = array<i32>} : memref<8192xf32, #tpu.memory_space<vmem>>, vector<16xf32>,
      tpu.vector_store %arg14[%swap3A_1992], %gather3A_1989 {strides = array<i32>} : memref<8192xf32, #tpu.memory_space<vmem>>, vector<16xf32>,
      %scan3A_1994 = arith.constant 0 : i32
      %scan3A_1995 = arith.constant 1 : i32
      %scan3A_1996 = arith.addi %scan3A_1975, %scan3A_1995 : i32
      %add3A_1997 = arith.constant 256 : i32
      %add3A_1998 = arith.addi %add3A_1997, %scan3A_1996 : i32
      %broadcast_in_dim3A_1999 = vector.broadcast %add3A_1998 : i32 to vector<16xi32>
      %gather3A_2000 = tpu.vector_load_idx %arg11[%broadcast_in_dim3A_1999] : memref<512xi32, #tpu.memory_space<vmem>>[vector<16xi32>], vector<16xi32>,
      %iota3A_2001 = tpu.iota {dimensions = array<i32: 0>} : vector<16xi32>
      %add3A_2002 = arith.addi %gather3A_2000, %iota3A_2001 : vector<16xi32>
      %broadcast_in_dim3A_2003 = vector.broadcast %scan3A_1996 : i32 to vector<16xi32>
      %lt3A_2004 = arith.constant 128 : i32
      %lt3A_2005 = vector.broadcast %lt3A_2004 : i32 to vector<16xi32>
      %lt3A_2006 = arith.cmpi slt, %add3A_2002, %lt3A_2005 : vector<16xi32>
      %add3A_2007 = arith.constant 128 : i32
      %add3A_2008 = vector.broadcast %add3A_2007 : i32 to vector<16xi32>
      %add3A_2009 = arith.addi %broadcast_in_dim3A_2003, %add3A_2008 : vector<16xi32>
      %select_n3A_2010 = arith.select %lt3A_2006, %broadcast_in_dim3A_2003, %add3A_2009 : vector<16xi1>, vector<16xi32>
      %and3A_2011 = arith.constant 127 : i32
      %and3A_2012 = vector.broadcast %and3A_2011 : i32 to vector<16xi32>
      %and3A_2013 = arith.andi %add3A_2002, %and3A_2012 : vector<16xi32>
      %gather3A_2014 = tpu.vector_load_idx %arg12[%select_n3A_2010, %and3A_2013] : memref<256x128xf32, #tpu.memory_space<vmem>>[vector<16xi32>, vector<16xi32>], vector<16xf32>,
      %mul3A_2015 = arith.constant 16 : i32
      %mul3A_2016 = arith.muli %add3A_1998, %mul3A_2015 : i32
      %swap3A_2017 = arith.index_cast %mul3A_2016 : i32 to index
      %swap3A_2018 = tpu.vector_load %arg14[%swap3A_2017] {strides = array<i32>} : memref<8192xf32, #tpu.memory_space<vmem>>, vector<16xf32>,
      tpu.vector_store %arg14[%swap3A_2017], %gather3A_2014 {strides = array<i32>} : memref<8192xf32, #tpu.memory_space<vmem>>, vector<16xf32>,
      %scan3A_2019 = arith.constant 0 : i32
      %scan3A_2020 = arith.constant 2 : i32
      %scan3A_2021 = arith.addi %scan3A_1975, %scan3A_2020 : i32
      %add3A_2022 = arith.constant 256 : i32
      %add3A_2023 = arith.addi %add3A_2022, %scan3A_2021 : i32
      %broadcast_in_dim3A_2024 = vector.broadcast %add3A_2023 : i32 to vector<16xi32>
      %gather3A_2025 = tpu.vector_load_idx %arg11[%broadcast_in_dim3A_2024] : memref<512xi32, #tpu.memory_space<vmem>>[vector<16xi32>], vector<16xi32>,
      %iota3A_2026 = tpu.iota {dimensions = array<i32: 0>} : vector<16xi32>
      %add3A_2027 = arith.addi %gather3A_2025, %iota3A_2026 : vector<16xi32>
      %broadcast_in_dim3A_2028 = vector.broadcast %scan3A_2021 : i32 to vector<16xi32>
      %lt3A_2029 = arith.constant 128 : i32
      %lt3A_2030 = vector.broadcast %lt3A_2029 : i32 to vector<16xi32>
      %lt3A_2031 = arith.cmpi slt, %add3A_2027, %lt3A_2030 : vector<16xi32>
      %add3A_2032 = arith.constant 128 : i32
      %add3A_2033 = vector.broadcast %add3A_2032 : i32 to vector<16xi32>
      %add3A_2034 = arith.addi %broadcast_in_dim3A_2028, %add3A_2033 : vector<16xi32>
      %select_n3A_2035 = arith.select %lt3A_2031, %broadcast_in_dim3A_2028, %add3A_2034 : vector<16xi1>, vector<16xi32>
      %and3A_2036 = arith.constant 127 : i32
      %and3A_2037 = vector.broadcast %and3A_2036 : i32 to vector<16xi32>
      %and3A_2038 = arith.andi %add3A_2027, %and3A_2037 : vector<16xi32>
      %gather3A_2039 = tpu.vector_load_idx %arg12[%select_n3A_2035, %and3A_2038] : memref<256x128xf32, #tpu.memory_space<vmem>>[vector<16xi32>, vector<16xi32>], vector<16xf32>,
      %mul3A_2040 = arith.constant 16 : i32
      %mul3A_2041 = arith.muli %add3A_2023, %mul3A_2040 : i32
      %swap3A_2042 = arith.index_cast %mul3A_2041 : i32 to index
      %swap3A_2043 = tpu.vector_load %arg14[%swap3A_2042] {strides = array<i32>} : memref<8192xf32, #tpu.memory_space<vmem>>, vector<16xf32>,
      tpu.vector_store %arg14[%swap3A_2042], %gather3A_2039 {strides = array<i32>} : memref<8192xf32, #tpu.memory_space<vmem>>, vector<16xf32>,
      %scan3A_2044 = arith.constant 0 : i32
      %scan3A_2045 = arith.constant 3 : i32
      %scan3A_2046 = arith.addi %scan3A_1975, %scan3A_2045 : i32
      %add3A_2047 = arith.constant 256 : i32
      %add3A_2048 = arith.addi %add3A_2047, %scan3A_2046 : i32
      %broadcast_in_dim3A_2049 = vector.broadcast %add3A_2048 : i32 to vector<16xi32>
      %gather3A_2050 = tpu.vector_load_idx %arg11[%broadcast_in_dim3A_2049] : memref<512xi32, #tpu.memory_space<vmem>>[vector<16xi32>], vector<16xi32>,
      %iota3A_2051 = tpu.iota {dimensions = array<i32: 0>} : vector<16xi32>
      %add3A_2052 = arith.addi %gather3A_2050, %iota3A_2051 : vector<16xi32>
      %broadcast_in_dim3A_2053 = vector.broadcast %scan3A_2046 : i32 to vector<16xi32>
      %lt3A_2054 = arith.constant 128 : i32
      %lt3A_2055 = vector.broadcast %lt3A_2054 : i32 to vector<16xi32>
      %lt3A_2056 = arith.cmpi slt, %add3A_2052, %lt3A_2055 : vector<16xi32>
      %add3A_2057 = arith.constant 128 : i32
      %add3A_2058 = vector.broadcast %add3A_2057 : i32 to vector<16xi32>
      %add3A_2059 = arith.addi %broadcast_in_dim3A_2053, %add3A_2058 : vector<16xi32>
      %select_n3A_2060 = arith.select %lt3A_2056, %broadcast_in_dim3A_2053, %add3A_2059 : vector<16xi1>, vector<16xi32>
      %and3A_2061 = arith.constant 127 : i32
      %and3A_2062 = vector.broadcast %and3A_2061 : i32 to vector<16xi32>
      %and3A_2063 = arith.andi %add3A_2052, %and3A_2062 : vector<16xi32>
      %gather3A_2064 = tpu.vector_load_idx %arg12[%select_n3A_2060, %and3A_2063] : memref<256x128xf32, #tpu.memory_space<vmem>>[vector<16xi32>, vector<16xi32>], vector<16xf32>,
      %mul3A_2065 = arith.constant 16 : i32
      %mul3A_2066 = arith.muli %add3A_2048, %mul3A_2065 : i32
      %swap3A_2067 = arith.index_cast %mul3A_2066 : i32 to index
      %swap3A_2068 = tpu.vector_load %arg14[%swap3A_2067] {strides = array<i32>} : memref<8192xf32, #tpu.memory_space<vmem>>, vector<16xf32>,
      tpu.vector_store %arg14[%swap3A_2067], %gather3A_2064 {strides = array<i32>} : memref<8192xf32, #tpu.memory_space<vmem>>, vector<16xf32>,
      %scan3A_2069 = arith.constant 0 : i32
      scf.yield %scan3A_2069 : i32
    }
    %scan3A_1949 = arith.constant 128 : i32
    %dma_wait3A_1950 = arith.constant 0 : i32
    %dma_wait3A_1951 = arith.constant 0 : i32
    %dma_wait3A_1952 = tpu.memref_slice %arg13[%dma_wait3A_1950, %dma_wait3A_1951] : memref<256x128xf32, #tpu.memory_space<vmem>> -> memref<128x128xf32, #tpu.memory_space<vmem>>
    %dma_wait3A_1953 = arith.constant 384 : i32
    %dma_wait3A_1954 = tpu.memref_slice %arg9[%dma_wait3A_1953] : memref<512xi32, #tpu.memory_space<vmem>> -> memref<128xi32, #tpu.memory_space<vmem>>
    %dma_wait3A_1955 = arith.constant 0 : i32
    %dma_wait3A_1956 = arith.constant 0 : i32
    %dma_wait3A_1957 = tpu.memref_slice %arg4[%dma_wait3A_1955, %dma_wait3A_1956] : memref<78125x128xf32, #tpu.memory_space<hbm>> -> memref<78125x128xf32, #tpu.memory_space<hbm>>
    tpu.wait_indirect_dma semaphore(%arg15 : memref<!tpu.dma_semaphore, #tpu.memory_space<semaphore_mem>>) src(%dma_wait3A_1957 : memref<78125x128xf32, #tpu.memory_space<hbm>>) dst(%dma_wait3A_1952 : memref<128x128xf32, #tpu.memory_space<vmem>>)
    %dma_wait3A_1958 = arith.constant 128 : i32
    %dma_wait3A_1959 = arith.constant 0 : i32
    %dma_wait3A_1960 = tpu.memref_slice %arg13[%dma_wait3A_1958, %dma_wait3A_1959] : memref<256x128xf32, #tpu.memory_space<vmem>> -> memref<128x128xf32, #tpu.memory_space<vmem>>
    %dma_wait3A_1961 = arith.constant 384 : i32
    %dma_wait3A_1962 = tpu.memref_slice %arg10[%dma_wait3A_1961] : memref<512xi32, #tpu.memory_space<vmem>> -> memref<128xi32, #tpu.memory_space<vmem>>
    %dma_wait3A_1963 = arith.constant 0 : i32
    %dma_wait3A_1964 = arith.constant 0 : i32
    %dma_wait3A_1965 = tpu.memref_slice %arg4[%dma_wait3A_1963, %dma_wait3A_1964] : memref<78125x128xf32, #tpu.memory_space<hbm>> -> memref<78125x128xf32, #tpu.memory_space<hbm>>
    tpu.wait_indirect_dma semaphore(%arg15 : memref<!tpu.dma_semaphore, #tpu.memory_space<semaphore_mem>>) src(%dma_wait3A_1965 : memref<78125x128xf32, #tpu.memory_space<hbm>>) dst(%dma_wait3A_1960 : memref<128x128xf32, #tpu.memory_space<vmem>>)
    %scan3A_1966 = arith.constant 0 : i32
    %scan3A_1967 = arith.constant 0 : i32
    %scan3A_1968 = arith.constant 128 : i32
    %scan3A_1969 = arith.addi %scan3A_1967, %scan3A_1968 : i32
    %scan3A_1970 = arith.constant 4 : i32
    %scan3A_1971 = scf.for %scan3A_1975 = %scan3A_1967 to %scan3A_1969 step %scan3A_1970 iter_args(%scan3A_1976 = %scan3A_1966) -> (i32)  : i32 {
      %add3A_1977 = arith.constant 384 : i32
      %add3A_1978 = arith.addi %add3A_1977, %scan3A_1975 : i32
      %broadcast_in_dim3A = vector.broadcast %add3A_1978 : i32 to vector<16xi32>
      %gather3A = tpu.vector_load_idx %arg11[%broadcast_in_dim3A] : memref<512xi32, #tpu.memory_space<vmem>>[vector<16xi32>], vector<16xi32>,
      %iota3A = tpu.iota {dimensions = array<i32: 0>} : vector<16xi32>
      %add3A_1979 = arith.addi %gather3A, %iota3A : vector<16xi32>
      %broadcast_in_dim3A_1980 = vector.broadcast %scan3A_1975 : i32 to vector<16xi32>
      %lt3A = arith.constant 128 : i32
      %lt3A_1981 = vector.broadcast %lt3A : i32 to vector<16xi32>
      %lt3A_1982 = arith.cmpi slt, %add3A_1979, %lt3A_1981 : vector<16xi32>
      %add3A_1983 = arith.constant 128 : i32
      %add3A_1984 = vector.broadcast %add3A_1983 : i32 to vector<16xi32>
      %add3A_1985 = arith.addi %broadcast_in_dim3A_1980, %add3A_1984 : vector<16xi32>
      %select_n3A = arith.select %lt3A_1982, %broadcast_in_dim3A_1980, %add3A_1985 : vector<16xi1>, vector<16xi32>
      %and3A_1986 = arith.constant 127 : i32
      %and3A_1987 = vector.broadcast %and3A_1986 : i32 to vector<16xi32>
      %and3A_1988 = arith.andi %add3A_1979, %and3A_1987 : vector<16xi32>
      %gather3A_1989 = tpu.vector_load_idx %arg13[%select_n3A, %and3A_1988] : memref<256x128xf32, #tpu.memory_space<vmem>>[vector<16xi32>, vector<16xi32>], vector<16xf32>,
      %mul3A_1990 = arith.constant 16 : i32
      %mul3A_1991 = arith.muli %add3A_1978, %mul3A_1990 : i32
      %swap3A_1992 = arith.index_cast %mul3A_1991 : i32 to index
      %swap3A_1993 = tpu.vector_load %arg14[%swap3A_1992] {strides = array<i32>} : memref<8192xf32, #tpu.memory_space<vmem>>, vector<16xf32>,
      tpu.vector_store %arg14[%swap3A_1992], %gather3A_1989 {strides = array<i32>} : memref<8192xf32, #tpu.memory_space<vmem>>, vector<16xf32>,
      %scan3A_1994 = arith.constant 0 : i32
      %scan3A_1995 = arith.constant 1 : i32
      %scan3A_1996 = arith.addi %scan3A_1975, %scan3A_1995 : i32
      %add3A_1997 = arith.constant 384 : i32
      %add3A_1998 = arith.addi %add3A_1997, %scan3A_1996 : i32
      %broadcast_in_dim3A_1999 = vector.broadcast %add3A_1998 : i32 to vector<16xi32>
      %gather3A_2000 = tpu.vector_load_idx %arg11[%broadcast_in_dim3A_1999] : memref<512xi32, #tpu.memory_space<vmem>>[vector<16xi32>], vector<16xi32>,
      %iota3A_2001 = tpu.iota {dimensions = array<i32: 0>} : vector<16xi32>
      %add3A_2002 = arith.addi %gather3A_2000, %iota3A_2001 : vector<16xi32>
      %broadcast_in_dim3A_2003 = vector.broadcast %scan3A_1996 : i32 to vector<16xi32>
      %lt3A_2004 = arith.constant 128 : i32
      %lt3A_2005 = vector.broadcast %lt3A_2004 : i32 to vector<16xi32>
      %lt3A_2006 = arith.cmpi slt, %add3A_2002, %lt3A_2005 : vector<16xi32>
      %add3A_2007 = arith.constant 128 : i32
      %add3A_2008 = vector.broadcast %add3A_2007 : i32 to vector<16xi32>
      %add3A_2009 = arith.addi %broadcast_in_dim3A_2003, %add3A_2008 : vector<16xi32>
      %select_n3A_2010 = arith.select %lt3A_2006, %broadcast_in_dim3A_2003, %add3A_2009 : vector<16xi1>, vector<16xi32>
      %and3A_2011 = arith.constant 127 : i32
      %and3A_2012 = vector.broadcast %and3A_2011 : i32 to vector<16xi32>
      %and3A_2013 = arith.andi %add3A_2002, %and3A_2012 : vector<16xi32>
      %gather3A_2014 = tpu.vector_load_idx %arg13[%select_n3A_2010, %and3A_2013] : memref<256x128xf32, #tpu.memory_space<vmem>>[vector<16xi32>, vector<16xi32>], vector<16xf32>,
      %mul3A_2015 = arith.constant 16 : i32
      %mul3A_2016 = arith.muli %add3A_1998, %mul3A_2015 : i32
      %swap3A_2017 = arith.index_cast %mul3A_2016 : i32 to index
      %swap3A_2018 = tpu.vector_load %arg14[%swap3A_2017] {strides = array<i32>} : memref<8192xf32, #tpu.memory_space<vmem>>, vector<16xf32>,
      tpu.vector_store %arg14[%swap3A_2017], %gather3A_2014 {strides = array<i32>} : memref<8192xf32, #tpu.memory_space<vmem>>, vector<16xf32>,
      %scan3A_2019 = arith.constant 0 : i32
      %scan3A_2020 = arith.constant 2 : i32
      %scan3A_2021 = arith.addi %scan3A_1975, %scan3A_2020 : i32
      %add3A_2022 = arith.constant 384 : i32
      %add3A_2023 = arith.addi %add3A_2022, %scan3A_2021 : i32
      %broadcast_in_dim3A_2024 = vector.broadcast %add3A_2023 : i32 to vector<16xi32>
      %gather3A_2025 = tpu.vector_load_idx %arg11[%broadcast_in_dim3A_2024] : memref<512xi32, #tpu.memory_space<vmem>>[vector<16xi32>], vector<16xi32>,
      %iota3A_2026 = tpu.iota {dimensions = array<i32: 0>} : vector<16xi32>
      %add3A_2027 = arith.addi %gather3A_2025, %iota3A_2026 : vector<16xi32>
      %broadcast_in_dim3A_2028 = vector.broadcast %scan3A_2021 : i32 to vector<16xi32>
      %lt3A_2029 = arith.constant 128 : i32
      %lt3A_2030 = vector.broadcast %lt3A_2029 : i32 to vector<16xi32>
      %lt3A_2031 = arith.cmpi slt, %add3A_2027, %lt3A_2030 : vector<16xi32>
      %add3A_2032 = arith.constant 128 : i32
      %add3A_2033 = vector.broadcast %add3A_2032 : i32 to vector<16xi32>
      %add3A_2034 = arith.addi %broadcast_in_dim3A_2028, %add3A_2033 : vector<16xi32>
      %select_n3A_2035 = arith.select %lt3A_2031, %broadcast_in_dim3A_2028, %add3A_2034 : vector<16xi1>, vector<16xi32>
      %and3A_2036 = arith.constant 127 : i32
      %and3A_2037 = vector.broadcast %and3A_2036 : i32 to vector<16xi32>
      %and3A_2038 = arith.andi %add3A_2027, %and3A_2037 : vector<16xi32>
      %gather3A_2039 = tpu.vector_load_idx %arg13[%select_n3A_2035, %and3A_2038] : memref<256x128xf32, #tpu.memory_space<vmem>>[vector<16xi32>, vector<16xi32>], vector<16xf32>,
      %mul3A_2040 = arith.constant 16 : i32
      %mul3A_2041 = arith.muli %add3A_2023, %mul3A_2040 : i32
      %swap3A_2042 = arith.index_cast %mul3A_2041 : i32 to index
      %swap3A_2043 = tpu.vector_load %arg14[%swap3A_2042] {strides = array<i32>} : memref<8192xf32, #tpu.memory_space<vmem>>, vector<16xf32>,
      tpu.vector_store %arg14[%swap3A_2042], %gather3A_2039 {strides = array<i32>} : memref<8192xf32, #tpu.memory_space<vmem>>, vector<16xf32>,
      %scan3A_2044 = arith.constant 0 : i32
      %scan3A_2045 = arith.constant 3 : i32
      %scan3A_2046 = arith.addi %scan3A_1975, %scan3A_2045 : i32
      %add3A_2047 = arith.constant 384 : i32
      %add3A_2048 = arith.addi %add3A_2047, %scan3A_2046 : i32
      %broadcast_in_dim3A_2049 = vector.broadcast %add3A_2048 : i32 to vector<16xi32>
      %gather3A_2050 = tpu.vector_load_idx %arg11[%broadcast_in_dim3A_2049] : memref<512xi32, #tpu.memory_space<vmem>>[vector<16xi32>], vector<16xi32>,
      %iota3A_2051 = tpu.iota {dimensions = array<i32: 0>} : vector<16xi32>
      %add3A_2052 = arith.addi %gather3A_2050, %iota3A_2051 : vector<16xi32>
      %broadcast_in_dim3A_2053 = vector.broadcast %scan3A_2046 : i32 to vector<16xi32>
      %lt3A_2054 = arith.constant 128 : i32
      %lt3A_2055 = vector.broadcast %lt3A_2054 : i32 to vector<16xi32>
      %lt3A_2056 = arith.cmpi slt, %add3A_2052, %lt3A_2055 : vector<16xi32>
      %add3A_2057 = arith.constant 128 : i32
      %add3A_2058 = vector.broadcast %add3A_2057 : i32 to vector<16xi32>
      %add3A_2059 = arith.addi %broadcast_in_dim3A_2053, %add3A_2058 : vector<16xi32>
      %select_n3A_2060 = arith.select %lt3A_2056, %broadcast_in_dim3A_2053, %add3A_2059 : vector<16xi1>, vector<16xi32>
      %and3A_2061 = arith.constant 127 : i32
      %and3A_2062 = vector.broadcast %and3A_2061 : i32 to vector<16xi32>
      %and3A_2063 = arith.andi %add3A_2052, %and3A_2062 : vector<16xi32>
      %gather3A_2064 = tpu.vector_load_idx %arg13[%select_n3A_2060, %and3A_2063] : memref<256x128xf32, #tpu.memory_space<vmem>>[vector<16xi32>, vector<16xi32>], vector<16xf32>,
      %mul3A_2065 = arith.constant 16 : i32
      %mul3A_2066 = arith.muli %add3A_2048, %mul3A_2065 : i32
      %swap3A_2067 = arith.index_cast %mul3A_2066 : i32 to index
      %swap3A_2068 = tpu.vector_load %arg14[%swap3A_2067] {strides = array<i32>} : memref<8192xf32, #tpu.memory_space<vmem>>, vector<16xf32>,
      tpu.vector_store %arg14[%swap3A_2067], %gather3A_2064 {strides = array<i32>} : memref<8192xf32, #tpu.memory_space<vmem>>, vector<16xf32>,
      %scan3A_2069 = arith.constant 0 : i32
      scf.yield %scan3A_2069 : i32
    }
    %scan3A_1972 = arith.constant 128 : i32
    %mul3A_1973 = arith.constant 16 : i32
    %mul3A_1974 = arith.muli %mul3A_2, %mul3A_1973 : i32
    "tpu.region"() ({
      %run_scoped3A = tpu.sem_alloc : memref<!tpu.dma_semaphore, #tpu.memory_space<semaphore_mem>>
      %dma_start3A_1975 = tpu.memref_slice %arg6[%mul3A_1974] : memref<262144xf32, #tpu.memory_space<hbm>> -> memref<8192xf32, #tpu.memory_space<hbm>>
      %dma_start3A_1976 = tpu.memref_slice %arg6[%mul3A_1974] : memref<262144xf32, #tpu.memory_space<hbm>> -> memref<8192xf32, #tpu.memory_space<hbm>>
      tpu.enqueue_dma source(%arg14 : memref<8192xf32, #tpu.memory_space<vmem>>) target(%dma_start3A_1976 : memref<8192xf32, #tpu.memory_space<hbm>>) target_semaphore(%run_scoped3A : memref<!tpu.dma_semaphore, #tpu.memory_space<semaphore_mem>>)
      %dma_wait3A_1977 = tpu.memref_slice %arg6[%mul3A_1974] : memref<262144xf32, #tpu.memory_space<hbm>> -> memref<8192xf32, #tpu.memory_space<hbm>>
      %dma_wait3A_1978 = tpu.memref_slice %arg6[%mul3A_1974] : memref<262144xf32, #tpu.memory_space<hbm>> -> memref<8192xf32, #tpu.memory_space<hbm>>
      tpu.wait_dma2 semaphore(%run_scoped3A : memref<!tpu.dma_semaphore, #tpu.memory_space<semaphore_mem>>) src(%arg14 : memref<8192xf32, #tpu.memory_space<vmem>>) dst(%dma_wait3A_1978 : memref<8192xf32, #tpu.memory_space<hbm>>)
      tpu.yield
    }) : () -> ()
    return
  }
}

module attributes {stable_mosaic.version = 14 : i64} {
  func.func @_dense_body(%arg0: memref<16386x16xf32, #tpu.memory_space<vmem>>, %arg1: memref<16390x16xf32, #tpu.memory_space<vmem>>, %arg2: memref<16384x13xf32, #tpu.memory_space<vmem>>, %arg3: memref<16x128xf32, #tpu.memory_space<vmem>>, %arg4: memref<16x128xf32, #tpu.memory_space<vmem>>, %arg5: memref<13x128xf32, #tpu.memory_space<vmem>>, %arg6: memref<1x128xf32, #tpu.memory_space<vmem>>, %arg7: memref<128x1xf32, #tpu.memory_space<vmem>>, %arg8: memref<1x1xf32, #tpu.memory_space<vmem>>, %arg9: memref<16384x1xf32, #tpu.memory_space<vmem>>) attributes {dimension_semantics = [], scalar_prefetch = 0 : i64, scratch_operands = 0 : i64, tpu.core_type = #tpu.core_type<tc>} {
    %get3A = arith.constant 0 : index
    %get3A_0 = arith.constant 0 : index
    %get3A_1 = vector.load %arg0[%get3A, %get3A_0] : memref<16386x16xf32, #tpu.memory_space<vmem>>, vector<16386x16xf32>
    %get3A_2 = arith.constant 0 : index
    %get3A_3 = arith.constant 0 : index
    %get3A_4 = vector.load %arg1[%get3A_2, %get3A_3] : memref<16390x16xf32, #tpu.memory_space<vmem>>, vector<16390x16xf32>
    %slice3A = vector.extract_strided_slice %get3A_1 {offsets = [0, 0], sizes = [16384, 16], strides = [1, 1]} : vector<16386x16xf32> to vector<16384x16xf32>
    %slice3A_5 = vector.extract_strided_slice %get3A_1 {offsets = [1, 0], sizes = [16384, 16], strides = [1, 1]} : vector<16386x16xf32> to vector<16384x16xf32>
    %add3A = arith.addf %slice3A, %slice3A_5 : vector<16384x16xf32>
    %slice3A_6 = vector.extract_strided_slice %get3A_1 {offsets = [2, 0], sizes = [16384, 16], strides = [1, 1]} : vector<16386x16xf32> to vector<16384x16xf32>
    %add3A_7 = arith.addf %add3A, %slice3A_6 : vector<16384x16xf32>
    %slice3A_8 = vector.extract_strided_slice %get3A_4 {offsets = [0, 0], sizes = [16384, 16], strides = [1, 1]} : vector<16390x16xf32> to vector<16384x16xf32>
    %slice3A_9 = vector.extract_strided_slice %get3A_4 {offsets = [1, 0], sizes = [16384, 16], strides = [1, 1]} : vector<16390x16xf32> to vector<16384x16xf32>
    %add3A_10 = arith.addf %slice3A_8, %slice3A_9 : vector<16384x16xf32>
    %slice3A_11 = vector.extract_strided_slice %get3A_4 {offsets = [2, 0], sizes = [16384, 16], strides = [1, 1]} : vector<16390x16xf32> to vector<16384x16xf32>
    %add3A_12 = arith.addf %add3A_10, %slice3A_11 : vector<16384x16xf32>
    %slice3A_13 = vector.extract_strided_slice %get3A_4 {offsets = [3, 0], sizes = [16384, 16], strides = [1, 1]} : vector<16390x16xf32> to vector<16384x16xf32>
    %add3A_14 = arith.addf %add3A_12, %slice3A_13 : vector<16384x16xf32>
    %slice3A_15 = vector.extract_strided_slice %get3A_4 {offsets = [4, 0], sizes = [16384, 16], strides = [1, 1]} : vector<16390x16xf32> to vector<16384x16xf32>
    %add3A_16 = arith.addf %add3A_14, %slice3A_15 : vector<16384x16xf32>
    %slice3A_17 = vector.extract_strided_slice %get3A_4 {offsets = [5, 0], sizes = [16384, 16], strides = [1, 1]} : vector<16390x16xf32> to vector<16384x16xf32>
    %add3A_18 = arith.addf %add3A_16, %slice3A_17 : vector<16384x16xf32>
    %slice3A_19 = vector.extract_strided_slice %get3A_4 {offsets = [6, 0], sizes = [16384, 16], strides = [1, 1]} : vector<16390x16xf32> to vector<16384x16xf32>
    %add3A_20 = arith.addf %add3A_18, %slice3A_19 : vector<16384x16xf32>
    %iota3A = tpu.iota {dimensions = array<i32: 0>} : vector<16384x1xi32>
    %min3A = arith.constant 1 : i32
    %min3A_21 = vector.broadcast %min3A : i32 to vector<16384x1xi32>
    %min3A_22 = arith.minsi %iota3A, %min3A_21 : vector<16384x1xi32>
    %add3A_23 = arith.constant 1 : i32
    %add3A_24 = vector.broadcast %add3A_23 : i32 to vector<16384x1xi32>
    %add3A_25 = arith.addi %add3A_24, %min3A_22 : vector<16384x1xi32>
    %sub3A = arith.constant 16383 : i32
    %sub3A_26 = vector.broadcast %sub3A : i32 to vector<16384x1xi32>
    %sub3A_27 = arith.subi %sub3A_26, %iota3A : vector<16384x1xi32>
    %min3A_28 = arith.constant 1 : i32
    %min3A_29 = vector.broadcast %min3A_28 : i32 to vector<16384x1xi32>
    %min3A_30 = arith.minsi %sub3A_27, %min3A_29 : vector<16384x1xi32>
    %add3A_31 = arith.addi %add3A_25, %min3A_30 : vector<16384x1xi32>
    %convert_element_type3A = arith.sitofp %add3A_31 : vector<16384x1xi32> to vector<16384x1xf32>
    %min3A_32 = arith.constant 3 : i32
    %min3A_33 = vector.broadcast %min3A_32 : i32 to vector<16384x1xi32>
    %min3A_34 = arith.minsi %iota3A, %min3A_33 : vector<16384x1xi32>
    %add3A_35 = arith.constant 1 : i32
    %add3A_36 = vector.broadcast %add3A_35 : i32 to vector<16384x1xi32>
    %add3A_37 = arith.addi %add3A_36, %min3A_34 : vector<16384x1xi32>
    %sub3A_38 = arith.constant 16383 : i32
    %sub3A_39 = vector.broadcast %sub3A_38 : i32 to vector<16384x1xi32>
    %sub3A_40 = arith.subi %sub3A_39, %iota3A : vector<16384x1xi32>
    %min3A_41 = arith.constant 3 : i32
    %min3A_42 = vector.broadcast %min3A_41 : i32 to vector<16384x1xi32>
    %min3A_43 = arith.minsi %sub3A_40, %min3A_42 : vector<16384x1xi32>
    %add3A_44 = arith.addi %add3A_37, %min3A_43 : vector<16384x1xi32>
    %convert_element_type3A_45 = arith.sitofp %add3A_44 : vector<16384x1xi32> to vector<16384x1xf32>
    %div3A = vector.broadcast %convert_element_type3A : vector<16384x1xf32> to vector<16384x16xf32>
    %div3A_46 = arith.divf %add3A_7, %div3A : vector<16384x16xf32>
    %div3A_47 = vector.broadcast %convert_element_type3A_45 : vector<16384x1xf32> to vector<16384x16xf32>
    %div3A_48 = arith.divf %add3A_20, %div3A_47 : vector<16384x16xf32>
    %get3A_49 = arith.constant 0 : index
    %get3A_50 = arith.constant 0 : index
    %get3A_51 = vector.load %arg3[%get3A_49, %get3A_50] : memref<16x128xf32, #tpu.memory_space<vmem>>, vector<16x128xf32>
    %dot_general3A = arith.constant dense<0.000000e+00> : vector<16384x128xf32>
    %dot_general3A_52 = tpu.matmul %div3A_46, %get3A_51, %dot_general3A {dimension_numbers = #tpu.dot_dimension_numbers<[1], [0], [0], [1], [0, 0, 1, 1], [], []>, transpose_lhs_hint = false} : vector<16384x16xf32>, vector<16x128xf32>, vector<16384x128xf32> -> vector<16384x128xf32>
    %get3A_53 = arith.constant 0 : index
    %get3A_54 = arith.constant 0 : index
    %get3A_55 = vector.load %arg4[%get3A_53, %get3A_54] : memref<16x128xf32, #tpu.memory_space<vmem>>, vector<16x128xf32>
    %dot_general3A_56 = arith.constant dense<0.000000e+00> : vector<16384x128xf32>
    %dot_general3A_57 = tpu.matmul %div3A_48, %get3A_55, %dot_general3A_56 {dimension_numbers = #tpu.dot_dimension_numbers<[1], [0], [0], [1], [0, 0, 1, 1], [], []>, transpose_lhs_hint = false} : vector<16384x16xf32>, vector<16x128xf32>, vector<16384x128xf32> -> vector<16384x128xf32>
    %add3A_58 = arith.addf %dot_general3A_52, %dot_general3A_57 : vector<16384x128xf32>
    %get3A_59 = arith.constant 0 : index
    %get3A_60 = arith.constant 0 : index
    %get3A_61 = vector.load %arg2[%get3A_59, %get3A_60] : memref<16384x13xf32, #tpu.memory_space<vmem>>, vector<16384x13xf32>
    %get3A_62 = arith.constant 0 : index
    %get3A_63 = arith.constant 0 : index
    %get3A_64 = vector.load %arg5[%get3A_62, %get3A_63] : memref<13x128xf32, #tpu.memory_space<vmem>>, vector<13x128xf32>
    %dot_general3A_65 = arith.constant dense<0.000000e+00> : vector<16384x128xf32>
    %dot_general3A_66 = tpu.matmul %get3A_61, %get3A_64, %dot_general3A_65 {dimension_numbers = #tpu.dot_dimension_numbers<[1], [0], [0], [1], [0, 0, 1, 1], [], []>, transpose_lhs_hint = false} : vector<16384x13xf32>, vector<13x128xf32>, vector<16384x128xf32> -> vector<16384x128xf32>
    %add3A_67 = arith.addf %add3A_58, %dot_general3A_66 : vector<16384x128xf32>
    %get3A_68 = arith.constant 0 : index
    %get3A_69 = arith.constant 0 : index
    %get3A_70 = vector.load %arg6[%get3A_68, %get3A_69] : memref<1x128xf32, #tpu.memory_space<vmem>>, vector<1x128xf32>
    %add3A_71 = vector.broadcast %get3A_70 : vector<1x128xf32> to vector<16384x128xf32>
    %add3A_72 = arith.addf %add3A_67, %add3A_71 : vector<16384x128xf32>
    %max3A = arith.constant 0.000000e+00 : f32
    %max3A_73 = vector.broadcast %max3A : f32 to vector<16384x128xf32>
    %max3A_74 = arith.maximumf %add3A_72, %max3A_73 : vector<16384x128xf32>
    %get3A_75 = arith.constant 0 : index
    %get3A_76 = arith.constant 0 : index
    %get3A_77 = vector.load %arg7[%get3A_75, %get3A_76] : memref<128x1xf32, #tpu.memory_space<vmem>>, vector<128x1xf32>
    %dot_general3A_78 = arith.constant dense<0.000000e+00> : vector<16384x1xf32>
    %dot_general3A_79 = tpu.matmul %max3A_74, %get3A_77, %dot_general3A_78 {dimension_numbers = #tpu.dot_dimension_numbers<[1], [0], [0], [1], [0, 0, 1, 1], [], []>, transpose_lhs_hint = false} : vector<16384x128xf32>, vector<128x1xf32>, vector<16384x1xf32> -> vector<16384x1xf32>
    %get3A_80 = arith.constant 0 : index
    %get3A_81 = arith.constant 0 : index
    %get3A_82 = vector.load %arg8[%get3A_80, %get3A_81] : memref<1x1xf32, #tpu.memory_space<vmem>>, vector<1x1xf32>
    %add3A_83 = vector.broadcast %get3A_82 : vector<1x1xf32> to vector<16384x1xf32>
    %add3A_84 = arith.addf %dot_general3A_79, %add3A_83 : vector<16384x1xf32>
    %logistic3A = arith.negf %add3A_84 : vector<16384x1xf32>
    %logistic3A_85 = math.exp %logistic3A : vector<16384x1xf32>
    %logistic3A_86 = arith.constant 1.000000e+00 : f32
    %logistic3A_87 = vector.broadcast %logistic3A_86 : f32 to vector<16384x1xf32>
    %logistic3A_88 = arith.addf %logistic3A_87, %logistic3A_85 : vector<16384x1xf32>
    %logistic3A_89 = arith.divf %logistic3A_87, %logistic3A_88 : vector<16384x1xf32>
    %swap3A = arith.constant 0 : index
    %swap3A_90 = arith.constant 0 : index
    %swap3A_91 = vector.load %arg9[%swap3A, %swap3A_90] : memref<16384x1xf32, #tpu.memory_space<vmem>>, vector<16384x1xf32>
    tpu.vector_store %arg9[%swap3A, %swap3A_90], %logistic3A_89 {strides = array<i32>} : memref<16384x1xf32, #tpu.memory_space<vmem>>, vector<16384x1xf32>,
    return
  }
}

</mosaic_0001>

<sc_bundles>
// kernel: kernel.4.cloned.1.call-start
scs
__scs_entry_jumppad:
0x0: {  	(pc) =	sbr.rel $0x88, $3  }
0x1: {  	(tag) =	ssettag $0x0;
	lr =	simm.s32 $0x1  }
0x2: {  	[smem:$0x3F99] =	sst lr;
	_ =	strace $0xD0000000  }
0x3: {  	_ = 	snop  }
0x4: {  	_ = 	snop  }
0x5: {  	_ = 	snop  }
0x6: {  	_ = 	snop  }
0x7: {  	_ = 	snop  }
__scs_overlays_trampoline_lowered:
0x8: {  	[smem:$0x3FA8] =	sst s0  }
0x9: {  	[smem:$0x3FA9] =	sst s1  }
0xa: {  	[smem:$0x3FAA] =	sst s2  }
0xb: {  	[smem:$0x3FAB] =	sst s3  }
0xc: {  	[smem:$0x3FAC] =	sst s4  }
0xd: {  	[smem:$0x3FAD] =	sst s5  }
0xe: {  	[smem:$0x3FAE] =	sst s6  }
0xf: {  	[smem:$0x3FAF] =	sst s7  }
0x10: {  	[smem:$0x3FB0] =	sst s8  }
0x11: {  	[smem:$0x3FB1] =	sst s9;
	s0 =	simm.s32 @!p0 $0x0  }
0x12: {  	s1 =	sld [smem:$0x3F97];
	s0 =	simm.s32 @p0 $0x1  }
0x13: {  	[smem:$0x3FB2] =	sst s0;
	s0 =	simm.s32 @!p1 $0x0  }
0x14: {  	s2 =	sld [smem:$0x3F96];
	s0 =	simm.s32 @p1 $0x1  }
0x15: {  	[smem:$0x3FB3] =	sst s0;
	s0 =	simm.s32 @!p2 $0x0  }
0x16: {  	s3 =	sld [smem:$0x3FDB];
	s0 =	simm.s32 @p2 $0x1  }
0x17: {  	s4 =	simm.s32 $0x1BF5;
	[smem:$0x3FB5] =	sst s0  }
0x18: {  	s0 =	sld [smem:$0x3F98];
	_ =	swait.ge [sflag:s4], $0x0  }
0x19: {  	s7 =	sld [smem:$0x3F99]  }
0x1a: {  	s8 =	sadd.s32 $0xFFFFE003, lr  }
0x1b: {  	s9 =	sadd.s32 $0xFFFFFEF7, lr;
	s5 =	simm.s32 $0xFFFFFFFF;
	p2 =	slt.u32 s8, $0xFFFFF086  }
0x1c: {  	p1 =	slt.u32 s9, $0xF7A;
	s5 =	simm.s32 @!p2 $0x0  }
0x1d: {  	s5 =	simm.s32 @p1 $0x1;
	p0 =	seq.s32 s7, s2  }
0x1e: {  	s7 =	smul.u32 @!p0 $0xF7A, s2;
	p2 =	seq.s32 @!p0 s5, $0x0  }
0x1f: {  	s9 =	smul.u32 $0xF7A, s1;
	s8 =	simm.s32 @!p0 $0x1BF5;
	p2 =	por !p2, p0  }
0x20: {  	[sflag:s8] =	ssyncset.s32 @!p0 $0xFFFFF086;
	s6 =	sadd.s32 @!p0 s3, s7;
	s7 =	simm.s32 @!p0 $0x108  }
0x21: {  	s3 =	sadd.s32 s3, s9;
	s6 =	sadd.s32 @!p0 $0x88, s6;
	s7 =	simm.s32 @p2 $0x1082  }
0x22: {  	[simem:s7], [sflag:s8] =	dma.local @!p0 [hbm:s6], $0xF7A  }
0x23: {  	s9 =	sor.u32 $0xD0000000, s2;
	s6 =	simm.s32 $0x108;
	_ =	swait.ge @!p0 [sflag:s8], $0x0  }
0x24: {  	s3 =	sadd.s32 $0x88, s3;
	s6 =	simm.s32 @!p1 $0x1082;
	[sflag:s4] =	ssyncset.s32 $0xFFFFF086  }
0x25: {  	[simem:s6], [sflag:s4] =	dma.local [hbm:s3], $0xF7A  }
0x26: {  	[smem:$0x3F99] =	sst s1;
	(tag) =	ssettag s2;
	_ =	strace s9  }
0x27: {  	s1 =	sld [smem:$0x3FA9]  }
0x28: {  	s2 =	sld [smem:$0x3FAA]  }
0x29: {  	s4 =	sld [smem:$0x3FAC]  }
0x2a: {  	p0 =	seq.s32 s5, $0x0;
	s5 =	sld [smem:$0x3FAD]  }
0x2b: {  	s6 =	sld [smem:$0x3FAE]  }
0x2c: {  	s7 =	sld [smem:$0x3FAF]  }
0x2d: {  	s3 =	simm.s32 $0x108;
	s8 =	sld [smem:$0x3FB0]  }
0x2e: {  	s3 =	simm.s32 @!p0 $0x1082;
	s9 =	sld [smem:$0x3FB1]  }
0x2f: {  	lr =	sadd.s32 s0, s3;
	s0 =	sld [smem:$0x3FA8]  }
0x30: {  	s3 =	sld [smem:$0x3FAB]  }
0x31: {  	[smem:$0x3FB4] =	sst s10  }
0x32: {  	s10 =	sld [smem:$0x3FB2];
	_ =	sdelay $0x3  }
0x33: {  	p0 =	seq.s32 s10, $0x1;
	s10 =	sld [smem:$0x3FB4];
	_ =	sdelay $0x3  }
0x34: {  	[smem:$0x3FB4] =	sst s10  }
0x35: {  	s10 =	sld [smem:$0x3FB3];
	_ =	sdelay $0x3  }
0x36: {  	p1 =	seq.s32 s10, $0x1;
	s10 =	sld [smem:$0x3FB4];
	_ =	sdelay $0x3  }
0x37: {  	[smem:$0x3FB4] =	sst s10  }
0x38: {  	s10 =	sld [smem:$0x3FB5]  }
0x39: {  	_ = 	snop;
	(pc) =	sbr.ind lr, $3  }
0x3a: {  	_ = 	snop  }
0x3b: {  	_ = 	snop  }
0x3c: {  	p2 =	seq.s32 s10, $0x1;
	s10 =	sld [smem:$0x3FB4]  }
0x3d: {  	_ =	shalt  }
0x3e: {  	_ =	shalt  }
0x3f: {  	_ =	shalt  }
0x40: {  	_ =	shalt  }
0x41: {  	_ =	shalt  }
0x42: {  	_ =	shalt  }
0x43: {  	_ =	shalt  }
0x44: {  	_ =	shalt  }
0x45: {  	_ =	shalt  }
0x46: {  	_ =	shalt  }
0x47: {  	_ =	shalt  }
0x48: {  	_ =	shalt  }
0x49: {  	_ =	shalt  }
0x4a: {  	_ =	shalt  }
0x4b: {  	_ =	shalt  }
0x4c: {  	_ =	shalt  }
0x4d: {  	_ =	shalt  }
0x4e: {  	_ =	shalt  }
0x4f: {  	_ =	shalt  }
0x50: {  	_ =	shalt  }
0x51: {  	_ =	shalt  }
0x52: {  	_ =	shalt  }
0x53: {  	_ =	shalt  }
0x54: {  	_ =	shalt  }
0x55: {  	_ =	shalt  }
0x56: {  	_ =	shalt  }
0x57: {  	_ =	shalt  }
0x58: {  	_ =	shalt  }
0x59: {  	_ =	shalt  }
0x5a: {  	_ =	shalt  }
0x5b: {  	_ =	shalt  }
0x5c: {  	_ =	shalt  }
0x5d: {  	_ =	shalt  }
0x5e: {  	_ =	shalt  }
0x5f: {  	_ =	shalt  }
0x60: {  	_ =	shalt  }
0x61: {  	_ =	shalt  }
0x62: {  	_ =	shalt  }
0x63: {  	_ =	shalt  }
0x64: {  	_ =	shalt  }
0x65: {  	_ =	shalt  }
0x66: {  	_ =	shalt  }
0x67: {  	_ =	shalt  }
0x68: {  	_ =	shalt  }
0x69: {  	_ =	shalt  }
0x6a: {  	_ =	shalt  }
0x6b: {  	_ =	shalt  }
0x6c: {  	_ =	shalt  }
0x6d: {  	_ =	shalt  }
0x6e: {  	_ =	shalt  }
0x6f: {  	_ =	shalt  }
0x70: {  	_ =	shalt  }
0x71: {  	_ =	shalt  }
0x72: {  	_ =	shalt  }
0x73: {  	_ =	shalt  }
0x74: {  	_ =	shalt  }
0x75: {  	_ =	shalt  }
0x76: {  	_ =	shalt  }
0x77: {  	_ =	shalt  }
0x78: {  	_ =	shalt  }
0x79: {  	_ =	shalt  }
0x7a: {  	_ =	shalt  }
0x7b: {  	_ =	shalt  }
0x7c: {  	_ =	shalt  }
0x7d: {  	_ =	shalt  }
0x7e: {  	_ =	shalt  }
0x7f: {  	_ =	shalt  }
0x80: {  	_ =	shalt  }
0x81: {  	_ =	shalt  }
0x82: {  	_ =	shalt  }
0x83: {  	_ =	shalt  }
0x84: {  	_ =	shalt  }
0x85: {  	_ =	shalt  }
0x86: {  	_ =	shalt  }
0x87: {  	_ =	shalt  }
.Lfunc_end0:
.L_simem_size_0:
called_computation_lowered:
.L_overlay_start_0:
0x88: {  	s2 =	sld [smem:$0x3FD9]  }
0x89: {  	s3 =	sld [smem:$0x3FFE];
	_ =	sdelay $0x1  }
0x8a: {  	s1 =	srdreg.scid  }
0x8b: {  	s0 =	sand.u32 $0x1, s1  }
0x8c: {  	s17 =	sshll.u32 s0, $0xA;
	s2 =	sadd.s32 s3, s2  }
0x8d: {  	s2 =	sadd.s32 s2, s17  }
0x8e: {  	[smem:$0x3FC0] =	sst s2  }
0x8f: {  	_ = 	snop  }
0x90: {  	s2 =	sld [smem:$0x3FC9]  }
0x91: {  	s18 =	sld [smem:$0x3FC8];
	(tm) =	ssettm $0x1  }
0x92: {  	s4 =	sld [smem:$0x3FFB];
	_ =	sdelay $0x3  }
0x93: {  	_ =	strace s4  }
0x94: {  	s4 =	sld [smem:$0x3FFC];
	_ =	sdelay $0x3  }
0x95: {  	_ =	strace s4  }
0x96: {  	s4 =	sld [smem:$0x3FFD];
	_ =	sdelay $0x3  }
0x97: {  	_ =	strace s4  }
0x98: {  	_ =	strace $0x8FFFFFFF  }
0x99: {  	s19 =	sld [smem:$0x3FDB];
	_ =	sdelay $0x1  }
0x9a: {  	s5 =	simm.s32 $_scs_section_size  }
0x9b: {  	s6 =	simm.s32 $_size__tile_overlayer_lowered;
	s7 =	simm.s32 $_tile_overlayer_lowered  }
0x9c: {  	s22 =	simm.s32 $0x1BFF;
	s21 =	sshll.u32 s7, $0x1;
	s4 =	sadd.s32 s5, s19  }
0x9d: {  	s8 =	simm.s32 $0x0;
	s20 =	sshll.u32 s6, $0x1;
	s6 =	sadd.s32 s21, s4  }
0x9e: {  	[timem:s8], [sflag:s22] =	dma.local [hbm:s6], s20  }
0x9f: {  	_ =	swait.ge [sflag:s22], s20  }
0xa0: {  	s5 =	ssub.s32 $0x0, s20;
	[sflag:s22] =	ssyncset.done $0x0  }
0xa1: {  	[sflag:s22] =	ssyncadd.s32 s5;
	_ =	sdelay $0x1  }
0xa2: {  	s23 =	simm.s32 $0x1B8B  }
0xa3: {  	_ =	swait.ge [sflag:s23], $0x1  }
0xa4: {  	[sflag:s23] =	ssyncset.done $0x0  }
0xa5: {  	s25 =	simm.s32 $0x1B8E;
	s24 =	sld [smem:$0x3FFE];
	[sflag:s23] =	ssyncadd.s32 $0xFFFFFFFF  }
0xa6: {  	s26 =	simm.s32 $execute0_lowered;
	[smem:$0x3FD2] =	sst s25  }
0xa7: {  	s6 =	sshll.u32 s26, $0x1;
	_ =	strace $0x80000046;
	[dreg:$0x1] =	wrdreg $0xFFFFFFFF  }
0xa8: {  	s28 =	simm.s32 $_size_execute0_lowered;
	s4 =	sadd.s32 s4, s6;
	[dreg:$0x0] =	wrdreg $0x0  }
0xa9: {  	s6 =	sshll.u32 s28, $0x1;
	[dreg:$0x2] =	wrdreg s4  }
0xaa: {  	[dreg:$0x3] =	wrdreg s6  }
0xab: {  	[dreg:$0x4] =	wrdreg $0xC0  }
0xac: {  	_ =	task [dreg:s8], $0x5FFFF  }
0xad: {  	[dreg:$0x1] =	wrdreg $0xFFFFFFFF  }
0xae: {  	[dreg:$0x0] =	wrdreg $0x60  }
0xaf: {  	[dreg:$0x2] =	wrdreg s2  }
0xb0: {  	[dreg:$0x3] =	wrdreg s18  }
0xb1: {  	[dreg:$0x4] =	wrdreg s24  }
0xb2: {  	[dreg:$0x5] =	wrdreg $0x9  }
0xb3: {  	_ =	task.clear_ibuf [dreg:s8], $0x6FFFF;
	_ =	strace $0x90000046  }
0xb4: {  	s29 =	simm.s32 $0x9;
	_ =	strace $0x80000048  }
0xb5: {  	_ =	swait.ge [sflag:s29], $0x1  }
0xb6: {  	[sflag:s29] =	ssyncadd.s32 $0xFFFFFFFF  }
0xb7: {  	_ =	strace $0x90000048  }
0xb8: {  	_ =	sfence  }
0xb9: {  	s30 =	sld [smem:$0x0];
	_ =	sdelay $0x2  }
0xba: {  	s31 =	sshll.u32 s1, $0xD;
	s1 =	sshrl.u32 s1, $0x2  }
0xbb: {  	s3 =	sand.u32 $0x4000, s31;
	s1 =	sadd.s32 s1, s30  }
0xbc: {  	s0 =	sor.u32 s3, s0;
	s1 =	sshll.u32 s1, $0x11  }
0xbd: {  	s0 =	sor.u32 s1, s0  }
0xbe: {  	s0 =	sadd.s32 $0x8F2B, s0  }
0xbf: {  	[sflag:s0] =	ssyncadd.remote.s32 $0x1  }
0xc0: {  	_ =	sfence.sel $0xFFFF  }
0xc1: {  	[dreg:$0x0] =	wrdreg $0xFFFFFFFF;
	(pc) =	sbr.abs _section_cstart, $3  }
0xc2: {  	[dreg:$0x1] =	wrdreg $0xFFFFFFFF  }
0xc3: {  	_ =	task.clear_ibuf [dreg:s8], $0x2FFFF;
	_ =	strace $0x9FFFFFFF  }
0xc4: {  	(tm) =	ssettm $0x7FFFFFFF  }
0xc5: {  	_ =	shalt  }
tec
execute0_lowered:
.L_overlay_start_1:
0x0: {  	(tag) =	ssettag $0x1  }
0x1: {  	s4 =	rddreg [dreg:$0x0]  }
0x2: {  	s5 =	rddreg [dreg:$0x1]  }
0x3: {  	s6 =	rddreg [dreg:$0x2]  }
0x4: {  	s2 =	simm.s32 $0x0;
	s3 =	srdreg.scid;
	s1 =	stileid.u32  }
0x5: {  	s11 =	simm.s32 $0x80;
	s12 =	simm.s32 $0x400;
	s13 =	simm.s32 $0xA00  }
0x6: {  	s14 =	simm.s32 $0x600;
	s15 =	simm.s32 $0x4A00;
	s16 =	simm.s32 $0x480  }
0x7: {  	s17 =	simm.s32 $0x8A00;
	s18 =	simm.s32 $0x680;
	s19 =	simm.s32 $0xCA00  }
0x8: {  	s20 =	simm.s32 $0x1;
	s21 =	simm.s32 $0x800;
	s22 =	simm.s32 $0x500  }
0x9: {  	s23 =	simm.s32 $0x700;
	s24 =	simm.s32 $0x580;
	s25 =	simm.s32 $0x780  }
0xa: {  	s26 =	simm.s32 $0x10A00;
	s28 =	simm.s32 $0x0;
	[smem:$0x7FF] =	sst s2  }
0xb: {  	s3 =	sand.u32 $0x1, s3;
	s7 =	sshll.u32 s1, $0x1;
	_ =	strace $0x80000047  }
0xc: {  	s7 =	sor.u32 s3, s7;
	s8 =	ssub.s32 $0x2, s3;
	s3 =	sadd.s32 $0xF43800, s6  }
0xd: {  	s9 =	sshll.u32 s7, $0xA;
	s10 =	sshrl.u32 s8, $0x1;
	s31 =	sshll.u32 s7, $0x6  }
0xe: {  	s9 =	sadd.s32 s9, s6;
	s8 =	ssub.s32 s8, s10;
	s4 =	sadd.s32 s4, s31  }
0xf: {  	s5 =	sadd.s32 s5, s31;
	s10 =	simm.s32 $0x200;
	s6 =	sadd.s32 $0x1400, s9  }
0x10: {  	v0 =	vlaneseq.u32;
	s7 =	sadd.s32 $0x9400, s9;
	s8 =	smax.u32 s8, $0x1;
	s9 =	simm.s32 $0x2  }
.LBB2_1:
0x11: {  	[tilespmem:s2], [sflag:$0x2] =	stream.linear.gather [hbm4b:s4+s2], $0x200, $0x38;
	[tilespmem:$0x12A00] =	vst v63  }
0x12: {  	_ =	swait.ge [sflag:s9], $0x200  }
0x13: {  	[sflag:s9] =	ssyncset.done $0x0  }
0x14: {  	[sflag:s9] =	ssyncadd.s32 $0xFFFFFE00  }
0x15: {  	[tilespmem:s10], [sflag:$0x2] =	stream.linear.gather [hbm4b:s5+s2], $0x200, $0x38;
	[tilespmem:$0x12A00] =	vst v63  }
0x16: {  	_ =	swait.ge [sflag:s9], $0x200  }
0x17: {  	[sflag:s9] =	ssyncset.done $0x0  }
0x18: {  	[sflag:s9] =	ssyncadd.s32 $0xFFFFFE00  }
0x19: {  	v1 =	vld [tilespmem:$0x0]  }
0x1a: {  	v2 =	vld [tilespmem:$0x10];
	_ =	sdelay $0x1  }
0x1b: {  	v3 =	vld [tilespmem:$0x20];
	_ =	sdelay $0x1  }
0x1c: {  	v1 =	vmul.u32 $0xA, v1  }
0x1d: {  	v2 =	vmul.u32 $0xA, v2  }
0x1e: {  	v6 =	vld [tilespmem:$0x30];
	v4 =	vshra.s32 v1, $0x7  }
0x1f: {  	v3 =	vmul.u32 $0xA, v3;
	v61 =	vshra.s32 v2, $0x7;
	v1 =	vand.u32 $0x7E, v1;
	[tilespmem:$0x400] =	vst v4  }
0x20: {  	vm9 =	vlt.s32 v61, $0x1312B;
	[tilespmem:$0x800] =	vst v1  }
0x21: {  	v62 =	vld [tilespmem:$0x40];
	v63 =	vshra.s32 v3, $0x7;
	[tilespmem:$0x410] =	vst v61;
	v1 =	vnsel vm9, $0x1312B, v61  }
0x22: {  	vm0 =	vlt.s32 v4, $0x1312B;
	vm10 =	vlt.s32 v63, $0x1312B;
	[tilespmem:$0x420] =	vst v63;
	v1 =	vadd.s32 $0x1, v1  }
0x23: {  	v5 =	vnsel vm0, $0x1312B, v4;
	[tilespmem:$0x610] =	vst v1;
	v1 =	vand.u32 $0x7E, v2;
	v2 =	vmul.u32 $0xA, v6  }
0x24: {  	v9 =	vld [tilespmem:$0x50];
	v60 =	vadd.s32 $0x1, v5;
	[tilespmem:$0x810] =	vst v1;
	v1 =	vnsel vm10, $0x1312B, v63  }
0x25: {  	[tilespmem:$0x600] =	vst v60;
	v1 =	vadd.s32 $0x1, v1;
	v10 =	vshra.s32 v2, $0x7  }
0x26: {  	[tilespmem:$0x620] =	vst v1;
	v1 =	vand.u32 $0x7E, v3;
	vm11 =	vlt.s32 v10, $0x1312B;
	v3 =	vmul.u32 $0xA, v62  }
0x27: {  	v11 =	vld [tilespmem:$0x60];
	[tilespmem:$0x820] =	vst v1;
	v1 =	vnsel vm11, $0x1312B, v10  }
0x28: {  	[tilespmem:$0x430] =	vst v10;
	v1 =	vadd.s32 $0x1, v1;
	v12 =	vshra.s32 v3, $0x7  }
0x29: {  	[tilespmem:$0x630] =	vst v1;
	v1 =	vand.u32 $0x7E, v2;
	vm12 =	vlt.s32 v12, $0x1312B;
	v2 =	vmul.u32 $0xA, v9  }
0x2a: {  	v13 =	vld [tilespmem:$0x70];
	[tilespmem:$0x830] =	vst v1;
	v1 =	vnsel vm12, $0x1312B, v12  }
0x2b: {  	[tilespmem:$0x440] =	vst v12;
	v1 =	vadd.s32 $0x1, v1;
	v14 =	vshra.s32 v2, $0x7  }
0x2c: {  	[tilespmem:$0x640] =	vst v1;
	v1 =	vand.u32 $0x7E, v3;
	vm13 =	vlt.s32 v14, $0x1312B;
	v3 =	vmul.u32 $0xA, v11  }
0x2d: {  	v15 =	vld [tilespmem:$0x80];
	[tilespmem:$0x840] =	vst v1;
	v1 =	vnsel vm13, $0x1312B, v14  }
0x2e: {  	[tilespmem:$0x450] =	vst v14;
	v1 =	vadd.s32 $0x1, v1;
	v16 =	vshra.s32 v3, $0x7  }
0x2f: {  	[tilespmem:$0x650] =	vst v1;
	v1 =	vand.u32 $0x7E, v2;
	vm14 =	vlt.s32 v16, $0x1312B;
	v2 =	vmul.u32 $0xA, v13  }
0x30: {  	v17 =	vld [tilespmem:$0x90];
	[tilespmem:$0x850] =	vst v1;
	v1 =	vnsel vm14, $0x1312B, v16  }
0x31: {  	[tilespmem:$0x460] =	vst v16;
	v1 =	vadd.s32 $0x1, v1;
	v18 =	vshra.s32 v2, $0x7  }
0x32: {  	[tilespmem:$0x660] =	vst v1;
	v1 =	vand.u32 $0x7E, v3;
	vm15 =	vlt.s32 v18, $0x1312B;
	v3 =	vmul.u32 $0xA, v15  }
0x33: {  	v19 =	vld [tilespmem:$0xA0];
	[tilespmem:$0x860] =	vst v1;
	v1 =	vnsel vm15, $0x1312B, v18  }
0x34: {  	[tilespmem:$0x470] =	vst v18;
	v1 =	vadd.s32 $0x1, v1;
	v20 =	vshra.s32 v3, $0x7  }
0x35: {  	[tilespmem:$0x670] =	vst v1;
	v1 =	vand.u32 $0x7E, v2;
	vm4 =	vlt.s32 v20, $0x1312B;
	v2 =	vmul.u32 $0xA, v17  }
0x36: {  	v21 =	vld [tilespmem:$0xB0];
	[tilespmem:$0x870] =	vst v1;
	v1 =	vnsel vm4, $0x1312B, v20  }
0x37: {  	[tilespmem:$0x480] =	vst v20;
	v1 =	vadd.s32 $0x1, v1;
	v22 =	vshra.s32 v2, $0x7  }
0x38: {  	[tilespmem:$0x680] =	vst v1;
	v1 =	vand.u32 $0x7E, v3;
	vm5 =	vlt.s32 v22, $0x1312B;
	v3 =	vmul.u32 $0xA, v19  }
0x39: {  	v23 =	vld [tilespmem:$0xC0];
	[tilespmem:$0x880] =	vst v1;
	v1 =	vnsel vm5, $0x1312B, v22  }
0x3a: {  	[tilespmem:$0x490] =	vst v22;
	v1 =	vadd.s32 $0x1, v1;
	v24 =	vshra.s32 v3, $0x7  }
0x3b: {  	[tilespmem:$0x690] =	vst v1;
	v1 =	vand.u32 $0x7E, v2;
	vm6 =	vlt.s32 v24, $0x1312B;
	v2 =	vmul.u32 $0xA, v21  }
0x3c: {  	v25 =	vld [tilespmem:$0xD0];
	[tilespmem:$0x890] =	vst v1;
	v1 =	vnsel vm6, $0x1312B, v24  }
0x3d: {  	[tilespmem:$0x4A0] =	vst v24;
	v1 =	vadd.s32 $0x1, v1;
	v26 =	vshra.s32 v2, $0x7  }
0x3e: {  	[tilespmem:$0x6A0] =	vst v1;
	v1 =	vand.u32 $0x7E, v3;
	vm7 =	vlt.s32 v26, $0x1312B;
	v3 =	vmul.u32 $0xA, v23  }
0x3f: {  	v27 =	vld [tilespmem:$0xE0];
	[tilespmem:$0x8A0] =	vst v1;
	v1 =	vnsel vm7, $0x1312B, v26  }
0x40: {  	[tilespmem:$0x4B0] =	vst v26;
	v1 =	vadd.s32 $0x1, v1;
	v28 =	vshra.s32 v3, $0x7  }
0x41: {  	[tilespmem:$0x6B0] =	vst v1;
	v1 =	vand.u32 $0x7E, v2;
	vm8 =	vlt.s32 v28, $0x1312B;
	v2 =	vmul.u32 $0xA, v25  }
0x42: {  	v29 =	vld [tilespmem:$0xF0];
	[tilespmem:$0x8B0] =	vst v1;
	v1 =	vnsel vm8, $0x1312B, v28  }
0x43: {  	[tilespmem:$0x4C0] =	vst v28;
	v1 =	vadd.s32 $0x1, v1;
	v30 =	vshra.s32 v2, $0x7  }
0x44: {  	[tilespmem:$0x6C0] =	vst v1;
	v1 =	vand.u32 $0x7E, v3;
	vm9 =	vlt.s32 v30, $0x1312B;
	v3 =	vmul.u32 $0xA, v27  }
0x45: {  	v31 =	vld [tilespmem:$0x100];
	[tilespmem:$0x8C0] =	vst v1;
	v1 =	vnsel vm9, $0x1312B, v30  }
0x46: {  	[tilespmem:$0x4D0] =	vst v30;
	v1 =	vadd.s32 $0x1, v1;
	v32 =	vshra.s32 v3, $0x7  }
0x47: {  	[tilespmem:$0x6D0] =	vst v1;
	v1 =	vand.u32 $0x7E, v2;
	vm10 =	vlt.s32 v32, $0x1312B;
	v2 =	vmul.u32 $0xA, v29  }
0x48: {  	v33 =	vld [tilespmem:$0x110];
	[tilespmem:$0x8D0] =	vst v1;
	v1 =	vnsel vm10, $0x1312B, v32  }
0x49: {  	[tilespmem:$0x4E0] =	vst v32;
	v1 =	vadd.s32 $0x1, v1;
	v34 =	vshra.s32 v2, $0x7  }
0x4a: {  	[tilespmem:$0x6E0] =	vst v1;
	v1 =	vand.u32 $0x7E, v3;
	vm11 =	vlt.s32 v34, $0x1312B;
	v3 =	vmul.u32 $0xA, v31  }
0x4b: {  	v35 =	vld [tilespmem:$0x120];
	[tilespmem:$0x8E0] =	vst v1;
	v1 =	vnsel vm11, $0x1312B, v34  }
0x4c: {  	[tilespmem:$0x4F0] =	vst v34;
	v1 =	vadd.s32 $0x1, v1;
	v36 =	vshra.s32 v3, $0x7  }
0x4d: {  	[tilespmem:$0x6F0] =	vst v1;
	v1 =	vand.u32 $0x7E, v2;
	vm12 =	vlt.s32 v36, $0x1312B;
	v2 =	vmul.u32 $0xA, v33  }
0x4e: {  	v37 =	vld [tilespmem:$0x130];
	[tilespmem:$0x8F0] =	vst v1;
	v1 =	vnsel vm12, $0x1312B, v36  }
0x4f: {  	[tilespmem:$0x500] =	vst v36;
	v1 =	vadd.s32 $0x1, v1;
	v38 =	vshra.s32 v2, $0x7  }
0x50: {  	[tilespmem:$0x700] =	vst v1;
	v1 =	vand.u32 $0x7E, v3;
	vm13 =	vlt.s32 v38, $0x1312B;
	v3 =	vmul.u32 $0xA, v35  }
0x51: {  	v39 =	vld [tilespmem:$0x140];
	[tilespmem:$0x900] =	vst v1;
	v1 =	vnsel vm13, $0x1312B, v38  }
0x52: {  	[tilespmem:$0x510] =	vst v38;
	v1 =	vadd.s32 $0x1, v1;
	v40 =	vshra.s32 v3, $0x7  }
0x53: {  	[tilespmem:$0x710] =	vst v1;
	v1 =	vand.u32 $0x7E, v2;
	vm14 =	vlt.s32 v40, $0x1312B;
	v2 =	vmul.u32 $0xA, v37  }
0x54: {  	v41 =	vld [tilespmem:$0x150];
	[tilespmem:$0x910] =	vst v1;
	v1 =	vnsel vm14, $0x1312B, v40  }
0x55: {  	[tilespmem:$0x520] =	vst v40;
	v1 =	vadd.s32 $0x1, v1;
	v42 =	vshra.s32 v2, $0x7  }
0x56: {  	[tilespmem:$0x720] =	vst v1;
	v1 =	vand.u32 $0x7E, v3;
	vm15 =	vlt.s32 v42, $0x1312B;
	v3 =	vmul.u32 $0xA, v39  }
0x57: {  	v43 =	vld [tilespmem:$0x160];
	[tilespmem:$0x920] =	vst v1;
	v1 =	vnsel vm15, $0x1312B, v42  }
0x58: {  	[tilespmem:$0x530] =	vst v42;
	v1 =	vadd.s32 $0x1, v1;
	v44 =	vshra.s32 v3, $0x7  }
0x59: {  	[tilespmem:$0x730] =	vst v1;
	v1 =	vand.u32 $0x7E, v2;
	vm4 =	vlt.s32 v44, $0x1312B;
	v2 =	vmul.u32 $0xA, v41  }
0x5a: {  	v45 =	vld [tilespmem:$0x170];
	[tilespmem:$0x930] =	vst v1;
	v1 =	vnsel vm4, $0x1312B, v44  }
0x5b: {  	[tilespmem:$0x540] =	vst v44;
	v1 =	vadd.s32 $0x1, v1;
	v46 =	vshra.s32 v2, $0x7  }
0x5c: {  	[tilespmem:$0x740] =	vst v1;
	v1 =	vand.u32 $0x7E, v3;
	vm5 =	vlt.s32 v46, $0x1312B;
	v3 =	vmul.u32 $0xA, v43  }
0x5d: {  	v47 =	vld [tilespmem:$0x180];
	[tilespmem:$0x940] =	vst v1;
	v1 =	vnsel vm5, $0x1312B, v46  }
0x5e: {  	[tilespmem:$0x550] =	vst v46;
	v1 =	vadd.s32 $0x1, v1;
	v48 =	vshra.s32 v3, $0x7  }
0x5f: {  	[tilespmem:$0x750] =	vst v1;
	v1 =	vand.u32 $0x7E, v2;
	vm6 =	vlt.s32 v48, $0x1312B;
	v2 =	vmul.u32 $0xA, v45  }
0x60: {  	v49 =	vld [tilespmem:$0x190];
	[tilespmem:$0x950] =	vst v1;
	v1 =	vnsel vm6, $0x1312B, v48  }
0x61: {  	[tilespmem:$0x560] =	vst v48;
	v1 =	vadd.s32 $0x1, v1;
	v50 =	vshra.s32 v2, $0x7  }
0x62: {  	[tilespmem:$0x760] =	vst v1;
	v1 =	vand.u32 $0x7E, v3;
	vm7 =	vlt.s32 v50, $0x1312B;
	v3 =	vmul.u32 $0xA, v47  }
0x63: {  	v51 =	vld [tilespmem:$0x1A0];
	[tilespmem:$0x960] =	vst v1;
	v1 =	vnsel vm7, $0x1312B, v50  }
0x64: {  	[tilespmem:$0x570] =	vst v50;
	v1 =	vadd.s32 $0x1, v1;
	v52 =	vshra.s32 v3, $0x7  }
0x65: {  	[tilespmem:$0x770] =	vst v1;
	v1 =	vand.u32 $0x7E, v2;
	vm8 =	vlt.s32 v52, $0x1312B;
	v2 =	vmul.u32 $0xA, v49  }
0x66: {  	v53 =	vld [tilespmem:$0x1B0];
	[tilespmem:$0x970] =	vst v1;
	v1 =	vnsel vm8, $0x1312B, v52  }
0x67: {  	[tilespmem:$0x580] =	vst v52;
	v1 =	vadd.s32 $0x1, v1;
	v54 =	vshra.s32 v2, $0x7  }
0x68: {  	[tilespmem:$0x780] =	vst v1;
	v1 =	vand.u32 $0x7E, v3;
	vm9 =	vlt.s32 v54, $0x1312B;
	v3 =	vmul.u32 $0xA, v51  }
0x69: {  	v55 =	vld [tilespmem:$0x1C0];
	[tilespmem:$0x980] =	vst v1;
	v1 =	vnsel vm9, $0x1312B, v54  }
0x6a: {  	[tilespmem:$0x590] =	vst v54;
	v1 =	vadd.s32 $0x1, v1;
	v56 =	vshra.s32 v3, $0x7  }
0x6b: {  	[tilespmem:$0x790] =	vst v1;
	v1 =	vand.u32 $0x7E, v2;
	vm10 =	vlt.s32 v56, $0x1312B;
	v2 =	vmul.u32 $0xA, v53  }
0x6c: {  	v57 =	vld [tilespmem:$0x1D0];
	[tilespmem:$0x990] =	vst v1;
	v1 =	vnsel vm10, $0x1312B, v56  }
0x6d: {  	[tilespmem:$0x5A0] =	vst v56;
	v1 =	vadd.s32 $0x1, v1;
	v58 =	vshra.s32 v2, $0x7  }
0x6e: {  	[tilespmem:$0x7A0] =	vst v1;
	v1 =	vand.u32 $0x7E, v3;
	vm11 =	vlt.s32 v58, $0x1312B;
	v3 =	vmul.u32 $0xA, v55  }
0x6f: {  	v59 =	vld [tilespmem:$0x1E0];
	[tilespmem:$0x9A0] =	vst v1;
	v1 =	vnsel vm11, $0x1312B, v58  }
0x70: {  	[tilespmem:$0x5B0] =	vst v58;
	v1 =	vadd.s32 $0x1, v1;
	v60 =	vshra.s32 v3, $0x7  }
0x71: {  	[tilespmem:$0x7B0] =	vst v1;
	v1 =	vand.u32 $0x7E, v2;
	vm12 =	vlt.s32 v60, $0x1312B;
	v2 =	vmul.u32 $0xA, v57  }
0x72: {  	v61 =	vld [tilespmem:$0x1F0];
	[tilespmem:$0x9B0] =	vst v1;
	v1 =	vnsel vm12, $0x1312B, v60  }
0x73: {  	[tilespmem:$0x5C0] =	vst v60;
	v1 =	vadd.s32 $0x1, v1;
	v62 =	vshra.s32 v2, $0x7  }
0x74: {  	[tilespmem:$0x7C0] =	vst v1;
	v1 =	vand.u32 $0x7E, v3;
	vm13 =	vlt.s32 v62, $0x1312B;
	v3 =	vmul.u32 $0xA, v59  }
0x75: {  	[tilespmem:$0x9C0] =	vst v1;
	v1 =	vnsel vm13, $0x1312B, v62  }
0x76: {  	[tilespmem:$0x5D0] =	vst v62;
	v1 =	vadd.s32 $0x1, v1;
	v4 =	vshra.s32 v3, $0x7  }
0x77: {  	[tilespmem:$0x7D0] =	vst v1;
	v1 =	vand.u32 $0x7E, v2;
	vm14 =	vlt.s32 v4, $0x1312B;
	v2 =	vmul.u32 $0xA, v61  }
0x78: {  	[tilespmem:$0x9D0] =	vst v1;
	v1 =	vnsel vm14, $0x1312B, v4  }
0x79: {  	[tilespmem:$0x5E0] =	vst v4;
	v1 =	vadd.s32 $0x1, v1;
	v63 =	vshra.s32 v2, $0x7  }
0x7a: {  	[tilespmem:$0x7E0] =	vst v1;
	v1 =	vand.u32 $0x7E, v3;
	vm15 =	vlt.s32 v63, $0x1312B  }
0x7b: {  	[tilespmem:$0x9E0] =	vst v1;
	v1 =	vnsel vm15, $0x1312B, v63  }
0x7c: {  	[tilespmem:$0x5F0] =	vst v63;
	v1 =	vadd.s32 $0x1, v1  }
0x7d: {  	[tilespmem:$0x7F0] =	vst v1;
	v1 =	vand.u32 $0x7E, v2  }
0x7e: {  	[tilespmem:$0x9F0] =	vst v1  }
0x7f: {  	[tilespmem:s13], [sflag:$0x1] =	stream.indirect.gather [hbm4b:s3+s11], $0x80, s12, s11, $0xb8;
	[tilespmem:$0x12A00] =	vst v63  }
0x80: {  	_ = 	snop  }
0x81: {  	[tilespmem:s15], [sflag:$0x1] =	stream.indirect.gather [hbm4b:s3+s11], $0x80, s14, s11, $0xb8;
	[tilespmem:$0x12A00] =	vst v63  }
0x82: {  	_ = 	snop  }
0x83: {  	[tilespmem:s17], [sflag:$0x1] =	stream.indirect.gather [hbm4b:s3+s11], $0x80, s16, s11, $0xb8;
	[tilespmem:$0x12A00] =	vst v63  }
0x84: {  	_ = 	snop  }
0x85: {  	[tilespmem:s19], [sflag:$0x1] =	stream.indirect.gather [hbm4b:s3+s11], $0x80, s18, s11, $0xb8;
	[tilespmem:$0x12A00] =	vst v63  }
0x86: {  	_ =	swait.ge [sflag:s20], $0x4000  }
0x87: {  	[sflag:s20] =	ssyncset.done $0x0  }
0x88: {  	[sflag:s20] =	ssyncadd.s32 $0xFFFFC000  }
0x89: {  	_ =	swait.ge [sflag:s20], $0x4000  }
0x8a: {  	[sflag:s20] =	ssyncset.done $0x0  }
0x8b: {  	s29 =	simm.s32 $0x10A20;
	s30 =	simm.s32 $0x0;
	[sflag:s20] =	ssyncadd.s32 $0xFFFFC000  }
.LBB2_2:
0x8c: {  	v1 =	vmov s30;
	_ =	sdelay $0x4  }
0x8d: {  	v2 =	vld.idx.msk [tilespmem:v1+s21+$0x0], $0xffff;
	_ =	sdelay $0x4  }
0x8e: {  	v1 =	vshll.u32 v1, $0x7;
	v2 =	vadd.s32 v0, v2  }
0x8f: {  	v3 =	vor.u32 $0x4000, v1;
	vm0 =	vlt.s32 v2, $0x80  }
0x90: {  	v2 =	vand.u32 $0x7F, v2;
	v1 =	vsel vm0, v1, v3  }
0x91: {  	v1 =	vor.u32 v2, v1;
	_ =	sdelay $0x4  }
0x92: {  	s31 =	sadd.s32 $0x1, s30;
	v1 =	vld.idx.msk [tilespmem:v1+s13+$0x0], $0xffff  }
0x93: {  	v2 =	vmov s31;
	_ =	sdelay $0x3  }
0x94: {  	[tilespmem:s29+$0xFFFFFFE0] =	vst v1  }
0x95: {  	v1 =	vld.idx.msk [tilespmem:v2+s21+$0x0], $0xffff;
	_ =	sdelay $0x4  }
0x96: {  	v2 =	vshll.u32 v2, $0x7;
	v1 =	vadd.s32 v0, v1  }
0x97: {  	v3 =	vor.u32 $0x4000, v2;
	vm13 =	vlt.s32 v1, $0x80  }
0x98: {  	v1 =	vand.u32 $0x7F, v1;
	v2 =	vsel vm13, v2, v3  }
0x99: {  	v1 =	vor.u32 v1, v2;
	_ =	sdelay $0x4  }
0x9a: {  	s0 =	sadd.s32 $0x2, s30;
	v1 =	vld.idx.msk [tilespmem:v1+s13+$0x0], $0xffff  }
0x9b: {  	v2 =	vmov s0;
	_ =	sdelay $0x3  }
0x9c: {  	[tilespmem:s29+$0xFFFFFFF0] =	vst v1  }
0x9d: {  	v1 =	vld.idx.msk [tilespmem:v2+s21+$0x0], $0xffff;
	_ =	sdelay $0x4  }
0x9e: {  	v2 =	vshll.u32 v2, $0x7;
	v1 =	vadd.s32 v0, v1  }
0x9f: {  	v3 =	vor.u32 $0x4000, v2;
	vm14 =	vlt.s32 v1, $0x80  }
0xa0: {  	v1 =	vand.u32 $0x7F, v1;
	v2 =	vsel vm14, v2, v3  }
0xa1: {  	v1 =	vor.u32 v1, v2;
	_ =	sdelay $0x4  }
0xa2: {  	s0 =	sadd.s32 $0x3, s30;
	v1 =	vld.idx.msk [tilespmem:v1+s13+$0x0], $0xffff  }
0xa3: {  	v2 =	vmov s0;
	_ =	sdelay $0x3  }
0xa4: {  	[tilespmem:s29+$0x0] =	vst v1  }
0xa5: {  	v1 =	vld.idx.msk [tilespmem:v2+s21+$0x0], $0xffff;
	_ =	sdelay $0x4  }
0xa6: {  	v2 =	vshll.u32 v2, $0x7;
	v1 =	vadd.s32 v0, v1  }
0xa7: {  	v3 =	vor.u32 $0x4000, v2;
	vm15 =	vlt.s32 v1, $0x80  }
0xa8: {  	v1 =	vand.u32 $0x7F, v1;
	v2 =	vsel vm15, v2, v3  }
0xa9: {  	v1 =	vor.u32 v1, v2;
	_ =	sdelay $0x4  }
0xaa: {  	p0 =	slt.u32 s30, $0x7C;
	v1 =	vld.idx.msk [tilespmem:v1+s13+$0x0], $0xffff  }
.Ltmp0:
0xab: {  	_ = 	snop;
	(pc) =	sbr.rel @p0 .LBB2_2-.Ltmp0, $2  }
0xac: {  	_ =	sdelay $0x2  }
0xad: {  	s30 =	sadd.s32 $0x4, s30;
	[tilespmem:s29+$0x10] =	vst v1;
	s29 =	sadd.s32 $0x40, s29  }
0xae: {  	[tilespmem:s13], [sflag:$0x1] =	stream.indirect.gather [hbm4b:s3+s11], $0x80, s22, s11, $0xb8;
	[tilespmem:$0x12A00] =	vst v63  }
0xaf: {  	_ = 	snop  }
0xb0: {  	[tilespmem:s15], [sflag:$0x1] =	stream.indirect.gather [hbm4b:s3+s11], $0x80, s23, s11, $0xb8;
	[tilespmem:$0x12A00] =	vst v63  }
0xb1: {  	_ =	swait.ge [sflag:s20], $0x4000  }
0xb2: {  	[sflag:s20] =	ssyncset.done $0x0  }
0xb3: {  	[sflag:s20] =	ssyncadd.s32 $0xFFFFC000  }
0xb4: {  	_ =	swait.ge [sflag:s20], $0x4000  }
0xb5: {  	[sflag:s20] =	ssyncset.done $0x0  }
0xb6: {  	s31 =	simm.s32 $0xFFFFFFFC;
	s29 =	simm.s32 $0x11230;
	[sflag:s20] =	ssyncadd.s32 $0xFFFFC000  }
.LBB2_4:
0xb7: {  	s30 =	sadd.s32 $0x84, s31  }
0xb8: {  	v1 =	vmov s30  }
0xb9: {  	v1 =	vand.u32 $0xFFFFFFFC, v1  }
0xba: {  	v1 =	vbroadcast v1, $0x0;
	_ =	sdelay $0x5  }
0xbb: {  	v1 =	vld.idx.msk [tilespmem:v1+s21+$0x0], $0xffff  }
0xbc: {  	s30 =	sadd.s32 $0x4, s31  }
0xbd: {  	v2 =	vmov s30  }
0xbe: {  	v2 =	vshll.u32 v2, $0x7  }
0xbf: {  	v2 =	vbroadcast v2, $0x0  }
0xc0: {  	v1 =	vadd.s32 v0, v1  }
0xc1: {  	v3 =	vor.u32 $0x4000, v2;
	vm0 =	vlt.s32 v1, $0x80  }
0xc2: {  	v1 =	vand.u32 $0x7F, v1;
	v2 =	vsel vm0, v2, v3  }
0xc3: {  	v1 =	vor.u32 v1, v2;
	_ =	sdelay $0x1  }
0xc4: {  	s0 =	sadd.s32 $0x85, s31  }
0xc5: {  	v2 =	vmov s0  }
0xc6: {  	v2 =	vand.u32 $0xFFFFFFFD, v2  }
0xc7: {  	v2 =	vbroadcast v2, $0x0;
	v1 =	vld.idx.msk [tilespmem:v1+s17+$0x0], $0xffff;
	_ =	sdelay $0x4  }
0xc8: {  	[tilespmem:s29+$0xFFFFFFD0] =	vst v1  }
0xc9: {  	v1 =	vld.idx.msk [tilespmem:v2+s21+$0x0], $0xffff  }
0xca: {  	s0 =	sadd.s32 $0x5, s31  }
0xcb: {  	v2 =	vmov s0  }
0xcc: {  	v2 =	vshll.u32 v2, $0x7  }
0xcd: {  	v2 =	vbroadcast v2, $0x0  }
0xce: {  	v1 =	vadd.s32 v0, v1  }
0xcf: {  	v3 =	vor.u32 $0x4000, v2;
	vm13 =	vlt.s32 v1, $0x80  }
0xd0: {  	v1 =	vand.u32 $0x7F, v1;
	v2 =	vsel vm13, v2, v3  }
0xd1: {  	v1 =	vor.u32 v1, v2;
	_ =	sdelay $0x1  }
0xd2: {  	s0 =	sadd.s32 $0x86, s31  }
0xd3: {  	v2 =	vmov s0  }
0xd4: {  	v2 =	vand.u32 $0xFFFFFFFE, v2  }
0xd5: {  	v2 =	vbroadcast v2, $0x0;
	v1 =	vld.idx.msk [tilespmem:v1+s17+$0x0], $0xffff;
	_ =	sdelay $0x4  }
0xd6: {  	[tilespmem:s29+$0xFFFFFFE0] =	vst v1  }
0xd7: {  	v1 =	vld.idx.msk [tilespmem:v2+s21+$0x0], $0xffff  }
0xd8: {  	s0 =	sadd.s32 $0x6, s31  }
0xd9: {  	v2 =	vmov s0  }
0xda: {  	v2 =	vshll.u32 v2, $0x7  }
0xdb: {  	v2 =	vbroadcast v2, $0x0  }
0xdc: {  	v1 =	vadd.s32 v0, v1  }
0xdd: {  	v3 =	vor.u32 $0x4000, v2;
	vm14 =	vlt.s32 v1, $0x80  }
0xde: {  	v1 =	vand.u32 $0x7F, v1;
	v2 =	vsel vm14, v2, v3  }
0xdf: {  	v1 =	vor.u32 v1, v2;
	_ =	sdelay $0x4  }
0xe0: {  	s0 =	sadd.s32 $0x87, s31;
	v1 =	vld.idx.msk [tilespmem:v1+s17+$0x0], $0xffff  }
0xe1: {  	v2 =	vmov s0;
	_ =	sdelay $0x3  }
0xe2: {  	[tilespmem:s29+$0xFFFFFFF0] =	vst v1  }
0xe3: {  	v1 =	vld.idx.msk [tilespmem:v2+s21+$0x0], $0xffff  }
0xe4: {  	s0 =	sadd.s32 $0x7, s31  }
0xe5: {  	v2 =	vmov s0  }
0xe6: {  	v2 =	vshll.u32 v2, $0x7  }
0xe7: {  	v2 =	vbroadcast v2, $0x0  }
0xe8: {  	v1 =	vadd.s32 v0, v1  }
0xe9: {  	v3 =	vor.u32 $0x4000, v2;
	vm15 =	vlt.s32 v1, $0x80  }
0xea: {  	v1 =	vand.u32 $0x7F, v1;
	v2 =	vsel vm15, v2, v3  }
0xeb: {  	v1 =	vor.u32 v1, v2;
	_ =	sdelay $0x4  }
0xec: {  	p0 =	slt.u32 s30, $0x7C;
	v1 =	vld.idx.msk [tilespmem:v1+s17+$0x0], $0xffff  }
.Ltmp1:
0xed: {  	_ = 	snop;
	(pc) =	sbr.rel @p0 .LBB2_4-.Ltmp1, $2  }
0xee: {  	_ =	sdelay $0x2  }
0xef: {  	s31 =	smov.u32 s30;
	[tilespmem:s29+$0x0] =	vst v1;
	s29 =	sadd.s32 $0x40, s29  }
0xf0: {  	[tilespmem:s17], [sflag:$0x1] =	stream.indirect.gather [hbm4b:s3+s11], $0x80, s24, s11, $0xb8;
	[tilespmem:$0x12A00] =	vst v63  }
0xf1: {  	_ = 	snop  }
0xf2: {  	[tilespmem:s19], [sflag:$0x1] =	stream.indirect.gather [hbm4b:s3+s11], $0x80, s25, s11, $0xb8;
	[tilespmem:$0x12A00] =	vst v63  }
0xf3: {  	_ =	swait.ge [sflag:s20], $0x4000  }
0xf4: {  	[sflag:s20] =	ssyncset.done $0x0  }
0xf5: {  	[sflag:s20] =	ssyncadd.s32 $0xFFFFC000  }
0xf6: {  	_ =	swait.ge [sflag:s20], $0x4000  }
0xf7: {  	[sflag:s20] =	ssyncset.done $0x0  }
0xf8: {  	s31 =	simm.s32 $0xFFFFFFFC;
	s29 =	simm.s32 $0x11A30;
	[sflag:s20] =	ssyncadd.s32 $0xFFFFC000  }
.LBB2_6:
0xf9: {  	s0 =	sadd.s32 $0x104, s31  }
0xfa: {  	v1 =	vmov s0  }
0xfb: {  	v1 =	vand.u32 $0xFFFFFFFC, v1  }
0xfc: {  	v1 =	vbroadcast v1, $0x0;
	_ =	sdelay $0x5  }
0xfd: {  	v1 =	vld.idx.msk [tilespmem:v1+s21+$0x0], $0xffff  }
0xfe: {  	s30 =	sadd.s32 $0x4, s31  }
0xff: {  	v2 =	vmov s30  }
0x100: {  	v2 =	vshll.u32 v2, $0x7  }
0x101: {  	v2 =	vbroadcast v2, $0x0  }
0x102: {  	v1 =	vadd.s32 v0, v1  }
0x103: {  	v3 =	vor.u32 $0x4000, v2;
	vm0 =	vlt.s32 v1, $0x80  }
0x104: {  	v1 =	vand.u32 $0x7F, v1;
	v2 =	vsel vm0, v2, v3  }
0x105: {  	v1 =	vor.u32 v1, v2;
	_ =	sdelay $0x1  }
0x106: {  	s0 =	sadd.s32 $0x105, s31  }
0x107: {  	v2 =	vmov s0  }
0x108: {  	v2 =	vand.u32 $0xFFFFFFFD, v2  }
0x109: {  	v2 =	vbroadcast v2, $0x0;
	v1 =	vld.idx.msk [tilespmem:v1+s13+$0x0], $0xffff;
	_ =	sdelay $0x4  }
0x10a: {  	[tilespmem:s29+$0xFFFFFFD0] =	vst v1  }
0x10b: {  	v1 =	vld.idx.msk [tilespmem:v2+s21+$0x0], $0xffff  }
0x10c: {  	s0 =	sadd.s32 $0x5, s31  }
0x10d: {  	v2 =	vmov s0  }
0x10e: {  	v2 =	vshll.u32 v2, $0x7  }
0x10f: {  	v2 =	vbroadcast v2, $0x0  }
0x110: {  	v1 =	vadd.s32 v0, v1  }
0x111: {  	v3 =	vor.u32 $0x4000, v2;
	vm13 =	vlt.s32 v1, $0x80  }
0x112: {  	v1 =	vand.u32 $0x7F, v1;
	v2 =	vsel vm13, v2, v3  }
0x113: {  	v1 =	vor.u32 v1, v2;
	_ =	sdelay $0x1  }
0x114: {  	s0 =	sadd.s32 $0x106, s31  }
0x115: {  	v2 =	vmov s0  }
0x116: {  	v2 =	vand.u32 $0xFFFFFFFE, v2  }
0x117: {  	v2 =	vbroadcast v2, $0x0;
	v1 =	vld.idx.msk [tilespmem:v1+s13+$0x0], $0xffff;
	_ =	sdelay $0x4  }
0x118: {  	[tilespmem:s29+$0xFFFFFFE0] =	vst v1  }
0x119: {  	v1 =	vld.idx.msk [tilespmem:v2+s21+$0x0], $0xffff  }
0x11a: {  	s0 =	sadd.s32 $0x6, s31  }
0x11b: {  	v2 =	vmov s0  }
0x11c: {  	v2 =	vshll.u32 v2, $0x7  }
0x11d: {  	v2 =	vbroadcast v2, $0x0  }
0x11e: {  	v1 =	vadd.s32 v0, v1  }
0x11f: {  	v3 =	vor.u32 $0x4000, v2;
	vm14 =	vlt.s32 v1, $0x80  }
0x120: {  	v1 =	vand.u32 $0x7F, v1;
	v2 =	vsel vm14, v2, v3  }
0x121: {  	v1 =	vor.u32 v1, v2;
	_ =	sdelay $0x4  }
0x122: {  	s0 =	sadd.s32 $0x107, s31;
	v1 =	vld.idx.msk [tilespmem:v1+s13+$0x0], $0xffff  }
0x123: {  	v2 =	vmov s0;
	_ =	sdelay $0x3  }
0x124: {  	[tilespmem:s29+$0xFFFFFFF0] =	vst v1  }
0x125: {  	v1 =	vld.idx.msk [tilespmem:v2+s21+$0x0], $0xffff  }
0x126: {  	s0 =	sadd.s32 $0x7, s31  }
0x127: {  	v2 =	vmov s0  }
0x128: {  	v2 =	vshll.u32 v2, $0x7  }
0x129: {  	v2 =	vbroadcast v2, $0x0  }
0x12a: {  	v1 =	vadd.s32 v0, v1  }
0x12b: {  	v3 =	vor.u32 $0x4000, v2;
	vm15 =	vlt.s32 v1, $0x80  }
0x12c: {  	v1 =	vand.u32 $0x7F, v1;
	v2 =	vsel vm15, v2, v3  }
0x12d: {  	v1 =	vor.u32 v1, v2;
	_ =	sdelay $0x4  }
0x12e: {  	p0 =	slt.u32 s30, $0x7C;
	v1 =	vld.idx.msk [tilespmem:v1+s13+$0x0], $0xffff  }
.Ltmp2:
0x12f: {  	_ = 	snop;
	(pc) =	sbr.rel @p0 .LBB2_6-.Ltmp2, $2  }
0x130: {  	_ =	sdelay $0x2  }
0x131: {  	s31 =	smov.u32 s30;
	[tilespmem:s29+$0x0] =	vst v1;
	s29 =	sadd.s32 $0x40, s29  }
0x132: {  	_ =	swait.ge [sflag:s20], $0x4000  }
0x133: {  	[sflag:s20] =	ssyncset.done $0x0  }
0x134: {  	[sflag:s20] =	ssyncadd.s32 $0xFFFFC000  }
0x135: {  	_ =	swait.ge [sflag:s20], $0x4000  }
0x136: {  	[sflag:s20] =	ssyncset.done $0x0  }
0x137: {  	s31 =	simm.s32 $0xFFFFFFFC;
	s29 =	simm.s32 $0x12230;
	[sflag:s20] =	ssyncadd.s32 $0xFFFFC000  }
.LBB2_8:
0x138: {  	s0 =	sadd.s32 $0x184, s31  }
0x139: {  	v1 =	vmov s0  }
0x13a: {  	v1 =	vand.u32 $0xFFFFFFFC, v1  }
0x13b: {  	v1 =	vbroadcast v1, $0x0;
	_ =	sdelay $0x5  }
0x13c: {  	v1 =	vld.idx.msk [tilespmem:v1+s21+$0x0], $0xffff  }
0x13d: {  	s30 =	sadd.s32 $0x4, s31  }
0x13e: {  	v2 =	vmov s30  }
0x13f: {  	v2 =	vshll.u32 v2, $0x7  }
0x140: {  	v2 =	vbroadcast v2, $0x0  }
0x141: {  	v1 =	vadd.s32 v0, v1  }
0x142: {  	v3 =	vor.u32 $0x4000, v2;
	vm0 =	vlt.s32 v1, $0x80  }
0x143: {  	v1 =	vand.u32 $0x7F, v1;
	v2 =	vsel vm0, v2, v3  }
0x144: {  	v1 =	vor.u32 v1, v2;
	_ =	sdelay $0x1  }
0x145: {  	s0 =	sadd.s32 $0x185, s31  }
0x146: {  	v2 =	vmov s0  }
0x147: {  	v2 =	vand.u32 $0xFFFFFFFD, v2  }
0x148: {  	v2 =	vbroadcast v2, $0x0;
	v1 =	vld.idx.msk [tilespmem:v1+s17+$0x0], $0xffff;
	_ =	sdelay $0x4  }
0x149: {  	[tilespmem:s29+$0xFFFFFFD0] =	vst v1  }
0x14a: {  	v1 =	vld.idx.msk [tilespmem:v2+s21+$0x0], $0xffff  }
0x14b: {  	s0 =	sadd.s32 $0x5, s31  }
0x14c: {  	v2 =	vmov s0  }
0x14d: {  	v2 =	vshll.u32 v2, $0x7  }
0x14e: {  	v2 =	vbroadcast v2, $0x0  }
0x14f: {  	v1 =	vadd.s32 v0, v1  }
0x150: {  	v3 =	vor.u32 $0x4000, v2;
	vm13 =	vlt.s32 v1, $0x80  }
0x151: {  	v1 =	vand.u32 $0x7F, v1;
	v2 =	vsel vm13, v2, v3  }
0x152: {  	v1 =	vor.u32 v1, v2;
	_ =	sdelay $0x1  }
0x153: {  	s0 =	sadd.s32 $0x186, s31  }
0x154: {  	v2 =	vmov s0  }
0x155: {  	v2 =	vand.u32 $0xFFFFFFFE, v2  }
0x156: {  	v2 =	vbroadcast v2, $0x0;
	v1 =	vld.idx.msk [tilespmem:v1+s17+$0x0], $0xffff;
	_ =	sdelay $0x4  }
0x157: {  	[tilespmem:s29+$0xFFFFFFE0] =	vst v1  }
0x158: {  	v1 =	vld.idx.msk [tilespmem:v2+s21+$0x0], $0xffff  }
0x159: {  	s0 =	sadd.s32 $0x6, s31  }
0x15a: {  	v2 =	vmov s0  }
0x15b: {  	v2 =	vshll.u32 v2, $0x7  }
0x15c: {  	v2 =	vbroadcast v2, $0x0  }
0x15d: {  	v1 =	vadd.s32 v0, v1  }
0x15e: {  	v3 =	vor.u32 $0x4000, v2;
	vm14 =	vlt.s32 v1, $0x80  }
0x15f: {  	v1 =	vand.u32 $0x7F, v1;
	v2 =	vsel vm14, v2, v3  }
0x160: {  	v1 =	vor.u32 v1, v2;
	_ =	sdelay $0x4  }
0x161: {  	s0 =	sadd.s32 $0x187, s31;
	v1 =	vld.idx.msk [tilespmem:v1+s17+$0x0], $0xffff  }
0x162: {  	v2 =	vmov s0;
	_ =	sdelay $0x3  }
0x163: {  	[tilespmem:s29+$0xFFFFFFF0] =	vst v1  }
0x164: {  	v1 =	vld.idx.msk [tilespmem:v2+s21+$0x0], $0xffff  }
0x165: {  	s0 =	sadd.s32 $0x7, s31  }
0x166: {  	v2 =	vmov s0  }
0x167: {  	v2 =	vshll.u32 v2, $0x7  }
0x168: {  	v2 =	vbroadcast v2, $0x0  }
0x169: {  	v1 =	vadd.s32 v0, v1  }
0x16a: {  	v3 =	vor.u32 $0x4000, v2;
	vm15 =	vlt.s32 v1, $0x80  }
0x16b: {  	v1 =	vand.u32 $0x7F, v1;
	v2 =	vsel vm15, v2, v3  }
0x16c: {  	v1 =	vor.u32 v1, v2;
	_ =	sdelay $0x4  }
0x16d: {  	p0 =	slt.u32 s30, $0x7C;
	v1 =	vld.idx.msk [tilespmem:v1+s17+$0x0], $0xffff  }
.Ltmp3:
0x16e: {  	_ = 	snop;
	(pc) =	sbr.rel @p0 .LBB2_8-.Ltmp3, $2  }
0x16f: {  	_ =	sdelay $0x2  }
0x170: {  	s31 =	smov.u32 s30;
	[tilespmem:s29+$0x0] =	vst v1;
	s29 =	sadd.s32 $0x40, s29  }
0x171: {  	s29 =	simm.s32 $0x0  }
0x172: {  	[hbm4b:s6+s29] =	stream.linear.scatter [tilespmem:s26], [sflag:$0x2], $0x2000, $0x38;
	[tilespmem:$0x12A00] =	vst v63  }
0x173: {  	_ =	swait.ge [sflag:s9], $0x2000  }
0x174: {  	[sflag:s9] =	ssyncset.done $0x0  }
0x175: {  	[sflag:s9] =	ssyncadd.s32 $0xFFFFE000  }
0x176: {  	v1 =	vld [tilespmem:$0x200]  }
0x177: {  	v2 =	vld [tilespmem:$0x210];
	_ =	sdelay $0x1  }
0x178: {  	v3 =	vld [tilespmem:$0x220];
	_ =	sdelay $0x1  }
0x179: {  	v1 =	vmul.u32 $0xA, v1  }
0x17a: {  	v2 =	vmul.u32 $0xA, v2  }
0x17b: {  	v6 =	vld [tilespmem:$0x230];
	v4 =	vshra.s32 v1, $0x7  }
0x17c: {  	v3 =	vmul.u32 $0xA, v3;
	v61 =	vshra.s32 v2, $0x7;
	v1 =	vand.u32 $0x7E, v1;
	[tilespmem:$0x400] =	vst v4  }
0x17d: {  	vm9 =	vlt.s32 v61, $0x1312B;
	[tilespmem:$0x800] =	vst v1  }
0x17e: {  	v62 =	vld [tilespmem:$0x240];
	v63 =	vshra.s32 v3, $0x7;
	[tilespmem:$0x410] =	vst v61;
	v1 =	vnsel vm9, $0x1312B, v61  }
0x17f: {  	vm0 =	vlt.s32 v4, $0x1312B;
	vm10 =	vlt.s32 v63, $0x1312B;
	[tilespmem:$0x420] =	vst v63;
	v1 =	vadd.s32 $0x1, v1  }
0x180: {  	v5 =	vnsel vm0, $0x1312B, v4;
	[tilespmem:$0x610] =	vst v1;
	v1 =	vand.u32 $0x7E, v2;
	v2 =	vmul.u32 $0xA, v6  }
0x181: {  	v9 =	vld [tilespmem:$0x250];
	v60 =	vadd.s32 $0x1, v5;
	[tilespmem:$0x810] =	vst v1;
	v1 =	vnsel vm10, $0x1312B, v63  }
0x182: {  	[tilespmem:$0x600] =	vst v60;
	v1 =	vadd.s32 $0x1, v1;
	v10 =	vshra.s32 v2, $0x7  }
0x183: {  	[tilespmem:$0x620] =	vst v1;
	v1 =	vand.u32 $0x7E, v3;
	vm11 =	vlt.s32 v10, $0x1312B;
	v3 =	vmul.u32 $0xA, v62  }
0x184: {  	v11 =	vld [tilespmem:$0x260];
	[tilespmem:$0x820] =	vst v1;
	v1 =	vnsel vm11, $0x1312B, v10  }
0x185: {  	[tilespmem:$0x430] =	vst v10;
	v1 =	vadd.s32 $0x1, v1;
	v12 =	vshra.s32 v3, $0x7  }
0x186: {  	[tilespmem:$0x630] =	vst v1;
	v1 =	vand.u32 $0x7E, v2;
	vm12 =	vlt.s32 v12, $0x1312B;
	v2 =	vmul.u32 $0xA, v9  }
0x187: {  	v13 =	vld [tilespmem:$0x270];
	[tilespmem:$0x830] =	vst v1;
	v1 =	vnsel vm12, $0x1312B, v12  }
0x188: {  	[tilespmem:$0x440] =	vst v12;
	v1 =	vadd.s32 $0x1, v1;
	v14 =	vshra.s32 v2, $0x7  }
0x189: {  	[tilespmem:$0x640] =	vst v1;
	v1 =	vand.u32 $0x7E, v3;
	vm13 =	vlt.s32 v14, $0x1312B;
	v3 =	vmul.u32 $0xA, v11  }
0x18a: {  	v15 =	vld [tilespmem:$0x280];
	[tilespmem:$0x840] =	vst v1;
	v1 =	vnsel vm13, $0x1312B, v14  }
0x18b: {  	[tilespmem:$0x450] =	vst v14;
	v1 =	vadd.s32 $0x1, v1;
	v16 =	vshra.s32 v3, $0x7  }
0x18c: {  	[tilespmem:$0x650] =	vst v1;
	v1 =	vand.u32 $0x7E, v2;
	vm14 =	vlt.s32 v16, $0x1312B;
	v2 =	vmul.u32 $0xA, v13  }
0x18d: {  	v17 =	vld [tilespmem:$0x290];
	[tilespmem:$0x850] =	vst v1;
	v1 =	vnsel vm14, $0x1312B, v16  }
0x18e: {  	[tilespmem:$0x460] =	vst v16;
	v1 =	vadd.s32 $0x1, v1;
	v18 =	vshra.s32 v2, $0x7  }
0x18f: {  	[tilespmem:$0x660] =	vst v1;
	v1 =	vand.u32 $0x7E, v3;
	vm15 =	vlt.s32 v18, $0x1312B;
	v3 =	vmul.u32 $0xA, v15  }
0x190: {  	v19 =	vld [tilespmem:$0x2A0];
	[tilespmem:$0x860] =	vst v1;
	v1 =	vnsel vm15, $0x1312B, v18  }
0x191: {  	[tilespmem:$0x470] =	vst v18;
	v1 =	vadd.s32 $0x1, v1;
	v20 =	vshra.s32 v3, $0x7  }
0x192: {  	[tilespmem:$0x670] =	vst v1;
	v1 =	vand.u32 $0x7E, v2;
	vm4 =	vlt.s32 v20, $0x1312B;
	v2 =	vmul.u32 $0xA, v17  }
0x193: {  	v21 =	vld [tilespmem:$0x2B0];
	[tilespmem:$0x870] =	vst v1;
	v1 =	vnsel vm4, $0x1312B, v20  }
0x194: {  	[tilespmem:$0x480] =	vst v20;
	v1 =	vadd.s32 $0x1, v1;
	v22 =	vshra.s32 v2, $0x7  }
0x195: {  	[tilespmem:$0x680] =	vst v1;
	v1 =	vand.u32 $0x7E, v3;
	vm5 =	vlt.s32 v22, $0x1312B;
	v3 =	vmul.u32 $0xA, v19  }
0x196: {  	v23 =	vld [tilespmem:$0x2C0];
	[tilespmem:$0x880] =	vst v1;
	v1 =	vnsel vm5, $0x1312B, v22  }
0x197: {  	[tilespmem:$0x490] =	vst v22;
	v1 =	vadd.s32 $0x1, v1;
	v24 =	vshra.s32 v3, $0x7  }
0x198: {  	[tilespmem:$0x690] =	vst v1;
	v1 =	vand.u32 $0x7E, v2;
	vm6 =	vlt.s32 v24, $0x1312B;
	v2 =	vmul.u32 $0xA, v21  }
0x199: {  	v25 =	vld [tilespmem:$0x2D0];
	[tilespmem:$0x890] =	vst v1;
	v1 =	vnsel vm6, $0x1312B, v24  }
0x19a: {  	[tilespmem:$0x4A0] =	vst v24;
	v1 =	vadd.s32 $0x1, v1;
	v26 =	vshra.s32 v2, $0x7  }
0x19b: {  	[tilespmem:$0x6A0] =	vst v1;
	v1 =	vand.u32 $0x7E, v3;
	vm7 =	vlt.s32 v26, $0x1312B;
	v3 =	vmul.u32 $0xA, v23  }
0x19c: {  	v27 =	vld [tilespmem:$0x2E0];
	[tilespmem:$0x8A0] =	vst v1;
	v1 =	vnsel vm7, $0x1312B, v26  }
0x19d: {  	[tilespmem:$0x4B0] =	vst v26;
	v1 =	vadd.s32 $0x1, v1;
	v28 =	vshra.s32 v3, $0x7  }
0x19e: {  	[tilespmem:$0x6B0] =	vst v1;
	v1 =	vand.u32 $0x7E, v2;
	vm8 =	vlt.s32 v28, $0x1312B;
	v2 =	vmul.u32 $0xA, v25  }
0x19f: {  	v29 =	vld [tilespmem:$0x2F0];
	[tilespmem:$0x8B0] =	vst v1;
	v1 =	vnsel vm8, $0x1312B, v28  }
0x1a0: {  	[tilespmem:$0x4C0] =	vst v28;
	v1 =	vadd.s32 $0x1, v1;
	v30 =	vshra.s32 v2, $0x7  }
0x1a1: {  	[tilespmem:$0x6C0] =	vst v1;
	v1 =	vand.u32 $0x7E, v3;
	vm9 =	vlt.s32 v30, $0x1312B;
	v3 =	vmul.u32 $0xA, v27  }
0x1a2: {  	v31 =	vld [tilespmem:$0x300];
	[tilespmem:$0x8C0] =	vst v1;
	v1 =	vnsel vm9, $0x1312B, v30  }
0x1a3: {  	[tilespmem:$0x4D0] =	vst v30;
	v1 =	vadd.s32 $0x1, v1;
	v32 =	vshra.s32 v3, $0x7  }
0x1a4: {  	[tilespmem:$0x6D0] =	vst v1;
	v1 =	vand.u32 $0x7E, v2;
	vm10 =	vlt.s32 v32, $0x1312B;
	v2 =	vmul.u32 $0xA, v29  }
0x1a5: {  	v33 =	vld [tilespmem:$0x310];
	[tilespmem:$0x8D0] =	vst v1;
	v1 =	vnsel vm10, $0x1312B, v32  }
0x1a6: {  	[tilespmem:$0x4E0] =	vst v32;
	v1 =	vadd.s32 $0x1, v1;
	v34 =	vshra.s32 v2, $0x7  }
0x1a7: {  	[tilespmem:$0x6E0] =	vst v1;
	v1 =	vand.u32 $0x7E, v3;
	vm11 =	vlt.s32 v34, $0x1312B;
	v3 =	vmul.u32 $0xA, v31  }
0x1a8: {  	v35 =	vld [tilespmem:$0x320];
	[tilespmem:$0x8E0] =	vst v1;
	v1 =	vnsel vm11, $0x1312B, v34  }
0x1a9: {  	[tilespmem:$0x4F0] =	vst v34;
	v1 =	vadd.s32 $0x1, v1;
	v36 =	vshra.s32 v3, $0x7  }
0x1aa: {  	[tilespmem:$0x6F0] =	vst v1;
	v1 =	vand.u32 $0x7E, v2;
	vm12 =	vlt.s32 v36, $0x1312B;
	v2 =	vmul.u32 $0xA, v33  }
0x1ab: {  	v37 =	vld [tilespmem:$0x330];
	[tilespmem:$0x8F0] =	vst v1;
	v1 =	vnsel vm12, $0x1312B, v36  }
0x1ac: {  	[tilespmem:$0x500] =	vst v36;
	v1 =	vadd.s32 $0x1, v1;
	v38 =	vshra.s32 v2, $0x7  }
0x1ad: {  	[tilespmem:$0x700] =	vst v1;
	v1 =	vand.u32 $0x7E, v3;
	vm13 =	vlt.s32 v38, $0x1312B;
	v3 =	vmul.u32 $0xA, v35  }
0x1ae: {  	v39 =	vld [tilespmem:$0x340];
	[tilespmem:$0x900] =	vst v1;
	v1 =	vnsel vm13, $0x1312B, v38  }
0x1af: {  	[tilespmem:$0x510] =	vst v38;
	v1 =	vadd.s32 $0x1, v1;
	v40 =	vshra.s32 v3, $0x7  }
0x1b0: {  	[tilespmem:$0x710] =	vst v1;
	v1 =	vand.u32 $0x7E, v2;
	vm14 =	vlt.s32 v40, $0x1312B;
	v2 =	vmul.u32 $0xA, v37  }
0x1b1: {  	v41 =	vld [tilespmem:$0x350];
	[tilespmem:$0x910] =	vst v1;
	v1 =	vnsel vm14, $0x1312B, v40  }
0x1b2: {  	[tilespmem:$0x520] =	vst v40;
	v1 =	vadd.s32 $0x1, v1;
	v42 =	vshra.s32 v2, $0x7  }
0x1b3: {  	[tilespmem:$0x720] =	vst v1;
	v1 =	vand.u32 $0x7E, v3;
	vm15 =	vlt.s32 v42, $0x1312B;
	v3 =	vmul.u32 $0xA, v39  }
0x1b4: {  	v43 =	vld [tilespmem:$0x360];
	[tilespmem:$0x920] =	vst v1;
	v1 =	vnsel vm15, $0x1312B, v42  }
0x1b5: {  	[tilespmem:$0x530] =	vst v42;
	v1 =	vadd.s32 $0x1, v1;
	v44 =	vshra.s32 v3, $0x7  }
0x1b6: {  	[tilespmem:$0x730] =	vst v1;
	v1 =	vand.u32 $0x7E, v2;
	vm4 =	vlt.s32 v44, $0x1312B;
	v2 =	vmul.u32 $0xA, v41  }
0x1b7: {  	v45 =	vld [tilespmem:$0x370];
	[tilespmem:$0x930] =	vst v1;
	v1 =	vnsel vm4, $0x1312B, v44  }
0x1b8: {  	[tilespmem:$0x540] =	vst v44;
	v1 =	vadd.s32 $0x1, v1;
	v46 =	vshra.s32 v2, $0x7  }
0x1b9: {  	[tilespmem:$0x740] =	vst v1;
	v1 =	vand.u32 $0x7E, v3;
	vm5 =	vlt.s32 v46, $0x1312B;
	v3 =	vmul.u32 $0xA, v43  }
0x1ba: {  	v47 =	vld [tilespmem:$0x380];
	[tilespmem:$0x940] =	vst v1;
	v1 =	vnsel vm5, $0x1312B, v46  }
0x1bb: {  	[tilespmem:$0x550] =	vst v46;
	v1 =	vadd.s32 $0x1, v1;
	v48 =	vshra.s32 v3, $0x7  }
0x1bc: {  	[tilespmem:$0x750] =	vst v1;
	v1 =	vand.u32 $0x7E, v2;
	vm6 =	vlt.s32 v48, $0x1312B;
	v2 =	vmul.u32 $0xA, v45  }
0x1bd: {  	v49 =	vld [tilespmem:$0x390];
	[tilespmem:$0x950] =	vst v1;
	v1 =	vnsel vm6, $0x1312B, v48  }
0x1be: {  	[tilespmem:$0x560] =	vst v48;
	v1 =	vadd.s32 $0x1, v1;
	v50 =	vshra.s32 v2, $0x7  }
0x1bf: {  	[tilespmem:$0x760] =	vst v1;
	v1 =	vand.u32 $0x7E, v3;
	vm7 =	vlt.s32 v50, $0x1312B;
	v3 =	vmul.u32 $0xA, v47  }
0x1c0: {  	v51 =	vld [tilespmem:$0x3A0];
	[tilespmem:$0x960] =	vst v1;
	v1 =	vnsel vm7, $0x1312B, v50  }
0x1c1: {  	[tilespmem:$0x570] =	vst v50;
	v1 =	vadd.s32 $0x1, v1;
	v52 =	vshra.s32 v3, $0x7  }
0x1c2: {  	[tilespmem:$0x770] =	vst v1;
	v1 =	vand.u32 $0x7E, v2;
	vm8 =	vlt.s32 v52, $0x1312B;
	v2 =	vmul.u32 $0xA, v49  }
0x1c3: {  	v53 =	vld [tilespmem:$0x3B0];
	[tilespmem:$0x970] =	vst v1;
	v1 =	vnsel vm8, $0x1312B, v52  }
0x1c4: {  	[tilespmem:$0x580] =	vst v52;
	v1 =	vadd.s32 $0x1, v1;
	v54 =	vshra.s32 v2, $0x7  }
0x1c5: {  	[tilespmem:$0x780] =	vst v1;
	v1 =	vand.u32 $0x7E, v3;
	vm9 =	vlt.s32 v54, $0x1312B;
	v3 =	vmul.u32 $0xA, v51  }
0x1c6: {  	v55 =	vld [tilespmem:$0x3C0];
	[tilespmem:$0x980] =	vst v1;
	v1 =	vnsel vm9, $0x1312B, v54  }
0x1c7: {  	[tilespmem:$0x590] =	vst v54;
	v1 =	vadd.s32 $0x1, v1;
	v56 =	vshra.s32 v3, $0x7  }
0x1c8: {  	[tilespmem:$0x790] =	vst v1;
	v1 =	vand.u32 $0x7E, v2;
	vm10 =	vlt.s32 v56, $0x1312B;
	v2 =	vmul.u32 $0xA, v53  }
0x1c9: {  	v57 =	vld [tilespmem:$0x3D0];
	[tilespmem:$0x990] =	vst v1;
	v1 =	vnsel vm10, $0x1312B, v56  }
0x1ca: {  	[tilespmem:$0x5A0] =	vst v56;
	v1 =	vadd.s32 $0x1, v1;
	v58 =	vshra.s32 v2, $0x7  }
0x1cb: {  	[tilespmem:$0x7A0] =	vst v1;
	v1 =	vand.u32 $0x7E, v3;
	vm11 =	vlt.s32 v58, $0x1312B;
	v3 =	vmul.u32 $0xA, v55  }
0x1cc: {  	v59 =	vld [tilespmem:$0x3E0];
	[tilespmem:$0x9A0] =	vst v1;
	v1 =	vnsel vm11, $0x1312B, v58  }
0x1cd: {  	[tilespmem:$0x5B0] =	vst v58;
	v1 =	vadd.s32 $0x1, v1;
	v60 =	vshra.s32 v3, $0x7  }
0x1ce: {  	[tilespmem:$0x7B0] =	vst v1;
	v1 =	vand.u32 $0x7E, v2;
	vm12 =	vlt.s32 v60, $0x1312B;
	v2 =	vmul.u32 $0xA, v57  }
0x1cf: {  	v61 =	vld [tilespmem:$0x3F0];
	[tilespmem:$0x9B0] =	vst v1;
	v1 =	vnsel vm12, $0x1312B, v60  }
0x1d0: {  	[tilespmem:$0x5C0] =	vst v60;
	v1 =	vadd.s32 $0x1, v1;
	v62 =	vshra.s32 v2, $0x7  }
0x1d1: {  	[tilespmem:$0x7C0] =	vst v1;
	v1 =	vand.u32 $0x7E, v3;
	vm13 =	vlt.s32 v62, $0x1312B;
	v3 =	vmul.u32 $0xA, v59  }
0x1d2: {  	[tilespmem:$0x9C0] =	vst v1;
	v1 =	vnsel vm13, $0x1312B, v62  }
0x1d3: {  	[tilespmem:$0x5D0] =	vst v62;
	v1 =	vadd.s32 $0x1, v1;
	v4 =	vshra.s32 v3, $0x7  }
0x1d4: {  	[tilespmem:$0x7D0] =	vst v1;
	v1 =	vand.u32 $0x7E, v2;
	vm14 =	vlt.s32 v4, $0x1312B;
	v2 =	vmul.u32 $0xA, v61  }
0x1d5: {  	[tilespmem:$0x9D0] =	vst v1;
	v1 =	vnsel vm14, $0x1312B, v4  }
0x1d6: {  	[tilespmem:$0x5E0] =	vst v4;
	v1 =	vadd.s32 $0x1, v1;
	v63 =	vshra.s32 v2, $0x7  }
0x1d7: {  	[tilespmem:$0x7E0] =	vst v1;
	v1 =	vand.u32 $0x7E, v3;
	vm15 =	vlt.s32 v63, $0x1312B  }
0x1d8: {  	[tilespmem:$0x9E0] =	vst v1;
	v1 =	vnsel vm15, $0x1312B, v63  }
0x1d9: {  	[tilespmem:$0x5F0] =	vst v63;
	v1 =	vadd.s32 $0x1, v1  }
0x1da: {  	[tilespmem:$0x7F0] =	vst v1;
	v1 =	vand.u32 $0x7E, v2  }
0x1db: {  	[tilespmem:$0x9F0] =	vst v1  }
0x1dc: {  	[tilespmem:s13], [sflag:$0x1] =	stream.indirect.gather [hbm4b:s3+s11], $0x80, s12, s11, $0xb8;
	[tilespmem:$0x12A00] =	vst v63  }
0x1dd: {  	_ = 	snop  }
0x1de: {  	[tilespmem:s15], [sflag:$0x1] =	stream.indirect.gather [hbm4b:s3+s11], $0x80, s14, s11, $0xb8;
	[tilespmem:$0x12A00] =	vst v63  }
0x1df: {  	_ = 	snop  }
0x1e0: {  	[tilespmem:s17], [sflag:$0x1] =	stream.indirect.gather [hbm4b:s3+s11], $0x80, s16, s11, $0xb8;
	[tilespmem:$0x12A00] =	vst v63  }
0x1e1: {  	_ = 	snop  }
0x1e2: {  	[tilespmem:s19], [sflag:$0x1] =	stream.indirect.gather [hbm4b:s3+s11], $0x80, s18, s11, $0xb8;
	[tilespmem:$0x12A00] =	vst v63  }
0x1e3: {  	_ =	swait.ge [sflag:s20], $0x4000  }
0x1e4: {  	[sflag:s20] =	ssyncset.done $0x0  }
0x1e5: {  	[sflag:s20] =	ssyncadd.s32 $0xFFFFC000  }
0x1e6: {  	_ =	swait.ge [sflag:s20], $0x4000  }
0x1e7: {  	[sflag:s20] =	ssyncset.done $0x0  }
0x1e8: {  	s30 =	simm.s32 $0x10A20;
	[sflag:s20] =	ssyncadd.s32 $0xFFFFC000  }
.LBB2_10:
0x1e9: {  	v1 =	vmov s29;
	_ =	sdelay $0x4  }
0x1ea: {  	v2 =	vld.idx.msk [tilespmem:v1+s21+$0x0], $0xffff;
	_ =	sdelay $0x4  }
0x1eb: {  	v1 =	vshll.u32 v1, $0x7;
	v2 =	vadd.s32 v0, v2  }
0x1ec: {  	v3 =	vor.u32 $0x4000, v1;
	vm0 =	vlt.s32 v2, $0x80  }
0x1ed: {  	v2 =	vand.u32 $0x7F, v2;
	v1 =	vsel vm0, v1, v3  }
0x1ee: {  	v1 =	vor.u32 v2, v1;
	_ =	sdelay $0x4  }
0x1ef: {  	s0 =	sadd.s32 $0x1, s29;
	v1 =	vld.idx.msk [tilespmem:v1+s13+$0x0], $0xffff  }
0x1f0: {  	v2 =	vmov s0;
	_ =	sdelay $0x3  }
0x1f1: {  	[tilespmem:s30+$0xFFFFFFE0] =	vst v1  }
0x1f2: {  	v1 =	vld.idx.msk [tilespmem:v2+s21+$0x0], $0xffff;
	_ =	sdelay $0x4  }
0x1f3: {  	v2 =	vshll.u32 v2, $0x7;
	v1 =	vadd.s32 v0, v1  }
0x1f4: {  	v3 =	vor.u32 $0x4000, v2;
	vm13 =	vlt.s32 v1, $0x80  }
0x1f5: {  	v1 =	vand.u32 $0x7F, v1;
	v2 =	vsel vm13, v2, v3  }
0x1f6: {  	v1 =	vor.u32 v1, v2;
	_ =	sdelay $0x4  }
0x1f7: {  	s31 =	sadd.s32 $0x2, s29;
	v1 =	vld.idx.msk [tilespmem:v1+s13+$0x0], $0xffff  }
0x1f8: {  	v2 =	vmov s31;
	_ =	sdelay $0x3  }
0x1f9: {  	[tilespmem:s30+$0xFFFFFFF0] =	vst v1  }
0x1fa: {  	v1 =	vld.idx.msk [tilespmem:v2+s21+$0x0], $0xffff;
	_ =	sdelay $0x4  }
0x1fb: {  	v2 =	vshll.u32 v2, $0x7;
	v1 =	vadd.s32 v0, v1  }
0x1fc: {  	v3 =	vor.u32 $0x4000, v2;
	vm14 =	vlt.s32 v1, $0x80  }
0x1fd: {  	v1 =	vand.u32 $0x7F, v1;
	v2 =	vsel vm14, v2, v3  }
0x1fe: {  	v1 =	vor.u32 v1, v2;
	_ =	sdelay $0x4  }
0x1ff: {  	s31 =	sadd.s32 $0x3, s29;
	v1 =	vld.idx.msk [tilespmem:v1+s13+$0x0], $0xffff  }
0x200: {  	v2 =	vmov s31;
	_ =	sdelay $0x3  }
0x201: {  	[tilespmem:s30+$0x0] =	vst v1  }
0x202: {  	v1 =	vld.idx.msk [tilespmem:v2+s21+$0x0], $0xffff;
	_ =	sdelay $0x4  }
0x203: {  	v2 =	vshll.u32 v2, $0x7;
	v1 =	vadd.s32 v0, v1  }
0x204: {  	v3 =	vor.u32 $0x4000, v2;
	vm15 =	vlt.s32 v1, $0x80  }
0x205: {  	v1 =	vand.u32 $0x7F, v1;
	v2 =	vsel vm15, v2, v3  }
0x206: {  	v1 =	vor.u32 v1, v2;
	_ =	sdelay $0x4  }
0x207: {  	p0 =	slt.u32 s29, $0x7C;
	v1 =	vld.idx.msk [tilespmem:v1+s13+$0x0], $0xffff  }
.Ltmp4:
0x208: {  	_ = 	snop;
	(pc) =	sbr.rel @p0 .LBB2_10-.Ltmp4, $2  }
0x209: {  	_ =	sdelay $0x2  }
0x20a: {  	s29 =	sadd.s32 $0x4, s29;
	[tilespmem:s30+$0x10] =	vst v1;
	s30 =	sadd.s32 $0x40, s30  }
0x20b: {  	[tilespmem:s13], [sflag:$0x1] =	stream.indirect.gather [hbm4b:s3+s11], $0x80, s22, s11, $0xb8;
	[tilespmem:$0x12A00] =	vst v63  }
0x20c: {  	_ = 	snop  }
0x20d: {  	[tilespmem:s15], [sflag:$0x1] =	stream.indirect.gather [hbm4b:s3+s11], $0x80, s23, s11, $0xb8;
	[tilespmem:$0x12A00] =	vst v63  }
0x20e: {  	_ =	swait.ge [sflag:s20], $0x4000  }
0x20f: {  	[sflag:s20] =	ssyncset.done $0x0  }
0x210: {  	[sflag:s20] =	ssyncadd.s32 $0xFFFFC000  }
0x211: {  	_ =	swait.ge [sflag:s20], $0x4000  }
0x212: {  	[sflag:s20] =	ssyncset.done $0x0  }
0x213: {  	s31 =	simm.s32 $0xFFFFFFFC;
	s29 =	simm.s32 $0x11230;
	[sflag:s20] =	ssyncadd.s32 $0xFFFFC000  }
.LBB2_12:
0x214: {  	s0 =	sadd.s32 $0x84, s31  }
0x215: {  	v1 =	vmov s0  }
0x216: {  	v1 =	vand.u32 $0xFFFFFFFC, v1  }
0x217: {  	v1 =	vbroadcast v1, $0x0;
	_ =	sdelay $0x5  }
0x218: {  	v1 =	vld.idx.msk [tilespmem:v1+s21+$0x0], $0xffff  }
0x219: {  	s30 =	sadd.s32 $0x4, s31  }
0x21a: {  	v2 =	vmov s30  }
0x21b: {  	v2 =	vshll.u32 v2, $0x7  }
0x21c: {  	v2 =	vbroadcast v2, $0x0  }
0x21d: {  	v1 =	vadd.s32 v0, v1  }
0x21e: {  	v3 =	vor.u32 $0x4000, v2;
	vm0 =	vlt.s32 v1, $0x80  }
0x21f: {  	v1 =	vand.u32 $0x7F, v1;
	v2 =	vsel vm0, v2, v3  }
0x220: {  	v1 =	vor.u32 v1, v2;
	_ =	sdelay $0x1  }
0x221: {  	s0 =	sadd.s32 $0x85, s31  }
0x222: {  	v2 =	vmov s0  }
0x223: {  	v2 =	vand.u32 $0xFFFFFFFD, v2  }
0x224: {  	v2 =	vbroadcast v2, $0x0;
	v1 =	vld.idx.msk [tilespmem:v1+s17+$0x0], $0xffff;
	_ =	sdelay $0x4  }
0x225: {  	[tilespmem:s29+$0xFFFFFFD0] =	vst v1  }
0x226: {  	v1 =	vld.idx.msk [tilespmem:v2+s21+$0x0], $0xffff  }
0x227: {  	s0 =	sadd.s32 $0x5, s31  }
0x228: {  	v2 =	vmov s0  }
0x229: {  	v2 =	vshll.u32 v2, $0x7  }
0x22a: {  	v2 =	vbroadcast v2, $0x0  }
0x22b: {  	v1 =	vadd.s32 v0, v1  }
0x22c: {  	v3 =	vor.u32 $0x4000, v2;
	vm13 =	vlt.s32 v1, $0x80  }
0x22d: {  	v1 =	vand.u32 $0x7F, v1;
	v2 =	vsel vm13, v2, v3  }
0x22e: {  	v1 =	vor.u32 v1, v2;
	_ =	sdelay $0x1  }
0x22f: {  	s0 =	sadd.s32 $0x86, s31  }
0x230: {  	v2 =	vmov s0  }
0x231: {  	v2 =	vand.u32 $0xFFFFFFFE, v2  }
0x232: {  	v2 =	vbroadcast v2, $0x0;
	v1 =	vld.idx.msk [tilespmem:v1+s17+$0x0], $0xffff;
	_ =	sdelay $0x4  }
0x233: {  	[tilespmem:s29+$0xFFFFFFE0] =	vst v1  }
0x234: {  	v1 =	vld.idx.msk [tilespmem:v2+s21+$0x0], $0xffff  }
0x235: {  	s0 =	sadd.s32 $0x6, s31  }
0x236: {  	v2 =	vmov s0  }
0x237: {  	v2 =	vshll.u32 v2, $0x7  }
0x238: {  	v2 =	vbroadcast v2, $0x0  }
0x239: {  	v1 =	vadd.s32 v0, v1  }
0x23a: {  	v3 =	vor.u32 $0x4000, v2;
	vm14 =	vlt.s32 v1, $0x80  }
0x23b: {  	v1 =	vand.u32 $0x7F, v1;
	v2 =	vsel vm14, v2, v3  }
0x23c: {  	v1 =	vor.u32 v1, v2;
	_ =	sdelay $0x4  }
0x23d: {  	s0 =	sadd.s32 $0x87, s31;
	v1 =	vld.idx.msk [tilespmem:v1+s17+$0x0], $0xffff  }
0x23e: {  	v2 =	vmov s0;
	_ =	sdelay $0x3  }
0x23f: {  	[tilespmem:s29+$0xFFFFFFF0] =	vst v1  }
0x240: {  	v1 =	vld.idx.msk [tilespmem:v2+s21+$0x0], $0xffff  }
0x241: {  	s0 =	sadd.s32 $0x7, s31  }
0x242: {  	v2 =	vmov s0  }
0x243: {  	v2 =	vshll.u32 v2, $0x7  }
0x244: {  	v2 =	vbroadcast v2, $0x0  }
0x245: {  	v1 =	vadd.s32 v0, v1  }
0x246: {  	v3 =	vor.u32 $0x4000, v2;
	vm15 =	vlt.s32 v1, $0x80  }
0x247: {  	v1 =	vand.u32 $0x7F, v1;
	v2 =	vsel vm15, v2, v3  }
0x248: {  	v1 =	vor.u32 v1, v2;
	_ =	sdelay $0x4  }
0x249: {  	p0 =	slt.u32 s30, $0x7C;
	v1 =	vld.idx.msk [tilespmem:v1+s17+$0x0], $0xffff  }
.Ltmp5:
0x24a: {  	_ = 	snop;
	(pc) =	sbr.rel @p0 .LBB2_12-.Ltmp5, $2  }
0x24b: {  	_ =	sdelay $0x2  }
0x24c: {  	s31 =	smov.u32 s30;
	[tilespmem:s29+$0x0] =	vst v1;
	s29 =	sadd.s32 $0x40, s29  }
0x24d: {  	[tilespmem:s17], [sflag:$0x1] =	stream.indirect.gather [hbm4b:s3+s11], $0x80, s24, s11, $0xb8;
	[tilespmem:$0x12A00] =	vst v63  }
0x24e: {  	_ = 	snop  }
0x24f: {  	[tilespmem:s19], [sflag:$0x1] =	stream.indirect.gather [hbm4b:s3+s11], $0x80, s25, s11, $0xb8;
	[tilespmem:$0x12A00] =	vst v63  }
0x250: {  	_ =	swait.ge [sflag:s20], $0x4000  }
0x251: {  	[sflag:s20] =	ssyncset.done $0x0  }
0x252: {  	[sflag:s20] =	ssyncadd.s32 $0xFFFFC000  }
0x253: {  	_ =	swait.ge [sflag:s20], $0x4000  }
0x254: {  	[sflag:s20] =	ssyncset.done $0x0  }
0x255: {  	s31 =	simm.s32 $0xFFFFFFFC;
	s29 =	simm.s32 $0x11A30;
	[sflag:s20] =	ssyncadd.s32 $0xFFFFC000  }
.LBB2_14:
0x256: {  	s0 =	sadd.s32 $0x104, s31  }
0x257: {  	v1 =	vmov s0  }
0x258: {  	v1 =	vand.u32 $0xFFFFFFFC, v1  }
0x259: {  	v1 =	vbroadcast v1, $0x0;
	_ =	sdelay $0x5  }
0x25a: {  	v1 =	vld.idx.msk [tilespmem:v1+s21+$0x0], $0xffff  }
0x25b: {  	s30 =	sadd.s32 $0x4, s31  }
0x25c: {  	v2 =	vmov s30  }
0x25d: {  	v2 =	vshll.u32 v2, $0x7  }
0x25e: {  	v2 =	vbroadcast v2, $0x0  }
0x25f: {  	v1 =	vadd.s32 v0, v1  }
0x260: {  	v3 =	vor.u32 $0x4000, v2;
	vm0 =	vlt.s32 v1, $0x80  }
0x261: {  	v1 =	vand.u32 $0x7F, v1;
	v2 =	vsel vm0, v2, v3  }
0x262: {  	v1 =	vor.u32 v1, v2;
	_ =	sdelay $0x1  }
0x263: {  	s0 =	sadd.s32 $0x105, s31  }
0x264: {  	v2 =	vmov s0  }
0x265: {  	v2 =	vand.u32 $0xFFFFFFFD, v2  }
0x266: {  	v2 =	vbroadcast v2, $0x0;
	v1 =	vld.idx.msk [tilespmem:v1+s13+$0x0], $0xffff;
	_ =	sdelay $0x4  }
0x267: {  	[tilespmem:s29+$0xFFFFFFD0] =	vst v1  }
0x268: {  	v1 =	vld.idx.msk [tilespmem:v2+s21+$0x0], $0xffff  }
0x269: {  	s0 =	sadd.s32 $0x5, s31  }
0x26a: {  	v2 =	vmov s0  }
0x26b: {  	v2 =	vshll.u32 v2, $0x7  }
0x26c: {  	v2 =	vbroadcast v2, $0x0  }
0x26d: {  	v1 =	vadd.s32 v0, v1  }
0x26e: {  	v3 =	vor.u32 $0x4000, v2;
	vm13 =	vlt.s32 v1, $0x80  }
0x26f: {  	v1 =	vand.u32 $0x7F, v1;
	v2 =	vsel vm13, v2, v3  }
0x270: {  	v1 =	vor.u32 v1, v2;
	_ =	sdelay $0x1  }
0x271: {  	s0 =	sadd.s32 $0x106, s31  }
0x272: {  	v2 =	vmov s0  }
0x273: {  	v2 =	vand.u32 $0xFFFFFFFE, v2  }
0x274: {  	v2 =	vbroadcast v2, $0x0;
	v1 =	vld.idx.msk [tilespmem:v1+s13+$0x0], $0xffff;
	_ =	sdelay $0x4  }
0x275: {  	[tilespmem:s29+$0xFFFFFFE0] =	vst v1  }
0x276: {  	v1 =	vld.idx.msk [tilespmem:v2+s21+$0x0], $0xffff  }
0x277: {  	s0 =	sadd.s32 $0x6, s31  }
0x278: {  	v2 =	vmov s0  }
0x279: {  	v2 =	vshll.u32 v2, $0x7  }
0x27a: {  	v2 =	vbroadcast v2, $0x0  }
0x27b: {  	v1 =	vadd.s32 v0, v1  }
0x27c: {  	v3 =	vor.u32 $0x4000, v2;
	vm14 =	vlt.s32 v1, $0x80  }
0x27d: {  	v1 =	vand.u32 $0x7F, v1;
	v2 =	vsel vm14, v2, v3  }
0x27e: {  	v1 =	vor.u32 v1, v2;
	_ =	sdelay $0x4  }
0x27f: {  	s0 =	sadd.s32 $0x107, s31;
	v1 =	vld.idx.msk [tilespmem:v1+s13+$0x0], $0xffff  }
0x280: {  	v2 =	vmov s0;
	_ =	sdelay $0x3  }
0x281: {  	[tilespmem:s29+$0xFFFFFFF0] =	vst v1  }
0x282: {  	v1 =	vld.idx.msk [tilespmem:v2+s21+$0x0], $0xffff  }
0x283: {  	s0 =	sadd.s32 $0x7, s31  }
0x284: {  	v2 =	vmov s0  }
0x285: {  	v2 =	vshll.u32 v2, $0x7  }
0x286: {  	v2 =	vbroadcast v2, $0x0  }
0x287: {  	v1 =	vadd.s32 v0, v1  }
0x288: {  	v3 =	vor.u32 $0x4000, v2;
	vm15 =	vlt.s32 v1, $0x80  }
0x289: {  	v1 =	vand.u32 $0x7F, v1;
	v2 =	vsel vm15, v2, v3  }
0x28a: {  	v1 =	vor.u32 v1, v2;
	_ =	sdelay $0x4  }
0x28b: {  	p0 =	slt.u32 s30, $0x7C;
	v1 =	vld.idx.msk [tilespmem:v1+s13+$0x0], $0xffff  }
.Ltmp6:
0x28c: {  	_ = 	snop;
	(pc) =	sbr.rel @p0 .LBB2_14-.Ltmp6, $2  }
0x28d: {  	_ =	sdelay $0x2  }
0x28e: {  	s31 =	smov.u32 s30;
	[tilespmem:s29+$0x0] =	vst v1;
	s29 =	sadd.s32 $0x40, s29  }
0x28f: {  	_ =	swait.ge [sflag:s20], $0x4000  }
0x290: {  	[sflag:s20] =	ssyncset.done $0x0  }
0x291: {  	[sflag:s20] =	ssyncadd.s32 $0xFFFFC000  }
0x292: {  	_ =	swait.ge [sflag:s20], $0x4000  }
0x293: {  	[sflag:s20] =	ssyncset.done $0x0  }
0x294: {  	s31 =	simm.s32 $0xFFFFFFFC;
	s29 =	simm.s32 $0x12230;
	[sflag:s20] =	ssyncadd.s32 $0xFFFFC000  }
.LBB2_16:
0x295: {  	s0 =	sadd.s32 $0x184, s31  }
0x296: {  	v1 =	vmov s0  }
0x297: {  	v1 =	vand.u32 $0xFFFFFFFC, v1  }
0x298: {  	v1 =	vbroadcast v1, $0x0;
	_ =	sdelay $0x5  }
0x299: {  	v1 =	vld.idx.msk [tilespmem:v1+s21+$0x0], $0xffff  }
0x29a: {  	s30 =	sadd.s32 $0x4, s31  }
0x29b: {  	v2 =	vmov s30  }
0x29c: {  	v2 =	vshll.u32 v2, $0x7  }
0x29d: {  	v2 =	vbroadcast v2, $0x0  }
0x29e: {  	v1 =	vadd.s32 v0, v1  }
0x29f: {  	v3 =	vor.u32 $0x4000, v2;
	vm0 =	vlt.s32 v1, $0x80  }
0x2a0: {  	v1 =	vand.u32 $0x7F, v1;
	v2 =	vsel vm0, v2, v3  }
0x2a1: {  	v1 =	vor.u32 v1, v2;
	_ =	sdelay $0x1  }
0x2a2: {  	s0 =	sadd.s32 $0x185, s31  }
0x2a3: {  	v2 =	vmov s0  }
0x2a4: {  	v2 =	vand.u32 $0xFFFFFFFD, v2  }
0x2a5: {  	v2 =	vbroadcast v2, $0x0;
	v1 =	vld.idx.msk [tilespmem:v1+s17+$0x0], $0xffff;
	_ =	sdelay $0x4  }
0x2a6: {  	[tilespmem:s29+$0xFFFFFFD0] =	vst v1  }
0x2a7: {  	v1 =	vld.idx.msk [tilespmem:v2+s21+$0x0], $0xffff  }
0x2a8: {  	s0 =	sadd.s32 $0x5, s31  }
0x2a9: {  	v2 =	vmov s0  }
0x2aa: {  	v2 =	vshll.u32 v2, $0x7  }
0x2ab: {  	v2 =	vbroadcast v2, $0x0  }
0x2ac: {  	v1 =	vadd.s32 v0, v1  }
0x2ad: {  	v3 =	vor.u32 $0x4000, v2;
	vm13 =	vlt.s32 v1, $0x80  }
0x2ae: {  	v1 =	vand.u32 $0x7F, v1;
	v2 =	vsel vm13, v2, v3  }
0x2af: {  	v1 =	vor.u32 v1, v2;
	_ =	sdelay $0x1  }
0x2b0: {  	s0 =	sadd.s32 $0x186, s31  }
0x2b1: {  	v2 =	vmov s0  }
0x2b2: {  	v2 =	vand.u32 $0xFFFFFFFE, v2  }
0x2b3: {  	v2 =	vbroadcast v2, $0x0;
	v1 =	vld.idx.msk [tilespmem:v1+s17+$0x0], $0xffff;
	_ =	sdelay $0x4  }
0x2b4: {  	[tilespmem:s29+$0xFFFFFFE0] =	vst v1  }
0x2b5: {  	v1 =	vld.idx.msk [tilespmem:v2+s21+$0x0], $0xffff  }
0x2b6: {  	s0 =	sadd.s32 $0x6, s31  }
0x2b7: {  	v2 =	vmov s0  }
0x2b8: {  	v2 =	vshll.u32 v2, $0x7  }
0x2b9: {  	v2 =	vbroadcast v2, $0x0  }
0x2ba: {  	v1 =	vadd.s32 v0, v1  }
0x2bb: {  	v3 =	vor.u32 $0x4000, v2;
	vm14 =	vlt.s32 v1, $0x80  }
0x2bc: {  	v1 =	vand.u32 $0x7F, v1;
	v2 =	vsel vm14, v2, v3  }
0x2bd: {  	v1 =	vor.u32 v1, v2;
	_ =	sdelay $0x4  }
0x2be: {  	s0 =	sadd.s32 $0x187, s31;
	v1 =	vld.idx.msk [tilespmem:v1+s17+$0x0], $0xffff  }
0x2bf: {  	v2 =	vmov s0;
	_ =	sdelay $0x3  }
0x2c0: {  	[tilespmem:s29+$0xFFFFFFF0] =	vst v1  }
0x2c1: {  	v1 =	vld.idx.msk [tilespmem:v2+s21+$0x0], $0xffff  }
0x2c2: {  	s0 =	sadd.s32 $0x7, s31  }
0x2c3: {  	v2 =	vmov s0  }
0x2c4: {  	v2 =	vshll.u32 v2, $0x7  }
0x2c5: {  	v2 =	vbroadcast v2, $0x0  }
0x2c6: {  	v1 =	vadd.s32 v0, v1  }
0x2c7: {  	v3 =	vor.u32 $0x4000, v2;
	vm15 =	vlt.s32 v1, $0x80  }
0x2c8: {  	v1 =	vand.u32 $0x7F, v1;
	v2 =	vsel vm15, v2, v3  }
0x2c9: {  	v1 =	vor.u32 v1, v2;
	_ =	sdelay $0x4  }
0x2ca: {  	p0 =	slt.u32 s30, $0x7C;
	v1 =	vld.idx.msk [tilespmem:v1+s17+$0x0], $0xffff  }
.Ltmp7:
0x2cb: {  	_ = 	snop;
	(pc) =	sbr.rel @p0 .LBB2_16-.Ltmp7, $2  }
0x2cc: {  	_ =	sdelay $0x2  }
0x2cd: {  	s31 =	smov.u32 s30;
	[tilespmem:s29+$0x0] =	vst v1;
	s29 =	sadd.s32 $0x40, s29  }
0x2ce: {  	s28 =	sadd.s32 $0x1, s28  }
0x2cf: {  	p0 =	sne.s32 s28, s8  }
.Ltmp8:
0x2d0: {  	_ = 	snop;
	(pc) =	sbr.rel @p0 .LBB2_1-.Ltmp8, $4  }
0x2d1: {  	[hbm4b:s7+s2] =	stream.linear.scatter [tilespmem:s26], [sflag:$0x2], $0x2000, $0x38;
	[tilespmem:$0x12A00] =	vst v63  }
0x2d2: {  	_ =	swait.ge [sflag:s9], $0x2000  }
0x2d3: {  	[sflag:s9] =	ssyncset.done $0x0  }
0x2d4: {  	[sflag:s9] =	ssyncadd.s32 $0xFFFFE000  }
0x2d5: {  	_ =	sfence.sel $0x180000  }
0x2d6: {  	[bflag:$0x0] =	sbarrier.arrive $0xFFFF  }
0x2d7: {  	_ =	strace $0x90000047  }
0x2d8: {  	[bflag:$0x2] =	sbarrier.arrive $0xFFFF  }
0x2d9: {  	p0 =	sne.s32 s1, $0x0;
	s0 =	rddreg [dreg:$0x3]  }
0x2da: {  	s0 =	sadd.s32 @!p0 $0x100000, s0  }
0x2db: {  	[sflag:s0] =	ssyncadd.tile.s32 @!p0 $0x1;
	_ =	shalt  }
.Lfunc_end2:
_tile_overlayer_lowered:
.L_overlay_start_2:
0x2dc: {  	(tag) =	ssettag $0x2  }
0x2dd: {  	s0 =	rddreg [dreg:$0x0];
	s2 =	stileid.u32  }
0x2de: {  	s1 =	rddreg [dreg:$0x1];
	p0 =	sne.s32 s2, $0x0  }
0x2df: {  	s3 =	rddreg [dreg:$0x2];
	[bflag:$0x3] =	sbarrier.arrive $0xFFFF;
	s2 =	simm.s32 @!p0 $0x1C02  }
0x2e0: {  	[timem:s3], [sflag:s2] =	dma.local @!p0 [hbm:s0], s1  }
0x2e1: {  	s0 =	simm.s32 @!p0 $0x2  }
0x2e2: {  	_ =	swait.ge @!p0 [sflag:s0], s1  }
0x2e3: {  	s1 =	ssub.s32 @!p0 $0x0, s1;
	[sflag:s0] =	ssyncset.done @!p0 $0x0  }
0x2e4: {  	[sflag:s0] =	ssyncadd.s32 @!p0 s1  }
0x2e5: {  	[bflag:$0x3] =	sbarrier.arrive $0xFFFF  }
0x2e6: {  	_ =	shalt  }

</sc_bundles>
